<compile_context>
chip_gen: v7x
topology: tpu7x:2x2x1
jax: 0.10.2.dev20260603
libtpu: 0.0.44.dev20260713+nightly
codegen_flags: <defaults>
</compile_context>

<pallas_src>
import functools

import jax
import jax.numpy as jnp
from jax import lax
from jax.experimental import pallas as pl
from jax.experimental.pallas import tpu as pltpu
from jax.experimental.pallas import tpu_sc as plsc

N = 10000
F_IN = 128
H = 128
O = 64
E = 320000

ROW_BLOCK = 1024
NPAD = 10240
NDUMMY = 64

NCORES = 2
NSUB = 16
NTILES = NCORES * NSUB
CHUNK = 64
CPT = 160
EDGES_PER_TILE = CPT * CHUNK
EPAD = NTILES * EDGES_PER_TILE
ROWS_PER_TILE = NPAD // NSUB

_MESH = plsc.VectorSubcoreMesh(core_axis_name="c", subcore_axis_name="s")


NBUF = 4
CP2 = CPT // 2
IRINGP = 4


def _make_agg(feat):

    @functools.partial(
        pl.kernel,
        out_type=jax.ShapeDtypeStruct((NCORES, NPAD, feat), jnp.float32),
        mesh=_MESH,
        scratch_types=[
            pltpu.VMEM_SHARED((NPAD, feat), jnp.float32),
            pltpu.VMEM((CP2, 2 * CHUNK), jnp.int32),
            pltpu.VMEM((IRINGP, 2 * CHUNK), jnp.int32),
            pltpu.VMEM((NBUF * CHUNK, feat), jnp.float32),
        ] + [pltpu.SemaphoreType.DMA for _ in range(2 * NBUF + IRINGP + 1)],
    )
    def agg(y_hbm, src_hbm, dst_hbm, out_hbm,
            acc_sh, didx, sring, rows, *sems):
        gsem = sems[:NBUF]
        ssem = sems[NBUF:2 * NBUF]
        ism = sems[2 * NBUF:2 * NBUF + IRINGP]
        dsem = sems[2 * NBUF + IRINGP]
        c = lax.axis_index("c")
        s = lax.axis_index("s")
        prow0 = (c * NSUB + s) * CP2
        r0 = s * ROWS_PER_TILE

        def idx_load(slot, j):
            pltpu.async_copy(src_hbm.at[pl.ds(prow0 + j, 1)],
                             sring.at[pl.ds(slot, 1)], ism[slot])

        def idx_wait(slot):
            pltpu.make_async_copy(src_hbm.at[pl.ds(prow0, 1)],
                                  sring.at[pl.ds(slot, 1)], ism[slot]).wait()

        def gather(slot, half, sl):
            pltpu.async_copy(
                y_hbm.at[sring.at[slot, pl.ds(half * CHUNK, CHUNK)]],
                rows.at[pl.ds(sl * CHUNK, CHUNK)], gsem[sl])

        def gather_wait(sl):
            pltpu.make_async_copy(
                y_hbm.at[sring.at[0, pl.ds(0, CHUNK)]],
                rows.at[pl.ds(sl * CHUNK, CHUNK)], gsem[sl]).wait()

        def scatter(j, half, sl):
            pltpu.async_copy(
                rows.at[pl.ds(sl * CHUNK, CHUNK)],
                acc_sh.at[didx.at[j, pl.ds(half * CHUNK, CHUNK)]],
                ssem[sl], add=True)

        def scatter_wait(sl):
            pltpu.make_async_copy(
                rows.at[pl.ds(sl * CHUNK, CHUNK)],
                acc_sh.at[didx.at[0, pl.ds(0, CHUNK)]], ssem[sl]).wait()

        pltpu.async_copy(dst_hbm.at[pl.ds(prow0, CP2)], didx, dsem)
        for slot in range(IRINGP):
            idx_load(slot, slot)
        zero16 = jnp.zeros((16,), jnp.float32)

        @pl.loop(0, CHUNK)
        def _(rr):
            @pl.loop(0, feat, step=16)
            def _(cc):
                rows[rr, pl.ds(cc, 16)] = zero16

        nzc = ROWS_PER_TILE // CHUNK
        for z in range(nzc):
            pltpu.sync_copy(rows.at[pl.ds(0, CHUNK)],
                            acc_sh.at[pl.ds(r0 + z * CHUNK, CHUNK)])
        pltpu.make_async_copy(dst_hbm.at[pl.ds(prow0, CP2)], didx,
                              dsem).wait()
        idx_wait(0)
        gather(0, 0, 0)
        gather(0, 1, 1)
        idx_wait(1)
        gather(1, 0, 2)
        plsc.subcore_barrier()

        @pl.loop(0, CPT // 8)
        def _(i):
            for u in range(8):
                k = 8 * i + u
                sl = u % NBUF
                gather_wait(sl)
                scatter(k // 2, u % 2, sl)
                if u % 2 == 1:
                    @pl.when(k // 2 + IRINGP < CP2)
                    def _():
                        idx_load(u // 2, k // 2 + IRINGP)

                u3 = u + 3
                sl3 = u3 % NBUF
                slot3 = (u3 // 2) % IRINGP
                half3 = u3 % 2

                @pl.when(k + 3 < CPT)
                def _():
                    @pl.when(k >= 1)
                    def _():
                        scatter_wait(sl3)
                    if half3 == 0:
                        idx_wait(slot3)
                    gather(slot3, half3, sl3)

        for jj in range(NBUF):
            scatter_wait((CPT - NBUF + jj) % NBUF)

        plsc.subcore_barrier()
        pltpu.sync_copy(acc_sh.at[pl.ds(r0, ROWS_PER_TILE)],
                        out_hbm.at[c, pl.ds(r0, ROWS_PER_TILE)])

    return agg


_agg_h = _make_agg(H)


@functools.partial(
    pl.kernel,
    out_type=jax.ShapeDtypeStruct((NCORES, NPAD, H), jnp.float32),
    mesh=_MESH,
    scratch_types=[
        pltpu.VMEM_SHARED((NPAD, H), jnp.float32),
        pltpu.VMEM((CP2, 2 * CHUNK), jnp.int32),
        pltpu.VMEM((2 * CHUNK, H), jnp.float32),
    ] + [pltpu.SemaphoreType.DMA for _ in range(NBUF + 1)],
)
def _deg_kernel(dst_hbm, out_hbm, acc_sh, didx, ones_v, *sems):
    ssem = sems[:NBUF]
    isem = sems[NBUF]
    c = lax.axis_index("c")
    s = lax.axis_index("s")
    prow0 = (c * NSUB + s) * CP2
    r0 = s * ROWS_PER_TILE

    pltpu.async_copy(dst_hbm.at[pl.ds(prow0, CP2)], didx, isem)
    zero16 = jnp.zeros((16,), jnp.float32)
    one16 = jnp.ones((16,), jnp.float32)

    @pl.loop(0, 2 * CHUNK)
    def _(rr):
        @pl.loop(0, H, step=16)
        def _(cc):
            ones_v[rr, pl.ds(cc, 16)] = zero16

    for z in range(ROWS_PER_TILE // (2 * CHUNK)):
        pltpu.sync_copy(ones_v.at[pl.ds(0, 2 * CHUNK)],
                        acc_sh.at[pl.ds(r0 + z * 2 * CHUNK, 2 * CHUNK)])

    @pl.loop(0, 2 * CHUNK)
    def _(rr):
        @pl.loop(0, H, step=16)
        def _(cc):
            ones_v[rr, pl.ds(cc, 16)] = one16

    pltpu.make_async_copy(dst_hbm.at[pl.ds(prow0, CP2)], didx, isem).wait()
    plsc.subcore_barrier()

    @pl.loop(0, CP2 // NBUF)
    def _(i):
        for b in range(NBUF):
            jj = NBUF * i + b

            @pl.when(jj >= NBUF)
            def _():
                pltpu.make_async_copy(
                    ones_v, acc_sh.at[didx.at[0]], ssem[b]).wait()

            pltpu.async_copy(ones_v, acc_sh.at[didx.at[jj]], ssem[b],
                             add=True)

    for b in range(NBUF):
        pltpu.make_async_copy(ones_v, acc_sh.at[didx.at[0]], ssem[b]).wait()

    plsc.subcore_barrier()
    pltpu.sync_copy(acc_sh.at[pl.ds(r0, ROWS_PER_TILE)],
                    out_hbm.at[c, pl.ds(r0, ROWS_PER_TILE)])


def _dis_of(degp_ref):
    deg = 1.0 + degp_ref[0, :, 0] + degp_ref[1, :, 0]
    return lax.rsqrt(deg)


_PREP_COLS = 32768


def _prep_body(e_ref, src_ref, dst_ref):
    i = pl.program_id(0)
    rows = _PREP_COLS // 128
    r = i * rows + lax.broadcasted_iota(jnp.int32, (rows, 128), 0)
    lane = lax.broadcasted_iota(jnp.int32, (rows, 128), 1)
    eidx = r * 128 + lane
    pad_val = N + (eidx % NDUMMY)
    ok = eidx < E
    src_ref[...] = jnp.where(ok, e_ref[0, :].reshape(rows, 128), pad_val)
    dst_ref[...] = jnp.where(ok, e_ref[1, :].reshape(rows, 128), pad_val)


def _prep_edges(edge_index):
    rows = _PREP_COLS // 128
    grid = (EPAD // _PREP_COLS,)
    return pl.pallas_call(
        _prep_body,
        grid=grid,
        in_specs=[pl.BlockSpec((2, _PREP_COLS), lambda i: (0, i))],
        out_specs=[pl.BlockSpec((rows, 128), lambda i: (i, 0)),
                   pl.BlockSpec((rows, 128), lambda i: (i, 0))],
        out_shape=[jax.ShapeDtypeStruct((EPAD // 128, 128), jnp.int32),
                   jax.ShapeDtypeStruct((EPAD // 128, 128), jnp.int32)],
    )(edge_index)


def _k1_body(x_ref, w_ref, degp_ref, o_ref, dis_ref):
    dis = _dis_of(degp_ref)
    xw = jnp.dot(x_ref[...], w_ref[...], preferred_element_type=jnp.float32)
    o_ref[...] = xw * dis[:, None]
    dis_ref[...] = jnp.broadcast_to(dis[:, None], (ROW_BLOCK, 16))


def _k2_body(aggp_ref, y1_ref, dis16_ref, b1_ref, w2_ref, o_ref):
    i = pl.program_id(0)
    dis = dis16_ref[:, 0]
    tot = aggp_ref[0] + aggp_ref[1] + y1_ref[...]
    h = jnp.maximum(tot * dis[:, None] + b1_ref[...][None, :], 0.0)
    y2 = jnp.dot(h, w2_ref[...], preferred_element_type=jnp.float32)
    y2 = y2 * dis[:, None]
    row = i * ROW_BLOCK + lax.broadcasted_iota(jnp.int32, (ROW_BLOCK, 1), 0)
    o_ref[...] = jnp.where(row < N, y2, 0.0)


def _k3_body(aggp_ref, y2_ref, dis16_ref, b2_ref, wd_ref, bd_ref,
             emb_ref, rec_ref):
    dis = dis16_ref[:, 0]
    emb = (aggp_ref[0, :, :O] + aggp_ref[1, :, :O] + y2_ref[:, :O])
    emb = emb * dis[:, None] + b2_ref[...][None, :]
    emb_ref[...] = emb
    rec_ref[...] = jnp.dot(emb, wd_ref[...],
                           preferred_element_type=jnp.float32) + bd_ref[...][None, :]


_GRID = (NPAD // ROW_BLOCK,)


def _rows_spec(feat):
    return pl.BlockSpec((ROW_BLOCK, feat), lambda i: (i, 0))


def _degp_spec():
    return pl.BlockSpec((NCORES, ROW_BLOCK, H), lambda i: (0, i, 0))


def _dis16_spec():
    return pl.BlockSpec((ROW_BLOCK, 16), lambda i: (i, 0))


def _aggp_spec(feat):
    return pl.BlockSpec((NCORES, ROW_BLOCK, feat), lambda i: (0, i, 0))


def _full_spec(shape):
    return pl.BlockSpec(shape, lambda i: tuple(0 for _ in shape))


def kernel(x, edge_index, W1, b1, W2, b2, Wd, bd):
    src_p, dst_p = _prep_edges(edge_index)
    x_pad = jnp.concatenate(
        [x, jnp.zeros((NPAD - N, F_IN), jnp.float32)], axis=0)
    w2_pad = jnp.concatenate([W2, jnp.zeros((H, H - O), jnp.float32)], axis=1)

    degp = _deg_kernel(dst_p)

    y1, dis16 = pl.pallas_call(
        _k1_body,
        grid=_GRID,
        in_specs=[_rows_spec(F_IN), _full_spec((F_IN, H)), _degp_spec()],
        out_specs=[_rows_spec(H), _dis16_spec()],
        out_shape=[jax.ShapeDtypeStruct((NPAD, H), jnp.float32),
                   jax.ShapeDtypeStruct((NPAD, 16), jnp.float32)],
    )(x_pad, W1, degp)

    agg1 = _agg_h(y1, src_p, dst_p)

    y2 = pl.pallas_call(
        _k2_body,
        grid=_GRID,
        in_specs=[_aggp_spec(H), _rows_spec(H), _dis16_spec(),
                  _full_spec((H,)), _full_spec((H, H))],
        out_specs=_rows_spec(H),
        out_shape=jax.ShapeDtypeStruct((NPAD, H), jnp.float32),
    )(agg1, y1, dis16, b1, w2_pad)

    agg2 = _agg_h(y2, src_p, dst_p)

    emb_pad, rec_pad = pl.pallas_call(
        _k3_body,
        grid=_GRID,
        in_specs=[_aggp_spec(H), _rows_spec(H), _dis16_spec(),
                  _full_spec((O,)), _full_spec((O, F_IN)),
                  _full_spec((F_IN,))],
        out_specs=[_rows_spec(O), _rows_spec(F_IN)],
        out_shape=[jax.ShapeDtypeStruct((N, O), jnp.float32),
                   jax.ShapeDtypeStruct((N, F_IN), jnp.float32)],
    )(agg2, y2, dis16, b2, Wd, bd)

    return emb_pad, rec_pad

# --- scband reference (transcript-rebuilt; emitter-appended) ---
"""Pipeline reference for scband-gcn-75471165325723 (READ-ONLY COPY).

The authoritative reference and input builder live on the scoring server;
editing this copy changes nothing except your own understanding.
"""

import jax, jax.numpy as jnp
import numpy as np

N = 10000
E = 320000
F_IN = 128
H = 128
O = 64


def setup_inputs(seed: int = 0) -> dict:
    key = jax.random.key(seed)
    ks = jax.random.split(key, 9)
    x = jax.random.normal(ks[0], (N, F_IN), dtype=jnp.float32)
    edge_index = jax.random.randint(ks[1], (2, E), 0, N, dtype=jnp.int32)
    W1 = jax.random.normal(ks[2], (F_IN, H), dtype=jnp.float32) * (1.0 / np.sqrt(F_IN))
    b1 = jnp.zeros((H,), dtype=jnp.float32)
    W2 = jax.random.normal(ks[3], (H, O), dtype=jnp.float32) * (1.0 / np.sqrt(H))
    b2 = jnp.zeros((O,), dtype=jnp.float32)
    Wd = jax.random.normal(ks[4], (O, F_IN), dtype=jnp.float32) * (1.0 / np.sqrt(O))
    bd = jnp.zeros((F_IN,), dtype=jnp.float32)
    return {"x": x, "edge_index": edge_index, "W1": W1, "b1": b1, "W2": W2, "b2": b2, "Wd": Wd, "bd": bd}


def _gcn_conv(x, src, dst, W, b, n):
    # PyG GCNConv: linear transform, add self-loops, symmetric normalization, scatter-add aggregate
    xw = x @ W
    loop = jnp.arange(n, dtype=src.dtype)
    s = jnp.concatenate([src, loop])
    d = jnp.concatenate([dst, loop])
    deg = jnp.zeros((n,), dtype=x.dtype).at[d].add(1.0)
    dis = jnp.where(deg > 0, 1.0 / jnp.sqrt(deg), 0.0)
    norm = dis[s] * dis[d]
    msg = xw[s] * norm[:, None]
    out = jnp.zeros((n, W.shape[1]), dtype=x.dtype).at[d].add(msg)
    return out + b


def reference(x, edge_index, W1, b1, W2, b2, Wd, bd):
    n = x.shape[0]
    src = edge_index[0]
    dst = edge_index[1]
    h = jax.nn.relu(_gcn_conv(x, src, dst, W1, b1, n))
    # dropout is identity in eval mode
    embeddings = _gcn_conv(h, src, dst, W2, b2, n)
    reconstructed_x = embeddings @ Wd + bd
    return (embeddings, reconstructed_x)

if __name__ == "__main__":
    import jax
    _d = setup_inputs()
    print(jax.jit(kernel)(*tuple(_d.values())))

</pallas_src>

<mosaic_0001>
#map = affine_map<(d0, d1) -> (0, 0)>
#map1 = affine_map<(d0, d1) -> (0, 0, 0)>
module attributes {stable_mosaic.version = 14 : i64} {
  func.func @_deg_kernel(%arg0: i32, %arg1: i32, %arg2: memref<2560x128xi32, #tpu.memory_space<hbm>>, %arg3: memref<2x10240x128xf32, #tpu.memory_space<hbm>>, %arg4: memref<10240x128xf32, #tpu.memory_space<vmem_shared>>, %arg5: memref<80x128xi32, #tpu.memory_space<vmem>>, %arg6: memref<128x128xf32, #tpu.memory_space<vmem>>, %arg7: memref<!tpu.dma_semaphore, #tpu.memory_space<semaphore_mem>>, %arg8: memref<!tpu.dma_semaphore, #tpu.memory_space<semaphore_mem>>, %arg9: memref<!tpu.dma_semaphore, #tpu.memory_space<semaphore_mem>>, %arg10: memref<!tpu.dma_semaphore, #tpu.memory_space<semaphore_mem>>, %arg11: memref<!tpu.dma_semaphore, #tpu.memory_space<semaphore_mem>>) attributes {dimension_semantics = [#tpu.dimension_semantics<core_parallel>, #tpu.dimension_semantics<subcore_parallel>], iteration_bounds = array<i64: 2, 16>, scalar_prefetch = 0 : i64, scratch_operands = 8 : i64, tpu.core_type = #tpu.core_type<sc_vector_subcore>, window_params = [{transform_indices = #map}, {transform_indices = #map1}]} {
    %mul3A = arith.constant 16 : i32
    %mul3A_0 = arith.muli %arg0, %mul3A : i32
    %add3A = arith.addi %mul3A_0, %arg1 : i32
    %mul3A_1 = arith.constant 80 : i32
    %mul3A_2 = arith.muli %add3A, %mul3A_1 : i32
    %mul3A_3 = arith.constant 640 : i32
    %mul3A_4 = arith.muli %arg1, %mul3A_3 : i32
    %dma_start3A = arith.constant 0 : i32
    %dma_start3A_5 = tpu.memref_slice %arg2[%mul3A_2, %dma_start3A] : memref<2560x128xi32, #tpu.memory_space<hbm>> -> memref<80x128xi32, #tpu.memory_space<hbm>>
    %dma_start3A_6 = arith.constant 0 : i32
    %dma_start3A_7 = tpu.memref_slice %arg2[%mul3A_2, %dma_start3A_6] : memref<2560x128xi32, #tpu.memory_space<hbm>> -> memref<80x128xi32, #tpu.memory_space<hbm>>
    tpu.enqueue_dma source(%dma_start3A_7 : memref<80x128xi32, #tpu.memory_space<hbm>>) target(%arg5 : memref<80x128xi32, #tpu.memory_space<vmem>>) target_semaphore(%arg11 : memref<!tpu.dma_semaphore, #tpu.memory_space<semaphore_mem>>)
    %broadcast_in_dim3A = arith.constant 0.000000e+00 : f32
    %broadcast_in_dim3A_8 = vector.broadcast %broadcast_in_dim3A : f32 to vector<16xf32>
    %broadcast_in_dim3A_9 = arith.constant 1.000000e+00 : f32
    %broadcast_in_dim3A_10 = vector.broadcast %broadcast_in_dim3A_9 : f32 to vector<16xf32>
    %scan3A = arith.constant 0 : i32
    %scan3A_11 = arith.constant 128 : i32
    %scan3A_12 = arith.addi %scan3A, %scan3A_11 : i32
    %scan3A_13 = arith.constant 1 : i32
    scf.for %scan3A_67 = %scan3A to %scan3A_12 step %scan3A_13  : i32 {
      %mul3A_68 = arith.constant 1 : i32
      %mul3A_69 = arith.muli %scan3A_67, %mul3A_68 : i32
      %add3A_70 = arith.constant 0 : i32
      %add3A_71 = arith.addi %add3A_70, %mul3A_69 : i32
      %scan3A_72 = arith.constant 0 : i32
      %scan3A_73 = arith.constant 8 : i32
      %scan3A_74 = arith.addi %scan3A_72, %scan3A_73 : i32
      %scan3A_75 = arith.constant 1 : i32
      scf.for %scan3A_77 = %scan3A_72 to %scan3A_74 step %scan3A_75  : i32 {
        %mul3A_78 = arith.constant 16 : i32
        %mul3A_79 = arith.muli %scan3A_77, %mul3A_78 : i32
        %add3A_80 = arith.constant 0 : i32
        %add3A_81 = arith.addi %add3A_80, %mul3A_79 : i32
        %swap3A = arith.index_cast %add3A_71 : i32 to index
        %swap3A_82 = arith.index_cast %add3A_81 : i32 to index
        %swap3A_83 = tpu.vector_load %arg6[%swap3A, %swap3A_82] {strides = array<i32>} : memref<128x128xf32, #tpu.memory_space<vmem>>, vector<1x16xf32>,
        %swap3A_84 = vector.shape_cast %swap3A_83 : vector<1x16xf32> to vector<16xf32>
        %swap3A_85 = vector.shape_cast %broadcast_in_dim3A_8 : vector<16xf32> to vector<1x16xf32>
        tpu.vector_store %arg6[%swap3A, %swap3A_82], %swap3A_85 {strides = array<i32>} : memref<128x128xf32, #tpu.memory_space<vmem>>, vector<1x16xf32>,
      }
      %scan3A_76 = arith.constant 8 : i32
    }
    %scan3A_14 = arith.constant 128 : i32
    %add3A_15 = arith.constant 0 : i32
    %add3A_16 = arith.addi %mul3A_4, %add3A_15 : i32
    "tpu.region"() ({
      %run_scoped3A = tpu.sem_alloc : memref<!tpu.dma_semaphore, #tpu.memory_space<semaphore_mem>>
      %dma_start3A_67 = arith.constant 0 : i32
      %dma_start3A_68 = arith.constant 0 : i32
      %dma_start3A_69 = tpu.memref_slice %arg6[%dma_start3A_67, %dma_start3A_68] : memref<128x128xf32, #tpu.memory_space<vmem>> -> memref<128x128xf32, #tpu.memory_space<vmem>>
      %dma_start3A_70 = arith.constant 0 : i32
      %dma_start3A_71 = tpu.memref_slice %arg4[%add3A_16, %dma_start3A_70] : memref<10240x128xf32, #tpu.memory_space<vmem_shared>> -> memref<128x128xf32, #tpu.memory_space<vmem_shared>>
      %dma_start3A_72 = arith.constant 0 : i32
      %dma_start3A_73 = tpu.memref_slice %arg4[%add3A_16, %dma_start3A_72] : memref<10240x128xf32, #tpu.memory_space<vmem_shared>> -> memref<128x128xf32, #tpu.memory_space<vmem_shared>>
      %dma_start3A_74 = arith.constant 0 : i32
      %dma_start3A_75 = arith.constant 0 : i32
      %dma_start3A_76 = tpu.memref_slice %arg6[%dma_start3A_74, %dma_start3A_75] : memref<128x128xf32, #tpu.memory_space<vmem>> -> memref<128x128xf32, #tpu.memory_space<vmem>>
      tpu.enqueue_dma source(%dma_start3A_76 : memref<128x128xf32, #tpu.memory_space<vmem>>) target(%dma_start3A_73 : memref<128x128xf32, #tpu.memory_space<vmem_shared>>) target_semaphore(%run_scoped3A : memref<!tpu.dma_semaphore, #tpu.memory_space<semaphore_mem>>)
      %dma_wait3A_77 = arith.constant 0 : i32
      %dma_wait3A_78 = arith.constant 0 : i32
      %dma_wait3A_79 = tpu.memref_slice %arg6[%dma_wait3A_77, %dma_wait3A_78] : memref<128x128xf32, #tpu.memory_space<vmem>> -> memref<128x128xf32, #tpu.memory_space<vmem>>
      %dma_wait3A_80 = arith.constant 0 : i32
      %dma_wait3A_81 = tpu.memref_slice %arg4[%add3A_16, %dma_wait3A_80] : memref<10240x128xf32, #tpu.memory_space<vmem_shared>> -> memref<128x128xf32, #tpu.memory_space<vmem_shared>>
      %dma_wait3A_82 = arith.constant 0 : i32
      %dma_wait3A_83 = tpu.memref_slice %arg4[%add3A_16, %dma_wait3A_82] : memref<10240x128xf32, #tpu.memory_space<vmem_shared>> -> memref<128x128xf32, #tpu.memory_space<vmem_shared>>
      %dma_wait3A_84 = arith.constant 0 : i32
      %dma_wait3A_85 = arith.constant 0 : i32
      %dma_wait3A_86 = tpu.memref_slice %arg6[%dma_wait3A_84, %dma_wait3A_85] : memref<128x128xf32, #tpu.memory_space<vmem>> -> memref<128x128xf32, #tpu.memory_space<vmem>>
      tpu.wait_dma2 semaphore(%run_scoped3A : memref<!tpu.dma_semaphore, #tpu.memory_space<semaphore_mem>>) src(%dma_wait3A_86 : memref<128x128xf32, #tpu.memory_space<vmem>>) dst(%dma_wait3A_83 : memref<128x128xf32, #tpu.memory_space<vmem_shared>>)
      tpu.yield
    }) : () -> ()
    %add3A_17 = arith.constant 128 : i32
    %add3A_18 = arith.addi %mul3A_4, %add3A_17 : i32
    "tpu.region"() ({
      %run_scoped3A = tpu.sem_alloc : memref<!tpu.dma_semaphore, #tpu.memory_space<semaphore_mem>>
      %dma_start3A_67 = arith.constant 0 : i32
      %dma_start3A_68 = arith.constant 0 : i32
      %dma_start3A_69 = tpu.memref_slice %arg6[%dma_start3A_67, %dma_start3A_68] : memref<128x128xf32, #tpu.memory_space<vmem>> -> memref<128x128xf32, #tpu.memory_space<vmem>>
      %dma_start3A_70 = arith.constant 0 : i32
      %dma_start3A_71 = tpu.memref_slice %arg4[%add3A_18, %dma_start3A_70] : memref<10240x128xf32, #tpu.memory_space<vmem_shared>> -> memref<128x128xf32, #tpu.memory_space<vmem_shared>>
      %dma_start3A_72 = arith.constant 0 : i32
      %dma_start3A_73 = tpu.memref_slice %arg4[%add3A_18, %dma_start3A_72] : memref<10240x128xf32, #tpu.memory_space<vmem_shared>> -> memref<128x128xf32, #tpu.memory_space<vmem_shared>>
      %dma_start3A_74 = arith.constant 0 : i32
      %dma_start3A_75 = arith.constant 0 : i32
      %dma_start3A_76 = tpu.memref_slice %arg6[%dma_start3A_74, %dma_start3A_75] : memref<128x128xf32, #tpu.memory_space<vmem>> -> memref<128x128xf32, #tpu.memory_space<vmem>>
      tpu.enqueue_dma source(%dma_start3A_76 : memref<128x128xf32, #tpu.memory_space<vmem>>) target(%dma_start3A_73 : memref<128x128xf32, #tpu.memory_space<vmem_shared>>) target_semaphore(%run_scoped3A : memref<!tpu.dma_semaphore, #tpu.memory_space<semaphore_mem>>)
      %dma_wait3A_77 = arith.constant 0 : i32
      %dma_wait3A_78 = arith.constant 0 : i32
      %dma_wait3A_79 = tpu.memref_slice %arg6[%dma_wait3A_77, %dma_wait3A_78] : memref<128x128xf32, #tpu.memory_space<vmem>> -> memref<128x128xf32, #tpu.memory_space<vmem>>
      %dma_wait3A_80 = arith.constant 0 : i32
      %dma_wait3A_81 = tpu.memref_slice %arg4[%add3A_18, %dma_wait3A_80] : memref<10240x128xf32, #tpu.memory_space<vmem_shared>> -> memref<128x128xf32, #tpu.memory_space<vmem_shared>>
      %dma_wait3A_82 = arith.constant 0 : i32
      %dma_wait3A_83 = tpu.memref_slice %arg4[%add3A_18, %dma_wait3A_82] : memref<10240x128xf32, #tpu.memory_space<vmem_shared>> -> memref<128x128xf32, #tpu.memory_space<vmem_shared>>
      %dma_wait3A_84 = arith.constant 0 : i32
      %dma_wait3A_85 = arith.constant 0 : i32
      %dma_wait3A_86 = tpu.memref_slice %arg6[%dma_wait3A_84, %dma_wait3A_85] : memref<128x128xf32, #tpu.memory_space<vmem>> -> memref<128x128xf32, #tpu.memory_space<vmem>>
      tpu.wait_dma2 semaphore(%run_scoped3A : memref<!tpu.dma_semaphore, #tpu.memory_space<semaphore_mem>>) src(%dma_wait3A_86 : memref<128x128xf32, #tpu.memory_space<vmem>>) dst(%dma_wait3A_83 : memref<128x128xf32, #tpu.memory_space<vmem_shared>>)
      tpu.yield
    }) : () -> ()
    %add3A_19 = arith.constant 256 : i32
    %add3A_20 = arith.addi %mul3A_4, %add3A_19 : i32
    "tpu.region"() ({
      %run_scoped3A = tpu.sem_alloc : memref<!tpu.dma_semaphore, #tpu.memory_space<semaphore_mem>>
      %dma_start3A_67 = arith.constant 0 : i32
      %dma_start3A_68 = arith.constant 0 : i32
      %dma_start3A_69 = tpu.memref_slice %arg6[%dma_start3A_67, %dma_start3A_68] : memref<128x128xf32, #tpu.memory_space<vmem>> -> memref<128x128xf32, #tpu.memory_space<vmem>>
      %dma_start3A_70 = arith.constant 0 : i32
      %dma_start3A_71 = tpu.memref_slice %arg4[%add3A_20, %dma_start3A_70] : memref<10240x128xf32, #tpu.memory_space<vmem_shared>> -> memref<128x128xf32, #tpu.memory_space<vmem_shared>>
      %dma_start3A_72 = arith.constant 0 : i32
      %dma_start3A_73 = tpu.memref_slice %arg4[%add3A_20, %dma_start3A_72] : memref<10240x128xf32, #tpu.memory_space<vmem_shared>> -> memref<128x128xf32, #tpu.memory_space<vmem_shared>>
      %dma_start3A_74 = arith.constant 0 : i32
      %dma_start3A_75 = arith.constant 0 : i32
      %dma_start3A_76 = tpu.memref_slice %arg6[%dma_start3A_74, %dma_start3A_75] : memref<128x128xf32, #tpu.memory_space<vmem>> -> memref<128x128xf32, #tpu.memory_space<vmem>>
      tpu.enqueue_dma source(%dma_start3A_76 : memref<128x128xf32, #tpu.memory_space<vmem>>) target(%dma_start3A_73 : memref<128x128xf32, #tpu.memory_space<vmem_shared>>) target_semaphore(%run_scoped3A : memref<!tpu.dma_semaphore, #tpu.memory_space<semaphore_mem>>)
      %dma_wait3A_77 = arith.constant 0 : i32
      %dma_wait3A_78 = arith.constant 0 : i32
      %dma_wait3A_79 = tpu.memref_slice %arg6[%dma_wait3A_77, %dma_wait3A_78] : memref<128x128xf32, #tpu.memory_space<vmem>> -> memref<128x128xf32, #tpu.memory_space<vmem>>
      %dma_wait3A_80 = arith.constant 0 : i32
      %dma_wait3A_81 = tpu.memref_slice %arg4[%add3A_20, %dma_wait3A_80] : memref<10240x128xf32, #tpu.memory_space<vmem_shared>> -> memref<128x128xf32, #tpu.memory_space<vmem_shared>>
      %dma_wait3A_82 = arith.constant 0 : i32
      %dma_wait3A_83 = tpu.memref_slice %arg4[%add3A_20, %dma_wait3A_82] : memref<10240x128xf32, #tpu.memory_space<vmem_shared>> -> memref<128x128xf32, #tpu.memory_space<vmem_shared>>
      %dma_wait3A_84 = arith.constant 0 : i32
      %dma_wait3A_85 = arith.constant 0 : i32
      %dma_wait3A_86 = tpu.memref_slice %arg6[%dma_wait3A_84, %dma_wait3A_85] : memref<128x128xf32, #tpu.memory_space<vmem>> -> memref<128x128xf32, #tpu.memory_space<vmem>>
      tpu.wait_dma2 semaphore(%run_scoped3A : memref<!tpu.dma_semaphore, #tpu.memory_space<semaphore_mem>>) src(%dma_wait3A_86 : memref<128x128xf32, #tpu.memory_space<vmem>>) dst(%dma_wait3A_83 : memref<128x128xf32, #tpu.memory_space<vmem_shared>>)
      tpu.yield
    }) : () -> ()
    %add3A_21 = arith.constant 384 : i32
    %add3A_22 = arith.addi %mul3A_4, %add3A_21 : i32
    "tpu.region"() ({
      %run_scoped3A = tpu.sem_alloc : memref<!tpu.dma_semaphore, #tpu.memory_space<semaphore_mem>>
      %dma_start3A_67 = arith.constant 0 : i32
      %dma_start3A_68 = arith.constant 0 : i32
      %dma_start3A_69 = tpu.memref_slice %arg6[%dma_start3A_67, %dma_start3A_68] : memref<128x128xf32, #tpu.memory_space<vmem>> -> memref<128x128xf32, #tpu.memory_space<vmem>>
      %dma_start3A_70 = arith.constant 0 : i32
      %dma_start3A_71 = tpu.memref_slice %arg4[%add3A_22, %dma_start3A_70] : memref<10240x128xf32, #tpu.memory_space<vmem_shared>> -> memref<128x128xf32, #tpu.memory_space<vmem_shared>>
      %dma_start3A_72 = arith.constant 0 : i32
      %dma_start3A_73 = tpu.memref_slice %arg4[%add3A_22, %dma_start3A_72] : memref<10240x128xf32, #tpu.memory_space<vmem_shared>> -> memref<128x128xf32, #tpu.memory_space<vmem_shared>>
      %dma_start3A_74 = arith.constant 0 : i32
      %dma_start3A_75 = arith.constant 0 : i32
      %dma_start3A_76 = tpu.memref_slice %arg6[%dma_start3A_74, %dma_start3A_75] : memref<128x128xf32, #tpu.memory_space<vmem>> -> memref<128x128xf32, #tpu.memory_space<vmem>>
      tpu.enqueue_dma source(%dma_start3A_76 : memref<128x128xf32, #tpu.memory_space<vmem>>) target(%dma_start3A_73 : memref<128x128xf32, #tpu.memory_space<vmem_shared>>) target_semaphore(%run_scoped3A : memref<!tpu.dma_semaphore, #tpu.memory_space<semaphore_mem>>)
      %dma_wait3A_77 = arith.constant 0 : i32
      %dma_wait3A_78 = arith.constant 0 : i32
      %dma_wait3A_79 = tpu.memref_slice %arg6[%dma_wait3A_77, %dma_wait3A_78] : memref<128x128xf32, #tpu.memory_space<vmem>> -> memref<128x128xf32, #tpu.memory_space<vmem>>
      %dma_wait3A_80 = arith.constant 0 : i32
      %dma_wait3A_81 = tpu.memref_slice %arg4[%add3A_22, %dma_wait3A_80] : memref<10240x128xf32, #tpu.memory_space<vmem_shared>> -> memref<128x128xf32, #tpu.memory_space<vmem_shared>>
      %dma_wait3A_82 = arith.constant 0 : i32
      %dma_wait3A_83 = tpu.memref_slice %arg4[%add3A_22, %dma_wait3A_82] : memref<10240x128xf32, #tpu.memory_space<vmem_shared>> -> memref<128x128xf32, #tpu.memory_space<vmem_shared>>
      %dma_wait3A_84 = arith.constant 0 : i32
      %dma_wait3A_85 = arith.constant 0 : i32
      %dma_wait3A_86 = tpu.memref_slice %arg6[%dma_wait3A_84, %dma_wait3A_85] : memref<128x128xf32, #tpu.memory_space<vmem>> -> memref<128x128xf32, #tpu.memory_space<vmem>>
      tpu.wait_dma2 semaphore(%run_scoped3A : memref<!tpu.dma_semaphore, #tpu.memory_space<semaphore_mem>>) src(%dma_wait3A_86 : memref<128x128xf32, #tpu.memory_space<vmem>>) dst(%dma_wait3A_83 : memref<128x128xf32, #tpu.memory_space<vmem_shared>>)
      tpu.yield
    }) : () -> ()
    %add3A_23 = arith.constant 512 : i32
    %add3A_24 = arith.addi %mul3A_4, %add3A_23 : i32
    "tpu.region"() ({
      %run_scoped3A = tpu.sem_alloc : memref<!tpu.dma_semaphore, #tpu.memory_space<semaphore_mem>>
      %dma_start3A_67 = arith.constant 0 : i32
      %dma_start3A_68 = arith.constant 0 : i32
      %dma_start3A_69 = tpu.memref_slice %arg6[%dma_start3A_67, %dma_start3A_68] : memref<128x128xf32, #tpu.memory_space<vmem>> -> memref<128x128xf32, #tpu.memory_space<vmem>>
      %dma_start3A_70 = arith.constant 0 : i32
      %dma_start3A_71 = tpu.memref_slice %arg4[%add3A_24, %dma_start3A_70] : memref<10240x128xf32, #tpu.memory_space<vmem_shared>> -> memref<128x128xf32, #tpu.memory_space<vmem_shared>>
      %dma_start3A_72 = arith.constant 0 : i32
      %dma_start3A_73 = tpu.memref_slice %arg4[%add3A_24, %dma_start3A_72] : memref<10240x128xf32, #tpu.memory_space<vmem_shared>> -> memref<128x128xf32, #tpu.memory_space<vmem_shared>>
      %dma_start3A_74 = arith.constant 0 : i32
      %dma_start3A_75 = arith.constant 0 : i32
      %dma_start3A_76 = tpu.memref_slice %arg6[%dma_start3A_74, %dma_start3A_75] : memref<128x128xf32, #tpu.memory_space<vmem>> -> memref<128x128xf32, #tpu.memory_space<vmem>>
      tpu.enqueue_dma source(%dma_start3A_76 : memref<128x128xf32, #tpu.memory_space<vmem>>) target(%dma_start3A_73 : memref<128x128xf32, #tpu.memory_space<vmem_shared>>) target_semaphore(%run_scoped3A : memref<!tpu.dma_semaphore, #tpu.memory_space<semaphore_mem>>)
      %dma_wait3A_77 = arith.constant 0 : i32
      %dma_wait3A_78 = arith.constant 0 : i32
      %dma_wait3A_79 = tpu.memref_slice %arg6[%dma_wait3A_77, %dma_wait3A_78] : memref<128x128xf32, #tpu.memory_space<vmem>> -> memref<128x128xf32, #tpu.memory_space<vmem>>
      %dma_wait3A_80 = arith.constant 0 : i32
      %dma_wait3A_81 = tpu.memref_slice %arg4[%add3A_24, %dma_wait3A_80] : memref<10240x128xf32, #tpu.memory_space<vmem_shared>> -> memref<128x128xf32, #tpu.memory_space<vmem_shared>>
      %dma_wait3A_82 = arith.constant 0 : i32
      %dma_wait3A_83 = tpu.memref_slice %arg4[%add3A_24, %dma_wait3A_82] : memref<10240x128xf32, #tpu.memory_space<vmem_shared>> -> memref<128x128xf32, #tpu.memory_space<vmem_shared>>
      %dma_wait3A_84 = arith.constant 0 : i32
      %dma_wait3A_85 = arith.constant 0 : i32
      %dma_wait3A_86 = tpu.memref_slice %arg6[%dma_wait3A_84, %dma_wait3A_85] : memref<128x128xf32, #tpu.memory_space<vmem>> -> memref<128x128xf32, #tpu.memory_space<vmem>>
      tpu.wait_dma2 semaphore(%run_scoped3A : memref<!tpu.dma_semaphore, #tpu.memory_space<semaphore_mem>>) src(%dma_wait3A_86 : memref<128x128xf32, #tpu.memory_space<vmem>>) dst(%dma_wait3A_83 : memref<128x128xf32, #tpu.memory_space<vmem_shared>>)
      tpu.yield
    }) : () -> ()
    %scan3A_25 = arith.constant 0 : i32
    %scan3A_26 = arith.constant 128 : i32
    %scan3A_27 = arith.addi %scan3A_25, %scan3A_26 : i32
    %scan3A_28 = arith.constant 1 : i32
    scf.for %scan3A_67 = %scan3A_25 to %scan3A_27 step %scan3A_28  : i32 {
      %mul3A_68 = arith.constant 1 : i32
      %mul3A_69 = arith.muli %scan3A_67, %mul3A_68 : i32
      %add3A_70 = arith.constant 0 : i32
      %add3A_71 = arith.addi %add3A_70, %mul3A_69 : i32
      %scan3A_72 = arith.constant 0 : i32
      %scan3A_73 = arith.constant 8 : i32
      %scan3A_74 = arith.addi %scan3A_72, %scan3A_73 : i32
      %scan3A_75 = arith.constant 1 : i32
      scf.for %scan3A_77 = %scan3A_72 to %scan3A_74 step %scan3A_75  : i32 {
        %mul3A_78 = arith.constant 16 : i32
        %mul3A_79 = arith.muli %scan3A_77, %mul3A_78 : i32
        %add3A_80 = arith.constant 0 : i32
        %add3A_81 = arith.addi %add3A_80, %mul3A_79 : i32
        %swap3A = arith.index_cast %add3A_71 : i32 to index
        %swap3A_82 = arith.index_cast %add3A_81 : i32 to index
        %swap3A_83 = tpu.vector_load %arg6[%swap3A, %swap3A_82] {strides = array<i32>} : memref<128x128xf32, #tpu.memory_space<vmem>>, vector<1x16xf32>,
        %swap3A_84 = vector.shape_cast %swap3A_83 : vector<1x16xf32> to vector<16xf32>
        %swap3A_85 = vector.shape_cast %broadcast_in_dim3A_10 : vector<16xf32> to vector<1x16xf32>
        tpu.vector_store %arg6[%swap3A, %swap3A_82], %swap3A_85 {strides = array<i32>} : memref<128x128xf32, #tpu.memory_space<vmem>>, vector<1x16xf32>,
      }
      %scan3A_76 = arith.constant 8 : i32
    }
    %scan3A_29 = arith.constant 128 : i32
    %dma_wait3A = arith.constant 0 : i32
    %dma_wait3A_30 = tpu.memref_slice %arg2[%mul3A_2, %dma_wait3A] : memref<2560x128xi32, #tpu.memory_space<hbm>> -> memref<80x128xi32, #tpu.memory_space<hbm>>
    %dma_wait3A_31 = arith.constant 0 : i32
    %dma_wait3A_32 = tpu.memref_slice %arg2[%mul3A_2, %dma_wait3A_31] : memref<2560x128xi32, #tpu.memory_space<hbm>> -> memref<80x128xi32, #tpu.memory_space<hbm>>
    tpu.wait_dma2 semaphore(%arg11 : memref<!tpu.dma_semaphore, #tpu.memory_space<semaphore_mem>>) src(%dma_wait3A_32 : memref<80x128xi32, #tpu.memory_space<hbm>>) dst(%arg5 : memref<80x128xi32, #tpu.memory_space<vmem>>)
    %barrier3A = arith.constant 0 : index
    tpu.barrier barrier_id(%barrier3A)
    %scan3A_33 = arith.constant 0 : i32
    %scan3A_34 = arith.constant 20 : i32
    %scan3A_35 = arith.addi %scan3A_33, %scan3A_34 : i32
    %scan3A_36 = arith.constant 1 : i32
    scf.for %scan3A_67 = %scan3A_33 to %scan3A_35 step %scan3A_36  : i32 {
      %mul3A_68 = arith.constant 1 : i32
      %mul3A_69 = arith.muli %scan3A_67, %mul3A_68 : i32
      %add3A_70 = arith.constant 0 : i32
      %add3A_71 = arith.addi %add3A_70, %mul3A_69 : i32
      %mul3A_72 = arith.constant 4 : i32
      %mul3A_73 = arith.muli %mul3A_72, %add3A_71 : i32
      %add3A_74 = arith.constant 0 : i32
      %add3A_75 = arith.addi %mul3A_73, %add3A_74 : i32
      %ge3A = arith.constant 4 : i32
      %ge3A_76 = arith.cmpi sge, %add3A_75, %ge3A : i32
      %convert_element_type3A = arith.extui %ge3A_76 : i1 to i32
      %cond3A = arith.constant 0 : i32
      %cond3A_77 = arith.cmpi ne, %convert_element_type3A, %cond3A : i32
      scf.if %cond3A_77 {
        %dma_wait3A_129 = arith.constant 0 : i32
        %dma_wait3A_130 = arith.constant 0 : i32
        %dma_wait3A_131 = tpu.memref_slice %arg5[%dma_wait3A_129, %dma_wait3A_130] : memref<80x128xi32, #tpu.memory_space<vmem>> -> memref<1x128xi32, #tpu.memory_space<vmem>>
        %dma_wait3A_132 = tpu.memref_squeeze %dma_wait3A_131 : memref<1x128xi32, #tpu.memory_space<vmem>> -> memref<128xi32, #tpu.memory_space<vmem>>
        %dma_wait3A_133 = arith.constant 0 : i32
        %dma_wait3A_134 = arith.constant 0 : i32
        %dma_wait3A_135 = tpu.memref_slice %arg4[%dma_wait3A_133, %dma_wait3A_134] : memref<10240x128xf32, #tpu.memory_space<vmem_shared>> -> memref<10240x128xf32, #tpu.memory_space<vmem_shared>>
        tpu.wait_indirect_dma semaphore(%arg7 : memref<!tpu.dma_semaphore, #tpu.memory_space<semaphore_mem>>) src(%arg6 : memref<128x128xf32, #tpu.memory_space<vmem>>) dst(%dma_wait3A_135 : memref<10240x128xf32, #tpu.memory_space<vmem_shared>>)
      } else {
      }
      %dma_start3A_78 = arith.constant 0 : i32
      %dma_start3A_79 = tpu.memref_slice %arg5[%add3A_75, %dma_start3A_78] : memref<80x128xi32, #tpu.memory_space<vmem>> -> memref<1x128xi32, #tpu.memory_space<vmem>>
      %dma_start3A_80 = tpu.memref_squeeze %dma_start3A_79 : memref<1x128xi32, #tpu.memory_space<vmem>> -> memref<128xi32, #tpu.memory_space<vmem>>
      %dma_start3A_81 = arith.constant 0 : i32
      %dma_start3A_82 = arith.constant 0 : i32
      %dma_start3A_83 = tpu.memref_slice %arg4[%dma_start3A_81, %dma_start3A_82] : memref<10240x128xf32, #tpu.memory_space<vmem_shared>> -> memref<10240x128xf32, #tpu.memory_space<vmem_shared>>
      tpu.enqueue_indirect_dma source(%arg6 : memref<128x128xf32, #tpu.memory_space<vmem>>) target(%dma_start3A_83 : memref<10240x128xf32, #tpu.memory_space<vmem_shared>>) offsets(%dma_start3A_80 : memref<128xi32, #tpu.memory_space<vmem>>) semaphore(%arg7 : memref<!tpu.dma_semaphore, #tpu.memory_space<semaphore_mem>>) {add = true}
      %mul3A_84 = arith.constant 4 : i32
      %mul3A_85 = arith.muli %mul3A_84, %add3A_71 : i32
      %add3A_86 = arith.constant 1 : i32
      %add3A_87 = arith.addi %mul3A_85, %add3A_86 : i32
      %ge3A_88 = arith.constant 4 : i32
      %ge3A_89 = arith.cmpi sge, %add3A_87, %ge3A_88 : i32
      %convert_element_type3A_90 = arith.extui %ge3A_89 : i1 to i32
      %cond3A_91 = arith.constant 0 : i32
      %cond3A_92 = arith.cmpi ne, %convert_element_type3A_90, %cond3A_91 : i32
      scf.if %cond3A_92 {
        %dma_wait3A_129 = arith.constant 0 : i32
        %dma_wait3A_130 = arith.constant 0 : i32
        %dma_wait3A_131 = tpu.memref_slice %arg5[%dma_wait3A_129, %dma_wait3A_130] : memref<80x128xi32, #tpu.memory_space<vmem>> -> memref<1x128xi32, #tpu.memory_space<vmem>>
        %dma_wait3A_132 = tpu.memref_squeeze %dma_wait3A_131 : memref<1x128xi32, #tpu.memory_space<vmem>> -> memref<128xi32, #tpu.memory_space<vmem>>
        %dma_wait3A_133 = arith.constant 0 : i32
        %dma_wait3A_134 = arith.constant 0 : i32
        %dma_wait3A_135 = tpu.memref_slice %arg4[%dma_wait3A_133, %dma_wait3A_134] : memref<10240x128xf32, #tpu.memory_space<vmem_shared>> -> memref<10240x128xf32, #tpu.memory_space<vmem_shared>>
        tpu.wait_indirect_dma semaphore(%arg8 : memref<!tpu.dma_semaphore, #tpu.memory_space<semaphore_mem>>) src(%arg6 : memref<128x128xf32, #tpu.memory_space<vmem>>) dst(%dma_wait3A_135 : memref<10240x128xf32, #tpu.memory_space<vmem_shared>>)
      } else {
      }
      %dma_start3A_93 = arith.constant 0 : i32
      %dma_start3A_94 = tpu.memref_slice %arg5[%add3A_87, %dma_start3A_93] : memref<80x128xi32, #tpu.memory_space<vmem>> -> memref<1x128xi32, #tpu.memory_space<vmem>>
      %dma_start3A_95 = tpu.memref_squeeze %dma_start3A_94 : memref<1x128xi32, #tpu.memory_space<vmem>> -> memref<128xi32, #tpu.memory_space<vmem>>
      %dma_start3A_96 = arith.constant 0 : i32
      %dma_start3A_97 = arith.constant 0 : i32
      %dma_start3A_98 = tpu.memref_slice %arg4[%dma_start3A_96, %dma_start3A_97] : memref<10240x128xf32, #tpu.memory_space<vmem_shared>> -> memref<10240x128xf32, #tpu.memory_space<vmem_shared>>
      tpu.enqueue_indirect_dma source(%arg6 : memref<128x128xf32, #tpu.memory_space<vmem>>) target(%dma_start3A_98 : memref<10240x128xf32, #tpu.memory_space<vmem_shared>>) offsets(%dma_start3A_95 : memref<128xi32, #tpu.memory_space<vmem>>) semaphore(%arg8 : memref<!tpu.dma_semaphore, #tpu.memory_space<semaphore_mem>>) {add = true}
      %mul3A_99 = arith.constant 4 : i32
      %mul3A_100 = arith.muli %mul3A_99, %add3A_71 : i32
      %add3A_101 = arith.constant 2 : i32
      %add3A_102 = arith.addi %mul3A_100, %add3A_101 : i32
      %ge3A_103 = arith.constant 4 : i32
      %ge3A_104 = arith.cmpi sge, %add3A_102, %ge3A_103 : i32
      %convert_element_type3A_105 = arith.extui %ge3A_104 : i1 to i32
      %cond3A_106 = arith.constant 0 : i32
      %cond3A_107 = arith.cmpi ne, %convert_element_type3A_105, %cond3A_106 : i32
      scf.if %cond3A_107 {
        %dma_wait3A_129 = arith.constant 0 : i32
        %dma_wait3A_130 = arith.constant 0 : i32
        %dma_wait3A_131 = tpu.memref_slice %arg5[%dma_wait3A_129, %dma_wait3A_130] : memref<80x128xi32, #tpu.memory_space<vmem>> -> memref<1x128xi32, #tpu.memory_space<vmem>>
        %dma_wait3A_132 = tpu.memref_squeeze %dma_wait3A_131 : memref<1x128xi32, #tpu.memory_space<vmem>> -> memref<128xi32, #tpu.memory_space<vmem>>
        %dma_wait3A_133 = arith.constant 0 : i32
        %dma_wait3A_134 = arith.constant 0 : i32
        %dma_wait3A_135 = tpu.memref_slice %arg4[%dma_wait3A_133, %dma_wait3A_134] : memref<10240x128xf32, #tpu.memory_space<vmem_shared>> -> memref<10240x128xf32, #tpu.memory_space<vmem_shared>>
        tpu.wait_indirect_dma semaphore(%arg9 : memref<!tpu.dma_semaphore, #tpu.memory_space<semaphore_mem>>) src(%arg6 : memref<128x128xf32, #tpu.memory_space<vmem>>) dst(%dma_wait3A_135 : memref<10240x128xf32, #tpu.memory_space<vmem_shared>>)
      } else {
      }
      %dma_start3A_108 = arith.constant 0 : i32
      %dma_start3A_109 = tpu.memref_slice %arg5[%add3A_102, %dma_start3A_108] : memref<80x128xi32, #tpu.memory_space<vmem>> -> memref<1x128xi32, #tpu.memory_space<vmem>>
      %dma_start3A_110 = tpu.memref_squeeze %dma_start3A_109 : memref<1x128xi32, #tpu.memory_space<vmem>> -> memref<128xi32, #tpu.memory_space<vmem>>
      %dma_start3A_111 = arith.constant 0 : i32
      %dma_start3A_112 = arith.constant 0 : i32
      %dma_start3A_113 = tpu.memref_slice %arg4[%dma_start3A_111, %dma_start3A_112] : memref<10240x128xf32, #tpu.memory_space<vmem_shared>> -> memref<10240x128xf32, #tpu.memory_space<vmem_shared>>
      tpu.enqueue_indirect_dma source(%arg6 : memref<128x128xf32, #tpu.memory_space<vmem>>) target(%dma_start3A_113 : memref<10240x128xf32, #tpu.memory_space<vmem_shared>>) offsets(%dma_start3A_110 : memref<128xi32, #tpu.memory_space<vmem>>) semaphore(%arg9 : memref<!tpu.dma_semaphore, #tpu.memory_space<semaphore_mem>>) {add = true}
      %mul3A_114 = arith.constant 4 : i32
      %mul3A_115 = arith.muli %mul3A_114, %add3A_71 : i32
      %add3A_116 = arith.constant 3 : i32
      %add3A_117 = arith.addi %mul3A_115, %add3A_116 : i32
      %ge3A_118 = arith.constant 4 : i32
      %ge3A_119 = arith.cmpi sge, %add3A_117, %ge3A_118 : i32
      %convert_element_type3A_120 = arith.extui %ge3A_119 : i1 to i32
      %cond3A_121 = arith.constant 0 : i32
      %cond3A_122 = arith.cmpi ne, %convert_element_type3A_120, %cond3A_121 : i32
      scf.if %cond3A_122 {
        %dma_wait3A_129 = arith.constant 0 : i32
        %dma_wait3A_130 = arith.constant 0 : i32
        %dma_wait3A_131 = tpu.memref_slice %arg5[%dma_wait3A_129, %dma_wait3A_130] : memref<80x128xi32, #tpu.memory_space<vmem>> -> memref<1x128xi32, #tpu.memory_space<vmem>>
        %dma_wait3A_132 = tpu.memref_squeeze %dma_wait3A_131 : memref<1x128xi32, #tpu.memory_space<vmem>> -> memref<128xi32, #tpu.memory_space<vmem>>
        %dma_wait3A_133 = arith.constant 0 : i32
        %dma_wait3A_134 = arith.constant 0 : i32
        %dma_wait3A_135 = tpu.memref_slice %arg4[%dma_wait3A_133, %dma_wait3A_134] : memref<10240x128xf32, #tpu.memory_space<vmem_shared>> -> memref<10240x128xf32, #tpu.memory_space<vmem_shared>>
        tpu.wait_indirect_dma semaphore(%arg10 : memref<!tpu.dma_semaphore, #tpu.memory_space<semaphore_mem>>) src(%arg6 : memref<128x128xf32, #tpu.memory_space<vmem>>) dst(%dma_wait3A_135 : memref<10240x128xf32, #tpu.memory_space<vmem_shared>>)
      } else {
      }
      %dma_start3A_123 = arith.constant 0 : i32
      %dma_start3A_124 = tpu.memref_slice %arg5[%add3A_117, %dma_start3A_123] : memref<80x128xi32, #tpu.memory_space<vmem>> -> memref<1x128xi32, #tpu.memory_space<vmem>>
      %dma_start3A_125 = tpu.memref_squeeze %dma_start3A_124 : memref<1x128xi32, #tpu.memory_space<vmem>> -> memref<128xi32, #tpu.memory_space<vmem>>
      %dma_start3A_126 = arith.constant 0 : i32
      %dma_start3A_127 = arith.constant 0 : i32
      %dma_start3A_128 = tpu.memref_slice %arg4[%dma_start3A_126, %dma_start3A_127] : memref<10240x128xf32, #tpu.memory_space<vmem_shared>> -> memref<10240x128xf32, #tpu.memory_space<vmem_shared>>
      tpu.enqueue_indirect_dma source(%arg6 : memref<128x128xf32, #tpu.memory_space<vmem>>) target(%dma_start3A_128 : memref<10240x128xf32, #tpu.memory_space<vmem_shared>>) offsets(%dma_start3A_125 : memref<128xi32, #tpu.memory_space<vmem>>) semaphore(%arg10 : memref<!tpu.dma_semaphore, #tpu.memory_space<semaphore_mem>>) {add = true}
    }
    %scan3A_37 = arith.constant 20 : i32
    %dma_wait3A_38 = arith.constant 0 : i32
    %dma_wait3A_39 = arith.constant 0 : i32
    %dma_wait3A_40 = tpu.memref_slice %arg5[%dma_wait3A_38, %dma_wait3A_39] : memref<80x128xi32, #tpu.memory_space<vmem>> -> memref<1x128xi32, #tpu.memory_space<vmem>>
    %dma_wait3A_41 = tpu.memref_squeeze %dma_wait3A_40 : memref<1x128xi32, #tpu.memory_space<vmem>> -> memref<128xi32, #tpu.memory_space<vmem>>
    %dma_wait3A_42 = arith.constant 0 : i32
    %dma_wait3A_43 = arith.constant 0 : i32
    %dma_wait3A_44 = tpu.memref_slice %arg4[%dma_wait3A_42, %dma_wait3A_43] : memref<10240x128xf32, #tpu.memory_space<vmem_shared>> -> memref<10240x128xf32, #tpu.memory_space<vmem_shared>>
    tpu.wait_indirect_dma semaphore(%arg7 : memref<!tpu.dma_semaphore, #tpu.memory_space<semaphore_mem>>) src(%arg6 : memref<128x128xf32, #tpu.memory_space<vmem>>) dst(%dma_wait3A_44 : memref<10240x128xf32, #tpu.memory_space<vmem_shared>>)
    %dma_wait3A_45 = arith.constant 0 : i32
    %dma_wait3A_46 = arith.constant 0 : i32
    %dma_wait3A_47 = tpu.memref_slice %arg5[%dma_wait3A_45, %dma_wait3A_46] : memref<80x128xi32, #tpu.memory_space<vmem>> -> memref<1x128xi32, #tpu.memory_space<vmem>>
    %dma_wait3A_48 = tpu.memref_squeeze %dma_wait3A_47 : memref<1x128xi32, #tpu.memory_space<vmem>> -> memref<128xi32, #tpu.memory_space<vmem>>
    %dma_wait3A_49 = arith.constant 0 : i32
    %dma_wait3A_50 = arith.constant 0 : i32
    %dma_wait3A_51 = tpu.memref_slice %arg4[%dma_wait3A_49, %dma_wait3A_50] : memref<10240x128xf32, #tpu.memory_space<vmem_shared>> -> memref<10240x128xf32, #tpu.memory_space<vmem_shared>>
    tpu.wait_indirect_dma semaphore(%arg8 : memref<!tpu.dma_semaphore, #tpu.memory_space<semaphore_mem>>) src(%arg6 : memref<128x128xf32, #tpu.memory_space<vmem>>) dst(%dma_wait3A_51 : memref<10240x128xf32, #tpu.memory_space<vmem_shared>>)
    %dma_wait3A_52 = arith.constant 0 : i32
    %dma_wait3A_53 = arith.constant 0 : i32
    %dma_wait3A_54 = tpu.memref_slice %arg5[%dma_wait3A_52, %dma_wait3A_53] : memref<80x128xi32, #tpu.memory_space<vmem>> -> memref<1x128xi32, #tpu.memory_space<vmem>>
    %dma_wait3A_55 = tpu.memref_squeeze %dma_wait3A_54 : memref<1x128xi32, #tpu.memory_space<vmem>> -> memref<128xi32, #tpu.memory_space<vmem>>
    %dma_wait3A_56 = arith.constant 0 : i32
    %dma_wait3A_57 = arith.constant 0 : i32
    %dma_wait3A_58 = tpu.memref_slice %arg4[%dma_wait3A_56, %dma_wait3A_57] : memref<10240x128xf32, #tpu.memory_space<vmem_shared>> -> memref<10240x128xf32, #tpu.memory_space<vmem_shared>>
    tpu.wait_indirect_dma semaphore(%arg9 : memref<!tpu.dma_semaphore, #tpu.memory_space<semaphore_mem>>) src(%arg6 : memref<128x128xf32, #tpu.memory_space<vmem>>) dst(%dma_wait3A_58 : memref<10240x128xf32, #tpu.memory_space<vmem_shared>>)
    %dma_wait3A_59 = arith.constant 0 : i32
    %dma_wait3A_60 = arith.constant 0 : i32
    %dma_wait3A_61 = tpu.memref_slice %arg5[%dma_wait3A_59, %dma_wait3A_60] : memref<80x128xi32, #tpu.memory_space<vmem>> -> memref<1x128xi32, #tpu.memory_space<vmem>>
    %dma_wait3A_62 = tpu.memref_squeeze %dma_wait3A_61 : memref<1x128xi32, #tpu.memory_space<vmem>> -> memref<128xi32, #tpu.memory_space<vmem>>
    %dma_wait3A_63 = arith.constant 0 : i32
    %dma_wait3A_64 = arith.constant 0 : i32
    %dma_wait3A_65 = tpu.memref_slice %arg4[%dma_wait3A_63, %dma_wait3A_64] : memref<10240x128xf32, #tpu.memory_space<vmem_shared>> -> memref<10240x128xf32, #tpu.memory_space<vmem_shared>>
    tpu.wait_indirect_dma semaphore(%arg10 : memref<!tpu.dma_semaphore, #tpu.memory_space<semaphore_mem>>) src(%arg6 : memref<128x128xf32, #tpu.memory_space<vmem>>) dst(%dma_wait3A_65 : memref<10240x128xf32, #tpu.memory_space<vmem_shared>>)
    %barrier3A_66 = arith.constant 0 : index
    tpu.barrier barrier_id(%barrier3A_66)
    "tpu.region"() ({
      %run_scoped3A = tpu.sem_alloc : memref<!tpu.dma_semaphore, #tpu.memory_space<semaphore_mem>>
      %dma_start3A_67 = arith.constant 0 : i32
      %dma_start3A_68 = tpu.memref_slice %arg3[%arg0, %mul3A_4, %dma_start3A_67] : memref<2x10240x128xf32, #tpu.memory_space<hbm>> -> memref<1x640x128xf32, #tpu.memory_space<hbm>>
      %dma_start3A_69 = tpu.memref_squeeze %dma_start3A_68 : memref<1x640x128xf32, #tpu.memory_space<hbm>> -> memref<640x128xf32, #tpu.memory_space<hbm>>
      %dma_start3A_70 = arith.constant 0 : i32
      %dma_start3A_71 = tpu.memref_slice %arg4[%mul3A_4, %dma_start3A_70] : memref<10240x128xf32, #tpu.memory_space<vmem_shared>> -> memref<640x128xf32, #tpu.memory_space<vmem_shared>>
      tpu.enqueue_dma source(%dma_start3A_71 : memref<640x128xf32, #tpu.memory_space<vmem_shared>>) target(%dma_start3A_69 : memref<640x128xf32, #tpu.memory_space<hbm>>) target_semaphore(%run_scoped3A : memref<!tpu.dma_semaphore, #tpu.memory_space<semaphore_mem>>)
      %dma_wait3A_72 = arith.constant 0 : i32
      %dma_wait3A_73 = tpu.memref_slice %arg3[%arg0, %mul3A_4, %dma_wait3A_72] : memref<2x10240x128xf32, #tpu.memory_space<hbm>> -> memref<1x640x128xf32, #tpu.memory_space<hbm>>
      %dma_wait3A_74 = tpu.memref_squeeze %dma_wait3A_73 : memref<1x640x128xf32, #tpu.memory_space<hbm>> -> memref<640x128xf32, #tpu.memory_space<hbm>>
      %dma_wait3A_75 = arith.constant 0 : i32
      %dma_wait3A_76 = tpu.memref_slice %arg4[%mul3A_4, %dma_wait3A_75] : memref<10240x128xf32, #tpu.memory_space<vmem_shared>> -> memref<640x128xf32, #tpu.memory_space<vmem_shared>>
      tpu.wait_dma2 semaphore(%run_scoped3A : memref<!tpu.dma_semaphore, #tpu.memory_space<semaphore_mem>>) src(%dma_wait3A_76 : memref<640x128xf32, #tpu.memory_space<vmem_shared>>) dst(%dma_wait3A_74 : memref<640x128xf32, #tpu.memory_space<hbm>>)
      tpu.yield
    }) : () -> ()
    return
  }
}

#map = affine_map<(d0, d1) -> (0, 0)>
#map1 = affine_map<(d0, d1) -> (0, 0, 0)>
module attributes {stable_mosaic.version = 14 : i64} {
  func.func @agg(%arg0: i32, %arg1: i32, %arg2: memref<10240x128xf32, #tpu.memory_space<hbm>>, %arg3: memref<2560x128xi32, #tpu.memory_space<hbm>>, %arg4: memref<2560x128xi32, #tpu.memory_space<hbm>>, %arg5: memref<2x10240x128xf32, #tpu.memory_space<hbm>>, %arg6: memref<10240x128xf32, #tpu.memory_space<vmem_shared>>, %arg7: memref<80x128xi32, #tpu.memory_space<vmem>>, %arg8: memref<4x128xi32, #tpu.memory_space<vmem>>, %arg9: memref<256x128xf32, #tpu.memory_space<vmem>>, %arg10: memref<!tpu.dma_semaphore, #tpu.memory_space<semaphore_mem>>, %arg11: memref<!tpu.dma_semaphore, #tpu.memory_space<semaphore_mem>>, %arg12: memref<!tpu.dma_semaphore, #tpu.memory_space<semaphore_mem>>, %arg13: memref<!tpu.dma_semaphore, #tpu.memory_space<semaphore_mem>>, %arg14: memref<!tpu.dma_semaphore, #tpu.memory_space<semaphore_mem>>, %arg15: memref<!tpu.dma_semaphore, #tpu.memory_space<semaphore_mem>>, %arg16: memref<!tpu.dma_semaphore, #tpu.memory_space<semaphore_mem>>, %arg17: memref<!tpu.dma_semaphore, #tpu.memory_space<semaphore_mem>>, %arg18: memref<!tpu.dma_semaphore, #tpu.memory_space<semaphore_mem>>, %arg19: memref<!tpu.dma_semaphore, #tpu.memory_space<semaphore_mem>>, %arg20: memref<!tpu.dma_semaphore, #tpu.memory_space<semaphore_mem>>, %arg21: memref<!tpu.dma_semaphore, #tpu.memory_space<semaphore_mem>>, %arg22: memref<!tpu.dma_semaphore, #tpu.memory_space<semaphore_mem>>) attributes {dimension_semantics = [#tpu.dimension_semantics<core_parallel>, #tpu.dimension_semantics<subcore_parallel>], iteration_bounds = array<i64: 2, 16>, scalar_prefetch = 0 : i64, scratch_operands = 17 : i64, tpu.core_type = #tpu.core_type<sc_vector_subcore>, window_params = [{transform_indices = #map}, {transform_indices = #map}, {transform_indices = #map}, {transform_indices = #map1}]} {
    %mul3A = arith.constant 16 : i32
    %mul3A_0 = arith.muli %arg0, %mul3A : i32
    %add3A = arith.addi %mul3A_0, %arg1 : i32
    %mul3A_1 = arith.constant 80 : i32
    %mul3A_2 = arith.muli %add3A, %mul3A_1 : i32
    %mul3A_3 = arith.constant 640 : i32
    %mul3A_4 = arith.muli %arg1, %mul3A_3 : i32
    %dma_start3A = arith.constant 0 : i32
    %dma_start3A_5 = tpu.memref_slice %arg4[%mul3A_2, %dma_start3A] : memref<2560x128xi32, #tpu.memory_space<hbm>> -> memref<80x128xi32, #tpu.memory_space<hbm>>
    %dma_start3A_6 = arith.constant 0 : i32
    %dma_start3A_7 = tpu.memref_slice %arg4[%mul3A_2, %dma_start3A_6] : memref<2560x128xi32, #tpu.memory_space<hbm>> -> memref<80x128xi32, #tpu.memory_space<hbm>>
    tpu.enqueue_dma source(%dma_start3A_7 : memref<80x128xi32, #tpu.memory_space<hbm>>) target(%arg7 : memref<80x128xi32, #tpu.memory_space<vmem>>) target_semaphore(%arg22 : memref<!tpu.dma_semaphore, #tpu.memory_space<semaphore_mem>>)
    %add3A_8 = arith.constant 0 : i32
    %add3A_9 = arith.addi %mul3A_2, %add3A_8 : i32
    %dma_start3A_10 = arith.constant 0 : i32
    %dma_start3A_11 = arith.constant 0 : i32
    %dma_start3A_12 = tpu.memref_slice %arg8[%dma_start3A_10, %dma_start3A_11] : memref<4x128xi32, #tpu.memory_space<vmem>> -> memref<1x128xi32, #tpu.memory_space<vmem>>
    %dma_start3A_13 = arith.constant 0 : i32
    %dma_start3A_14 = tpu.memref_slice %arg3[%add3A_9, %dma_start3A_13] : memref<2560x128xi32, #tpu.memory_space<hbm>> -> memref<1x128xi32, #tpu.memory_space<hbm>>
    %dma_start3A_15 = arith.constant 0 : i32
    %dma_start3A_16 = arith.constant 0 : i32
    %dma_start3A_17 = tpu.memref_slice %arg8[%dma_start3A_15, %dma_start3A_16] : memref<4x128xi32, #tpu.memory_space<vmem>> -> memref<1x128xi32, #tpu.memory_space<vmem>>
    %dma_start3A_18 = arith.constant 0 : i32
    %dma_start3A_19 = tpu.memref_slice %arg3[%add3A_9, %dma_start3A_18] : memref<2560x128xi32, #tpu.memory_space<hbm>> -> memref<1x128xi32, #tpu.memory_space<hbm>>
    tpu.enqueue_dma source(%dma_start3A_19 : memref<1x128xi32, #tpu.memory_space<hbm>>) target(%dma_start3A_17 : memref<1x128xi32, #tpu.memory_space<vmem>>) target_semaphore(%arg18 : memref<!tpu.dma_semaphore, #tpu.memory_space<semaphore_mem>>)
    %add3A_20 = arith.constant 1 : i32
    %add3A_21 = arith.addi %mul3A_2, %add3A_20 : i32
    %dma_start3A_22 = arith.constant 1 : i32
    %dma_start3A_23 = arith.constant 0 : i32
    %dma_start3A_24 = tpu.memref_slice %arg8[%dma_start3A_22, %dma_start3A_23] : memref<4x128xi32, #tpu.memory_space<vmem>> -> memref<1x128xi32, #tpu.memory_space<vmem>>
    %dma_start3A_25 = arith.constant 0 : i32
    %dma_start3A_26 = tpu.memref_slice %arg3[%add3A_21, %dma_start3A_25] : memref<2560x128xi32, #tpu.memory_space<hbm>> -> memref<1x128xi32, #tpu.memory_space<hbm>>
    %dma_start3A_27 = arith.constant 1 : i32
    %dma_start3A_28 = arith.constant 0 : i32
    %dma_start3A_29 = tpu.memref_slice %arg8[%dma_start3A_27, %dma_start3A_28] : memref<4x128xi32, #tpu.memory_space<vmem>> -> memref<1x128xi32, #tpu.memory_space<vmem>>
    %dma_start3A_30 = arith.constant 0 : i32
    %dma_start3A_31 = tpu.memref_slice %arg3[%add3A_21, %dma_start3A_30] : memref<2560x128xi32, #tpu.memory_space<hbm>> -> memref<1x128xi32, #tpu.memory_space<hbm>>
    tpu.enqueue_dma source(%dma_start3A_31 : memref<1x128xi32, #tpu.memory_space<hbm>>) target(%dma_start3A_29 : memref<1x128xi32, #tpu.memory_space<vmem>>) target_semaphore(%arg19 : memref<!tpu.dma_semaphore, #tpu.memory_space<semaphore_mem>>)
    %add3A_32 = arith.constant 2 : i32
    %add3A_33 = arith.addi %mul3A_2, %add3A_32 : i32
    %dma_start3A_34 = arith.constant 2 : i32
    %dma_start3A_35 = arith.constant 0 : i32
    %dma_start3A_36 = tpu.memref_slice %arg8[%dma_start3A_34, %dma_start3A_35] : memref<4x128xi32, #tpu.memory_space<vmem>> -> memref<1x128xi32, #tpu.memory_space<vmem>>
    %dma_start3A_37 = arith.constant 0 : i32
    %dma_start3A_38 = tpu.memref_slice %arg3[%add3A_33, %dma_start3A_37] : memref<2560x128xi32, #tpu.memory_space<hbm>> -> memref<1x128xi32, #tpu.memory_space<hbm>>
    %dma_start3A_39 = arith.constant 2 : i32
    %dma_start3A_40 = arith.constant 0 : i32
    %dma_start3A_41 = tpu.memref_slice %arg8[%dma_start3A_39, %dma_start3A_40] : memref<4x128xi32, #tpu.memory_space<vmem>> -> memref<1x128xi32, #tpu.memory_space<vmem>>
    %dma_start3A_42 = arith.constant 0 : i32
    %dma_start3A_43 = tpu.memref_slice %arg3[%add3A_33, %dma_start3A_42] : memref<2560x128xi32, #tpu.memory_space<hbm>> -> memref<1x128xi32, #tpu.memory_space<hbm>>
    tpu.enqueue_dma source(%dma_start3A_43 : memref<1x128xi32, #tpu.memory_space<hbm>>) target(%dma_start3A_41 : memref<1x128xi32, #tpu.memory_space<vmem>>) target_semaphore(%arg20 : memref<!tpu.dma_semaphore, #tpu.memory_space<semaphore_mem>>)
    %add3A_44 = arith.constant 3 : i32
    %add3A_45 = arith.addi %mul3A_2, %add3A_44 : i32
    %dma_start3A_46 = arith.constant 3 : i32
    %dma_start3A_47 = arith.constant 0 : i32
    %dma_start3A_48 = tpu.memref_slice %arg8[%dma_start3A_46, %dma_start3A_47] : memref<4x128xi32, #tpu.memory_space<vmem>> -> memref<1x128xi32, #tpu.memory_space<vmem>>
    %dma_start3A_49 = arith.constant 0 : i32
    %dma_start3A_50 = tpu.memref_slice %arg3[%add3A_45, %dma_start3A_49] : memref<2560x128xi32, #tpu.memory_space<hbm>> -> memref<1x128xi32, #tpu.memory_space<hbm>>
    %dma_start3A_51 = arith.constant 3 : i32
    %dma_start3A_52 = arith.constant 0 : i32
    %dma_start3A_53 = tpu.memref_slice %arg8[%dma_start3A_51, %dma_start3A_52] : memref<4x128xi32, #tpu.memory_space<vmem>> -> memref<1x128xi32, #tpu.memory_space<vmem>>
    %dma_start3A_54 = arith.constant 0 : i32
    %dma_start3A_55 = tpu.memref_slice %arg3[%add3A_45, %dma_start3A_54] : memref<2560x128xi32, #tpu.memory_space<hbm>> -> memref<1x128xi32, #tpu.memory_space<hbm>>
    tpu.enqueue_dma source(%dma_start3A_55 : memref<1x128xi32, #tpu.memory_space<hbm>>) target(%dma_start3A_53 : memref<1x128xi32, #tpu.memory_space<vmem>>) target_semaphore(%arg21 : memref<!tpu.dma_semaphore, #tpu.memory_space<semaphore_mem>>)
    %broadcast_in_dim3A = arith.constant 0.000000e+00 : f32
    %broadcast_in_dim3A_56 = vector.broadcast %broadcast_in_dim3A : f32 to vector<16xf32>
    %scan3A = arith.constant 0 : i32
    %scan3A_57 = arith.constant 64 : i32
    %scan3A_58 = arith.addi %scan3A, %scan3A_57 : i32
    %scan3A_59 = arith.constant 1 : i32
    scf.for %scan3A_180 = %scan3A to %scan3A_58 step %scan3A_59  : i32 {
      %mul3A_181 = arith.constant 1 : i32
      %mul3A_182 = arith.muli %scan3A_180, %mul3A_181 : i32
      %add3A_183 = arith.constant 0 : i32
      %add3A_184 = arith.addi %add3A_183, %mul3A_182 : i32
      %scan3A_185 = arith.constant 0 : i32
      %scan3A_186 = arith.constant 8 : i32
      %scan3A_187 = arith.addi %scan3A_185, %scan3A_186 : i32
      %scan3A_188 = arith.constant 1 : i32
      scf.for %scan3A_190 = %scan3A_185 to %scan3A_187 step %scan3A_188  : i32 {
        %mul3A_191 = arith.constant 16 : i32
        %mul3A_192 = arith.muli %scan3A_190, %mul3A_191 : i32
        %add3A_193 = arith.constant 0 : i32
        %add3A_194 = arith.addi %add3A_193, %mul3A_192 : i32
        %swap3A = arith.index_cast %add3A_184 : i32 to index
        %swap3A_195 = arith.index_cast %add3A_194 : i32 to index
        %swap3A_196 = tpu.vector_load %arg9[%swap3A, %swap3A_195] {strides = array<i32>} : memref<256x128xf32, #tpu.memory_space<vmem>>, vector<1x16xf32>,
        %swap3A_197 = vector.shape_cast %swap3A_196 : vector<1x16xf32> to vector<16xf32>
        %swap3A_198 = vector.shape_cast %broadcast_in_dim3A_56 : vector<16xf32> to vector<1x16xf32>
        tpu.vector_store %arg9[%swap3A, %swap3A_195], %swap3A_198 {strides = array<i32>} : memref<256x128xf32, #tpu.memory_space<vmem>>, vector<1x16xf32>,
      }
      %scan3A_189 = arith.constant 8 : i32
    }
    %scan3A_60 = arith.constant 64 : i32
    %add3A_61 = arith.constant 0 : i32
    %add3A_62 = arith.addi %mul3A_4, %add3A_61 : i32
    "tpu.region"() ({
      %run_scoped3A = tpu.sem_alloc : memref<!tpu.dma_semaphore, #tpu.memory_space<semaphore_mem>>
      %dma_start3A_180 = arith.constant 0 : i32
      %dma_start3A_181 = arith.constant 0 : i32
      %dma_start3A_182 = tpu.memref_slice %arg9[%dma_start3A_180, %dma_start3A_181] : memref<256x128xf32, #tpu.memory_space<vmem>> -> memref<64x128xf32, #tpu.memory_space<vmem>>
      %dma_start3A_183 = arith.constant 0 : i32
      %dma_start3A_184 = tpu.memref_slice %arg6[%add3A_62, %dma_start3A_183] : memref<10240x128xf32, #tpu.memory_space<vmem_shared>> -> memref<64x128xf32, #tpu.memory_space<vmem_shared>>
      %dma_start3A_185 = arith.constant 0 : i32
      %dma_start3A_186 = tpu.memref_slice %arg6[%add3A_62, %dma_start3A_185] : memref<10240x128xf32, #tpu.memory_space<vmem_shared>> -> memref<64x128xf32, #tpu.memory_space<vmem_shared>>
      %dma_start3A_187 = arith.constant 0 : i32
      %dma_start3A_188 = arith.constant 0 : i32
      %dma_start3A_189 = tpu.memref_slice %arg9[%dma_start3A_187, %dma_start3A_188] : memref<256x128xf32, #tpu.memory_space<vmem>> -> memref<64x128xf32, #tpu.memory_space<vmem>>
      tpu.enqueue_dma source(%dma_start3A_189 : memref<64x128xf32, #tpu.memory_space<vmem>>) target(%dma_start3A_186 : memref<64x128xf32, #tpu.memory_space<vmem_shared>>) target_semaphore(%run_scoped3A : memref<!tpu.dma_semaphore, #tpu.memory_space<semaphore_mem>>)
      %dma_wait3A_190 = arith.constant 0 : i32
      %dma_wait3A_191 = arith.constant 0 : i32
      %dma_wait3A_192 = tpu.memref_slice %arg9[%dma_wait3A_190, %dma_wait3A_191] : memref<256x128xf32, #tpu.memory_space<vmem>> -> memref<64x128xf32, #tpu.memory_space<vmem>>
      %dma_wait3A_193 = arith.constant 0 : i32
      %dma_wait3A_194 = tpu.memref_slice %arg6[%add3A_62, %dma_wait3A_193] : memref<10240x128xf32, #tpu.memory_space<vmem_shared>> -> memref<64x128xf32, #tpu.memory_space<vmem_shared>>
      %dma_wait3A_195 = arith.constant 0 : i32
      %dma_wait3A_196 = tpu.memref_slice %arg6[%add3A_62, %dma_wait3A_195] : memref<10240x128xf32, #tpu.memory_space<vmem_shared>> -> memref<64x128xf32, #tpu.memory_space<vmem_shared>>
      %dma_wait3A_197 = arith.constant 0 : i32
      %dma_wait3A_198 = arith.constant 0 : i32
      %dma_wait3A_199 = tpu.memref_slice %arg9[%dma_wait3A_197, %dma_wait3A_198] : memref<256x128xf32, #tpu.memory_space<vmem>> -> memref<64x128xf32, #tpu.memory_space<vmem>>
      tpu.wait_dma2 semaphore(%run_scoped3A : memref<!tpu.dma_semaphore, #tpu.memory_space<semaphore_mem>>) src(%dma_wait3A_199 : memref<64x128xf32, #tpu.memory_space<vmem>>) dst(%dma_wait3A_196 : memref<64x128xf32, #tpu.memory_space<vmem_shared>>)
      tpu.yield
    }) : () -> ()
    %add3A_63 = arith.constant 64 : i32
    %add3A_64 = arith.addi %mul3A_4, %add3A_63 : i32
    "tpu.region"() ({
      %run_scoped3A = tpu.sem_alloc : memref<!tpu.dma_semaphore, #tpu.memory_space<semaphore_mem>>
      %dma_start3A_180 = arith.constant 0 : i32
      %dma_start3A_181 = arith.constant 0 : i32
      %dma_start3A_182 = tpu.memref_slice %arg9[%dma_start3A_180, %dma_start3A_181] : memref<256x128xf32, #tpu.memory_space<vmem>> -> memref<64x128xf32, #tpu.memory_space<vmem>>
      %dma_start3A_183 = arith.constant 0 : i32
      %dma_start3A_184 = tpu.memref_slice %arg6[%add3A_64, %dma_start3A_183] : memref<10240x128xf32, #tpu.memory_space<vmem_shared>> -> memref<64x128xf32, #tpu.memory_space<vmem_shared>>
      %dma_start3A_185 = arith.constant 0 : i32
      %dma_start3A_186 = tpu.memref_slice %arg6[%add3A_64, %dma_start3A_185] : memref<10240x128xf32, #tpu.memory_space<vmem_shared>> -> memref<64x128xf32, #tpu.memory_space<vmem_shared>>
      %dma_start3A_187 = arith.constant 0 : i32
      %dma_start3A_188 = arith.constant 0 : i32
      %dma_start3A_189 = tpu.memref_slice %arg9[%dma_start3A_187, %dma_start3A_188] : memref<256x128xf32, #tpu.memory_space<vmem>> -> memref<64x128xf32, #tpu.memory_space<vmem>>
      tpu.enqueue_dma source(%dma_start3A_189 : memref<64x128xf32, #tpu.memory_space<vmem>>) target(%dma_start3A_186 : memref<64x128xf32, #tpu.memory_space<vmem_shared>>) target_semaphore(%run_scoped3A : memref<!tpu.dma_semaphore, #tpu.memory_space<semaphore_mem>>)
      %dma_wait3A_190 = arith.constant 0 : i32
      %dma_wait3A_191 = arith.constant 0 : i32
      %dma_wait3A_192 = tpu.memref_slice %arg9[%dma_wait3A_190, %dma_wait3A_191] : memref<256x128xf32, #tpu.memory_space<vmem>> -> memref<64x128xf32, #tpu.memory_space<vmem>>
      %dma_wait3A_193 = arith.constant 0 : i32
      %dma_wait3A_194 = tpu.memref_slice %arg6[%add3A_64, %dma_wait3A_193] : memref<10240x128xf32, #tpu.memory_space<vmem_shared>> -> memref<64x128xf32, #tpu.memory_space<vmem_shared>>
      %dma_wait3A_195 = arith.constant 0 : i32
      %dma_wait3A_196 = tpu.memref_slice %arg6[%add3A_64, %dma_wait3A_195] : memref<10240x128xf32, #tpu.memory_space<vmem_shared>> -> memref<64x128xf32, #tpu.memory_space<vmem_shared>>
      %dma_wait3A_197 = arith.constant 0 : i32
      %dma_wait3A_198 = arith.constant 0 : i32
      %dma_wait3A_199 = tpu.memref_slice %arg9[%dma_wait3A_197, %dma_wait3A_198] : memref<256x128xf32, #tpu.memory_space<vmem>> -> memref<64x128xf32, #tpu.memory_space<vmem>>
      tpu.wait_dma2 semaphore(%run_scoped3A : memref<!tpu.dma_semaphore, #tpu.memory_space<semaphore_mem>>) src(%dma_wait3A_199 : memref<64x128xf32, #tpu.memory_space<vmem>>) dst(%dma_wait3A_196 : memref<64x128xf32, #tpu.memory_space<vmem_shared>>)
      tpu.yield
    }) : () -> ()
    %add3A_65 = arith.constant 128 : i32
    %add3A_66 = arith.addi %mul3A_4, %add3A_65 : i32
    "tpu.region"() ({
      %run_scoped3A = tpu.sem_alloc : memref<!tpu.dma_semaphore, #tpu.memory_space<semaphore_mem>>
      %dma_start3A_180 = arith.constant 0 : i32
      %dma_start3A_181 = arith.constant 0 : i32
      %dma_start3A_182 = tpu.memref_slice %arg9[%dma_start3A_180, %dma_start3A_181] : memref<256x128xf32, #tpu.memory_space<vmem>> -> memref<64x128xf32, #tpu.memory_space<vmem>>
      %dma_start3A_183 = arith.constant 0 : i32
      %dma_start3A_184 = tpu.memref_slice %arg6[%add3A_66, %dma_start3A_183] : memref<10240x128xf32, #tpu.memory_space<vmem_shared>> -> memref<64x128xf32, #tpu.memory_space<vmem_shared>>
      %dma_start3A_185 = arith.constant 0 : i32
      %dma_start3A_186 = tpu.memref_slice %arg6[%add3A_66, %dma_start3A_185] : memref<10240x128xf32, #tpu.memory_space<vmem_shared>> -> memref<64x128xf32, #tpu.memory_space<vmem_shared>>
      %dma_start3A_187 = arith.constant 0 : i32
      %dma_start3A_188 = arith.constant 0 : i32
      %dma_start3A_189 = tpu.memref_slice %arg9[%dma_start3A_187, %dma_start3A_188] : memref<256x128xf32, #tpu.memory_space<vmem>> -> memref<64x128xf32, #tpu.memory_space<vmem>>
      tpu.enqueue_dma source(%dma_start3A_189 : memref<64x128xf32, #tpu.memory_space<vmem>>) target(%dma_start3A_186 : memref<64x128xf32, #tpu.memory_space<vmem_shared>>) target_semaphore(%run_scoped3A : memref<!tpu.dma_semaphore, #tpu.memory_space<semaphore_mem>>)
      %dma_wait3A_190 = arith.constant 0 : i32
      %dma_wait3A_191 = arith.constant 0 : i32
      %dma_wait3A_192 = tpu.memref_slice %arg9[%dma_wait3A_190, %dma_wait3A_191] : memref<256x128xf32, #tpu.memory_space<vmem>> -> memref<64x128xf32, #tpu.memory_space<vmem>>
      %dma_wait3A_193 = arith.constant 0 : i32
      %dma_wait3A_194 = tpu.memref_slice %arg6[%add3A_66, %dma_wait3A_193] : memref<10240x128xf32, #tpu.memory_space<vmem_shared>> -> memref<64x128xf32, #tpu.memory_space<vmem_shared>>
      %dma_wait3A_195 = arith.constant 0 : i32
      %dma_wait3A_196 = tpu.memref_slice %arg6[%add3A_66, %dma_wait3A_195] : memref<10240x128xf32, #tpu.memory_space<vmem_shared>> -> memref<64x128xf32, #tpu.memory_space<vmem_shared>>
      %dma_wait3A_197 = arith.constant 0 : i32
      %dma_wait3A_198 = arith.constant 0 : i32
      %dma_wait3A_199 = tpu.memref_slice %arg9[%dma_wait3A_197, %dma_wait3A_198] : memref<256x128xf32, #tpu.memory_space<vmem>> -> memref<64x128xf32, #tpu.memory_space<vmem>>
      tpu.wait_dma2 semaphore(%run_scoped3A : memref<!tpu.dma_semaphore, #tpu.memory_space<semaphore_mem>>) src(%dma_wait3A_199 : memref<64x128xf32, #tpu.memory_space<vmem>>) dst(%dma_wait3A_196 : memref<64x128xf32, #tpu.memory_space<vmem_shared>>)
      tpu.yield
    }) : () -> ()
    %add3A_67 = arith.constant 192 : i32
    %add3A_68 = arith.addi %mul3A_4, %add3A_67 : i32
    "tpu.region"() ({
      %run_scoped3A = tpu.sem_alloc : memref<!tpu.dma_semaphore, #tpu.memory_space<semaphore_mem>>
      %dma_start3A_180 = arith.constant 0 : i32
      %dma_start3A_181 = arith.constant 0 : i32
      %dma_start3A_182 = tpu.memref_slice %arg9[%dma_start3A_180, %dma_start3A_181] : memref<256x128xf32, #tpu.memory_space<vmem>> -> memref<64x128xf32, #tpu.memory_space<vmem>>
      %dma_start3A_183 = arith.constant 0 : i32
      %dma_start3A_184 = tpu.memref_slice %arg6[%add3A_68, %dma_start3A_183] : memref<10240x128xf32, #tpu.memory_space<vmem_shared>> -> memref<64x128xf32, #tpu.memory_space<vmem_shared>>
      %dma_start3A_185 = arith.constant 0 : i32
      %dma_start3A_186 = tpu.memref_slice %arg6[%add3A_68, %dma_start3A_185] : memref<10240x128xf32, #tpu.memory_space<vmem_shared>> -> memref<64x128xf32, #tpu.memory_space<vmem_shared>>
      %dma_start3A_187 = arith.constant 0 : i32
      %dma_start3A_188 = arith.constant 0 : i32
      %dma_start3A_189 = tpu.memref_slice %arg9[%dma_start3A_187, %dma_start3A_188] : memref<256x128xf32, #tpu.memory_space<vmem>> -> memref<64x128xf32, #tpu.memory_space<vmem>>
      tpu.enqueue_dma source(%dma_start3A_189 : memref<64x128xf32, #tpu.memory_space<vmem>>) target(%dma_start3A_186 : memref<64x128xf32, #tpu.memory_space<vmem_shared>>) target_semaphore(%run_scoped3A : memref<!tpu.dma_semaphore, #tpu.memory_space<semaphore_mem>>)
      %dma_wait3A_190 = arith.constant 0 : i32
      %dma_wait3A_191 = arith.constant 0 : i32
      %dma_wait3A_192 = tpu.memref_slice %arg9[%dma_wait3A_190, %dma_wait3A_191] : memref<256x128xf32, #tpu.memory_space<vmem>> -> memref<64x128xf32, #tpu.memory_space<vmem>>
      %dma_wait3A_193 = arith.constant 0 : i32
      %dma_wait3A_194 = tpu.memref_slice %arg6[%add3A_68, %dma_wait3A_193] : memref<10240x128xf32, #tpu.memory_space<vmem_shared>> -> memref<64x128xf32, #tpu.memory_space<vmem_shared>>
      %dma_wait3A_195 = arith.constant 0 : i32
      %dma_wait3A_196 = tpu.memref_slice %arg6[%add3A_68, %dma_wait3A_195] : memref<10240x128xf32, #tpu.memory_space<vmem_shared>> -> memref<64x128xf32, #tpu.memory_space<vmem_shared>>
      %dma_wait3A_197 = arith.constant 0 : i32
      %dma_wait3A_198 = arith.constant 0 : i32
      %dma_wait3A_199 = tpu.memref_slice %arg9[%dma_wait3A_197, %dma_wait3A_198] : memref<256x128xf32, #tpu.memory_space<vmem>> -> memref<64x128xf32, #tpu.memory_space<vmem>>
      tpu.wait_dma2 semaphore(%run_scoped3A : memref<!tpu.dma_semaphore, #tpu.memory_space<semaphore_mem>>) src(%dma_wait3A_199 : memref<64x128xf32, #tpu.memory_space<vmem>>) dst(%dma_wait3A_196 : memref<64x128xf32, #tpu.memory_space<vmem_shared>>)
      tpu.yield
    }) : () -> ()
    %add3A_69 = arith.constant 256 : i32
    %add3A_70 = arith.addi %mul3A_4, %add3A_69 : i32
    "tpu.region"() ({
      %run_scoped3A = tpu.sem_alloc : memref<!tpu.dma_semaphore, #tpu.memory_space<semaphore_mem>>
      %dma_start3A_180 = arith.constant 0 : i32
      %dma_start3A_181 = arith.constant 0 : i32
      %dma_start3A_182 = tpu.memref_slice %arg9[%dma_start3A_180, %dma_start3A_181] : memref<256x128xf32, #tpu.memory_space<vmem>> -> memref<64x128xf32, #tpu.memory_space<vmem>>
      %dma_start3A_183 = arith.constant 0 : i32
      %dma_start3A_184 = tpu.memref_slice %arg6[%add3A_70, %dma_start3A_183] : memref<10240x128xf32, #tpu.memory_space<vmem_shared>> -> memref<64x128xf32, #tpu.memory_space<vmem_shared>>
      %dma_start3A_185 = arith.constant 0 : i32
      %dma_start3A_186 = tpu.memref_slice %arg6[%add3A_70, %dma_start3A_185] : memref<10240x128xf32, #tpu.memory_space<vmem_shared>> -> memref<64x128xf32, #tpu.memory_space<vmem_shared>>
      %dma_start3A_187 = arith.constant 0 : i32
      %dma_start3A_188 = arith.constant 0 : i32
      %dma_start3A_189 = tpu.memref_slice %arg9[%dma_start3A_187, %dma_start3A_188] : memref<256x128xf32, #tpu.memory_space<vmem>> -> memref<64x128xf32, #tpu.memory_space<vmem>>
      tpu.enqueue_dma source(%dma_start3A_189 : memref<64x128xf32, #tpu.memory_space<vmem>>) target(%dma_start3A_186 : memref<64x128xf32, #tpu.memory_space<vmem_shared>>) target_semaphore(%run_scoped3A : memref<!tpu.dma_semaphore, #tpu.memory_space<semaphore_mem>>)
      %dma_wait3A_190 = arith.constant 0 : i32
      %dma_wait3A_191 = arith.constant 0 : i32
      %dma_wait3A_192 = tpu.memref_slice %arg9[%dma_wait3A_190, %dma_wait3A_191] : memref<256x128xf32, #tpu.memory_space<vmem>> -> memref<64x128xf32, #tpu.memory_space<vmem>>
      %dma_wait3A_193 = arith.constant 0 : i32
      %dma_wait3A_194 = tpu.memref_slice %arg6[%add3A_70, %dma_wait3A_193] : memref<10240x128xf32, #tpu.memory_space<vmem_shared>> -> memref<64x128xf32, #tpu.memory_space<vmem_shared>>
      %dma_wait3A_195 = arith.constant 0 : i32
      %dma_wait3A_196 = tpu.memref_slice %arg6[%add3A_70, %dma_wait3A_195] : memref<10240x128xf32, #tpu.memory_space<vmem_shared>> -> memref<64x128xf32, #tpu.memory_space<vmem_shared>>
      %dma_wait3A_197 = arith.constant 0 : i32
      %dma_wait3A_198 = arith.constant 0 : i32
      %dma_wait3A_199 = tpu.memref_slice %arg9[%dma_wait3A_197, %dma_wait3A_198] : memref<256x128xf32, #tpu.memory_space<vmem>> -> memref<64x128xf32, #tpu.memory_space<vmem>>
      tpu.wait_dma2 semaphore(%run_scoped3A : memref<!tpu.dma_semaphore, #tpu.memory_space<semaphore_mem>>) src(%dma_wait3A_199 : memref<64x128xf32, #tpu.memory_space<vmem>>) dst(%dma_wait3A_196 : memref<64x128xf32, #tpu.memory_space<vmem_shared>>)
      tpu.yield
    }) : () -> ()
    %add3A_71 = arith.constant 320 : i32
    %add3A_72 = arith.addi %mul3A_4, %add3A_71 : i32
    "tpu.region"() ({
      %run_scoped3A = tpu.sem_alloc : memref<!tpu.dma_semaphore, #tpu.memory_space<semaphore_mem>>
      %dma_start3A_180 = arith.constant 0 : i32
      %dma_start3A_181 = arith.constant 0 : i32
      %dma_start3A_182 = tpu.memref_slice %arg9[%dma_start3A_180, %dma_start3A_181] : memref<256x128xf32, #tpu.memory_space<vmem>> -> memref<64x128xf32, #tpu.memory_space<vmem>>
      %dma_start3A_183 = arith.constant 0 : i32
      %dma_start3A_184 = tpu.memref_slice %arg6[%add3A_72, %dma_start3A_183] : memref<10240x128xf32, #tpu.memory_space<vmem_shared>> -> memref<64x128xf32, #tpu.memory_space<vmem_shared>>
      %dma_start3A_185 = arith.constant 0 : i32
      %dma_start3A_186 = tpu.memref_slice %arg6[%add3A_72, %dma_start3A_185] : memref<10240x128xf32, #tpu.memory_space<vmem_shared>> -> memref<64x128xf32, #tpu.memory_space<vmem_shared>>
      %dma_start3A_187 = arith.constant 0 : i32
      %dma_start3A_188 = arith.constant 0 : i32
      %dma_start3A_189 = tpu.memref_slice %arg9[%dma_start3A_187, %dma_start3A_188] : memref<256x128xf32, #tpu.memory_space<vmem>> -> memref<64x128xf32, #tpu.memory_space<vmem>>
      tpu.enqueue_dma source(%dma_start3A_189 : memref<64x128xf32, #tpu.memory_space<vmem>>) target(%dma_start3A_186 : memref<64x128xf32, #tpu.memory_space<vmem_shared>>) target_semaphore(%run_scoped3A : memref<!tpu.dma_semaphore, #tpu.memory_space<semaphore_mem>>)
      %dma_wait3A_190 = arith.constant 0 : i32
      %dma_wait3A_191 = arith.constant 0 : i32
      %dma_wait3A_192 = tpu.memref_slice %arg9[%dma_wait3A_190, %dma_wait3A_191] : memref<256x128xf32, #tpu.memory_space<vmem>> -> memref<64x128xf32, #tpu.memory_space<vmem>>
      %dma_wait3A_193 = arith.constant 0 : i32
      %dma_wait3A_194 = tpu.memref_slice %arg6[%add3A_72, %dma_wait3A_193] : memref<10240x128xf32, #tpu.memory_space<vmem_shared>> -> memref<64x128xf32, #tpu.memory_space<vmem_shared>>
      %dma_wait3A_195 = arith.constant 0 : i32
      %dma_wait3A_196 = tpu.memref_slice %arg6[%add3A_72, %dma_wait3A_195] : memref<10240x128xf32, #tpu.memory_space<vmem_shared>> -> memref<64x128xf32, #tpu.memory_space<vmem_shared>>
      %dma_wait3A_197 = arith.constant 0 : i32
      %dma_wait3A_198 = arith.constant 0 : i32
      %dma_wait3A_199 = tpu.memref_slice %arg9[%dma_wait3A_197, %dma_wait3A_198] : memref<256x128xf32, #tpu.memory_space<vmem>> -> memref<64x128xf32, #tpu.memory_space<vmem>>
      tpu.wait_dma2 semaphore(%run_scoped3A : memref<!tpu.dma_semaphore, #tpu.memory_space<semaphore_mem>>) src(%dma_wait3A_199 : memref<64x128xf32, #tpu.memory_space<vmem>>) dst(%dma_wait3A_196 : memref<64x128xf32, #tpu.memory_space<vmem_shared>>)
      tpu.yield
    }) : () -> ()
    %add3A_73 = arith.constant 384 : i32
    %add3A_74 = arith.addi %mul3A_4, %add3A_73 : i32
    "tpu.region"() ({
      %run_scoped3A = tpu.sem_alloc : memref<!tpu.dma_semaphore, #tpu.memory_space<semaphore_mem>>
      %dma_start3A_180 = arith.constant 0 : i32
      %dma_start3A_181 = arith.constant 0 : i32
      %dma_start3A_182 = tpu.memref_slice %arg9[%dma_start3A_180, %dma_start3A_181] : memref<256x128xf32, #tpu.memory_space<vmem>> -> memref<64x128xf32, #tpu.memory_space<vmem>>
      %dma_start3A_183 = arith.constant 0 : i32
      %dma_start3A_184 = tpu.memref_slice %arg6[%add3A_74, %dma_start3A_183] : memref<10240x128xf32, #tpu.memory_space<vmem_shared>> -> memref<64x128xf32, #tpu.memory_space<vmem_shared>>
      %dma_start3A_185 = arith.constant 0 : i32
      %dma_start3A_186 = tpu.memref_slice %arg6[%add3A_74, %dma_start3A_185] : memref<10240x128xf32, #tpu.memory_space<vmem_shared>> -> memref<64x128xf32, #tpu.memory_space<vmem_shared>>
      %dma_start3A_187 = arith.constant 0 : i32
      %dma_start3A_188 = arith.constant 0 : i32
      %dma_start3A_189 = tpu.memref_slice %arg9[%dma_start3A_187, %dma_start3A_188] : memref<256x128xf32, #tpu.memory_space<vmem>> -> memref<64x128xf32, #tpu.memory_space<vmem>>
      tpu.enqueue_dma source(%dma_start3A_189 : memref<64x128xf32, #tpu.memory_space<vmem>>) target(%dma_start3A_186 : memref<64x128xf32, #tpu.memory_space<vmem_shared>>) target_semaphore(%run_scoped3A : memref<!tpu.dma_semaphore, #tpu.memory_space<semaphore_mem>>)
      %dma_wait3A_190 = arith.constant 0 : i32
      %dma_wait3A_191 = arith.constant 0 : i32
      %dma_wait3A_192 = tpu.memref_slice %arg9[%dma_wait3A_190, %dma_wait3A_191] : memref<256x128xf32, #tpu.memory_space<vmem>> -> memref<64x128xf32, #tpu.memory_space<vmem>>
      %dma_wait3A_193 = arith.constant 0 : i32
      %dma_wait3A_194 = tpu.memref_slice %arg6[%add3A_74, %dma_wait3A_193] : memref<10240x128xf32, #tpu.memory_space<vmem_shared>> -> memref<64x128xf32, #tpu.memory_space<vmem_shared>>
      %dma_wait3A_195 = arith.constant 0 : i32
      %dma_wait3A_196 = tpu.memref_slice %arg6[%add3A_74, %dma_wait3A_195] : memref<10240x128xf32, #tpu.memory_space<vmem_shared>> -> memref<64x128xf32, #tpu.memory_space<vmem_shared>>
      %dma_wait3A_197 = arith.constant 0 : i32
      %dma_wait3A_198 = arith.constant 0 : i32
      %dma_wait3A_199 = tpu.memref_slice %arg9[%dma_wait3A_197, %dma_wait3A_198] : memref<256x128xf32, #tpu.memory_space<vmem>> -> memref<64x128xf32, #tpu.memory_space<vmem>>
      tpu.wait_dma2 semaphore(%run_scoped3A : memref<!tpu.dma_semaphore, #tpu.memory_space<semaphore_mem>>) src(%dma_wait3A_199 : memref<64x128xf32, #tpu.memory_space<vmem>>) dst(%dma_wait3A_196 : memref<64x128xf32, #tpu.memory_space<vmem_shared>>)
      tpu.yield
    }) : () -> ()
    %add3A_75 = arith.constant 448 : i32
    %add3A_76 = arith.addi %mul3A_4, %add3A_75 : i32
    "tpu.region"() ({
      %run_scoped3A = tpu.sem_alloc : memref<!tpu.dma_semaphore, #tpu.memory_space<semaphore_mem>>
      %dma_start3A_180 = arith.constant 0 : i32
      %dma_start3A_181 = arith.constant 0 : i32
      %dma_start3A_182 = tpu.memref_slice %arg9[%dma_start3A_180, %dma_start3A_181] : memref<256x128xf32, #tpu.memory_space<vmem>> -> memref<64x128xf32, #tpu.memory_space<vmem>>
      %dma_start3A_183 = arith.constant 0 : i32
      %dma_start3A_184 = tpu.memref_slice %arg6[%add3A_76, %dma_start3A_183] : memref<10240x128xf32, #tpu.memory_space<vmem_shared>> -> memref<64x128xf32, #tpu.memory_space<vmem_shared>>
      %dma_start3A_185 = arith.constant 0 : i32
      %dma_start3A_186 = tpu.memref_slice %arg6[%add3A_76, %dma_start3A_185] : memref<10240x128xf32, #tpu.memory_space<vmem_shared>> -> memref<64x128xf32, #tpu.memory_space<vmem_shared>>
      %dma_start3A_187 = arith.constant 0 : i32
      %dma_start3A_188 = arith.constant 0 : i32
      %dma_start3A_189 = tpu.memref_slice %arg9[%dma_start3A_187, %dma_start3A_188] : memref<256x128xf32, #tpu.memory_space<vmem>> -> memref<64x128xf32, #tpu.memory_space<vmem>>
      tpu.enqueue_dma source(%dma_start3A_189 : memref<64x128xf32, #tpu.memory_space<vmem>>) target(%dma_start3A_186 : memref<64x128xf32, #tpu.memory_space<vmem_shared>>) target_semaphore(%run_scoped3A : memref<!tpu.dma_semaphore, #tpu.memory_space<semaphore_mem>>)
      %dma_wait3A_190 = arith.constant 0 : i32
      %dma_wait3A_191 = arith.constant 0 : i32
      %dma_wait3A_192 = tpu.memref_slice %arg9[%dma_wait3A_190, %dma_wait3A_191] : memref<256x128xf32, #tpu.memory_space<vmem>> -> memref<64x128xf32, #tpu.memory_space<vmem>>
      %dma_wait3A_193 = arith.constant 0 : i32
      %dma_wait3A_194 = tpu.memref_slice %arg6[%add3A_76, %dma_wait3A_193] : memref<10240x128xf32, #tpu.memory_space<vmem_shared>> -> memref<64x128xf32, #tpu.memory_space<vmem_shared>>
      %dma_wait3A_195 = arith.constant 0 : i32
      %dma_wait3A_196 = tpu.memref_slice %arg6[%add3A_76, %dma_wait3A_195] : memref<10240x128xf32, #tpu.memory_space<vmem_shared>> -> memref<64x128xf32, #tpu.memory_space<vmem_shared>>
      %dma_wait3A_197 = arith.constant 0 : i32
      %dma_wait3A_198 = arith.constant 0 : i32
      %dma_wait3A_199 = tpu.memref_slice %arg9[%dma_wait3A_197, %dma_wait3A_198] : memref<256x128xf32, #tpu.memory_space<vmem>> -> memref<64x128xf32, #tpu.memory_space<vmem>>
      tpu.wait_dma2 semaphore(%run_scoped3A : memref<!tpu.dma_semaphore, #tpu.memory_space<semaphore_mem>>) src(%dma_wait3A_199 : memref<64x128xf32, #tpu.memory_space<vmem>>) dst(%dma_wait3A_196 : memref<64x128xf32, #tpu.memory_space<vmem_shared>>)
      tpu.yield
    }) : () -> ()
    %add3A_77 = arith.constant 512 : i32
    %add3A_78 = arith.addi %mul3A_4, %add3A_77 : i32
    "tpu.region"() ({
      %run_scoped3A = tpu.sem_alloc : memref<!tpu.dma_semaphore, #tpu.memory_space<semaphore_mem>>
      %dma_start3A_180 = arith.constant 0 : i32
      %dma_start3A_181 = arith.constant 0 : i32
      %dma_start3A_182 = tpu.memref_slice %arg9[%dma_start3A_180, %dma_start3A_181] : memref<256x128xf32, #tpu.memory_space<vmem>> -> memref<64x128xf32, #tpu.memory_space<vmem>>
      %dma_start3A_183 = arith.constant 0 : i32
      %dma_start3A_184 = tpu.memref_slice %arg6[%add3A_78, %dma_start3A_183] : memref<10240x128xf32, #tpu.memory_space<vmem_shared>> -> memref<64x128xf32, #tpu.memory_space<vmem_shared>>
      %dma_start3A_185 = arith.constant 0 : i32
      %dma_start3A_186 = tpu.memref_slice %arg6[%add3A_78, %dma_start3A_185] : memref<10240x128xf32, #tpu.memory_space<vmem_shared>> -> memref<64x128xf32, #tpu.memory_space<vmem_shared>>
      %dma_start3A_187 = arith.constant 0 : i32
      %dma_start3A_188 = arith.constant 0 : i32
      %dma_start3A_189 = tpu.memref_slice %arg9[%dma_start3A_187, %dma_start3A_188] : memref<256x128xf32, #tpu.memory_space<vmem>> -> memref<64x128xf32, #tpu.memory_space<vmem>>
      tpu.enqueue_dma source(%dma_start3A_189 : memref<64x128xf32, #tpu.memory_space<vmem>>) target(%dma_start3A_186 : memref<64x128xf32, #tpu.memory_space<vmem_shared>>) target_semaphore(%run_scoped3A : memref<!tpu.dma_semaphore, #tpu.memory_space<semaphore_mem>>)
      %dma_wait3A_190 = arith.constant 0 : i32
      %dma_wait3A_191 = arith.constant 0 : i32
      %dma_wait3A_192 = tpu.memref_slice %arg9[%dma_wait3A_190, %dma_wait3A_191] : memref<256x128xf32, #tpu.memory_space<vmem>> -> memref<64x128xf32, #tpu.memory_space<vmem>>
      %dma_wait3A_193 = arith.constant 0 : i32
      %dma_wait3A_194 = tpu.memref_slice %arg6[%add3A_78, %dma_wait3A_193] : memref<10240x128xf32, #tpu.memory_space<vmem_shared>> -> memref<64x128xf32, #tpu.memory_space<vmem_shared>>
      %dma_wait3A_195 = arith.constant 0 : i32
      %dma_wait3A_196 = tpu.memref_slice %arg6[%add3A_78, %dma_wait3A_195] : memref<10240x128xf32, #tpu.memory_space<vmem_shared>> -> memref<64x128xf32, #tpu.memory_space<vmem_shared>>
      %dma_wait3A_197 = arith.constant 0 : i32
      %dma_wait3A_198 = arith.constant 0 : i32
      %dma_wait3A_199 = tpu.memref_slice %arg9[%dma_wait3A_197, %dma_wait3A_198] : memref<256x128xf32, #tpu.memory_space<vmem>> -> memref<64x128xf32, #tpu.memory_space<vmem>>
      tpu.wait_dma2 semaphore(%run_scoped3A : memref<!tpu.dma_semaphore, #tpu.memory_space<semaphore_mem>>) src(%dma_wait3A_199 : memref<64x128xf32, #tpu.memory_space<vmem>>) dst(%dma_wait3A_196 : memref<64x128xf32, #tpu.memory_space<vmem_shared>>)
      tpu.yield
    }) : () -> ()
    %add3A_79 = arith.constant 576 : i32
    %add3A_80 = arith.addi %mul3A_4, %add3A_79 : i32
    "tpu.region"() ({
      %run_scoped3A = tpu.sem_alloc : memref<!tpu.dma_semaphore, #tpu.memory_space<semaphore_mem>>
      %dma_start3A_180 = arith.constant 0 : i32
      %dma_start3A_181 = arith.constant 0 : i32
      %dma_start3A_182 = tpu.memref_slice %arg9[%dma_start3A_180, %dma_start3A_181] : memref<256x128xf32, #tpu.memory_space<vmem>> -> memref<64x128xf32, #tpu.memory_space<vmem>>
      %dma_start3A_183 = arith.constant 0 : i32
      %dma_start3A_184 = tpu.memref_slice %arg6[%add3A_80, %dma_start3A_183] : memref<10240x128xf32, #tpu.memory_space<vmem_shared>> -> memref<64x128xf32, #tpu.memory_space<vmem_shared>>
      %dma_start3A_185 = arith.constant 0 : i32
      %dma_start3A_186 = tpu.memref_slice %arg6[%add3A_80, %dma_start3A_185] : memref<10240x128xf32, #tpu.memory_space<vmem_shared>> -> memref<64x128xf32, #tpu.memory_space<vmem_shared>>
      %dma_start3A_187 = arith.constant 0 : i32
      %dma_start3A_188 = arith.constant 0 : i32
      %dma_start3A_189 = tpu.memref_slice %arg9[%dma_start3A_187, %dma_start3A_188] : memref<256x128xf32, #tpu.memory_space<vmem>> -> memref<64x128xf32, #tpu.memory_space<vmem>>
      tpu.enqueue_dma source(%dma_start3A_189 : memref<64x128xf32, #tpu.memory_space<vmem>>) target(%dma_start3A_186 : memref<64x128xf32, #tpu.memory_space<vmem_shared>>) target_semaphore(%run_scoped3A : memref<!tpu.dma_semaphore, #tpu.memory_space<semaphore_mem>>)
      %dma_wait3A_190 = arith.constant 0 : i32
      %dma_wait3A_191 = arith.constant 0 : i32
      %dma_wait3A_192 = tpu.memref_slice %arg9[%dma_wait3A_190, %dma_wait3A_191] : memref<256x128xf32, #tpu.memory_space<vmem>> -> memref<64x128xf32, #tpu.memory_space<vmem>>
      %dma_wait3A_193 = arith.constant 0 : i32
      %dma_wait3A_194 = tpu.memref_slice %arg6[%add3A_80, %dma_wait3A_193] : memref<10240x128xf32, #tpu.memory_space<vmem_shared>> -> memref<64x128xf32, #tpu.memory_space<vmem_shared>>
      %dma_wait3A_195 = arith.constant 0 : i32
      %dma_wait3A_196 = tpu.memref_slice %arg6[%add3A_80, %dma_wait3A_195] : memref<10240x128xf32, #tpu.memory_space<vmem_shared>> -> memref<64x128xf32, #tpu.memory_space<vmem_shared>>
      %dma_wait3A_197 = arith.constant 0 : i32
      %dma_wait3A_198 = arith.constant 0 : i32
      %dma_wait3A_199 = tpu.memref_slice %arg9[%dma_wait3A_197, %dma_wait3A_198] : memref<256x128xf32, #tpu.memory_space<vmem>> -> memref<64x128xf32, #tpu.memory_space<vmem>>
      tpu.wait_dma2 semaphore(%run_scoped3A : memref<!tpu.dma_semaphore, #tpu.memory_space<semaphore_mem>>) src(%dma_wait3A_199 : memref<64x128xf32, #tpu.memory_space<vmem>>) dst(%dma_wait3A_196 : memref<64x128xf32, #tpu.memory_space<vmem_shared>>)
      tpu.yield
    }) : () -> ()
    %dma_wait3A = arith.constant 0 : i32
    %dma_wait3A_81 = tpu.memref_slice %arg4[%mul3A_2, %dma_wait3A] : memref<2560x128xi32, #tpu.memory_space<hbm>> -> memref<80x128xi32, #tpu.memory_space<hbm>>
    %dma_wait3A_82 = arith.constant 0 : i32
    %dma_wait3A_83 = tpu.memref_slice %arg4[%mul3A_2, %dma_wait3A_82] : memref<2560x128xi32, #tpu.memory_space<hbm>> -> memref<80x128xi32, #tpu.memory_space<hbm>>
    tpu.wait_dma2 semaphore(%arg22 : memref<!tpu.dma_semaphore, #tpu.memory_space<semaphore_mem>>) src(%dma_wait3A_83 : memref<80x128xi32, #tpu.memory_space<hbm>>) dst(%arg7 : memref<80x128xi32, #tpu.memory_space<vmem>>)
    %dma_wait3A_84 = arith.constant 0 : i32
    %dma_wait3A_85 = arith.constant 0 : i32
    %dma_wait3A_86 = tpu.memref_slice %arg8[%dma_wait3A_84, %dma_wait3A_85] : memref<4x128xi32, #tpu.memory_space<vmem>> -> memref<1x128xi32, #tpu.memory_space<vmem>>
    %dma_wait3A_87 = arith.constant 0 : i32
    %dma_wait3A_88 = tpu.memref_slice %arg3[%mul3A_2, %dma_wait3A_87] : memref<2560x128xi32, #tpu.memory_space<hbm>> -> memref<1x128xi32, #tpu.memory_space<hbm>>
    %dma_wait3A_89 = arith.constant 0 : i32
    %dma_wait3A_90 = arith.constant 0 : i32
    %dma_wait3A_91 = tpu.memref_slice %arg8[%dma_wait3A_89, %dma_wait3A_90] : memref<4x128xi32, #tpu.memory_space<vmem>> -> memref<1x128xi32, #tpu.memory_space<vmem>>
    %dma_wait3A_92 = arith.constant 0 : i32
    %dma_wait3A_93 = tpu.memref_slice %arg3[%mul3A_2, %dma_wait3A_92] : memref<2560x128xi32, #tpu.memory_space<hbm>> -> memref<1x128xi32, #tpu.memory_space<hbm>>
    tpu.wait_dma2 semaphore(%arg18 : memref<!tpu.dma_semaphore, #tpu.memory_space<semaphore_mem>>) src(%dma_wait3A_93 : memref<1x128xi32, #tpu.memory_space<hbm>>) dst(%dma_wait3A_91 : memref<1x128xi32, #tpu.memory_space<vmem>>)
    %dma_start3A_94 = arith.constant 0 : i32
    %dma_start3A_95 = arith.constant 0 : i32
    %dma_start3A_96 = arith.constant 0 : i32
    %dma_start3A_97 = tpu.memref_slice %arg9[%dma_start3A_95, %dma_start3A_96] : memref<256x128xf32, #tpu.memory_space<vmem>> -> memref<64x128xf32, #tpu.memory_space<vmem>>
    %dma_start3A_98 = arith.constant 0 : i32
    %dma_start3A_99 = tpu.memref_slice %arg8[%dma_start3A_94, %dma_start3A_98] : memref<4x128xi32, #tpu.memory_space<vmem>> -> memref<1x64xi32, #tpu.memory_space<vmem>>
    %dma_start3A_100 = tpu.memref_squeeze %dma_start3A_99 : memref<1x64xi32, #tpu.memory_space<vmem>> -> memref<64xi32, #tpu.memory_space<vmem>>
    %dma_start3A_101 = arith.constant 0 : i32
    %dma_start3A_102 = arith.constant 0 : i32
    %dma_start3A_103 = tpu.memref_slice %arg2[%dma_start3A_101, %dma_start3A_102] : memref<10240x128xf32, #tpu.memory_space<hbm>> -> memref<10240x128xf32, #tpu.memory_space<hbm>>
    tpu.enqueue_indirect_dma source(%dma_start3A_103 : memref<10240x128xf32, #tpu.memory_space<hbm>>) target(%dma_start3A_97 : memref<64x128xf32, #tpu.memory_space<vmem>>) offsets(%dma_start3A_100 : memref<64xi32, #tpu.memory_space<vmem>>) semaphore(%arg10 : memref<!tpu.dma_semaphore, #tpu.memory_space<semaphore_mem>>)
    %dma_start3A_104 = arith.constant 0 : i32
    %dma_start3A_105 = arith.constant 64 : i32
    %dma_start3A_106 = arith.constant 0 : i32
    %dma_start3A_107 = tpu.memref_slice %arg9[%dma_start3A_105, %dma_start3A_106] : memref<256x128xf32, #tpu.memory_space<vmem>> -> memref<64x128xf32, #tpu.memory_space<vmem>>
    %dma_start3A_108 = arith.constant 64 : i32
    %dma_start3A_109 = tpu.memref_slice %arg8[%dma_start3A_104, %dma_start3A_108] : memref<4x128xi32, #tpu.memory_space<vmem>> -> memref<1x64xi32, #tpu.memory_space<vmem>>
    %dma_start3A_110 = tpu.memref_squeeze %dma_start3A_109 : memref<1x64xi32, #tpu.memory_space<vmem>> -> memref<64xi32, #tpu.memory_space<vmem>>
    %dma_start3A_111 = arith.constant 0 : i32
    %dma_start3A_112 = arith.constant 0 : i32
    %dma_start3A_113 = tpu.memref_slice %arg2[%dma_start3A_111, %dma_start3A_112] : memref<10240x128xf32, #tpu.memory_space<hbm>> -> memref<10240x128xf32, #tpu.memory_space<hbm>>
    tpu.enqueue_indirect_dma source(%dma_start3A_113 : memref<10240x128xf32, #tpu.memory_space<hbm>>) target(%dma_start3A_107 : memref<64x128xf32, #tpu.memory_space<vmem>>) offsets(%dma_start3A_110 : memref<64xi32, #tpu.memory_space<vmem>>) semaphore(%arg11 : memref<!tpu.dma_semaphore, #tpu.memory_space<semaphore_mem>>)
    %dma_wait3A_114 = arith.constant 1 : i32
    %dma_wait3A_115 = arith.constant 0 : i32
    %dma_wait3A_116 = tpu.memref_slice %arg8[%dma_wait3A_114, %dma_wait3A_115] : memref<4x128xi32, #tpu.memory_space<vmem>> -> memref<1x128xi32, #tpu.memory_space<vmem>>
    %dma_wait3A_117 = arith.constant 0 : i32
    %dma_wait3A_118 = tpu.memref_slice %arg3[%mul3A_2, %dma_wait3A_117] : memref<2560x128xi32, #tpu.memory_space<hbm>> -> memref<1x128xi32, #tpu.memory_space<hbm>>
    %dma_wait3A_119 = arith.constant 1 : i32
    %dma_wait3A_120 = arith.constant 0 : i32
    %dma_wait3A_121 = tpu.memref_slice %arg8[%dma_wait3A_119, %dma_wait3A_120] : memref<4x128xi32, #tpu.memory_space<vmem>> -> memref<1x128xi32, #tpu.memory_space<vmem>>
    %dma_wait3A_122 = arith.constant 0 : i32
    %dma_wait3A_123 = tpu.memref_slice %arg3[%mul3A_2, %dma_wait3A_122] : memref<2560x128xi32, #tpu.memory_space<hbm>> -> memref<1x128xi32, #tpu.memory_space<hbm>>
    tpu.wait_dma2 semaphore(%arg19 : memref<!tpu.dma_semaphore, #tpu.memory_space<semaphore_mem>>) src(%dma_wait3A_123 : memref<1x128xi32, #tpu.memory_space<hbm>>) dst(%dma_wait3A_121 : memref<1x128xi32, #tpu.memory_space<vmem>>)
    %dma_start3A_124 = arith.constant 1 : i32
    %dma_start3A_125 = arith.constant 128 : i32
    %dma_start3A_126 = arith.constant 0 : i32
    %dma_start3A_127 = tpu.memref_slice %arg9[%dma_start3A_125, %dma_start3A_126] : memref<256x128xf32, #tpu.memory_space<vmem>> -> memref<64x128xf32, #tpu.memory_space<vmem>>
    %dma_start3A_128 = arith.constant 0 : i32
    %dma_start3A_129 = tpu.memref_slice %arg8[%dma_start3A_124, %dma_start3A_128] : memref<4x128xi32, #tpu.memory_space<vmem>> -> memref<1x64xi32, #tpu.memory_space<vmem>>
    %dma_start3A_130 = tpu.memref_squeeze %dma_start3A_129 : memref<1x64xi32, #tpu.memory_space<vmem>> -> memref<64xi32, #tpu.memory_space<vmem>>
    %dma_start3A_131 = arith.constant 0 : i32
    %dma_start3A_132 = arith.constant 0 : i32
    %dma_start3A_133 = tpu.memref_slice %arg2[%dma_start3A_131, %dma_start3A_132] : memref<10240x128xf32, #tpu.memory_space<hbm>> -> memref<10240x128xf32, #tpu.memory_space<hbm>>
    tpu.enqueue_indirect_dma source(%dma_start3A_133 : memref<10240x128xf32, #tpu.memory_space<hbm>>) target(%dma_start3A_127 : memref<64x128xf32, #tpu.memory_space<vmem>>) offsets(%dma_start3A_130 : memref<64xi32, #tpu.memory_space<vmem>>) semaphore(%arg12 : memref<!tpu.dma_semaphore, #tpu.memory_space<semaphore_mem>>)
    %barrier3A = arith.constant 0 : index
    tpu.barrier barrier_id(%barrier3A)
    %scan3A_134 = arith.constant 0 : i32
    %scan3A_135 = arith.constant 20 : i32
    %scan3A_136 = arith.addi %scan3A_134, %scan3A_135 : i32
    %scan3A_137 = arith.constant 1 : i32
    scf.for %scan3A_180 = %scan3A_134 to %scan3A_136 step %scan3A_137  : i32 {
      %mul3A_181 = arith.constant 1 : i32
      %mul3A_182 = arith.muli %scan3A_180, %mul3A_181 : i32
      %add3A_183 = arith.constant 0 : i32
      %add3A_184 = arith.addi %add3A_183, %mul3A_182 : i32
      %mul3A_185 = arith.constant 8 : i32
      %mul3A_186 = arith.muli %mul3A_185, %add3A_184 : i32
      %add3A_187 = arith.constant 0 : i32
      %add3A_188 = arith.addi %mul3A_186, %add3A_187 : i32
      %dma_wait3A_189 = arith.constant 0 : i32
      %dma_wait3A_190 = arith.constant 0 : i32
      %dma_wait3A_191 = arith.constant 0 : i32
      %dma_wait3A_192 = tpu.memref_slice %arg9[%dma_wait3A_190, %dma_wait3A_191] : memref<256x128xf32, #tpu.memory_space<vmem>> -> memref<64x128xf32, #tpu.memory_space<vmem>>
      %dma_wait3A_193 = arith.constant 0 : i32
      %dma_wait3A_194 = tpu.memref_slice %arg8[%dma_wait3A_189, %dma_wait3A_193] : memref<4x128xi32, #tpu.memory_space<vmem>> -> memref<1x64xi32, #tpu.memory_space<vmem>>
      %dma_wait3A_195 = tpu.memref_squeeze %dma_wait3A_194 : memref<1x64xi32, #tpu.memory_space<vmem>> -> memref<64xi32, #tpu.memory_space<vmem>>
      %dma_wait3A_196 = arith.constant 0 : i32
      %dma_wait3A_197 = arith.constant 0 : i32
      %dma_wait3A_198 = tpu.memref_slice %arg2[%dma_wait3A_196, %dma_wait3A_197] : memref<10240x128xf32, #tpu.memory_space<hbm>> -> memref<10240x128xf32, #tpu.memory_space<hbm>>
      tpu.wait_indirect_dma semaphore(%arg10 : memref<!tpu.dma_semaphore, #tpu.memory_space<semaphore_mem>>) src(%dma_wait3A_198 : memref<10240x128xf32, #tpu.memory_space<hbm>>) dst(%dma_wait3A_192 : memref<64x128xf32, #tpu.memory_space<vmem>>)
      %jit3A = arith.constant 2 : i32
      %div3A = arith.divsi %add3A_188, %jit3A : i32
      %sign3A = arith.constant 0 : i32
      %sign3A_199 = arith.cmpi sgt, %add3A_188, %sign3A : i32
      %sign3A_200 = arith.extui %sign3A_199 : i1 to i32
      %sign3A_201 = arith.constant 0 : i32
      %sign3A_202 = arith.cmpi slt, %add3A_188, %sign3A_201 : i32
      %sign3A_203 = arith.extui %sign3A_202 : i1 to i32
      %sign3A_204 = arith.subi %sign3A_200, %sign3A_203 : i32
      %sign3A_205 = arith.constant 0 : i32
      %sign3A_206 = arith.cmpi sgt, %jit3A, %sign3A_205 : i32
      %sign3A_207 = arith.extui %sign3A_206 : i1 to i32
      %sign3A_208 = arith.constant 0 : i32
      %sign3A_209 = arith.cmpi slt, %jit3A, %sign3A_208 : i32
      %sign3A_210 = arith.extui %sign3A_209 : i1 to i32
      %sign3A_211 = arith.subi %sign3A_207, %sign3A_210 : i32
      %ne3A = arith.cmpi ne, %sign3A_204, %sign3A_211 : i32
      %rem3A = arith.remsi %add3A_188, %jit3A : i32
      %ne3A_212 = arith.constant 0 : i32
      %ne3A_213 = arith.cmpi ne, %rem3A, %ne3A_212 : i32
      %and3A = arith.andi %ne3A, %ne3A_213 : i1
      %sub3A = arith.constant 1 : i32
      %sub3A_214 = arith.subi %div3A, %sub3A : i32
      %select_n3A = arith.select %and3A, %sub3A_214, %div3A : i32
      %dma_start3A_215 = arith.constant 0 : i32
      %dma_start3A_216 = arith.constant 0 : i32
      %dma_start3A_217 = tpu.memref_slice %arg9[%dma_start3A_215, %dma_start3A_216] : memref<256x128xf32, #tpu.memory_space<vmem>> -> memref<64x128xf32, #tpu.memory_space<vmem>>
      %dma_start3A_218 = arith.constant 0 : i32
      %dma_start3A_219 = tpu.memref_slice %arg7[%select_n3A, %dma_start3A_218] : memref<80x128xi32, #tpu.memory_space<vmem>> -> memref<1x64xi32, #tpu.memory_space<vmem>>
      %dma_start3A_220 = tpu.memref_squeeze %dma_start3A_219 : memref<1x64xi32, #tpu.memory_space<vmem>> -> memref<64xi32, #tpu.memory_space<vmem>>
      %dma_start3A_221 = arith.constant 0 : i32
      %dma_start3A_222 = arith.constant 0 : i32
      %dma_start3A_223 = tpu.memref_slice %arg6[%dma_start3A_221, %dma_start3A_222] : memref<10240x128xf32, #tpu.memory_space<vmem_shared>> -> memref<10240x128xf32, #tpu.memory_space<vmem_shared>>
      tpu.enqueue_indirect_dma source(%dma_start3A_217 : memref<64x128xf32, #tpu.memory_space<vmem>>) target(%dma_start3A_223 : memref<10240x128xf32, #tpu.memory_space<vmem_shared>>) offsets(%dma_start3A_220 : memref<64xi32, #tpu.memory_space<vmem>>) semaphore(%arg14 : memref<!tpu.dma_semaphore, #tpu.memory_space<semaphore_mem>>) {add = true}
      %add3A_224 = arith.constant 3 : i32
      %add3A_225 = arith.addi %add3A_188, %add3A_224 : i32
      %lt3A = arith.constant 160 : i32
      %lt3A_226 = arith.cmpi slt, %add3A_225, %lt3A : i32
      %convert_element_type3A = arith.extui %lt3A_226 : i1 to i32
      %cond3A = arith.constant 0 : i32
      %cond3A_227 = arith.cmpi ne, %convert_element_type3A, %cond3A : i32
      scf.if %cond3A_227 {
        %ge3A = arith.constant 1 : i32
        %ge3A_730 = arith.cmpi sge, %add3A_188, %ge3A : i32
        %convert_element_type3A_731 = arith.extui %ge3A_730 : i1 to i32
        %cond3A_732 = arith.constant 0 : i32
        %cond3A_733 = arith.cmpi ne, %convert_element_type3A_731, %cond3A_732 : i32
        scf.if %cond3A_733 {
          %dma_wait3A_744 = arith.constant 0 : i32
          %dma_wait3A_745 = arith.constant 192 : i32
          %dma_wait3A_746 = arith.constant 0 : i32
          %dma_wait3A_747 = tpu.memref_slice %arg9[%dma_wait3A_745, %dma_wait3A_746] : memref<256x128xf32, #tpu.memory_space<vmem>> -> memref<64x128xf32, #tpu.memory_space<vmem>>
          %dma_wait3A_748 = arith.constant 0 : i32
          %dma_wait3A_749 = tpu.memref_slice %arg7[%dma_wait3A_744, %dma_wait3A_748] : memref<80x128xi32, #tpu.memory_space<vmem>> -> memref<1x64xi32, #tpu.memory_space<vmem>>
          %dma_wait3A_750 = tpu.memref_squeeze %dma_wait3A_749 : memref<1x64xi32, #tpu.memory_space<vmem>> -> memref<64xi32, #tpu.memory_space<vmem>>
          %dma_wait3A_751 = arith.constant 0 : i32
          %dma_wait3A_752 = arith.constant 0 : i32
          %dma_wait3A_753 = tpu.memref_slice %arg6[%dma_wait3A_751, %dma_wait3A_752] : memref<10240x128xf32, #tpu.memory_space<vmem_shared>> -> memref<10240x128xf32, #tpu.memory_space<vmem_shared>>
          tpu.wait_indirect_dma semaphore(%arg17 : memref<!tpu.dma_semaphore, #tpu.memory_space<semaphore_mem>>) src(%dma_wait3A_747 : memref<64x128xf32, #tpu.memory_space<vmem>>) dst(%dma_wait3A_753 : memref<10240x128xf32, #tpu.memory_space<vmem_shared>>)
        } else {
        }
        %dma_start3A_734 = arith.constant 1 : i32
        %dma_start3A_735 = arith.constant 192 : i32
        %dma_start3A_736 = arith.constant 0 : i32
        %dma_start3A_737 = tpu.memref_slice %arg9[%dma_start3A_735, %dma_start3A_736] : memref<256x128xf32, #tpu.memory_space<vmem>> -> memref<64x128xf32, #tpu.memory_space<vmem>>
        %dma_start3A_738 = arith.constant 64 : i32
        %dma_start3A_739 = tpu.memref_slice %arg8[%dma_start3A_734, %dma_start3A_738] : memref<4x128xi32, #tpu.memory_space<vmem>> -> memref<1x64xi32, #tpu.memory_space<vmem>>
        %dma_start3A_740 = tpu.memref_squeeze %dma_start3A_739 : memref<1x64xi32, #tpu.memory_space<vmem>> -> memref<64xi32, #tpu.memory_space<vmem>>
        %dma_start3A_741 = arith.constant 0 : i32
        %dma_start3A_742 = arith.constant 0 : i32
        %dma_start3A_743 = tpu.memref_slice %arg2[%dma_start3A_741, %dma_start3A_742] : memref<10240x128xf32, #tpu.memory_space<hbm>> -> memref<10240x128xf32, #tpu.memory_space<hbm>>
        tpu.enqueue_indirect_dma source(%dma_start3A_743 : memref<10240x128xf32, #tpu.memory_space<hbm>>) target(%dma_start3A_737 : memref<64x128xf32, #tpu.memory_space<vmem>>) offsets(%dma_start3A_740 : memref<64xi32, #tpu.memory_space<vmem>>) semaphore(%arg13 : memref<!tpu.dma_semaphore, #tpu.memory_space<semaphore_mem>>)
      } else {
      }
      %mul3A_228 = arith.constant 8 : i32
      %mul3A_229 = arith.muli %mul3A_228, %add3A_184 : i32
      %add3A_230 = arith.constant 1 : i32
      %add3A_231 = arith.addi %mul3A_229, %add3A_230 : i32
      %dma_wait3A_232 = arith.constant 0 : i32
      %dma_wait3A_233 = arith.constant 64 : i32
      %dma_wait3A_234 = arith.constant 0 : i32
      %dma_wait3A_235 = tpu.memref_slice %arg9[%dma_wait3A_233, %dma_wait3A_234] : memref<256x128xf32, #tpu.memory_space<vmem>> -> memref<64x128xf32, #tpu.memory_space<vmem>>
      %dma_wait3A_236 = arith.constant 0 : i32
      %dma_wait3A_237 = tpu.memref_slice %arg8[%dma_wait3A_232, %dma_wait3A_236] : memref<4x128xi32, #tpu.memory_space<vmem>> -> memref<1x64xi32, #tpu.memory_space<vmem>>
      %dma_wait3A_238 = tpu.memref_squeeze %dma_wait3A_237 : memref<1x64xi32, #tpu.memory_space<vmem>> -> memref<64xi32, #tpu.memory_space<vmem>>
      %dma_wait3A_239 = arith.constant 0 : i32
      %dma_wait3A_240 = arith.constant 0 : i32
      %dma_wait3A_241 = tpu.memref_slice %arg2[%dma_wait3A_239, %dma_wait3A_240] : memref<10240x128xf32, #tpu.memory_space<hbm>> -> memref<10240x128xf32, #tpu.memory_space<hbm>>
      tpu.wait_indirect_dma semaphore(%arg11 : memref<!tpu.dma_semaphore, #tpu.memory_space<semaphore_mem>>) src(%dma_wait3A_241 : memref<10240x128xf32, #tpu.memory_space<hbm>>) dst(%dma_wait3A_235 : memref<64x128xf32, #tpu.memory_space<vmem>>)
      %jit3A_242 = arith.constant 2 : i32
      %div3A_243 = arith.divsi %add3A_231, %jit3A_242 : i32
      %sign3A_244 = arith.constant 0 : i32
      %sign3A_245 = arith.cmpi sgt, %add3A_231, %sign3A_244 : i32
      %sign3A_246 = arith.extui %sign3A_245 : i1 to i32
      %sign3A_247 = arith.constant 0 : i32
      %sign3A_248 = arith.cmpi slt, %add3A_231, %sign3A_247 : i32
      %sign3A_249 = arith.extui %sign3A_248 : i1 to i32
      %sign3A_250 = arith.subi %sign3A_246, %sign3A_249 : i32
      %sign3A_251 = arith.constant 0 : i32
      %sign3A_252 = arith.cmpi sgt, %jit3A_242, %sign3A_251 : i32
      %sign3A_253 = arith.extui %sign3A_252 : i1 to i32
      %sign3A_254 = arith.constant 0 : i32
      %sign3A_255 = arith.cmpi slt, %jit3A_242, %sign3A_254 : i32
      %sign3A_256 = arith.extui %sign3A_255 : i1 to i32
      %sign3A_257 = arith.subi %sign3A_253, %sign3A_256 : i32
      %ne3A_258 = arith.cmpi ne, %sign3A_250, %sign3A_257 : i32
      %rem3A_259 = arith.remsi %add3A_231, %jit3A_242 : i32
      %ne3A_260 = arith.constant 0 : i32
      %ne3A_261 = arith.cmpi ne, %rem3A_259, %ne3A_260 : i32
      %and3A_262 = arith.andi %ne3A_258, %ne3A_261 : i1
      %sub3A_263 = arith.constant 1 : i32
      %sub3A_264 = arith.subi %div3A_243, %sub3A_263 : i32
      %select_n3A_265 = arith.select %and3A_262, %sub3A_264, %div3A_243 : i32
      %dma_start3A_266 = arith.constant 64 : i32
      %dma_start3A_267 = arith.constant 0 : i32
      %dma_start3A_268 = tpu.memref_slice %arg9[%dma_start3A_266, %dma_start3A_267] : memref<256x128xf32, #tpu.memory_space<vmem>> -> memref<64x128xf32, #tpu.memory_space<vmem>>
      %dma_start3A_269 = arith.constant 64 : i32
      %dma_start3A_270 = tpu.memref_slice %arg7[%select_n3A_265, %dma_start3A_269] : memref<80x128xi32, #tpu.memory_space<vmem>> -> memref<1x64xi32, #tpu.memory_space<vmem>>
      %dma_start3A_271 = tpu.memref_squeeze %dma_start3A_270 : memref<1x64xi32, #tpu.memory_space<vmem>> -> memref<64xi32, #tpu.memory_space<vmem>>
      %dma_start3A_272 = arith.constant 0 : i32
      %dma_start3A_273 = arith.constant 0 : i32
      %dma_start3A_274 = tpu.memref_slice %arg6[%dma_start3A_272, %dma_start3A_273] : memref<10240x128xf32, #tpu.memory_space<vmem_shared>> -> memref<10240x128xf32, #tpu.memory_space<vmem_shared>>
      tpu.enqueue_indirect_dma source(%dma_start3A_268 : memref<64x128xf32, #tpu.memory_space<vmem>>) target(%dma_start3A_274 : memref<10240x128xf32, #tpu.memory_space<vmem_shared>>) offsets(%dma_start3A_271 : memref<64xi32, #tpu.memory_space<vmem>>) semaphore(%arg15 : memref<!tpu.dma_semaphore, #tpu.memory_space<semaphore_mem>>) {add = true}
      %jit3A_275 = arith.constant 2 : i32
      %div3A_276 = arith.divsi %add3A_231, %jit3A_275 : i32
      %sign3A_277 = arith.constant 0 : i32
      %sign3A_278 = arith.cmpi sgt, %add3A_231, %sign3A_277 : i32
      %sign3A_279 = arith.extui %sign3A_278 : i1 to i32
      %sign3A_280 = arith.constant 0 : i32
      %sign3A_281 = arith.cmpi slt, %add3A_231, %sign3A_280 : i32
      %sign3A_282 = arith.extui %sign3A_281 : i1 to i32
      %sign3A_283 = arith.subi %sign3A_279, %sign3A_282 : i32
      %sign3A_284 = arith.constant 0 : i32
      %sign3A_285 = arith.cmpi sgt, %jit3A_275, %sign3A_284 : i32
      %sign3A_286 = arith.extui %sign3A_285 : i1 to i32
      %sign3A_287 = arith.constant 0 : i32
      %sign3A_288 = arith.cmpi slt, %jit3A_275, %sign3A_287 : i32
      %sign3A_289 = arith.extui %sign3A_288 : i1 to i32
      %sign3A_290 = arith.subi %sign3A_286, %sign3A_289 : i32
      %ne3A_291 = arith.cmpi ne, %sign3A_283, %sign3A_290 : i32
      %rem3A_292 = arith.remsi %add3A_231, %jit3A_275 : i32
      %ne3A_293 = arith.constant 0 : i32
      %ne3A_294 = arith.cmpi ne, %rem3A_292, %ne3A_293 : i32
      %and3A_295 = arith.andi %ne3A_291, %ne3A_294 : i1
      %sub3A_296 = arith.constant 1 : i32
      %sub3A_297 = arith.subi %div3A_276, %sub3A_296 : i32
      %select_n3A_298 = arith.select %and3A_295, %sub3A_297, %div3A_276 : i32
      %add3A_299 = arith.constant 4 : i32
      %add3A_300 = arith.addi %select_n3A_298, %add3A_299 : i32
      %lt3A_301 = arith.constant 80 : i32
      %lt3A_302 = arith.cmpi slt, %add3A_300, %lt3A_301 : i32
      %convert_element_type3A_303 = arith.extui %lt3A_302 : i1 to i32
      %cond3A_304 = arith.constant 0 : i32
      %cond3A_305 = arith.cmpi ne, %convert_element_type3A_303, %cond3A_304 : i32
      scf.if %cond3A_305 {
        %jit3A_730 = arith.constant 2 : i32
        %div3A_731 = arith.divsi %add3A_231, %jit3A_730 : i32
        %sign3A_732 = arith.constant 0 : i32
        %sign3A_733 = arith.cmpi sgt, %add3A_231, %sign3A_732 : i32
        %sign3A_734 = arith.extui %sign3A_733 : i1 to i32
        %sign3A_735 = arith.constant 0 : i32
        %sign3A_736 = arith.cmpi slt, %add3A_231, %sign3A_735 : i32
        %sign3A_737 = arith.extui %sign3A_736 : i1 to i32
        %sign3A_738 = arith.subi %sign3A_734, %sign3A_737 : i32
        %sign3A_739 = arith.constant 0 : i32
        %sign3A_740 = arith.cmpi sgt, %jit3A_730, %sign3A_739 : i32
        %sign3A_741 = arith.extui %sign3A_740 : i1 to i32
        %sign3A_742 = arith.constant 0 : i32
        %sign3A_743 = arith.cmpi slt, %jit3A_730, %sign3A_742 : i32
        %sign3A_744 = arith.extui %sign3A_743 : i1 to i32
        %sign3A_745 = arith.subi %sign3A_741, %sign3A_744 : i32
        %ne3A_746 = arith.cmpi ne, %sign3A_738, %sign3A_745 : i32
        %rem3A_747 = arith.remsi %add3A_231, %jit3A_730 : i32
        %ne3A_748 = arith.constant 0 : i32
        %ne3A_749 = arith.cmpi ne, %rem3A_747, %ne3A_748 : i32
        %and3A_750 = arith.andi %ne3A_746, %ne3A_749 : i1
        %sub3A_751 = arith.constant 1 : i32
        %sub3A_752 = arith.subi %div3A_731, %sub3A_751 : i32
        %select_n3A_753 = arith.select %and3A_750, %sub3A_752, %div3A_731 : i32
        %add3A_754 = arith.constant 4 : i32
        %add3A_755 = arith.addi %select_n3A_753, %add3A_754 : i32
        %add3A_756 = arith.addi %mul3A_2, %add3A_755 : i32
        %dma_start3A_757 = arith.constant 0 : i32
        %dma_start3A_758 = arith.constant 0 : i32
        %dma_start3A_759 = tpu.memref_slice %arg8[%dma_start3A_757, %dma_start3A_758] : memref<4x128xi32, #tpu.memory_space<vmem>> -> memref<1x128xi32, #tpu.memory_space<vmem>>
        %dma_start3A_760 = arith.constant 0 : i32
        %dma_start3A_761 = tpu.memref_slice %arg3[%add3A_756, %dma_start3A_760] : memref<2560x128xi32, #tpu.memory_space<hbm>> -> memref<1x128xi32, #tpu.memory_space<hbm>>
        %dma_start3A_762 = arith.constant 0 : i32
        %dma_start3A_763 = arith.constant 0 : i32
        %dma_start3A_764 = tpu.memref_slice %arg8[%dma_start3A_762, %dma_start3A_763] : memref<4x128xi32, #tpu.memory_space<vmem>> -> memref<1x128xi32, #tpu.memory_space<vmem>>
        %dma_start3A_765 = arith.constant 0 : i32
        %dma_start3A_766 = tpu.memref_slice %arg3[%add3A_756, %dma_start3A_765] : memref<2560x128xi32, #tpu.memory_space<hbm>> -> memref<1x128xi32, #tpu.memory_space<hbm>>
        tpu.enqueue_dma source(%dma_start3A_766 : memref<1x128xi32, #tpu.memory_space<hbm>>) target(%dma_start3A_764 : memref<1x128xi32, #tpu.memory_space<vmem>>) target_semaphore(%arg18 : memref<!tpu.dma_semaphore, #tpu.memory_space<semaphore_mem>>)
      } else {
      }
      %add3A_306 = arith.constant 3 : i32
      %add3A_307 = arith.addi %add3A_231, %add3A_306 : i32
      %lt3A_308 = arith.constant 160 : i32
      %lt3A_309 = arith.cmpi slt, %add3A_307, %lt3A_308 : i32
      %convert_element_type3A_310 = arith.extui %lt3A_309 : i1 to i32
      %cond3A_311 = arith.constant 0 : i32
      %cond3A_312 = arith.cmpi ne, %convert_element_type3A_310, %cond3A_311 : i32
      scf.if %cond3A_312 {
        %ge3A = arith.constant 1 : i32
        %ge3A_730 = arith.cmpi sge, %add3A_231, %ge3A : i32
        %convert_element_type3A_731 = arith.extui %ge3A_730 : i1 to i32
        %cond3A_732 = arith.constant 0 : i32
        %cond3A_733 = arith.cmpi ne, %convert_element_type3A_731, %cond3A_732 : i32
        scf.if %cond3A_733 {
          %dma_wait3A_754 = arith.constant 0 : i32
          %dma_wait3A_755 = arith.constant 0 : i32
          %dma_wait3A_756 = arith.constant 0 : i32
          %dma_wait3A_757 = tpu.memref_slice %arg9[%dma_wait3A_755, %dma_wait3A_756] : memref<256x128xf32, #tpu.memory_space<vmem>> -> memref<64x128xf32, #tpu.memory_space<vmem>>
          %dma_wait3A_758 = arith.constant 0 : i32
          %dma_wait3A_759 = tpu.memref_slice %arg7[%dma_wait3A_754, %dma_wait3A_758] : memref<80x128xi32, #tpu.memory_space<vmem>> -> memref<1x64xi32, #tpu.memory_space<vmem>>
          %dma_wait3A_760 = tpu.memref_squeeze %dma_wait3A_759 : memref<1x64xi32, #tpu.memory_space<vmem>> -> memref<64xi32, #tpu.memory_space<vmem>>
          %dma_wait3A_761 = arith.constant 0 : i32
          %dma_wait3A_762 = arith.constant 0 : i32
          %dma_wait3A_763 = tpu.memref_slice %arg6[%dma_wait3A_761, %dma_wait3A_762] : memref<10240x128xf32, #tpu.memory_space<vmem_shared>> -> memref<10240x128xf32, #tpu.memory_space<vmem_shared>>
          tpu.wait_indirect_dma semaphore(%arg14 : memref<!tpu.dma_semaphore, #tpu.memory_space<semaphore_mem>>) src(%dma_wait3A_757 : memref<64x128xf32, #tpu.memory_space<vmem>>) dst(%dma_wait3A_763 : memref<10240x128xf32, #tpu.memory_space<vmem_shared>>)
        } else {
        }
        %dma_wait3A_734 = arith.constant 2 : i32
        %dma_wait3A_735 = arith.constant 0 : i32
        %dma_wait3A_736 = tpu.memref_slice %arg8[%dma_wait3A_734, %dma_wait3A_735] : memref<4x128xi32, #tpu.memory_space<vmem>> -> memref<1x128xi32, #tpu.memory_space<vmem>>
        %dma_wait3A_737 = arith.constant 0 : i32
        %dma_wait3A_738 = tpu.memref_slice %arg3[%mul3A_2, %dma_wait3A_737] : memref<2560x128xi32, #tpu.memory_space<hbm>> -> memref<1x128xi32, #tpu.memory_space<hbm>>
        %dma_wait3A_739 = arith.constant 2 : i32
        %dma_wait3A_740 = arith.constant 0 : i32
        %dma_wait3A_741 = tpu.memref_slice %arg8[%dma_wait3A_739, %dma_wait3A_740] : memref<4x128xi32, #tpu.memory_space<vmem>> -> memref<1x128xi32, #tpu.memory_space<vmem>>
        %dma_wait3A_742 = arith.constant 0 : i32
        %dma_wait3A_743 = tpu.memref_slice %arg3[%mul3A_2, %dma_wait3A_742] : memref<2560x128xi32, #tpu.memory_space<hbm>> -> memref<1x128xi32, #tpu.memory_space<hbm>>
        tpu.wait_dma2 semaphore(%arg20 : memref<!tpu.dma_semaphore, #tpu.memory_space<semaphore_mem>>) src(%dma_wait3A_743 : memref<1x128xi32, #tpu.memory_space<hbm>>) dst(%dma_wait3A_741 : memref<1x128xi32, #tpu.memory_space<vmem>>)
        %dma_start3A_744 = arith.constant 2 : i32
        %dma_start3A_745 = arith.constant 0 : i32
        %dma_start3A_746 = arith.constant 0 : i32
        %dma_start3A_747 = tpu.memref_slice %arg9[%dma_start3A_745, %dma_start3A_746] : memref<256x128xf32, #tpu.memory_space<vmem>> -> memref<64x128xf32, #tpu.memory_space<vmem>>
        %dma_start3A_748 = arith.constant 0 : i32
        %dma_start3A_749 = tpu.memref_slice %arg8[%dma_start3A_744, %dma_start3A_748] : memref<4x128xi32, #tpu.memory_space<vmem>> -> memref<1x64xi32, #tpu.memory_space<vmem>>
        %dma_start3A_750 = tpu.memref_squeeze %dma_start3A_749 : memref<1x64xi32, #tpu.memory_space<vmem>> -> memref<64xi32, #tpu.memory_space<vmem>>
        %dma_start3A_751 = arith.constant 0 : i32
        %dma_start3A_752 = arith.constant 0 : i32
        %dma_start3A_753 = tpu.memref_slice %arg2[%dma_start3A_751, %dma_start3A_752] : memref<10240x128xf32, #tpu.memory_space<hbm>> -> memref<10240x128xf32, #tpu.memory_space<hbm>>
        tpu.enqueue_indirect_dma source(%dma_start3A_753 : memref<10240x128xf32, #tpu.memory_space<hbm>>) target(%dma_start3A_747 : memref<64x128xf32, #tpu.memory_space<vmem>>) offsets(%dma_start3A_750 : memref<64xi32, #tpu.memory_space<vmem>>) semaphore(%arg10 : memref<!tpu.dma_semaphore, #tpu.memory_space<semaphore_mem>>)
      } else {
      }
      %mul3A_313 = arith.constant 8 : i32
      %mul3A_314 = arith.muli %mul3A_313, %add3A_184 : i32
      %add3A_315 = arith.constant 2 : i32
      %add3A_316 = arith.addi %mul3A_314, %add3A_315 : i32
      %dma_wait3A_317 = arith.constant 0 : i32
      %dma_wait3A_318 = arith.constant 128 : i32
      %dma_wait3A_319 = arith.constant 0 : i32
      %dma_wait3A_320 = tpu.memref_slice %arg9[%dma_wait3A_318, %dma_wait3A_319] : memref<256x128xf32, #tpu.memory_space<vmem>> -> memref<64x128xf32, #tpu.memory_space<vmem>>
      %dma_wait3A_321 = arith.constant 0 : i32
      %dma_wait3A_322 = tpu.memref_slice %arg8[%dma_wait3A_317, %dma_wait3A_321] : memref<4x128xi32, #tpu.memory_space<vmem>> -> memref<1x64xi32, #tpu.memory_space<vmem>>
      %dma_wait3A_323 = tpu.memref_squeeze %dma_wait3A_322 : memref<1x64xi32, #tpu.memory_space<vmem>> -> memref<64xi32, #tpu.memory_space<vmem>>
      %dma_wait3A_324 = arith.constant 0 : i32
      %dma_wait3A_325 = arith.constant 0 : i32
      %dma_wait3A_326 = tpu.memref_slice %arg2[%dma_wait3A_324, %dma_wait3A_325] : memref<10240x128xf32, #tpu.memory_space<hbm>> -> memref<10240x128xf32, #tpu.memory_space<hbm>>
      tpu.wait_indirect_dma semaphore(%arg12 : memref<!tpu.dma_semaphore, #tpu.memory_space<semaphore_mem>>) src(%dma_wait3A_326 : memref<10240x128xf32, #tpu.memory_space<hbm>>) dst(%dma_wait3A_320 : memref<64x128xf32, #tpu.memory_space<vmem>>)
      %jit3A_327 = arith.constant 2 : i32
      %div3A_328 = arith.divsi %add3A_316, %jit3A_327 : i32
      %sign3A_329 = arith.constant 0 : i32
      %sign3A_330 = arith.cmpi sgt, %add3A_316, %sign3A_329 : i32
      %sign3A_331 = arith.extui %sign3A_330 : i1 to i32
      %sign3A_332 = arith.constant 0 : i32
      %sign3A_333 = arith.cmpi slt, %add3A_316, %sign3A_332 : i32
      %sign3A_334 = arith.extui %sign3A_333 : i1 to i32
      %sign3A_335 = arith.subi %sign3A_331, %sign3A_334 : i32
      %sign3A_336 = arith.constant 0 : i32
      %sign3A_337 = arith.cmpi sgt, %jit3A_327, %sign3A_336 : i32
      %sign3A_338 = arith.extui %sign3A_337 : i1 to i32
      %sign3A_339 = arith.constant 0 : i32
      %sign3A_340 = arith.cmpi slt, %jit3A_327, %sign3A_339 : i32
      %sign3A_341 = arith.extui %sign3A_340 : i1 to i32
      %sign3A_342 = arith.subi %sign3A_338, %sign3A_341 : i32
      %ne3A_343 = arith.cmpi ne, %sign3A_335, %sign3A_342 : i32
      %rem3A_344 = arith.remsi %add3A_316, %jit3A_327 : i32
      %ne3A_345 = arith.constant 0 : i32
      %ne3A_346 = arith.cmpi ne, %rem3A_344, %ne3A_345 : i32
      %and3A_347 = arith.andi %ne3A_343, %ne3A_346 : i1
      %sub3A_348 = arith.constant 1 : i32
      %sub3A_349 = arith.subi %div3A_328, %sub3A_348 : i32
      %select_n3A_350 = arith.select %and3A_347, %sub3A_349, %div3A_328 : i32
      %dma_start3A_351 = arith.constant 128 : i32
      %dma_start3A_352 = arith.constant 0 : i32
      %dma_start3A_353 = tpu.memref_slice %arg9[%dma_start3A_351, %dma_start3A_352] : memref<256x128xf32, #tpu.memory_space<vmem>> -> memref<64x128xf32, #tpu.memory_space<vmem>>
      %dma_start3A_354 = arith.constant 0 : i32
      %dma_start3A_355 = tpu.memref_slice %arg7[%select_n3A_350, %dma_start3A_354] : memref<80x128xi32, #tpu.memory_space<vmem>> -> memref<1x64xi32, #tpu.memory_space<vmem>>
      %dma_start3A_356 = tpu.memref_squeeze %dma_start3A_355 : memref<1x64xi32, #tpu.memory_space<vmem>> -> memref<64xi32, #tpu.memory_space<vmem>>
      %dma_start3A_357 = arith.constant 0 : i32
      %dma_start3A_358 = arith.constant 0 : i32
      %dma_start3A_359 = tpu.memref_slice %arg6[%dma_start3A_357, %dma_start3A_358] : memref<10240x128xf32, #tpu.memory_space<vmem_shared>> -> memref<10240x128xf32, #tpu.memory_space<vmem_shared>>
      tpu.enqueue_indirect_dma source(%dma_start3A_353 : memref<64x128xf32, #tpu.memory_space<vmem>>) target(%dma_start3A_359 : memref<10240x128xf32, #tpu.memory_space<vmem_shared>>) offsets(%dma_start3A_356 : memref<64xi32, #tpu.memory_space<vmem>>) semaphore(%arg16 : memref<!tpu.dma_semaphore, #tpu.memory_space<semaphore_mem>>) {add = true}
      %add3A_360 = arith.constant 3 : i32
      %add3A_361 = arith.addi %add3A_316, %add3A_360 : i32
      %lt3A_362 = arith.constant 160 : i32
      %lt3A_363 = arith.cmpi slt, %add3A_361, %lt3A_362 : i32
      %convert_element_type3A_364 = arith.extui %lt3A_363 : i1 to i32
      %cond3A_365 = arith.constant 0 : i32
      %cond3A_366 = arith.cmpi ne, %convert_element_type3A_364, %cond3A_365 : i32
      scf.if %cond3A_366 {
        %ge3A = arith.constant 1 : i32
        %ge3A_730 = arith.cmpi sge, %add3A_316, %ge3A : i32
        %convert_element_type3A_731 = arith.extui %ge3A_730 : i1 to i32
        %cond3A_732 = arith.constant 0 : i32
        %cond3A_733 = arith.cmpi ne, %convert_element_type3A_731, %cond3A_732 : i32
        scf.if %cond3A_733 {
          %dma_wait3A_744 = arith.constant 0 : i32
          %dma_wait3A_745 = arith.constant 64 : i32
          %dma_wait3A_746 = arith.constant 0 : i32
          %dma_wait3A_747 = tpu.memref_slice %arg9[%dma_wait3A_745, %dma_wait3A_746] : memref<256x128xf32, #tpu.memory_space<vmem>> -> memref<64x128xf32, #tpu.memory_space<vmem>>
          %dma_wait3A_748 = arith.constant 0 : i32
          %dma_wait3A_749 = tpu.memref_slice %arg7[%dma_wait3A_744, %dma_wait3A_748] : memref<80x128xi32, #tpu.memory_space<vmem>> -> memref<1x64xi32, #tpu.memory_space<vmem>>
          %dma_wait3A_750 = tpu.memref_squeeze %dma_wait3A_749 : memref<1x64xi32, #tpu.memory_space<vmem>> -> memref<64xi32, #tpu.memory_space<vmem>>
          %dma_wait3A_751 = arith.constant 0 : i32
          %dma_wait3A_752 = arith.constant 0 : i32
          %dma_wait3A_753 = tpu.memref_slice %arg6[%dma_wait3A_751, %dma_wait3A_752] : memref<10240x128xf32, #tpu.memory_space<vmem_shared>> -> memref<10240x128xf32, #tpu.memory_space<vmem_shared>>
          tpu.wait_indirect_dma semaphore(%arg15 : memref<!tpu.dma_semaphore, #tpu.memory_space<semaphore_mem>>) src(%dma_wait3A_747 : memref<64x128xf32, #tpu.memory_space<vmem>>) dst(%dma_wait3A_753 : memref<10240x128xf32, #tpu.memory_space<vmem_shared>>)
        } else {
        }
        %dma_start3A_734 = arith.constant 2 : i32
        %dma_start3A_735 = arith.constant 64 : i32
        %dma_start3A_736 = arith.constant 0 : i32
        %dma_start3A_737 = tpu.memref_slice %arg9[%dma_start3A_735, %dma_start3A_736] : memref<256x128xf32, #tpu.memory_space<vmem>> -> memref<64x128xf32, #tpu.memory_space<vmem>>
        %dma_start3A_738 = arith.constant 64 : i32
        %dma_start3A_739 = tpu.memref_slice %arg8[%dma_start3A_734, %dma_start3A_738] : memref<4x128xi32, #tpu.memory_space<vmem>> -> memref<1x64xi32, #tpu.memory_space<vmem>>
        %dma_start3A_740 = tpu.memref_squeeze %dma_start3A_739 : memref<1x64xi32, #tpu.memory_space<vmem>> -> memref<64xi32, #tpu.memory_space<vmem>>
        %dma_start3A_741 = arith.constant 0 : i32
        %dma_start3A_742 = arith.constant 0 : i32
        %dma_start3A_743 = tpu.memref_slice %arg2[%dma_start3A_741, %dma_start3A_742] : memref<10240x128xf32, #tpu.memory_space<hbm>> -> memref<10240x128xf32, #tpu.memory_space<hbm>>
        tpu.enqueue_indirect_dma source(%dma_start3A_743 : memref<10240x128xf32, #tpu.memory_space<hbm>>) target(%dma_start3A_737 : memref<64x128xf32, #tpu.memory_space<vmem>>) offsets(%dma_start3A_740 : memref<64xi32, #tpu.memory_space<vmem>>) semaphore(%arg11 : memref<!tpu.dma_semaphore, #tpu.memory_space<semaphore_mem>>)
      } else {
      }
      %mul3A_367 = arith.constant 8 : i32
      %mul3A_368 = arith.muli %mul3A_367, %add3A_184 : i32
      %add3A_369 = arith.constant 3 : i32
      %add3A_370 = arith.addi %mul3A_368, %add3A_369 : i32
      %dma_wait3A_371 = arith.constant 0 : i32
      %dma_wait3A_372 = arith.constant 192 : i32
      %dma_wait3A_373 = arith.constant 0 : i32
      %dma_wait3A_374 = tpu.memref_slice %arg9[%dma_wait3A_372, %dma_wait3A_373] : memref<256x128xf32, #tpu.memory_space<vmem>> -> memref<64x128xf32, #tpu.memory_space<vmem>>
      %dma_wait3A_375 = arith.constant 0 : i32
      %dma_wait3A_376 = tpu.memref_slice %arg8[%dma_wait3A_371, %dma_wait3A_375] : memref<4x128xi32, #tpu.memory_space<vmem>> -> memref<1x64xi32, #tpu.memory_space<vmem>>
      %dma_wait3A_377 = tpu.memref_squeeze %dma_wait3A_376 : memref<1x64xi32, #tpu.memory_space<vmem>> -> memref<64xi32, #tpu.memory_space<vmem>>
      %dma_wait3A_378 = arith.constant 0 : i32
      %dma_wait3A_379 = arith.constant 0 : i32
      %dma_wait3A_380 = tpu.memref_slice %arg2[%dma_wait3A_378, %dma_wait3A_379] : memref<10240x128xf32, #tpu.memory_space<hbm>> -> memref<10240x128xf32, #tpu.memory_space<hbm>>
      tpu.wait_indirect_dma semaphore(%arg13 : memref<!tpu.dma_semaphore, #tpu.memory_space<semaphore_mem>>) src(%dma_wait3A_380 : memref<10240x128xf32, #tpu.memory_space<hbm>>) dst(%dma_wait3A_374 : memref<64x128xf32, #tpu.memory_space<vmem>>)
      %jit3A_381 = arith.constant 2 : i32
      %div3A_382 = arith.divsi %add3A_370, %jit3A_381 : i32
      %sign3A_383 = arith.constant 0 : i32
      %sign3A_384 = arith.cmpi sgt, %add3A_370, %sign3A_383 : i32
      %sign3A_385 = arith.extui %sign3A_384 : i1 to i32
      %sign3A_386 = arith.constant 0 : i32
      %sign3A_387 = arith.cmpi slt, %add3A_370, %sign3A_386 : i32
      %sign3A_388 = arith.extui %sign3A_387 : i1 to i32
      %sign3A_389 = arith.subi %sign3A_385, %sign3A_388 : i32
      %sign3A_390 = arith.constant 0 : i32
      %sign3A_391 = arith.cmpi sgt, %jit3A_381, %sign3A_390 : i32
      %sign3A_392 = arith.extui %sign3A_391 : i1 to i32
      %sign3A_393 = arith.constant 0 : i32
      %sign3A_394 = arith.cmpi slt, %jit3A_381, %sign3A_393 : i32
      %sign3A_395 = arith.extui %sign3A_394 : i1 to i32
      %sign3A_396 = arith.subi %sign3A_392, %sign3A_395 : i32
      %ne3A_397 = arith.cmpi ne, %sign3A_389, %sign3A_396 : i32
      %rem3A_398 = arith.remsi %add3A_370, %jit3A_381 : i32
      %ne3A_399 = arith.constant 0 : i32
      %ne3A_400 = arith.cmpi ne, %rem3A_398, %ne3A_399 : i32
      %and3A_401 = arith.andi %ne3A_397, %ne3A_400 : i1
      %sub3A_402 = arith.constant 1 : i32
      %sub3A_403 = arith.subi %div3A_382, %sub3A_402 : i32
      %select_n3A_404 = arith.select %and3A_401, %sub3A_403, %div3A_382 : i32
      %dma_start3A_405 = arith.constant 192 : i32
      %dma_start3A_406 = arith.constant 0 : i32
      %dma_start3A_407 = tpu.memref_slice %arg9[%dma_start3A_405, %dma_start3A_406] : memref<256x128xf32, #tpu.memory_space<vmem>> -> memref<64x128xf32, #tpu.memory_space<vmem>>
      %dma_start3A_408 = arith.constant 64 : i32
      %dma_start3A_409 = tpu.memref_slice %arg7[%select_n3A_404, %dma_start3A_408] : memref<80x128xi32, #tpu.memory_space<vmem>> -> memref<1x64xi32, #tpu.memory_space<vmem>>
      %dma_start3A_410 = tpu.memref_squeeze %dma_start3A_409 : memref<1x64xi32, #tpu.memory_space<vmem>> -> memref<64xi32, #tpu.memory_space<vmem>>
      %dma_start3A_411 = arith.constant 0 : i32
      %dma_start3A_412 = arith.constant 0 : i32
      %dma_start3A_413 = tpu.memref_slice %arg6[%dma_start3A_411, %dma_start3A_412] : memref<10240x128xf32, #tpu.memory_space<vmem_shared>> -> memref<10240x128xf32, #tpu.memory_space<vmem_shared>>
      tpu.enqueue_indirect_dma source(%dma_start3A_407 : memref<64x128xf32, #tpu.memory_space<vmem>>) target(%dma_start3A_413 : memref<10240x128xf32, #tpu.memory_space<vmem_shared>>) offsets(%dma_start3A_410 : memref<64xi32, #tpu.memory_space<vmem>>) semaphore(%arg17 : memref<!tpu.dma_semaphore, #tpu.memory_space<semaphore_mem>>) {add = true}
      %jit3A_414 = arith.constant 2 : i32
      %div3A_415 = arith.divsi %add3A_370, %jit3A_414 : i32
      %sign3A_416 = arith.constant 0 : i32
      %sign3A_417 = arith.cmpi sgt, %add3A_370, %sign3A_416 : i32
      %sign3A_418 = arith.extui %sign3A_417 : i1 to i32
      %sign3A_419 = arith.constant 0 : i32
      %sign3A_420 = arith.cmpi slt, %add3A_370, %sign3A_419 : i32
      %sign3A_421 = arith.extui %sign3A_420 : i1 to i32
      %sign3A_422 = arith.subi %sign3A_418, %sign3A_421 : i32
      %sign3A_423 = arith.constant 0 : i32
      %sign3A_424 = arith.cmpi sgt, %jit3A_414, %sign3A_423 : i32
      %sign3A_425 = arith.extui %sign3A_424 : i1 to i32
      %sign3A_426 = arith.constant 0 : i32
      %sign3A_427 = arith.cmpi slt, %jit3A_414, %sign3A_426 : i32
      %sign3A_428 = arith.extui %sign3A_427 : i1 to i32
      %sign3A_429 = arith.subi %sign3A_425, %sign3A_428 : i32
      %ne3A_430 = arith.cmpi ne, %sign3A_422, %sign3A_429 : i32
      %rem3A_431 = arith.remsi %add3A_370, %jit3A_414 : i32
      %ne3A_432 = arith.constant 0 : i32
      %ne3A_433 = arith.cmpi ne, %rem3A_431, %ne3A_432 : i32
      %and3A_434 = arith.andi %ne3A_430, %ne3A_433 : i1
      %sub3A_435 = arith.constant 1 : i32
      %sub3A_436 = arith.subi %div3A_415, %sub3A_435 : i32
      %select_n3A_437 = arith.select %and3A_434, %sub3A_436, %div3A_415 : i32
      %add3A_438 = arith.constant 4 : i32
      %add3A_439 = arith.addi %select_n3A_437, %add3A_438 : i32
      %lt3A_440 = arith.constant 80 : i32
      %lt3A_441 = arith.cmpi slt, %add3A_439, %lt3A_440 : i32
      %convert_element_type3A_442 = arith.extui %lt3A_441 : i1 to i32
      %cond3A_443 = arith.constant 0 : i32
      %cond3A_444 = arith.cmpi ne, %convert_element_type3A_442, %cond3A_443 : i32
      scf.if %cond3A_444 {
        %jit3A_730 = arith.constant 2 : i32
        %div3A_731 = arith.divsi %add3A_370, %jit3A_730 : i32
        %sign3A_732 = arith.constant 0 : i32
        %sign3A_733 = arith.cmpi sgt, %add3A_370, %sign3A_732 : i32
        %sign3A_734 = arith.extui %sign3A_733 : i1 to i32
        %sign3A_735 = arith.constant 0 : i32
        %sign3A_736 = arith.cmpi slt, %add3A_370, %sign3A_735 : i32
        %sign3A_737 = arith.extui %sign3A_736 : i1 to i32
        %sign3A_738 = arith.subi %sign3A_734, %sign3A_737 : i32
        %sign3A_739 = arith.constant 0 : i32
        %sign3A_740 = arith.cmpi sgt, %jit3A_730, %sign3A_739 : i32
        %sign3A_741 = arith.extui %sign3A_740 : i1 to i32
        %sign3A_742 = arith.constant 0 : i32
        %sign3A_743 = arith.cmpi slt, %jit3A_730, %sign3A_742 : i32
        %sign3A_744 = arith.extui %sign3A_743 : i1 to i32
        %sign3A_745 = arith.subi %sign3A_741, %sign3A_744 : i32
        %ne3A_746 = arith.cmpi ne, %sign3A_738, %sign3A_745 : i32
        %rem3A_747 = arith.remsi %add3A_370, %jit3A_730 : i32
        %ne3A_748 = arith.constant 0 : i32
        %ne3A_749 = arith.cmpi ne, %rem3A_747, %ne3A_748 : i32
        %and3A_750 = arith.andi %ne3A_746, %ne3A_749 : i1
        %sub3A_751 = arith.constant 1 : i32
        %sub3A_752 = arith.subi %div3A_731, %sub3A_751 : i32
        %select_n3A_753 = arith.select %and3A_750, %sub3A_752, %div3A_731 : i32
        %add3A_754 = arith.constant 4 : i32
        %add3A_755 = arith.addi %select_n3A_753, %add3A_754 : i32
        %add3A_756 = arith.addi %mul3A_2, %add3A_755 : i32
        %dma_start3A_757 = arith.constant 1 : i32
        %dma_start3A_758 = arith.constant 0 : i32
        %dma_start3A_759 = tpu.memref_slice %arg8[%dma_start3A_757, %dma_start3A_758] : memref<4x128xi32, #tpu.memory_space<vmem>> -> memref<1x128xi32, #tpu.memory_space<vmem>>
        %dma_start3A_760 = arith.constant 0 : i32
        %dma_start3A_761 = tpu.memref_slice %arg3[%add3A_756, %dma_start3A_760] : memref<2560x128xi32, #tpu.memory_space<hbm>> -> memref<1x128xi32, #tpu.memory_space<hbm>>
        %dma_start3A_762 = arith.constant 1 : i32
        %dma_start3A_763 = arith.constant 0 : i32
        %dma_start3A_764 = tpu.memref_slice %arg8[%dma_start3A_762, %dma_start3A_763] : memref<4x128xi32, #tpu.memory_space<vmem>> -> memref<1x128xi32, #tpu.memory_space<vmem>>
        %dma_start3A_765 = arith.constant 0 : i32
        %dma_start3A_766 = tpu.memref_slice %arg3[%add3A_756, %dma_start3A_765] : memref<2560x128xi32, #tpu.memory_space<hbm>> -> memref<1x128xi32, #tpu.memory_space<hbm>>
        tpu.enqueue_dma source(%dma_start3A_766 : memref<1x128xi32, #tpu.memory_space<hbm>>) target(%dma_start3A_764 : memref<1x128xi32, #tpu.memory_space<vmem>>) target_semaphore(%arg19 : memref<!tpu.dma_semaphore, #tpu.memory_space<semaphore_mem>>)
      } else {
      }
      %add3A_445 = arith.constant 3 : i32
      %add3A_446 = arith.addi %add3A_370, %add3A_445 : i32
      %lt3A_447 = arith.constant 160 : i32
      %lt3A_448 = arith.cmpi slt, %add3A_446, %lt3A_447 : i32
      %convert_element_type3A_449 = arith.extui %lt3A_448 : i1 to i32
      %cond3A_450 = arith.constant 0 : i32
      %cond3A_451 = arith.cmpi ne, %convert_element_type3A_449, %cond3A_450 : i32
      scf.if %cond3A_451 {
        %ge3A = arith.constant 1 : i32
        %ge3A_730 = arith.cmpi sge, %add3A_370, %ge3A : i32
        %convert_element_type3A_731 = arith.extui %ge3A_730 : i1 to i32
        %cond3A_732 = arith.constant 0 : i32
        %cond3A_733 = arith.cmpi ne, %convert_element_type3A_731, %cond3A_732 : i32
        scf.if %cond3A_733 {
          %dma_wait3A_754 = arith.constant 0 : i32
          %dma_wait3A_755 = arith.constant 128 : i32
          %dma_wait3A_756 = arith.constant 0 : i32
          %dma_wait3A_757 = tpu.memref_slice %arg9[%dma_wait3A_755, %dma_wait3A_756] : memref<256x128xf32, #tpu.memory_space<vmem>> -> memref<64x128xf32, #tpu.memory_space<vmem>>
          %dma_wait3A_758 = arith.constant 0 : i32
          %dma_wait3A_759 = tpu.memref_slice %arg7[%dma_wait3A_754, %dma_wait3A_758] : memref<80x128xi32, #tpu.memory_space<vmem>> -> memref<1x64xi32, #tpu.memory_space<vmem>>
          %dma_wait3A_760 = tpu.memref_squeeze %dma_wait3A_759 : memref<1x64xi32, #tpu.memory_space<vmem>> -> memref<64xi32, #tpu.memory_space<vmem>>
          %dma_wait3A_761 = arith.constant 0 : i32
          %dma_wait3A_762 = arith.constant 0 : i32
          %dma_wait3A_763 = tpu.memref_slice %arg6[%dma_wait3A_761, %dma_wait3A_762] : memref<10240x128xf32, #tpu.memory_space<vmem_shared>> -> memref<10240x128xf32, #tpu.memory_space<vmem_shared>>
          tpu.wait_indirect_dma semaphore(%arg16 : memref<!tpu.dma_semaphore, #tpu.memory_space<semaphore_mem>>) src(%dma_wait3A_757 : memref<64x128xf32, #tpu.memory_space<vmem>>) dst(%dma_wait3A_763 : memref<10240x128xf32, #tpu.memory_space<vmem_shared>>)
        } else {
        }
        %dma_wait3A_734 = arith.constant 3 : i32
        %dma_wait3A_735 = arith.constant 0 : i32
        %dma_wait3A_736 = tpu.memref_slice %arg8[%dma_wait3A_734, %dma_wait3A_735] : memref<4x128xi32, #tpu.memory_space<vmem>> -> memref<1x128xi32, #tpu.memory_space<vmem>>
        %dma_wait3A_737 = arith.constant 0 : i32
        %dma_wait3A_738 = tpu.memref_slice %arg3[%mul3A_2, %dma_wait3A_737] : memref<2560x128xi32, #tpu.memory_space<hbm>> -> memref<1x128xi32, #tpu.memory_space<hbm>>
        %dma_wait3A_739 = arith.constant 3 : i32
        %dma_wait3A_740 = arith.constant 0 : i32
        %dma_wait3A_741 = tpu.memref_slice %arg8[%dma_wait3A_739, %dma_wait3A_740] : memref<4x128xi32, #tpu.memory_space<vmem>> -> memref<1x128xi32, #tpu.memory_space<vmem>>
        %dma_wait3A_742 = arith.constant 0 : i32
        %dma_wait3A_743 = tpu.memref_slice %arg3[%mul3A_2, %dma_wait3A_742] : memref<2560x128xi32, #tpu.memory_space<hbm>> -> memref<1x128xi32, #tpu.memory_space<hbm>>
        tpu.wait_dma2 semaphore(%arg21 : memref<!tpu.dma_semaphore, #tpu.memory_space<semaphore_mem>>) src(%dma_wait3A_743 : memref<1x128xi32, #tpu.memory_space<hbm>>) dst(%dma_wait3A_741 : memref<1x128xi32, #tpu.memory_space<vmem>>)
        %dma_start3A_744 = arith.constant 3 : i32
        %dma_start3A_745 = arith.constant 128 : i32
        %dma_start3A_746 = arith.constant 0 : i32
        %dma_start3A_747 = tpu.memref_slice %arg9[%dma_start3A_745, %dma_start3A_746] : memref<256x128xf32, #tpu.memory_space<vmem>> -> memref<64x128xf32, #tpu.memory_space<vmem>>
        %dma_start3A_748 = arith.constant 0 : i32
        %dma_start3A_749 = tpu.memref_slice %arg8[%dma_start3A_744, %dma_start3A_748] : memref<4x128xi32, #tpu.memory_space<vmem>> -> memref<1x64xi32, #tpu.memory_space<vmem>>
        %dma_start3A_750 = tpu.memref_squeeze %dma_start3A_749 : memref<1x64xi32, #tpu.memory_space<vmem>> -> memref<64xi32, #tpu.memory_space<vmem>>
        %dma_start3A_751 = arith.constant 0 : i32
        %dma_start3A_752 = arith.constant 0 : i32
        %dma_start3A_753 = tpu.memref_slice %arg2[%dma_start3A_751, %dma_start3A_752] : memref<10240x128xf32, #tpu.memory_space<hbm>> -> memref<10240x128xf32, #tpu.memory_space<hbm>>
        tpu.enqueue_indirect_dma source(%dma_start3A_753 : memref<10240x128xf32, #tpu.memory_space<hbm>>) target(%dma_start3A_747 : memref<64x128xf32, #tpu.memory_space<vmem>>) offsets(%dma_start3A_750 : memref<64xi32, #tpu.memory_space<vmem>>) semaphore(%arg12 : memref<!tpu.dma_semaphore, #tpu.memory_space<semaphore_mem>>)
      } else {
      }
      %mul3A_452 = arith.constant 8 : i32
      %mul3A_453 = arith.muli %mul3A_452, %add3A_184 : i32
      %add3A_454 = arith.constant 4 : i32
      %add3A_455 = arith.addi %mul3A_453, %add3A_454 : i32
      %dma_wait3A_456 = arith.constant 0 : i32
      %dma_wait3A_457 = arith.constant 0 : i32
      %dma_wait3A_458 = arith.constant 0 : i32
      %dma_wait3A_459 = tpu.memref_slice %arg9[%dma_wait3A_457, %dma_wait3A_458] : memref<256x128xf32, #tpu.memory_space<vmem>> -> memref<64x128xf32, #tpu.memory_space<vmem>>
      %dma_wait3A_460 = arith.constant 0 : i32
      %dma_wait3A_461 = tpu.memref_slice %arg8[%dma_wait3A_456, %dma_wait3A_460] : memref<4x128xi32, #tpu.memory_space<vmem>> -> memref<1x64xi32, #tpu.memory_space<vmem>>
      %dma_wait3A_462 = tpu.memref_squeeze %dma_wait3A_461 : memref<1x64xi32, #tpu.memory_space<vmem>> -> memref<64xi32, #tpu.memory_space<vmem>>
      %dma_wait3A_463 = arith.constant 0 : i32
      %dma_wait3A_464 = arith.constant 0 : i32
      %dma_wait3A_465 = tpu.memref_slice %arg2[%dma_wait3A_463, %dma_wait3A_464] : memref<10240x128xf32, #tpu.memory_space<hbm>> -> memref<10240x128xf32, #tpu.memory_space<hbm>>
      tpu.wait_indirect_dma semaphore(%arg10 : memref<!tpu.dma_semaphore, #tpu.memory_space<semaphore_mem>>) src(%dma_wait3A_465 : memref<10240x128xf32, #tpu.memory_space<hbm>>) dst(%dma_wait3A_459 : memref<64x128xf32, #tpu.memory_space<vmem>>)
      %jit3A_466 = arith.constant 2 : i32
      %div3A_467 = arith.divsi %add3A_455, %jit3A_466 : i32
      %sign3A_468 = arith.constant 0 : i32
      %sign3A_469 = arith.cmpi sgt, %add3A_455, %sign3A_468 : i32
      %sign3A_470 = arith.extui %sign3A_469 : i1 to i32
      %sign3A_471 = arith.constant 0 : i32
      %sign3A_472 = arith.cmpi slt, %add3A_455, %sign3A_471 : i32
      %sign3A_473 = arith.extui %sign3A_472 : i1 to i32
      %sign3A_474 = arith.subi %sign3A_470, %sign3A_473 : i32
      %sign3A_475 = arith.constant 0 : i32
      %sign3A_476 = arith.cmpi sgt, %jit3A_466, %sign3A_475 : i32
      %sign3A_477 = arith.extui %sign3A_476 : i1 to i32
      %sign3A_478 = arith.constant 0 : i32
      %sign3A_479 = arith.cmpi slt, %jit3A_466, %sign3A_478 : i32
      %sign3A_480 = arith.extui %sign3A_479 : i1 to i32
      %sign3A_481 = arith.subi %sign3A_477, %sign3A_480 : i32
      %ne3A_482 = arith.cmpi ne, %sign3A_474, %sign3A_481 : i32
      %rem3A_483 = arith.remsi %add3A_455, %jit3A_466 : i32
      %ne3A_484 = arith.constant 0 : i32
      %ne3A_485 = arith.cmpi ne, %rem3A_483, %ne3A_484 : i32
      %and3A_486 = arith.andi %ne3A_482, %ne3A_485 : i1
      %sub3A_487 = arith.constant 1 : i32
      %sub3A_488 = arith.subi %div3A_467, %sub3A_487 : i32
      %select_n3A_489 = arith.select %and3A_486, %sub3A_488, %div3A_467 : i32
      %dma_start3A_490 = arith.constant 0 : i32
      %dma_start3A_491 = arith.constant 0 : i32
      %dma_start3A_492 = tpu.memref_slice %arg9[%dma_start3A_490, %dma_start3A_491] : memref<256x128xf32, #tpu.memory_space<vmem>> -> memref<64x128xf32, #tpu.memory_space<vmem>>
      %dma_start3A_493 = arith.constant 0 : i32
      %dma_start3A_494 = tpu.memref_slice %arg7[%select_n3A_489, %dma_start3A_493] : memref<80x128xi32, #tpu.memory_space<vmem>> -> memref<1x64xi32, #tpu.memory_space<vmem>>
      %dma_start3A_495 = tpu.memref_squeeze %dma_start3A_494 : memref<1x64xi32, #tpu.memory_space<vmem>> -> memref<64xi32, #tpu.memory_space<vmem>>
      %dma_start3A_496 = arith.constant 0 : i32
      %dma_start3A_497 = arith.constant 0 : i32
      %dma_start3A_498 = tpu.memref_slice %arg6[%dma_start3A_496, %dma_start3A_497] : memref<10240x128xf32, #tpu.memory_space<vmem_shared>> -> memref<10240x128xf32, #tpu.memory_space<vmem_shared>>
      tpu.enqueue_indirect_dma source(%dma_start3A_492 : memref<64x128xf32, #tpu.memory_space<vmem>>) target(%dma_start3A_498 : memref<10240x128xf32, #tpu.memory_space<vmem_shared>>) offsets(%dma_start3A_495 : memref<64xi32, #tpu.memory_space<vmem>>) semaphore(%arg14 : memref<!tpu.dma_semaphore, #tpu.memory_space<semaphore_mem>>) {add = true}
      %add3A_499 = arith.constant 3 : i32
      %add3A_500 = arith.addi %add3A_455, %add3A_499 : i32
      %lt3A_501 = arith.constant 160 : i32
      %lt3A_502 = arith.cmpi slt, %add3A_500, %lt3A_501 : i32
      %convert_element_type3A_503 = arith.extui %lt3A_502 : i1 to i32
      %cond3A_504 = arith.constant 0 : i32
      %cond3A_505 = arith.cmpi ne, %convert_element_type3A_503, %cond3A_504 : i32
      scf.if %cond3A_505 {
        %ge3A = arith.constant 1 : i32
        %ge3A_730 = arith.cmpi sge, %add3A_455, %ge3A : i32
        %convert_element_type3A_731 = arith.extui %ge3A_730 : i1 to i32
        %cond3A_732 = arith.constant 0 : i32
        %cond3A_733 = arith.cmpi ne, %convert_element_type3A_731, %cond3A_732 : i32
        scf.if %cond3A_733 {
          %dma_wait3A_744 = arith.constant 0 : i32
          %dma_wait3A_745 = arith.constant 192 : i32
          %dma_wait3A_746 = arith.constant 0 : i32
          %dma_wait3A_747 = tpu.memref_slice %arg9[%dma_wait3A_745, %dma_wait3A_746] : memref<256x128xf32, #tpu.memory_space<vmem>> -> memref<64x128xf32, #tpu.memory_space<vmem>>
          %dma_wait3A_748 = arith.constant 0 : i32
          %dma_wait3A_749 = tpu.memref_slice %arg7[%dma_wait3A_744, %dma_wait3A_748] : memref<80x128xi32, #tpu.memory_space<vmem>> -> memref<1x64xi32, #tpu.memory_space<vmem>>
          %dma_wait3A_750 = tpu.memref_squeeze %dma_wait3A_749 : memref<1x64xi32, #tpu.memory_space<vmem>> -> memref<64xi32, #tpu.memory_space<vmem>>
          %dma_wait3A_751 = arith.constant 0 : i32
          %dma_wait3A_752 = arith.constant 0 : i32
          %dma_wait3A_753 = tpu.memref_slice %arg6[%dma_wait3A_751, %dma_wait3A_752] : memref<10240x128xf32, #tpu.memory_space<vmem_shared>> -> memref<10240x128xf32, #tpu.memory_space<vmem_shared>>
          tpu.wait_indirect_dma semaphore(%arg17 : memref<!tpu.dma_semaphore, #tpu.memory_space<semaphore_mem>>) src(%dma_wait3A_747 : memref<64x128xf32, #tpu.memory_space<vmem>>) dst(%dma_wait3A_753 : memref<10240x128xf32, #tpu.memory_space<vmem_shared>>)
        } else {
        }
        %dma_start3A_734 = arith.constant 3 : i32
        %dma_start3A_735 = arith.constant 192 : i32
        %dma_start3A_736 = arith.constant 0 : i32
        %dma_start3A_737 = tpu.memref_slice %arg9[%dma_start3A_735, %dma_start3A_736] : memref<256x128xf32, #tpu.memory_space<vmem>> -> memref<64x128xf32, #tpu.memory_space<vmem>>
        %dma_start3A_738 = arith.constant 64 : i32
        %dma_start3A_739 = tpu.memref_slice %arg8[%dma_start3A_734, %dma_start3A_738] : memref<4x128xi32, #tpu.memory_space<vmem>> -> memref<1x64xi32, #tpu.memory_space<vmem>>
        %dma_start3A_740 = tpu.memref_squeeze %dma_start3A_739 : memref<1x64xi32, #tpu.memory_space<vmem>> -> memref<64xi32, #tpu.memory_space<vmem>>
        %dma_start3A_741 = arith.constant 0 : i32
        %dma_start3A_742 = arith.constant 0 : i32
        %dma_start3A_743 = tpu.memref_slice %arg2[%dma_start3A_741, %dma_start3A_742] : memref<10240x128xf32, #tpu.memory_space<hbm>> -> memref<10240x128xf32, #tpu.memory_space<hbm>>
        tpu.enqueue_indirect_dma source(%dma_start3A_743 : memref<10240x128xf32, #tpu.memory_space<hbm>>) target(%dma_start3A_737 : memref<64x128xf32, #tpu.memory_space<vmem>>) offsets(%dma_start3A_740 : memref<64xi32, #tpu.memory_space<vmem>>) semaphore(%arg13 : memref<!tpu.dma_semaphore, #tpu.memory_space<semaphore_mem>>)
      } else {
      }
      %mul3A_506 = arith.constant 8 : i32
      %mul3A_507 = arith.muli %mul3A_506, %add3A_184 : i32
      %add3A_508 = arith.constant 5 : i32
      %add3A_509 = arith.addi %mul3A_507, %add3A_508 : i32
      %dma_wait3A_510 = arith.constant 0 : i32
      %dma_wait3A_511 = arith.constant 64 : i32
      %dma_wait3A_512 = arith.constant 0 : i32
      %dma_wait3A_513 = tpu.memref_slice %arg9[%dma_wait3A_511, %dma_wait3A_512] : memref<256x128xf32, #tpu.memory_space<vmem>> -> memref<64x128xf32, #tpu.memory_space<vmem>>
      %dma_wait3A_514 = arith.constant 0 : i32
      %dma_wait3A_515 = tpu.memref_slice %arg8[%dma_wait3A_510, %dma_wait3A_514] : memref<4x128xi32, #tpu.memory_space<vmem>> -> memref<1x64xi32, #tpu.memory_space<vmem>>
      %dma_wait3A_516 = tpu.memref_squeeze %dma_wait3A_515 : memref<1x64xi32, #tpu.memory_space<vmem>> -> memref<64xi32, #tpu.memory_space<vmem>>
      %dma_wait3A_517 = arith.constant 0 : i32
      %dma_wait3A_518 = arith.constant 0 : i32
      %dma_wait3A_519 = tpu.memref_slice %arg2[%dma_wait3A_517, %dma_wait3A_518] : memref<10240x128xf32, #tpu.memory_space<hbm>> -> memref<10240x128xf32, #tpu.memory_space<hbm>>
      tpu.wait_indirect_dma semaphore(%arg11 : memref<!tpu.dma_semaphore, #tpu.memory_space<semaphore_mem>>) src(%dma_wait3A_519 : memref<10240x128xf32, #tpu.memory_space<hbm>>) dst(%dma_wait3A_513 : memref<64x128xf32, #tpu.memory_space<vmem>>)
      %jit3A_520 = arith.constant 2 : i32
      %div3A_521 = arith.divsi %add3A_509, %jit3A_520 : i32
      %sign3A_522 = arith.constant 0 : i32
      %sign3A_523 = arith.cmpi sgt, %add3A_509, %sign3A_522 : i32
      %sign3A_524 = arith.extui %sign3A_523 : i1 to i32
      %sign3A_525 = arith.constant 0 : i32
      %sign3A_526 = arith.cmpi slt, %add3A_509, %sign3A_525 : i32
      %sign3A_527 = arith.extui %sign3A_526 : i1 to i32
      %sign3A_528 = arith.subi %sign3A_524, %sign3A_527 : i32
      %sign3A_529 = arith.constant 0 : i32
      %sign3A_530 = arith.cmpi sgt, %jit3A_520, %sign3A_529 : i32
      %sign3A_531 = arith.extui %sign3A_530 : i1 to i32
      %sign3A_532 = arith.constant 0 : i32
      %sign3A_533 = arith.cmpi slt, %jit3A_520, %sign3A_532 : i32
      %sign3A_534 = arith.extui %sign3A_533 : i1 to i32
      %sign3A_535 = arith.subi %sign3A_531, %sign3A_534 : i32
      %ne3A_536 = arith.cmpi ne, %sign3A_528, %sign3A_535 : i32
      %rem3A_537 = arith.remsi %add3A_509, %jit3A_520 : i32
      %ne3A_538 = arith.constant 0 : i32
      %ne3A_539 = arith.cmpi ne, %rem3A_537, %ne3A_538 : i32
      %and3A_540 = arith.andi %ne3A_536, %ne3A_539 : i1
      %sub3A_541 = arith.constant 1 : i32
      %sub3A_542 = arith.subi %div3A_521, %sub3A_541 : i32
      %select_n3A_543 = arith.select %and3A_540, %sub3A_542, %div3A_521 : i32
      %dma_start3A_544 = arith.constant 64 : i32
      %dma_start3A_545 = arith.constant 0 : i32
      %dma_start3A_546 = tpu.memref_slice %arg9[%dma_start3A_544, %dma_start3A_545] : memref<256x128xf32, #tpu.memory_space<vmem>> -> memref<64x128xf32, #tpu.memory_space<vmem>>
      %dma_start3A_547 = arith.constant 64 : i32
      %dma_start3A_548 = tpu.memref_slice %arg7[%select_n3A_543, %dma_start3A_547] : memref<80x128xi32, #tpu.memory_space<vmem>> -> memref<1x64xi32, #tpu.memory_space<vmem>>
      %dma_start3A_549 = tpu.memref_squeeze %dma_start3A_548 : memref<1x64xi32, #tpu.memory_space<vmem>> -> memref<64xi32, #tpu.memory_space<vmem>>
      %dma_start3A_550 = arith.constant 0 : i32
      %dma_start3A_551 = arith.constant 0 : i32
      %dma_start3A_552 = tpu.memref_slice %arg6[%dma_start3A_550, %dma_start3A_551] : memref<10240x128xf32, #tpu.memory_space<vmem_shared>> -> memref<10240x128xf32, #tpu.memory_space<vmem_shared>>
      tpu.enqueue_indirect_dma source(%dma_start3A_546 : memref<64x128xf32, #tpu.memory_space<vmem>>) target(%dma_start3A_552 : memref<10240x128xf32, #tpu.memory_space<vmem_shared>>) offsets(%dma_start3A_549 : memref<64xi32, #tpu.memory_space<vmem>>) semaphore(%arg15 : memref<!tpu.dma_semaphore, #tpu.memory_space<semaphore_mem>>) {add = true}
      %jit3A_553 = arith.constant 2 : i32
      %div3A_554 = arith.divsi %add3A_509, %jit3A_553 : i32
      %sign3A_555 = arith.constant 0 : i32
      %sign3A_556 = arith.cmpi sgt, %add3A_509, %sign3A_555 : i32
      %sign3A_557 = arith.extui %sign3A_556 : i1 to i32
      %sign3A_558 = arith.constant 0 : i32
      %sign3A_559 = arith.cmpi slt, %add3A_509, %sign3A_558 : i32
      %sign3A_560 = arith.extui %sign3A_559 : i1 to i32
      %sign3A_561 = arith.subi %sign3A_557, %sign3A_560 : i32
      %sign3A_562 = arith.constant 0 : i32
      %sign3A_563 = arith.cmpi sgt, %jit3A_553, %sign3A_562 : i32
      %sign3A_564 = arith.extui %sign3A_563 : i1 to i32
      %sign3A_565 = arith.constant 0 : i32
      %sign3A_566 = arith.cmpi slt, %jit3A_553, %sign3A_565 : i32
      %sign3A_567 = arith.extui %sign3A_566 : i1 to i32
      %sign3A_568 = arith.subi %sign3A_564, %sign3A_567 : i32
      %ne3A_569 = arith.cmpi ne, %sign3A_561, %sign3A_568 : i32
      %rem3A_570 = arith.remsi %add3A_509, %jit3A_553 : i32
      %ne3A_571 = arith.constant 0 : i32
      %ne3A_572 = arith.cmpi ne, %rem3A_570, %ne3A_571 : i32
      %and3A_573 = arith.andi %ne3A_569, %ne3A_572 : i1
      %sub3A_574 = arith.constant 1 : i32
      %sub3A_575 = arith.subi %div3A_554, %sub3A_574 : i32
      %select_n3A_576 = arith.select %and3A_573, %sub3A_575, %div3A_554 : i32
      %add3A_577 = arith.constant 4 : i32
      %add3A_578 = arith.addi %select_n3A_576, %add3A_577 : i32
      %lt3A_579 = arith.constant 80 : i32
      %lt3A_580 = arith.cmpi slt, %add3A_578, %lt3A_579 : i32
      %convert_element_type3A_581 = arith.extui %lt3A_580 : i1 to i32
      %cond3A_582 = arith.constant 0 : i32
      %cond3A_583 = arith.cmpi ne, %convert_element_type3A_581, %cond3A_582 : i32
      scf.if %cond3A_583 {
        %jit3A_730 = arith.constant 2 : i32
        %div3A_731 = arith.divsi %add3A_509, %jit3A_730 : i32
        %sign3A_732 = arith.constant 0 : i32
        %sign3A_733 = arith.cmpi sgt, %add3A_509, %sign3A_732 : i32
        %sign3A_734 = arith.extui %sign3A_733 : i1 to i32
        %sign3A_735 = arith.constant 0 : i32
        %sign3A_736 = arith.cmpi slt, %add3A_509, %sign3A_735 : i32
        %sign3A_737 = arith.extui %sign3A_736 : i1 to i32
        %sign3A_738 = arith.subi %sign3A_734, %sign3A_737 : i32
        %sign3A_739 = arith.constant 0 : i32
        %sign3A_740 = arith.cmpi sgt, %jit3A_730, %sign3A_739 : i32
        %sign3A_741 = arith.extui %sign3A_740 : i1 to i32
        %sign3A_742 = arith.constant 0 : i32
        %sign3A_743 = arith.cmpi slt, %jit3A_730, %sign3A_742 : i32
        %sign3A_744 = arith.extui %sign3A_743 : i1 to i32
        %sign3A_745 = arith.subi %sign3A_741, %sign3A_744 : i32
        %ne3A_746 = arith.cmpi ne, %sign3A_738, %sign3A_745 : i32
        %rem3A_747 = arith.remsi %add3A_509, %jit3A_730 : i32
        %ne3A_748 = arith.constant 0 : i32
        %ne3A_749 = arith.cmpi ne, %rem3A_747, %ne3A_748 : i32
        %and3A_750 = arith.andi %ne3A_746, %ne3A_749 : i1
        %sub3A_751 = arith.constant 1 : i32
        %sub3A_752 = arith.subi %div3A_731, %sub3A_751 : i32
        %select_n3A_753 = arith.select %and3A_750, %sub3A_752, %div3A_731 : i32
        %add3A_754 = arith.constant 4 : i32
        %add3A_755 = arith.addi %select_n3A_753, %add3A_754 : i32
        %add3A_756 = arith.addi %mul3A_2, %add3A_755 : i32
        %dma_start3A_757 = arith.constant 2 : i32
        %dma_start3A_758 = arith.constant 0 : i32
        %dma_start3A_759 = tpu.memref_slice %arg8[%dma_start3A_757, %dma_start3A_758] : memref<4x128xi32, #tpu.memory_space<vmem>> -> memref<1x128xi32, #tpu.memory_space<vmem>>
        %dma_start3A_760 = arith.constant 0 : i32
        %dma_start3A_761 = tpu.memref_slice %arg3[%add3A_756, %dma_start3A_760] : memref<2560x128xi32, #tpu.memory_space<hbm>> -> memref<1x128xi32, #tpu.memory_space<hbm>>
        %dma_start3A_762 = arith.constant 2 : i32
        %dma_start3A_763 = arith.constant 0 : i32
        %dma_start3A_764 = tpu.memref_slice %arg8[%dma_start3A_762, %dma_start3A_763] : memref<4x128xi32, #tpu.memory_space<vmem>> -> memref<1x128xi32, #tpu.memory_space<vmem>>
        %dma_start3A_765 = arith.constant 0 : i32
        %dma_start3A_766 = tpu.memref_slice %arg3[%add3A_756, %dma_start3A_765] : memref<2560x128xi32, #tpu.memory_space<hbm>> -> memref<1x128xi32, #tpu.memory_space<hbm>>
        tpu.enqueue_dma source(%dma_start3A_766 : memref<1x128xi32, #tpu.memory_space<hbm>>) target(%dma_start3A_764 : memref<1x128xi32, #tpu.memory_space<vmem>>) target_semaphore(%arg20 : memref<!tpu.dma_semaphore, #tpu.memory_space<semaphore_mem>>)
      } else {
      }
      %add3A_584 = arith.constant 3 : i32
      %add3A_585 = arith.addi %add3A_509, %add3A_584 : i32
      %lt3A_586 = arith.constant 160 : i32
      %lt3A_587 = arith.cmpi slt, %add3A_585, %lt3A_586 : i32
      %convert_element_type3A_588 = arith.extui %lt3A_587 : i1 to i32
      %cond3A_589 = arith.constant 0 : i32
      %cond3A_590 = arith.cmpi ne, %convert_element_type3A_588, %cond3A_589 : i32
      scf.if %cond3A_590 {
        %ge3A = arith.constant 1 : i32
        %ge3A_730 = arith.cmpi sge, %add3A_509, %ge3A : i32
        %convert_element_type3A_731 = arith.extui %ge3A_730 : i1 to i32
        %cond3A_732 = arith.constant 0 : i32
        %cond3A_733 = arith.cmpi ne, %convert_element_type3A_731, %cond3A_732 : i32
        scf.if %cond3A_733 {
          %dma_wait3A_754 = arith.constant 0 : i32
          %dma_wait3A_755 = arith.constant 0 : i32
          %dma_wait3A_756 = arith.constant 0 : i32
          %dma_wait3A_757 = tpu.memref_slice %arg9[%dma_wait3A_755, %dma_wait3A_756] : memref<256x128xf32, #tpu.memory_space<vmem>> -> memref<64x128xf32, #tpu.memory_space<vmem>>
          %dma_wait3A_758 = arith.constant 0 : i32
          %dma_wait3A_759 = tpu.memref_slice %arg7[%dma_wait3A_754, %dma_wait3A_758] : memref<80x128xi32, #tpu.memory_space<vmem>> -> memref<1x64xi32, #tpu.memory_space<vmem>>
          %dma_wait3A_760 = tpu.memref_squeeze %dma_wait3A_759 : memref<1x64xi32, #tpu.memory_space<vmem>> -> memref<64xi32, #tpu.memory_space<vmem>>
          %dma_wait3A_761 = arith.constant 0 : i32
          %dma_wait3A_762 = arith.constant 0 : i32
          %dma_wait3A_763 = tpu.memref_slice %arg6[%dma_wait3A_761, %dma_wait3A_762] : memref<10240x128xf32, #tpu.memory_space<vmem_shared>> -> memref<10240x128xf32, #tpu.memory_space<vmem_shared>>
          tpu.wait_indirect_dma semaphore(%arg14 : memref<!tpu.dma_semaphore, #tpu.memory_space<semaphore_mem>>) src(%dma_wait3A_757 : memref<64x128xf32, #tpu.memory_space<vmem>>) dst(%dma_wait3A_763 : memref<10240x128xf32, #tpu.memory_space<vmem_shared>>)
        } else {
        }
        %dma_wait3A_734 = arith.constant 0 : i32
        %dma_wait3A_735 = arith.constant 0 : i32
        %dma_wait3A_736 = tpu.memref_slice %arg8[%dma_wait3A_734, %dma_wait3A_735] : memref<4x128xi32, #tpu.memory_space<vmem>> -> memref<1x128xi32, #tpu.memory_space<vmem>>
        %dma_wait3A_737 = arith.constant 0 : i32
        %dma_wait3A_738 = tpu.memref_slice %arg3[%mul3A_2, %dma_wait3A_737] : memref<2560x128xi32, #tpu.memory_space<hbm>> -> memref<1x128xi32, #tpu.memory_space<hbm>>
        %dma_wait3A_739 = arith.constant 0 : i32
        %dma_wait3A_740 = arith.constant 0 : i32
        %dma_wait3A_741 = tpu.memref_slice %arg8[%dma_wait3A_739, %dma_wait3A_740] : memref<4x128xi32, #tpu.memory_space<vmem>> -> memref<1x128xi32, #tpu.memory_space<vmem>>
        %dma_wait3A_742 = arith.constant 0 : i32
        %dma_wait3A_743 = tpu.memref_slice %arg3[%mul3A_2, %dma_wait3A_742] : memref<2560x128xi32, #tpu.memory_space<hbm>> -> memref<1x128xi32, #tpu.memory_space<hbm>>
        tpu.wait_dma2 semaphore(%arg18 : memref<!tpu.dma_semaphore, #tpu.memory_space<semaphore_mem>>) src(%dma_wait3A_743 : memref<1x128xi32, #tpu.memory_space<hbm>>) dst(%dma_wait3A_741 : memref<1x128xi32, #tpu.memory_space<vmem>>)
        %dma_start3A_744 = arith.constant 0 : i32
        %dma_start3A_745 = arith.constant 0 : i32
        %dma_start3A_746 = arith.constant 0 : i32
        %dma_start3A_747 = tpu.memref_slice %arg9[%dma_start3A_745, %dma_start3A_746] : memref<256x128xf32, #tpu.memory_space<vmem>> -> memref<64x128xf32, #tpu.memory_space<vmem>>
        %dma_start3A_748 = arith.constant 0 : i32
        %dma_start3A_749 = tpu.memref_slice %arg8[%dma_start3A_744, %dma_start3A_748] : memref<4x128xi32, #tpu.memory_space<vmem>> -> memref<1x64xi32, #tpu.memory_space<vmem>>
        %dma_start3A_750 = tpu.memref_squeeze %dma_start3A_749 : memref<1x64xi32, #tpu.memory_space<vmem>> -> memref<64xi32, #tpu.memory_space<vmem>>
        %dma_start3A_751 = arith.constant 0 : i32
        %dma_start3A_752 = arith.constant 0 : i32
        %dma_start3A_753 = tpu.memref_slice %arg2[%dma_start3A_751, %dma_start3A_752] : memref<10240x128xf32, #tpu.memory_space<hbm>> -> memref<10240x128xf32, #tpu.memory_space<hbm>>
        tpu.enqueue_indirect_dma source(%dma_start3A_753 : memref<10240x128xf32, #tpu.memory_space<hbm>>) target(%dma_start3A_747 : memref<64x128xf32, #tpu.memory_space<vmem>>) offsets(%dma_start3A_750 : memref<64xi32, #tpu.memory_space<vmem>>) semaphore(%arg10 : memref<!tpu.dma_semaphore, #tpu.memory_space<semaphore_mem>>)
      } else {
      }
      %mul3A_591 = arith.constant 8 : i32
      %mul3A_592 = arith.muli %mul3A_591, %add3A_184 : i32
      %add3A_593 = arith.constant 6 : i32
      %add3A_594 = arith.addi %mul3A_592, %add3A_593 : i32
      %dma_wait3A_595 = arith.constant 0 : i32
      %dma_wait3A_596 = arith.constant 128 : i32
      %dma_wait3A_597 = arith.constant 0 : i32
      %dma_wait3A_598 = tpu.memref_slice %arg9[%dma_wait3A_596, %dma_wait3A_597] : memref<256x128xf32, #tpu.memory_space<vmem>> -> memref<64x128xf32, #tpu.memory_space<vmem>>
      %dma_wait3A_599 = arith.constant 0 : i32
      %dma_wait3A_600 = tpu.memref_slice %arg8[%dma_wait3A_595, %dma_wait3A_599] : memref<4x128xi32, #tpu.memory_space<vmem>> -> memref<1x64xi32, #tpu.memory_space<vmem>>
      %dma_wait3A_601 = tpu.memref_squeeze %dma_wait3A_600 : memref<1x64xi32, #tpu.memory_space<vmem>> -> memref<64xi32, #tpu.memory_space<vmem>>
      %dma_wait3A_602 = arith.constant 0 : i32
      %dma_wait3A_603 = arith.constant 0 : i32
      %dma_wait3A_604 = tpu.memref_slice %arg2[%dma_wait3A_602, %dma_wait3A_603] : memref<10240x128xf32, #tpu.memory_space<hbm>> -> memref<10240x128xf32, #tpu.memory_space<hbm>>
      tpu.wait_indirect_dma semaphore(%arg12 : memref<!tpu.dma_semaphore, #tpu.memory_space<semaphore_mem>>) src(%dma_wait3A_604 : memref<10240x128xf32, #tpu.memory_space<hbm>>) dst(%dma_wait3A_598 : memref<64x128xf32, #tpu.memory_space<vmem>>)
      %jit3A_605 = arith.constant 2 : i32
      %div3A_606 = arith.divsi %add3A_594, %jit3A_605 : i32
      %sign3A_607 = arith.constant 0 : i32
      %sign3A_608 = arith.cmpi sgt, %add3A_594, %sign3A_607 : i32
      %sign3A_609 = arith.extui %sign3A_608 : i1 to i32
      %sign3A_610 = arith.constant 0 : i32
      %sign3A_611 = arith.cmpi slt, %add3A_594, %sign3A_610 : i32
      %sign3A_612 = arith.extui %sign3A_611 : i1 to i32
      %sign3A_613 = arith.subi %sign3A_609, %sign3A_612 : i32
      %sign3A_614 = arith.constant 0 : i32
      %sign3A_615 = arith.cmpi sgt, %jit3A_605, %sign3A_614 : i32
      %sign3A_616 = arith.extui %sign3A_615 : i1 to i32
      %sign3A_617 = arith.constant 0 : i32
      %sign3A_618 = arith.cmpi slt, %jit3A_605, %sign3A_617 : i32
      %sign3A_619 = arith.extui %sign3A_618 : i1 to i32
      %sign3A_620 = arith.subi %sign3A_616, %sign3A_619 : i32
      %ne3A_621 = arith.cmpi ne, %sign3A_613, %sign3A_620 : i32
      %rem3A_622 = arith.remsi %add3A_594, %jit3A_605 : i32
      %ne3A_623 = arith.constant 0 : i32
      %ne3A_624 = arith.cmpi ne, %rem3A_622, %ne3A_623 : i32
      %and3A_625 = arith.andi %ne3A_621, %ne3A_624 : i1
      %sub3A_626 = arith.constant 1 : i32
      %sub3A_627 = arith.subi %div3A_606, %sub3A_626 : i32
      %select_n3A_628 = arith.select %and3A_625, %sub3A_627, %div3A_606 : i32
      %dma_start3A_629 = arith.constant 128 : i32
      %dma_start3A_630 = arith.constant 0 : i32
      %dma_start3A_631 = tpu.memref_slice %arg9[%dma_start3A_629, %dma_start3A_630] : memref<256x128xf32, #tpu.memory_space<vmem>> -> memref<64x128xf32, #tpu.memory_space<vmem>>
      %dma_start3A_632 = arith.constant 0 : i32
      %dma_start3A_633 = tpu.memref_slice %arg7[%select_n3A_628, %dma_start3A_632] : memref<80x128xi32, #tpu.memory_space<vmem>> -> memref<1x64xi32, #tpu.memory_space<vmem>>
      %dma_start3A_634 = tpu.memref_squeeze %dma_start3A_633 : memref<1x64xi32, #tpu.memory_space<vmem>> -> memref<64xi32, #tpu.memory_space<vmem>>
      %dma_start3A_635 = arith.constant 0 : i32
      %dma_start3A_636 = arith.constant 0 : i32
      %dma_start3A_637 = tpu.memref_slice %arg6[%dma_start3A_635, %dma_start3A_636] : memref<10240x128xf32, #tpu.memory_space<vmem_shared>> -> memref<10240x128xf32, #tpu.memory_space<vmem_shared>>
      tpu.enqueue_indirect_dma source(%dma_start3A_631 : memref<64x128xf32, #tpu.memory_space<vmem>>) target(%dma_start3A_637 : memref<10240x128xf32, #tpu.memory_space<vmem_shared>>) offsets(%dma_start3A_634 : memref<64xi32, #tpu.memory_space<vmem>>) semaphore(%arg16 : memref<!tpu.dma_semaphore, #tpu.memory_space<semaphore_mem>>) {add = true}
      %add3A_638 = arith.constant 3 : i32
      %add3A_639 = arith.addi %add3A_594, %add3A_638 : i32
      %lt3A_640 = arith.constant 160 : i32
      %lt3A_641 = arith.cmpi slt, %add3A_639, %lt3A_640 : i32
      %convert_element_type3A_642 = arith.extui %lt3A_641 : i1 to i32
      %cond3A_643 = arith.constant 0 : i32
      %cond3A_644 = arith.cmpi ne, %convert_element_type3A_642, %cond3A_643 : i32
      scf.if %cond3A_644 {
        %ge3A = arith.constant 1 : i32
        %ge3A_730 = arith.cmpi sge, %add3A_594, %ge3A : i32
        %convert_element_type3A_731 = arith.extui %ge3A_730 : i1 to i32
        %cond3A_732 = arith.constant 0 : i32
        %cond3A_733 = arith.cmpi ne, %convert_element_type3A_731, %cond3A_732 : i32
        scf.if %cond3A_733 {
          %dma_wait3A_744 = arith.constant 0 : i32
          %dma_wait3A_745 = arith.constant 64 : i32
          %dma_wait3A_746 = arith.constant 0 : i32
          %dma_wait3A_747 = tpu.memref_slice %arg9[%dma_wait3A_745, %dma_wait3A_746] : memref<256x128xf32, #tpu.memory_space<vmem>> -> memref<64x128xf32, #tpu.memory_space<vmem>>
          %dma_wait3A_748 = arith.constant 0 : i32
          %dma_wait3A_749 = tpu.memref_slice %arg7[%dma_wait3A_744, %dma_wait3A_748] : memref<80x128xi32, #tpu.memory_space<vmem>> -> memref<1x64xi32, #tpu.memory_space<vmem>>
          %dma_wait3A_750 = tpu.memref_squeeze %dma_wait3A_749 : memref<1x64xi32, #tpu.memory_space<vmem>> -> memref<64xi32, #tpu.memory_space<vmem>>
          %dma_wait3A_751 = arith.constant 0 : i32
          %dma_wait3A_752 = arith.constant 0 : i32
          %dma_wait3A_753 = tpu.memref_slice %arg6[%dma_wait3A_751, %dma_wait3A_752] : memref<10240x128xf32, #tpu.memory_space<vmem_shared>> -> memref<10240x128xf32, #tpu.memory_space<vmem_shared>>
          tpu.wait_indirect_dma semaphore(%arg15 : memref<!tpu.dma_semaphore, #tpu.memory_space<semaphore_mem>>) src(%dma_wait3A_747 : memref<64x128xf32, #tpu.memory_space<vmem>>) dst(%dma_wait3A_753 : memref<10240x128xf32, #tpu.memory_space<vmem_shared>>)
        } else {
        }
        %dma_start3A_734 = arith.constant 0 : i32
        %dma_start3A_735 = arith.constant 64 : i32
        %dma_start3A_736 = arith.constant 0 : i32
        %dma_start3A_737 = tpu.memref_slice %arg9[%dma_start3A_735, %dma_start3A_736] : memref<256x128xf32, #tpu.memory_space<vmem>> -> memref<64x128xf32, #tpu.memory_space<vmem>>
        %dma_start3A_738 = arith.constant 64 : i32
        %dma_start3A_739 = tpu.memref_slice %arg8[%dma_start3A_734, %dma_start3A_738] : memref<4x128xi32, #tpu.memory_space<vmem>> -> memref<1x64xi32, #tpu.memory_space<vmem>>
        %dma_start3A_740 = tpu.memref_squeeze %dma_start3A_739 : memref<1x64xi32, #tpu.memory_space<vmem>> -> memref<64xi32, #tpu.memory_space<vmem>>
        %dma_start3A_741 = arith.constant 0 : i32
        %dma_start3A_742 = arith.constant 0 : i32
        %dma_start3A_743 = tpu.memref_slice %arg2[%dma_start3A_741, %dma_start3A_742] : memref<10240x128xf32, #tpu.memory_space<hbm>> -> memref<10240x128xf32, #tpu.memory_space<hbm>>
        tpu.enqueue_indirect_dma source(%dma_start3A_743 : memref<10240x128xf32, #tpu.memory_space<hbm>>) target(%dma_start3A_737 : memref<64x128xf32, #tpu.memory_space<vmem>>) offsets(%dma_start3A_740 : memref<64xi32, #tpu.memory_space<vmem>>) semaphore(%arg11 : memref<!tpu.dma_semaphore, #tpu.memory_space<semaphore_mem>>)
      } else {
      }
      %mul3A_645 = arith.constant 8 : i32
      %mul3A_646 = arith.muli %mul3A_645, %add3A_184 : i32
      %add3A_647 = arith.constant 7 : i32
      %add3A_648 = arith.addi %mul3A_646, %add3A_647 : i32
      %dma_wait3A_649 = arith.constant 0 : i32
      %dma_wait3A_650 = arith.constant 192 : i32
      %dma_wait3A_651 = arith.constant 0 : i32
      %dma_wait3A_652 = tpu.memref_slice %arg9[%dma_wait3A_650, %dma_wait3A_651] : memref<256x128xf32, #tpu.memory_space<vmem>> -> memref<64x128xf32, #tpu.memory_space<vmem>>
      %dma_wait3A_653 = arith.constant 0 : i32
      %dma_wait3A_654 = tpu.memref_slice %arg8[%dma_wait3A_649, %dma_wait3A_653] : memref<4x128xi32, #tpu.memory_space<vmem>> -> memref<1x64xi32, #tpu.memory_space<vmem>>
      %dma_wait3A_655 = tpu.memref_squeeze %dma_wait3A_654 : memref<1x64xi32, #tpu.memory_space<vmem>> -> memref<64xi32, #tpu.memory_space<vmem>>
      %dma_wait3A_656 = arith.constant 0 : i32
      %dma_wait3A_657 = arith.constant 0 : i32
      %dma_wait3A_658 = tpu.memref_slice %arg2[%dma_wait3A_656, %dma_wait3A_657] : memref<10240x128xf32, #tpu.memory_space<hbm>> -> memref<10240x128xf32, #tpu.memory_space<hbm>>
      tpu.wait_indirect_dma semaphore(%arg13 : memref<!tpu.dma_semaphore, #tpu.memory_space<semaphore_mem>>) src(%dma_wait3A_658 : memref<10240x128xf32, #tpu.memory_space<hbm>>) dst(%dma_wait3A_652 : memref<64x128xf32, #tpu.memory_space<vmem>>)
      %jit3A_659 = arith.constant 2 : i32
      %div3A_660 = arith.divsi %add3A_648, %jit3A_659 : i32
      %sign3A_661 = arith.constant 0 : i32
      %sign3A_662 = arith.cmpi sgt, %add3A_648, %sign3A_661 : i32
      %sign3A_663 = arith.extui %sign3A_662 : i1 to i32
      %sign3A_664 = arith.constant 0 : i32
      %sign3A_665 = arith.cmpi slt, %add3A_648, %sign3A_664 : i32
      %sign3A_666 = arith.extui %sign3A_665 : i1 to i32
      %sign3A_667 = arith.subi %sign3A_663, %sign3A_666 : i32
      %sign3A_668 = arith.constant 0 : i32
      %sign3A_669 = arith.cmpi sgt, %jit3A_659, %sign3A_668 : i32
      %sign3A_670 = arith.extui %sign3A_669 : i1 to i32
      %sign3A_671 = arith.constant 0 : i32
      %sign3A_672 = arith.cmpi slt, %jit3A_659, %sign3A_671 : i32
      %sign3A_673 = arith.extui %sign3A_672 : i1 to i32
      %sign3A_674 = arith.subi %sign3A_670, %sign3A_673 : i32
      %ne3A_675 = arith.cmpi ne, %sign3A_667, %sign3A_674 : i32
      %rem3A_676 = arith.remsi %add3A_648, %jit3A_659 : i32
      %ne3A_677 = arith.constant 0 : i32
      %ne3A_678 = arith.cmpi ne, %rem3A_676, %ne3A_677 : i32
      %and3A_679 = arith.andi %ne3A_675, %ne3A_678 : i1
      %sub3A_680 = arith.constant 1 : i32
      %sub3A_681 = arith.subi %div3A_660, %sub3A_680 : i32
      %select_n3A_682 = arith.select %and3A_679, %sub3A_681, %div3A_660 : i32
      %dma_start3A_683 = arith.constant 192 : i32
      %dma_start3A_684 = arith.constant 0 : i32
      %dma_start3A_685 = tpu.memref_slice %arg9[%dma_start3A_683, %dma_start3A_684] : memref<256x128xf32, #tpu.memory_space<vmem>> -> memref<64x128xf32, #tpu.memory_space<vmem>>
      %dma_start3A_686 = arith.constant 64 : i32
      %dma_start3A_687 = tpu.memref_slice %arg7[%select_n3A_682, %dma_start3A_686] : memref<80x128xi32, #tpu.memory_space<vmem>> -> memref<1x64xi32, #tpu.memory_space<vmem>>
      %dma_start3A_688 = tpu.memref_squeeze %dma_start3A_687 : memref<1x64xi32, #tpu.memory_space<vmem>> -> memref<64xi32, #tpu.memory_space<vmem>>
      %dma_start3A_689 = arith.constant 0 : i32
      %dma_start3A_690 = arith.constant 0 : i32
      %dma_start3A_691 = tpu.memref_slice %arg6[%dma_start3A_689, %dma_start3A_690] : memref<10240x128xf32, #tpu.memory_space<vmem_shared>> -> memref<10240x128xf32, #tpu.memory_space<vmem_shared>>
      tpu.enqueue_indirect_dma source(%dma_start3A_685 : memref<64x128xf32, #tpu.memory_space<vmem>>) target(%dma_start3A_691 : memref<10240x128xf32, #tpu.memory_space<vmem_shared>>) offsets(%dma_start3A_688 : memref<64xi32, #tpu.memory_space<vmem>>) semaphore(%arg17 : memref<!tpu.dma_semaphore, #tpu.memory_space<semaphore_mem>>) {add = true}
      %jit3A_692 = arith.constant 2 : i32
      %div3A_693 = arith.divsi %add3A_648, %jit3A_692 : i32
      %sign3A_694 = arith.constant 0 : i32
      %sign3A_695 = arith.cmpi sgt, %add3A_648, %sign3A_694 : i32
      %sign3A_696 = arith.extui %sign3A_695 : i1 to i32
      %sign3A_697 = arith.constant 0 : i32
      %sign3A_698 = arith.cmpi slt, %add3A_648, %sign3A_697 : i32
      %sign3A_699 = arith.extui %sign3A_698 : i1 to i32
      %sign3A_700 = arith.subi %sign3A_696, %sign3A_699 : i32
      %sign3A_701 = arith.constant 0 : i32
      %sign3A_702 = arith.cmpi sgt, %jit3A_692, %sign3A_701 : i32
      %sign3A_703 = arith.extui %sign3A_702 : i1 to i32
      %sign3A_704 = arith.constant 0 : i32
      %sign3A_705 = arith.cmpi slt, %jit3A_692, %sign3A_704 : i32
      %sign3A_706 = arith.extui %sign3A_705 : i1 to i32
      %sign3A_707 = arith.subi %sign3A_703, %sign3A_706 : i32
      %ne3A_708 = arith.cmpi ne, %sign3A_700, %sign3A_707 : i32
      %rem3A_709 = arith.remsi %add3A_648, %jit3A_692 : i32
      %ne3A_710 = arith.constant 0 : i32
      %ne3A_711 = arith.cmpi ne, %rem3A_709, %ne3A_710 : i32
      %and3A_712 = arith.andi %ne3A_708, %ne3A_711 : i1
      %sub3A_713 = arith.constant 1 : i32
      %sub3A_714 = arith.subi %div3A_693, %sub3A_713 : i32
      %select_n3A_715 = arith.select %and3A_712, %sub3A_714, %div3A_693 : i32
      %add3A_716 = arith.constant 4 : i32
      %add3A_717 = arith.addi %select_n3A_715, %add3A_716 : i32
      %lt3A_718 = arith.constant 80 : i32
      %lt3A_719 = arith.cmpi slt, %add3A_717, %lt3A_718 : i32
      %convert_element_type3A_720 = arith.extui %lt3A_719 : i1 to i32
      %cond3A_721 = arith.constant 0 : i32
      %cond3A_722 = arith.cmpi ne, %convert_element_type3A_720, %cond3A_721 : i32
      scf.if %cond3A_722 {
        %jit3A_730 = arith.constant 2 : i32
        %div3A_731 = arith.divsi %add3A_648, %jit3A_730 : i32
        %sign3A_732 = arith.constant 0 : i32
        %sign3A_733 = arith.cmpi sgt, %add3A_648, %sign3A_732 : i32
        %sign3A_734 = arith.extui %sign3A_733 : i1 to i32
        %sign3A_735 = arith.constant 0 : i32
        %sign3A_736 = arith.cmpi slt, %add3A_648, %sign3A_735 : i32
        %sign3A_737 = arith.extui %sign3A_736 : i1 to i32
        %sign3A_738 = arith.subi %sign3A_734, %sign3A_737 : i32
        %sign3A_739 = arith.constant 0 : i32
        %sign3A_740 = arith.cmpi sgt, %jit3A_730, %sign3A_739 : i32
        %sign3A_741 = arith.extui %sign3A_740 : i1 to i32
        %sign3A_742 = arith.constant 0 : i32
        %sign3A_743 = arith.cmpi slt, %jit3A_730, %sign3A_742 : i32
        %sign3A_744 = arith.extui %sign3A_743 : i1 to i32
        %sign3A_745 = arith.subi %sign3A_741, %sign3A_744 : i32
        %ne3A_746 = arith.cmpi ne, %sign3A_738, %sign3A_745 : i32
        %rem3A_747 = arith.remsi %add3A_648, %jit3A_730 : i32
        %ne3A_748 = arith.constant 0 : i32
        %ne3A_749 = arith.cmpi ne, %rem3A_747, %ne3A_748 : i32
        %and3A_750 = arith.andi %ne3A_746, %ne3A_749 : i1
        %sub3A_751 = arith.constant 1 : i32
        %sub3A_752 = arith.subi %div3A_731, %sub3A_751 : i32
        %select_n3A_753 = arith.select %and3A_750, %sub3A_752, %div3A_731 : i32
        %add3A_754 = arith.constant 4 : i32
        %add3A_755 = arith.addi %select_n3A_753, %add3A_754 : i32
        %add3A_756 = arith.addi %mul3A_2, %add3A_755 : i32
        %dma_start3A_757 = arith.constant 3 : i32
        %dma_start3A_758 = arith.constant 0 : i32
        %dma_start3A_759 = tpu.memref_slice %arg8[%dma_start3A_757, %dma_start3A_758] : memref<4x128xi32, #tpu.memory_space<vmem>> -> memref<1x128xi32, #tpu.memory_space<vmem>>
        %dma_start3A_760 = arith.constant 0 : i32
        %dma_start3A_761 = tpu.memref_slice %arg3[%add3A_756, %dma_start3A_760] : memref<2560x128xi32, #tpu.memory_space<hbm>> -> memref<1x128xi32, #tpu.memory_space<hbm>>
        %dma_start3A_762 = arith.constant 3 : i32
        %dma_start3A_763 = arith.constant 0 : i32
        %dma_start3A_764 = tpu.memref_slice %arg8[%dma_start3A_762, %dma_start3A_763] : memref<4x128xi32, #tpu.memory_space<vmem>> -> memref<1x128xi32, #tpu.memory_space<vmem>>
        %dma_start3A_765 = arith.constant 0 : i32
        %dma_start3A_766 = tpu.memref_slice %arg3[%add3A_756, %dma_start3A_765] : memref<2560x128xi32, #tpu.memory_space<hbm>> -> memref<1x128xi32, #tpu.memory_space<hbm>>
        tpu.enqueue_dma source(%dma_start3A_766 : memref<1x128xi32, #tpu.memory_space<hbm>>) target(%dma_start3A_764 : memref<1x128xi32, #tpu.memory_space<vmem>>) target_semaphore(%arg21 : memref<!tpu.dma_semaphore, #tpu.memory_space<semaphore_mem>>)
      } else {
      }
      %add3A_723 = arith.constant 3 : i32
      %add3A_724 = arith.addi %add3A_648, %add3A_723 : i32
      %lt3A_725 = arith.constant 160 : i32
      %lt3A_726 = arith.cmpi slt, %add3A_724, %lt3A_725 : i32
      %convert_element_type3A_727 = arith.extui %lt3A_726 : i1 to i32
      %cond3A_728 = arith.constant 0 : i32
      %cond3A_729 = arith.cmpi ne, %convert_element_type3A_727, %cond3A_728 : i32
      scf.if %cond3A_729 {
        %ge3A = arith.constant 1 : i32
        %ge3A_730 = arith.cmpi sge, %add3A_648, %ge3A : i32
        %convert_element_type3A_731 = arith.extui %ge3A_730 : i1 to i32
        %cond3A_732 = arith.constant 0 : i32
        %cond3A_733 = arith.cmpi ne, %convert_element_type3A_731, %cond3A_732 : i32
        scf.if %cond3A_733 {
          %dma_wait3A_754 = arith.constant 0 : i32
          %dma_wait3A_755 = arith.constant 128 : i32
          %dma_wait3A_756 = arith.constant 0 : i32
          %dma_wait3A_757 = tpu.memref_slice %arg9[%dma_wait3A_755, %dma_wait3A_756] : memref<256x128xf32, #tpu.memory_space<vmem>> -> memref<64x128xf32, #tpu.memory_space<vmem>>
          %dma_wait3A_758 = arith.constant 0 : i32
          %dma_wait3A_759 = tpu.memref_slice %arg7[%dma_wait3A_754, %dma_wait3A_758] : memref<80x128xi32, #tpu.memory_space<vmem>> -> memref<1x64xi32, #tpu.memory_space<vmem>>
          %dma_wait3A_760 = tpu.memref_squeeze %dma_wait3A_759 : memref<1x64xi32, #tpu.memory_space<vmem>> -> memref<64xi32, #tpu.memory_space<vmem>>
          %dma_wait3A_761 = arith.constant 0 : i32
          %dma_wait3A_762 = arith.constant 0 : i32
          %dma_wait3A_763 = tpu.memref_slice %arg6[%dma_wait3A_761, %dma_wait3A_762] : memref<10240x128xf32, #tpu.memory_space<vmem_shared>> -> memref<10240x128xf32, #tpu.memory_space<vmem_shared>>
          tpu.wait_indirect_dma semaphore(%arg16 : memref<!tpu.dma_semaphore, #tpu.memory_space<semaphore_mem>>) src(%dma_wait3A_757 : memref<64x128xf32, #tpu.memory_space<vmem>>) dst(%dma_wait3A_763 : memref<10240x128xf32, #tpu.memory_space<vmem_shared>>)
        } else {
        }
        %dma_wait3A_734 = arith.constant 1 : i32
        %dma_wait3A_735 = arith.constant 0 : i32
        %dma_wait3A_736 = tpu.memref_slice %arg8[%dma_wait3A_734, %dma_wait3A_735] : memref<4x128xi32, #tpu.memory_space<vmem>> -> memref<1x128xi32, #tpu.memory_space<vmem>>
        %dma_wait3A_737 = arith.constant 0 : i32
        %dma_wait3A_738 = tpu.memref_slice %arg3[%mul3A_2, %dma_wait3A_737] : memref<2560x128xi32, #tpu.memory_space<hbm>> -> memref<1x128xi32, #tpu.memory_space<hbm>>
        %dma_wait3A_739 = arith.constant 1 : i32
        %dma_wait3A_740 = arith.constant 0 : i32
        %dma_wait3A_741 = tpu.memref_slice %arg8[%dma_wait3A_739, %dma_wait3A_740] : memref<4x128xi32, #tpu.memory_space<vmem>> -> memref<1x128xi32, #tpu.memory_space<vmem>>
        %dma_wait3A_742 = arith.constant 0 : i32
        %dma_wait3A_743 = tpu.memref_slice %arg3[%mul3A_2, %dma_wait3A_742] : memref<2560x128xi32, #tpu.memory_space<hbm>> -> memref<1x128xi32, #tpu.memory_space<hbm>>
        tpu.wait_dma2 semaphore(%arg19 : memref<!tpu.dma_semaphore, #tpu.memory_space<semaphore_mem>>) src(%dma_wait3A_743 : memref<1x128xi32, #tpu.memory_space<hbm>>) dst(%dma_wait3A_741 : memref<1x128xi32, #tpu.memory_space<vmem>>)
        %dma_start3A_744 = arith.constant 1 : i32
        %dma_start3A_745 = arith.constant 128 : i32
        %dma_start3A_746 = arith.constant 0 : i32
        %dma_start3A_747 = tpu.memref_slice %arg9[%dma_start3A_745, %dma_start3A_746] : memref<256x128xf32, #tpu.memory_space<vmem>> -> memref<64x128xf32, #tpu.memory_space<vmem>>
        %dma_start3A_748 = arith.constant 0 : i32
        %dma_start3A_749 = tpu.memref_slice %arg8[%dma_start3A_744, %dma_start3A_748] : memref<4x128xi32, #tpu.memory_space<vmem>> -> memref<1x64xi32, #tpu.memory_space<vmem>>
        %dma_start3A_750 = tpu.memref_squeeze %dma_start3A_749 : memref<1x64xi32, #tpu.memory_space<vmem>> -> memref<64xi32, #tpu.memory_space<vmem>>
        %dma_start3A_751 = arith.constant 0 : i32
        %dma_start3A_752 = arith.constant 0 : i32
        %dma_start3A_753 = tpu.memref_slice %arg2[%dma_start3A_751, %dma_start3A_752] : memref<10240x128xf32, #tpu.memory_space<hbm>> -> memref<10240x128xf32, #tpu.memory_space<hbm>>
        tpu.enqueue_indirect_dma source(%dma_start3A_753 : memref<10240x128xf32, #tpu.memory_space<hbm>>) target(%dma_start3A_747 : memref<64x128xf32, #tpu.memory_space<vmem>>) offsets(%dma_start3A_750 : memref<64xi32, #tpu.memory_space<vmem>>) semaphore(%arg12 : memref<!tpu.dma_semaphore, #tpu.memory_space<semaphore_mem>>)
      } else {
      }
    }
    %scan3A_138 = arith.constant 20 : i32
    %dma_wait3A_139 = arith.constant 0 : i32
    %dma_wait3A_140 = arith.constant 0 : i32
    %dma_wait3A_141 = arith.constant 0 : i32
    %dma_wait3A_142 = tpu.memref_slice %arg9[%dma_wait3A_140, %dma_wait3A_141] : memref<256x128xf32, #tpu.memory_space<vmem>> -> memref<64x128xf32, #tpu.memory_space<vmem>>
    %dma_wait3A_143 = arith.constant 0 : i32
    %dma_wait3A_144 = tpu.memref_slice %arg7[%dma_wait3A_139, %dma_wait3A_143] : memref<80x128xi32, #tpu.memory_space<vmem>> -> memref<1x64xi32, #tpu.memory_space<vmem>>
    %dma_wait3A_145 = tpu.memref_squeeze %dma_wait3A_144 : memref<1x64xi32, #tpu.memory_space<vmem>> -> memref<64xi32, #tpu.memory_space<vmem>>
    %dma_wait3A_146 = arith.constant 0 : i32
    %dma_wait3A_147 = arith.constant 0 : i32
    %dma_wait3A_148 = tpu.memref_slice %arg6[%dma_wait3A_146, %dma_wait3A_147] : memref<10240x128xf32, #tpu.memory_space<vmem_shared>> -> memref<10240x128xf32, #tpu.memory_space<vmem_shared>>
    tpu.wait_indirect_dma semaphore(%arg14 : memref<!tpu.dma_semaphore, #tpu.memory_space<semaphore_mem>>) src(%dma_wait3A_142 : memref<64x128xf32, #tpu.memory_space<vmem>>) dst(%dma_wait3A_148 : memref<10240x128xf32, #tpu.memory_space<vmem_shared>>)
    %dma_wait3A_149 = arith.constant 0 : i32
    %dma_wait3A_150 = arith.constant 64 : i32
    %dma_wait3A_151 = arith.constant 0 : i32
    %dma_wait3A_152 = tpu.memref_slice %arg9[%dma_wait3A_150, %dma_wait3A_151] : memref<256x128xf32, #tpu.memory_space<vmem>> -> memref<64x128xf32, #tpu.memory_space<vmem>>
    %dma_wait3A_153 = arith.constant 0 : i32
    %dma_wait3A_154 = tpu.memref_slice %arg7[%dma_wait3A_149, %dma_wait3A_153] : memref<80x128xi32, #tpu.memory_space<vmem>> -> memref<1x64xi32, #tpu.memory_space<vmem>>
    %dma_wait3A_155 = tpu.memref_squeeze %dma_wait3A_154 : memref<1x64xi32, #tpu.memory_space<vmem>> -> memref<64xi32, #tpu.memory_space<vmem>>
    %dma_wait3A_156 = arith.constant 0 : i32
    %dma_wait3A_157 = arith.constant 0 : i32
    %dma_wait3A_158 = tpu.memref_slice %arg6[%dma_wait3A_156, %dma_wait3A_157] : memref<10240x128xf32, #tpu.memory_space<vmem_shared>> -> memref<10240x128xf32, #tpu.memory_space<vmem_shared>>
    tpu.wait_indirect_dma semaphore(%arg15 : memref<!tpu.dma_semaphore, #tpu.memory_space<semaphore_mem>>) src(%dma_wait3A_152 : memref<64x128xf32, #tpu.memory_space<vmem>>) dst(%dma_wait3A_158 : memref<10240x128xf32, #tpu.memory_space<vmem_shared>>)
    %dma_wait3A_159 = arith.constant 0 : i32
    %dma_wait3A_160 = arith.constant 128 : i32
    %dma_wait3A_161 = arith.constant 0 : i32
    %dma_wait3A_162 = tpu.memref_slice %arg9[%dma_wait3A_160, %dma_wait3A_161] : memref<256x128xf32, #tpu.memory_space<vmem>> -> memref<64x128xf32, #tpu.memory_space<vmem>>
    %dma_wait3A_163 = arith.constant 0 : i32
    %dma_wait3A_164 = tpu.memref_slice %arg7[%dma_wait3A_159, %dma_wait3A_163] : memref<80x128xi32, #tpu.memory_space<vmem>> -> memref<1x64xi32, #tpu.memory_space<vmem>>
    %dma_wait3A_165 = tpu.memref_squeeze %dma_wait3A_164 : memref<1x64xi32, #tpu.memory_space<vmem>> -> memref<64xi32, #tpu.memory_space<vmem>>
    %dma_wait3A_166 = arith.constant 0 : i32
    %dma_wait3A_167 = arith.constant 0 : i32
    %dma_wait3A_168 = tpu.memref_slice %arg6[%dma_wait3A_166, %dma_wait3A_167] : memref<10240x128xf32, #tpu.memory_space<vmem_shared>> -> memref<10240x128xf32, #tpu.memory_space<vmem_shared>>
    tpu.wait_indirect_dma semaphore(%arg16 : memref<!tpu.dma_semaphore, #tpu.memory_space<semaphore_mem>>) src(%dma_wait3A_162 : memref<64x128xf32, #tpu.memory_space<vmem>>) dst(%dma_wait3A_168 : memref<10240x128xf32, #tpu.memory_space<vmem_shared>>)
    %dma_wait3A_169 = arith.constant 0 : i32
    %dma_wait3A_170 = arith.constant 192 : i32
    %dma_wait3A_171 = arith.constant 0 : i32
    %dma_wait3A_172 = tpu.memref_slice %arg9[%dma_wait3A_170, %dma_wait3A_171] : memref<256x128xf32, #tpu.memory_space<vmem>> -> memref<64x128xf32, #tpu.memory_space<vmem>>
    %dma_wait3A_173 = arith.constant 0 : i32
    %dma_wait3A_174 = tpu.memref_slice %arg7[%dma_wait3A_169, %dma_wait3A_173] : memref<80x128xi32, #tpu.memory_space<vmem>> -> memref<1x64xi32, #tpu.memory_space<vmem>>
    %dma_wait3A_175 = tpu.memref_squeeze %dma_wait3A_174 : memref<1x64xi32, #tpu.memory_space<vmem>> -> memref<64xi32, #tpu.memory_space<vmem>>
    %dma_wait3A_176 = arith.constant 0 : i32
    %dma_wait3A_177 = arith.constant 0 : i32
    %dma_wait3A_178 = tpu.memref_slice %arg6[%dma_wait3A_176, %dma_wait3A_177] : memref<10240x128xf32, #tpu.memory_space<vmem_shared>> -> memref<10240x128xf32, #tpu.memory_space<vmem_shared>>
    tpu.wait_indirect_dma semaphore(%arg17 : memref<!tpu.dma_semaphore, #tpu.memory_space<semaphore_mem>>) src(%dma_wait3A_172 : memref<64x128xf32, #tpu.memory_space<vmem>>) dst(%dma_wait3A_178 : memref<10240x128xf32, #tpu.memory_space<vmem_shared>>)
    %barrier3A_179 = arith.constant 0 : index
    tpu.barrier barrier_id(%barrier3A_179)
    "tpu.region"() ({
      %run_scoped3A = tpu.sem_alloc : memref<!tpu.dma_semaphore, #tpu.memory_space<semaphore_mem>>
      %dma_start3A_180 = arith.constant 0 : i32
      %dma_start3A_181 = tpu.memref_slice %arg5[%arg0, %mul3A_4, %dma_start3A_180] : memref<2x10240x128xf32, #tpu.memory_space<hbm>> -> memref<1x640x128xf32, #tpu.memory_space<hbm>>
      %dma_start3A_182 = tpu.memref_squeeze %dma_start3A_181 : memref<1x640x128xf32, #tpu.memory_space<hbm>> -> memref<640x128xf32, #tpu.memory_space<hbm>>
      %dma_start3A_183 = arith.constant 0 : i32
      %dma_start3A_184 = tpu.memref_slice %arg6[%mul3A_4, %dma_start3A_183] : memref<10240x128xf32, #tpu.memory_space<vmem_shared>> -> memref<640x128xf32, #tpu.memory_space<vmem_shared>>
      tpu.enqueue_dma source(%dma_start3A_184 : memref<640x128xf32, #tpu.memory_space<vmem_shared>>) target(%dma_start3A_182 : memref<640x128xf32, #tpu.memory_space<hbm>>) target_semaphore(%run_scoped3A : memref<!tpu.dma_semaphore, #tpu.memory_space<semaphore_mem>>)
      %dma_wait3A_185 = arith.constant 0 : i32
      %dma_wait3A_186 = tpu.memref_slice %arg5[%arg0, %mul3A_4, %dma_wait3A_185] : memref<2x10240x128xf32, #tpu.memory_space<hbm>> -> memref<1x640x128xf32, #tpu.memory_space<hbm>>
      %dma_wait3A_187 = tpu.memref_squeeze %dma_wait3A_186 : memref<1x640x128xf32, #tpu.memory_space<hbm>> -> memref<640x128xf32, #tpu.memory_space<hbm>>
      %dma_wait3A_188 = arith.constant 0 : i32
      %dma_wait3A_189 = tpu.memref_slice %arg6[%mul3A_4, %dma_wait3A_188] : memref<10240x128xf32, #tpu.memory_space<vmem_shared>> -> memref<640x128xf32, #tpu.memory_space<vmem_shared>>
      tpu.wait_dma2 semaphore(%run_scoped3A : memref<!tpu.dma_semaphore, #tpu.memory_space<semaphore_mem>>) src(%dma_wait3A_189 : memref<640x128xf32, #tpu.memory_space<vmem_shared>>) dst(%dma_wait3A_187 : memref<640x128xf32, #tpu.memory_space<hbm>>)
      tpu.yield
    }) : () -> ()
    return
  }
}

#map = affine_map<(d0, d1) -> (0, 0)>
#map1 = affine_map<(d0, d1) -> (0, 0, 0)>
module attributes {stable_mosaic.version = 14 : i64} {
  func.func @agg(%arg0: i32, %arg1: i32, %arg2: memref<10240x128xf32, #tpu.memory_space<hbm>>, %arg3: memref<2560x128xi32, #tpu.memory_space<hbm>>, %arg4: memref<2560x128xi32, #tpu.memory_space<hbm>>, %arg5: memref<2x10240x128xf32, #tpu.memory_space<hbm>>, %arg6: memref<10240x128xf32, #tpu.memory_space<vmem_shared>>, %arg7: memref<80x128xi32, #tpu.memory_space<vmem>>, %arg8: memref<4x128xi32, #tpu.memory_space<vmem>>, %arg9: memref<256x128xf32, #tpu.memory_space<vmem>>, %arg10: memref<!tpu.dma_semaphore, #tpu.memory_space<semaphore_mem>>, %arg11: memref<!tpu.dma_semaphore, #tpu.memory_space<semaphore_mem>>, %arg12: memref<!tpu.dma_semaphore, #tpu.memory_space<semaphore_mem>>, %arg13: memref<!tpu.dma_semaphore, #tpu.memory_space<semaphore_mem>>, %arg14: memref<!tpu.dma_semaphore, #tpu.memory_space<semaphore_mem>>, %arg15: memref<!tpu.dma_semaphore, #tpu.memory_space<semaphore_mem>>, %arg16: memref<!tpu.dma_semaphore, #tpu.memory_space<semaphore_mem>>, %arg17: memref<!tpu.dma_semaphore, #tpu.memory_space<semaphore_mem>>, %arg18: memref<!tpu.dma_semaphore, #tpu.memory_space<semaphore_mem>>, %arg19: memref<!tpu.dma_semaphore, #tpu.memory_space<semaphore_mem>>, %arg20: memref<!tpu.dma_semaphore, #tpu.memory_space<semaphore_mem>>, %arg21: memref<!tpu.dma_semaphore, #tpu.memory_space<semaphore_mem>>, %arg22: memref<!tpu.dma_semaphore, #tpu.memory_space<semaphore_mem>>) attributes {dimension_semantics = [#tpu.dimension_semantics<core_parallel>, #tpu.dimension_semantics<subcore_parallel>], iteration_bounds = array<i64: 2, 16>, scalar_prefetch = 0 : i64, scratch_operands = 17 : i64, tpu.core_type = #tpu.core_type<sc_vector_subcore>, window_params = [{transform_indices = #map}, {transform_indices = #map}, {transform_indices = #map}, {transform_indices = #map1}]} {
    %mul3A = arith.constant 16 : i32
    %mul3A_0 = arith.muli %arg0, %mul3A : i32
    %add3A = arith.addi %mul3A_0, %arg1 : i32
    %mul3A_1 = arith.constant 80 : i32
    %mul3A_2 = arith.muli %add3A, %mul3A_1 : i32
    %mul3A_3 = arith.constant 640 : i32
    %mul3A_4 = arith.muli %arg1, %mul3A_3 : i32
    %dma_start3A = arith.constant 0 : i32
    %dma_start3A_5 = tpu.memref_slice %arg4[%mul3A_2, %dma_start3A] : memref<2560x128xi32, #tpu.memory_space<hbm>> -> memref<80x128xi32, #tpu.memory_space<hbm>>
    %dma_start3A_6 = arith.constant 0 : i32
    %dma_start3A_7 = tpu.memref_slice %arg4[%mul3A_2, %dma_start3A_6] : memref<2560x128xi32, #tpu.memory_space<hbm>> -> memref<80x128xi32, #tpu.memory_space<hbm>>
    tpu.enqueue_dma source(%dma_start3A_7 : memref<80x128xi32, #tpu.memory_space<hbm>>) target(%arg7 : memref<80x128xi32, #tpu.memory_space<vmem>>) target_semaphore(%arg22 : memref<!tpu.dma_semaphore, #tpu.memory_space<semaphore_mem>>)
    %add3A_8 = arith.constant 0 : i32
    %add3A_9 = arith.addi %mul3A_2, %add3A_8 : i32
    %dma_start3A_10 = arith.constant 0 : i32
    %dma_start3A_11 = arith.constant 0 : i32
    %dma_start3A_12 = tpu.memref_slice %arg8[%dma_start3A_10, %dma_start3A_11] : memref<4x128xi32, #tpu.memory_space<vmem>> -> memref<1x128xi32, #tpu.memory_space<vmem>>
    %dma_start3A_13 = arith.constant 0 : i32
    %dma_start3A_14 = tpu.memref_slice %arg3[%add3A_9, %dma_start3A_13] : memref<2560x128xi32, #tpu.memory_space<hbm>> -> memref<1x128xi32, #tpu.memory_space<hbm>>
    %dma_start3A_15 = arith.constant 0 : i32
    %dma_start3A_16 = arith.constant 0 : i32
    %dma_start3A_17 = tpu.memref_slice %arg8[%dma_start3A_15, %dma_start3A_16] : memref<4x128xi32, #tpu.memory_space<vmem>> -> memref<1x128xi32, #tpu.memory_space<vmem>>
    %dma_start3A_18 = arith.constant 0 : i32
    %dma_start3A_19 = tpu.memref_slice %arg3[%add3A_9, %dma_start3A_18] : memref<2560x128xi32, #tpu.memory_space<hbm>> -> memref<1x128xi32, #tpu.memory_space<hbm>>
    tpu.enqueue_dma source(%dma_start3A_19 : memref<1x128xi32, #tpu.memory_space<hbm>>) target(%dma_start3A_17 : memref<1x128xi32, #tpu.memory_space<vmem>>) target_semaphore(%arg18 : memref<!tpu.dma_semaphore, #tpu.memory_space<semaphore_mem>>)
    %add3A_20 = arith.constant 1 : i32
    %add3A_21 = arith.addi %mul3A_2, %add3A_20 : i32
    %dma_start3A_22 = arith.constant 1 : i32
    %dma_start3A_23 = arith.constant 0 : i32
    %dma_start3A_24 = tpu.memref_slice %arg8[%dma_start3A_22, %dma_start3A_23] : memref<4x128xi32, #tpu.memory_space<vmem>> -> memref<1x128xi32, #tpu.memory_space<vmem>>
    %dma_start3A_25 = arith.constant 0 : i32
    %dma_start3A_26 = tpu.memref_slice %arg3[%add3A_21, %dma_start3A_25] : memref<2560x128xi32, #tpu.memory_space<hbm>> -> memref<1x128xi32, #tpu.memory_space<hbm>>
    %dma_start3A_27 = arith.constant 1 : i32
    %dma_start3A_28 = arith.constant 0 : i32
    %dma_start3A_29 = tpu.memref_slice %arg8[%dma_start3A_27, %dma_start3A_28] : memref<4x128xi32, #tpu.memory_space<vmem>> -> memref<1x128xi32, #tpu.memory_space<vmem>>
    %dma_start3A_30 = arith.constant 0 : i32
    %dma_start3A_31 = tpu.memref_slice %arg3[%add3A_21, %dma_start3A_30] : memref<2560x128xi32, #tpu.memory_space<hbm>> -> memref<1x128xi32, #tpu.memory_space<hbm>>
    tpu.enqueue_dma source(%dma_start3A_31 : memref<1x128xi32, #tpu.memory_space<hbm>>) target(%dma_start3A_29 : memref<1x128xi32, #tpu.memory_space<vmem>>) target_semaphore(%arg19 : memref<!tpu.dma_semaphore, #tpu.memory_space<semaphore_mem>>)
    %add3A_32 = arith.constant 2 : i32
    %add3A_33 = arith.addi %mul3A_2, %add3A_32 : i32
    %dma_start3A_34 = arith.constant 2 : i32
    %dma_start3A_35 = arith.constant 0 : i32
    %dma_start3A_36 = tpu.memref_slice %arg8[%dma_start3A_34, %dma_start3A_35] : memref<4x128xi32, #tpu.memory_space<vmem>> -> memref<1x128xi32, #tpu.memory_space<vmem>>
    %dma_start3A_37 = arith.constant 0 : i32
    %dma_start3A_38 = tpu.memref_slice %arg3[%add3A_33, %dma_start3A_37] : memref<2560x128xi32, #tpu.memory_space<hbm>> -> memref<1x128xi32, #tpu.memory_space<hbm>>
    %dma_start3A_39 = arith.constant 2 : i32
    %dma_start3A_40 = arith.constant 0 : i32
    %dma_start3A_41 = tpu.memref_slice %arg8[%dma_start3A_39, %dma_start3A_40] : memref<4x128xi32, #tpu.memory_space<vmem>> -> memref<1x128xi32, #tpu.memory_space<vmem>>
    %dma_start3A_42 = arith.constant 0 : i32
    %dma_start3A_43 = tpu.memref_slice %arg3[%add3A_33, %dma_start3A_42] : memref<2560x128xi32, #tpu.memory_space<hbm>> -> memref<1x128xi32, #tpu.memory_space<hbm>>
    tpu.enqueue_dma source(%dma_start3A_43 : memref<1x128xi32, #tpu.memory_space<hbm>>) target(%dma_start3A_41 : memref<1x128xi32, #tpu.memory_space<vmem>>) target_semaphore(%arg20 : memref<!tpu.dma_semaphore, #tpu.memory_space<semaphore_mem>>)
    %add3A_44 = arith.constant 3 : i32
    %add3A_45 = arith.addi %mul3A_2, %add3A_44 : i32
    %dma_start3A_46 = arith.constant 3 : i32
    %dma_start3A_47 = arith.constant 0 : i32
    %dma_start3A_48 = tpu.memref_slice %arg8[%dma_start3A_46, %dma_start3A_47] : memref<4x128xi32, #tpu.memory_space<vmem>> -> memref<1x128xi32, #tpu.memory_space<vmem>>
    %dma_start3A_49 = arith.constant 0 : i32
    %dma_start3A_50 = tpu.memref_slice %arg3[%add3A_45, %dma_start3A_49] : memref<2560x128xi32, #tpu.memory_space<hbm>> -> memref<1x128xi32, #tpu.memory_space<hbm>>
    %dma_start3A_51 = arith.constant 3 : i32
    %dma_start3A_52 = arith.constant 0 : i32
    %dma_start3A_53 = tpu.memref_slice %arg8[%dma_start3A_51, %dma_start3A_52] : memref<4x128xi32, #tpu.memory_space<vmem>> -> memref<1x128xi32, #tpu.memory_space<vmem>>
    %dma_start3A_54 = arith.constant 0 : i32
    %dma_start3A_55 = tpu.memref_slice %arg3[%add3A_45, %dma_start3A_54] : memref<2560x128xi32, #tpu.memory_space<hbm>> -> memref<1x128xi32, #tpu.memory_space<hbm>>
    tpu.enqueue_dma source(%dma_start3A_55 : memref<1x128xi32, #tpu.memory_space<hbm>>) target(%dma_start3A_53 : memref<1x128xi32, #tpu.memory_space<vmem>>) target_semaphore(%arg21 : memref<!tpu.dma_semaphore, #tpu.memory_space<semaphore_mem>>)
    %broadcast_in_dim3A = arith.constant 0.000000e+00 : f32
    %broadcast_in_dim3A_56 = vector.broadcast %broadcast_in_dim3A : f32 to vector<16xf32>
    %scan3A = arith.constant 0 : i32
    %scan3A_57 = arith.constant 64 : i32
    %scan3A_58 = arith.addi %scan3A, %scan3A_57 : i32
    %scan3A_59 = arith.constant 1 : i32
    scf.for %scan3A_180 = %scan3A to %scan3A_58 step %scan3A_59  : i32 {
      %mul3A_181 = arith.constant 1 : i32
      %mul3A_182 = arith.muli %scan3A_180, %mul3A_181 : i32
      %add3A_183 = arith.constant 0 : i32
      %add3A_184 = arith.addi %add3A_183, %mul3A_182 : i32
      %scan3A_185 = arith.constant 0 : i32
      %scan3A_186 = arith.constant 8 : i32
      %scan3A_187 = arith.addi %scan3A_185, %scan3A_186 : i32
      %scan3A_188 = arith.constant 1 : i32
      scf.for %scan3A_190 = %scan3A_185 to %scan3A_187 step %scan3A_188  : i32 {
        %mul3A_191 = arith.constant 16 : i32
        %mul3A_192 = arith.muli %scan3A_190, %mul3A_191 : i32
        %add3A_193 = arith.constant 0 : i32
        %add3A_194 = arith.addi %add3A_193, %mul3A_192 : i32
        %swap3A = arith.index_cast %add3A_184 : i32 to index
        %swap3A_195 = arith.index_cast %add3A_194 : i32 to index
        %swap3A_196 = tpu.vector_load %arg9[%swap3A, %swap3A_195] {strides = array<i32>} : memref<256x128xf32, #tpu.memory_space<vmem>>, vector<1x16xf32>,
        %swap3A_197 = vector.shape_cast %swap3A_196 : vector<1x16xf32> to vector<16xf32>
        %swap3A_198 = vector.shape_cast %broadcast_in_dim3A_56 : vector<16xf32> to vector<1x16xf32>
        tpu.vector_store %arg9[%swap3A, %swap3A_195], %swap3A_198 {strides = array<i32>} : memref<256x128xf32, #tpu.memory_space<vmem>>, vector<1x16xf32>,
      }
      %scan3A_189 = arith.constant 8 : i32
    }
    %scan3A_60 = arith.constant 64 : i32
    %add3A_61 = arith.constant 0 : i32
    %add3A_62 = arith.addi %mul3A_4, %add3A_61 : i32
    "tpu.region"() ({
      %run_scoped3A = tpu.sem_alloc : memref<!tpu.dma_semaphore, #tpu.memory_space<semaphore_mem>>
      %dma_start3A_180 = arith.constant 0 : i32
      %dma_start3A_181 = arith.constant 0 : i32
      %dma_start3A_182 = tpu.memref_slice %arg9[%dma_start3A_180, %dma_start3A_181] : memref<256x128xf32, #tpu.memory_space<vmem>> -> memref<64x128xf32, #tpu.memory_space<vmem>>
      %dma_start3A_183 = arith.constant 0 : i32
      %dma_start3A_184 = tpu.memref_slice %arg6[%add3A_62, %dma_start3A_183] : memref<10240x128xf32, #tpu.memory_space<vmem_shared>> -> memref<64x128xf32, #tpu.memory_space<vmem_shared>>
      %dma_start3A_185 = arith.constant 0 : i32
      %dma_start3A_186 = tpu.memref_slice %arg6[%add3A_62, %dma_start3A_185] : memref<10240x128xf32, #tpu.memory_space<vmem_shared>> -> memref<64x128xf32, #tpu.memory_space<vmem_shared>>
      %dma_start3A_187 = arith.constant 0 : i32
      %dma_start3A_188 = arith.constant 0 : i32
      %dma_start3A_189 = tpu.memref_slice %arg9[%dma_start3A_187, %dma_start3A_188] : memref<256x128xf32, #tpu.memory_space<vmem>> -> memref<64x128xf32, #tpu.memory_space<vmem>>
      tpu.enqueue_dma source(%dma_start3A_189 : memref<64x128xf32, #tpu.memory_space<vmem>>) target(%dma_start3A_186 : memref<64x128xf32, #tpu.memory_space<vmem_shared>>) target_semaphore(%run_scoped3A : memref<!tpu.dma_semaphore, #tpu.memory_space<semaphore_mem>>)
      %dma_wait3A_190 = arith.constant 0 : i32
      %dma_wait3A_191 = arith.constant 0 : i32
      %dma_wait3A_192 = tpu.memref_slice %arg9[%dma_wait3A_190, %dma_wait3A_191] : memref<256x128xf32, #tpu.memory_space<vmem>> -> memref<64x128xf32, #tpu.memory_space<vmem>>
      %dma_wait3A_193 = arith.constant 0 : i32
      %dma_wait3A_194 = tpu.memref_slice %arg6[%add3A_62, %dma_wait3A_193] : memref<10240x128xf32, #tpu.memory_space<vmem_shared>> -> memref<64x128xf32, #tpu.memory_space<vmem_shared>>
      %dma_wait3A_195 = arith.constant 0 : i32
      %dma_wait3A_196 = tpu.memref_slice %arg6[%add3A_62, %dma_wait3A_195] : memref<10240x128xf32, #tpu.memory_space<vmem_shared>> -> memref<64x128xf32, #tpu.memory_space<vmem_shared>>
      %dma_wait3A_197 = arith.constant 0 : i32
      %dma_wait3A_198 = arith.constant 0 : i32
      %dma_wait3A_199 = tpu.memref_slice %arg9[%dma_wait3A_197, %dma_wait3A_198] : memref<256x128xf32, #tpu.memory_space<vmem>> -> memref<64x128xf32, #tpu.memory_space<vmem>>
      tpu.wait_dma2 semaphore(%run_scoped3A : memref<!tpu.dma_semaphore, #tpu.memory_space<semaphore_mem>>) src(%dma_wait3A_199 : memref<64x128xf32, #tpu.memory_space<vmem>>) dst(%dma_wait3A_196 : memref<64x128xf32, #tpu.memory_space<vmem_shared>>)
      tpu.yield
    }) : () -> ()
    %add3A_63 = arith.constant 64 : i32
    %add3A_64 = arith.addi %mul3A_4, %add3A_63 : i32
    "tpu.region"() ({
      %run_scoped3A = tpu.sem_alloc : memref<!tpu.dma_semaphore, #tpu.memory_space<semaphore_mem>>
      %dma_start3A_180 = arith.constant 0 : i32
      %dma_start3A_181 = arith.constant 0 : i32
      %dma_start3A_182 = tpu.memref_slice %arg9[%dma_start3A_180, %dma_start3A_181] : memref<256x128xf32, #tpu.memory_space<vmem>> -> memref<64x128xf32, #tpu.memory_space<vmem>>
      %dma_start3A_183 = arith.constant 0 : i32
      %dma_start3A_184 = tpu.memref_slice %arg6[%add3A_64, %dma_start3A_183] : memref<10240x128xf32, #tpu.memory_space<vmem_shared>> -> memref<64x128xf32, #tpu.memory_space<vmem_shared>>
      %dma_start3A_185 = arith.constant 0 : i32
      %dma_start3A_186 = tpu.memref_slice %arg6[%add3A_64, %dma_start3A_185] : memref<10240x128xf32, #tpu.memory_space<vmem_shared>> -> memref<64x128xf32, #tpu.memory_space<vmem_shared>>
      %dma_start3A_187 = arith.constant 0 : i32
      %dma_start3A_188 = arith.constant 0 : i32
      %dma_start3A_189 = tpu.memref_slice %arg9[%dma_start3A_187, %dma_start3A_188] : memref<256x128xf32, #tpu.memory_space<vmem>> -> memref<64x128xf32, #tpu.memory_space<vmem>>
      tpu.enqueue_dma source(%dma_start3A_189 : memref<64x128xf32, #tpu.memory_space<vmem>>) target(%dma_start3A_186 : memref<64x128xf32, #tpu.memory_space<vmem_shared>>) target_semaphore(%run_scoped3A : memref<!tpu.dma_semaphore, #tpu.memory_space<semaphore_mem>>)
      %dma_wait3A_190 = arith.constant 0 : i32
      %dma_wait3A_191 = arith.constant 0 : i32
      %dma_wait3A_192 = tpu.memref_slice %arg9[%dma_wait3A_190, %dma_wait3A_191] : memref<256x128xf32, #tpu.memory_space<vmem>> -> memref<64x128xf32, #tpu.memory_space<vmem>>
      %dma_wait3A_193 = arith.constant 0 : i32
      %dma_wait3A_194 = tpu.memref_slice %arg6[%add3A_64, %dma_wait3A_193] : memref<10240x128xf32, #tpu.memory_space<vmem_shared>> -> memref<64x128xf32, #tpu.memory_space<vmem_shared>>
      %dma_wait3A_195 = arith.constant 0 : i32
      %dma_wait3A_196 = tpu.memref_slice %arg6[%add3A_64, %dma_wait3A_195] : memref<10240x128xf32, #tpu.memory_space<vmem_shared>> -> memref<64x128xf32, #tpu.memory_space<vmem_shared>>
      %dma_wait3A_197 = arith.constant 0 : i32
      %dma_wait3A_198 = arith.constant 0 : i32
      %dma_wait3A_199 = tpu.memref_slice %arg9[%dma_wait3A_197, %dma_wait3A_198] : memref<256x128xf32, #tpu.memory_space<vmem>> -> memref<64x128xf32, #tpu.memory_space<vmem>>
      tpu.wait_dma2 semaphore(%run_scoped3A : memref<!tpu.dma_semaphore, #tpu.memory_space<semaphore_mem>>) src(%dma_wait3A_199 : memref<64x128xf32, #tpu.memory_space<vmem>>) dst(%dma_wait3A_196 : memref<64x128xf32, #tpu.memory_space<vmem_shared>>)
      tpu.yield
    }) : () -> ()
    %add3A_65 = arith.constant 128 : i32
    %add3A_66 = arith.addi %mul3A_4, %add3A_65 : i32
    "tpu.region"() ({
      %run_scoped3A = tpu.sem_alloc : memref<!tpu.dma_semaphore, #tpu.memory_space<semaphore_mem>>
      %dma_start3A_180 = arith.constant 0 : i32
      %dma_start3A_181 = arith.constant 0 : i32
      %dma_start3A_182 = tpu.memref_slice %arg9[%dma_start3A_180, %dma_start3A_181] : memref<256x128xf32, #tpu.memory_space<vmem>> -> memref<64x128xf32, #tpu.memory_space<vmem>>
      %dma_start3A_183 = arith.constant 0 : i32
      %dma_start3A_184 = tpu.memref_slice %arg6[%add3A_66, %dma_start3A_183] : memref<10240x128xf32, #tpu.memory_space<vmem_shared>> -> memref<64x128xf32, #tpu.memory_space<vmem_shared>>
      %dma_start3A_185 = arith.constant 0 : i32
      %dma_start3A_186 = tpu.memref_slice %arg6[%add3A_66, %dma_start3A_185] : memref<10240x128xf32, #tpu.memory_space<vmem_shared>> -> memref<64x128xf32, #tpu.memory_space<vmem_shared>>
      %dma_start3A_187 = arith.constant 0 : i32
      %dma_start3A_188 = arith.constant 0 : i32
      %dma_start3A_189 = tpu.memref_slice %arg9[%dma_start3A_187, %dma_start3A_188] : memref<256x128xf32, #tpu.memory_space<vmem>> -> memref<64x128xf32, #tpu.memory_space<vmem>>
      tpu.enqueue_dma source(%dma_start3A_189 : memref<64x128xf32, #tpu.memory_space<vmem>>) target(%dma_start3A_186 : memref<64x128xf32, #tpu.memory_space<vmem_shared>>) target_semaphore(%run_scoped3A : memref<!tpu.dma_semaphore, #tpu.memory_space<semaphore_mem>>)
      %dma_wait3A_190 = arith.constant 0 : i32
      %dma_wait3A_191 = arith.constant 0 : i32
      %dma_wait3A_192 = tpu.memref_slice %arg9[%dma_wait3A_190, %dma_wait3A_191] : memref<256x128xf32, #tpu.memory_space<vmem>> -> memref<64x128xf32, #tpu.memory_space<vmem>>
      %dma_wait3A_193 = arith.constant 0 : i32
      %dma_wait3A_194 = tpu.memref_slice %arg6[%add3A_66, %dma_wait3A_193] : memref<10240x128xf32, #tpu.memory_space<vmem_shared>> -> memref<64x128xf32, #tpu.memory_space<vmem_shared>>
      %dma_wait3A_195 = arith.constant 0 : i32
      %dma_wait3A_196 = tpu.memref_slice %arg6[%add3A_66, %dma_wait3A_195] : memref<10240x128xf32, #tpu.memory_space<vmem_shared>> -> memref<64x128xf32, #tpu.memory_space<vmem_shared>>
      %dma_wait3A_197 = arith.constant 0 : i32
      %dma_wait3A_198 = arith.constant 0 : i32
      %dma_wait3A_199 = tpu.memref_slice %arg9[%dma_wait3A_197, %dma_wait3A_198] : memref<256x128xf32, #tpu.memory_space<vmem>> -> memref<64x128xf32, #tpu.memory_space<vmem>>
      tpu.wait_dma2 semaphore(%run_scoped3A : memref<!tpu.dma_semaphore, #tpu.memory_space<semaphore_mem>>) src(%dma_wait3A_199 : memref<64x128xf32, #tpu.memory_space<vmem>>) dst(%dma_wait3A_196 : memref<64x128xf32, #tpu.memory_space<vmem_shared>>)
      tpu.yield
    }) : () -> ()
    %add3A_67 = arith.constant 192 : i32
    %add3A_68 = arith.addi %mul3A_4, %add3A_67 : i32
    "tpu.region"() ({
      %run_scoped3A = tpu.sem_alloc : memref<!tpu.dma_semaphore, #tpu.memory_space<semaphore_mem>>
      %dma_start3A_180 = arith.constant 0 : i32
      %dma_start3A_181 = arith.constant 0 : i32
      %dma_start3A_182 = tpu.memref_slice %arg9[%dma_start3A_180, %dma_start3A_181] : memref<256x128xf32, #tpu.memory_space<vmem>> -> memref<64x128xf32, #tpu.memory_space<vmem>>
      %dma_start3A_183 = arith.constant 0 : i32
      %dma_start3A_184 = tpu.memref_slice %arg6[%add3A_68, %dma_start3A_183] : memref<10240x128xf32, #tpu.memory_space<vmem_shared>> -> memref<64x128xf32, #tpu.memory_space<vmem_shared>>
      %dma_start3A_185 = arith.constant 0 : i32
      %dma_start3A_186 = tpu.memref_slice %arg6[%add3A_68, %dma_start3A_185] : memref<10240x128xf32, #tpu.memory_space<vmem_shared>> -> memref<64x128xf32, #tpu.memory_space<vmem_shared>>
      %dma_start3A_187 = arith.constant 0 : i32
      %dma_start3A_188 = arith.constant 0 : i32
      %dma_start3A_189 = tpu.memref_slice %arg9[%dma_start3A_187, %dma_start3A_188] : memref<256x128xf32, #tpu.memory_space<vmem>> -> memref<64x128xf32, #tpu.memory_space<vmem>>
      tpu.enqueue_dma source(%dma_start3A_189 : memref<64x128xf32, #tpu.memory_space<vmem>>) target(%dma_start3A_186 : memref<64x128xf32, #tpu.memory_space<vmem_shared>>) target_semaphore(%run_scoped3A : memref<!tpu.dma_semaphore, #tpu.memory_space<semaphore_mem>>)
      %dma_wait3A_190 = arith.constant 0 : i32
      %dma_wait3A_191 = arith.constant 0 : i32
      %dma_wait3A_192 = tpu.memref_slice %arg9[%dma_wait3A_190, %dma_wait3A_191] : memref<256x128xf32, #tpu.memory_space<vmem>> -> memref<64x128xf32, #tpu.memory_space<vmem>>
      %dma_wait3A_193 = arith.constant 0 : i32
      %dma_wait3A_194 = tpu.memref_slice %arg6[%add3A_68, %dma_wait3A_193] : memref<10240x128xf32, #tpu.memory_space<vmem_shared>> -> memref<64x128xf32, #tpu.memory_space<vmem_shared>>
      %dma_wait3A_195 = arith.constant 0 : i32
      %dma_wait3A_196 = tpu.memref_slice %arg6[%add3A_68, %dma_wait3A_195] : memref<10240x128xf32, #tpu.memory_space<vmem_shared>> -> memref<64x128xf32, #tpu.memory_space<vmem_shared>>
      %dma_wait3A_197 = arith.constant 0 : i32
      %dma_wait3A_198 = arith.constant 0 : i32
      %dma_wait3A_199 = tpu.memref_slice %arg9[%dma_wait3A_197, %dma_wait3A_198] : memref<256x128xf32, #tpu.memory_space<vmem>> -> memref<64x128xf32, #tpu.memory_space<vmem>>
      tpu.wait_dma2 semaphore(%run_scoped3A : memref<!tpu.dma_semaphore, #tpu.memory_space<semaphore_mem>>) src(%dma_wait3A_199 : memref<64x128xf32, #tpu.memory_space<vmem>>) dst(%dma_wait3A_196 : memref<64x128xf32, #tpu.memory_space<vmem_shared>>)
      tpu.yield
    }) : () -> ()
    %add3A_69 = arith.constant 256 : i32
    %add3A_70 = arith.addi %mul3A_4, %add3A_69 : i32
    "tpu.region"() ({
      %run_scoped3A = tpu.sem_alloc : memref<!tpu.dma_semaphore, #tpu.memory_space<semaphore_mem>>
      %dma_start3A_180 = arith.constant 0 : i32
      %dma_start3A_181 = arith.constant 0 : i32
      %dma_start3A_182 = tpu.memref_slice %arg9[%dma_start3A_180, %dma_start3A_181] : memref<256x128xf32, #tpu.memory_space<vmem>> -> memref<64x128xf32, #tpu.memory_space<vmem>>
      %dma_start3A_183 = arith.constant 0 : i32
      %dma_start3A_184 = tpu.memref_slice %arg6[%add3A_70, %dma_start3A_183] : memref<10240x128xf32, #tpu.memory_space<vmem_shared>> -> memref<64x128xf32, #tpu.memory_space<vmem_shared>>
      %dma_start3A_185 = arith.constant 0 : i32
      %dma_start3A_186 = tpu.memref_slice %arg6[%add3A_70, %dma_start3A_185] : memref<10240x128xf32, #tpu.memory_space<vmem_shared>> -> memref<64x128xf32, #tpu.memory_space<vmem_shared>>
      %dma_start3A_187 = arith.constant 0 : i32
      %dma_start3A_188 = arith.constant 0 : i32
      %dma_start3A_189 = tpu.memref_slice %arg9[%dma_start3A_187, %dma_start3A_188] : memref<256x128xf32, #tpu.memory_space<vmem>> -> memref<64x128xf32, #tpu.memory_space<vmem>>
      tpu.enqueue_dma source(%dma_start3A_189 : memref<64x128xf32, #tpu.memory_space<vmem>>) target(%dma_start3A_186 : memref<64x128xf32, #tpu.memory_space<vmem_shared>>) target_semaphore(%run_scoped3A : memref<!tpu.dma_semaphore, #tpu.memory_space<semaphore_mem>>)
      %dma_wait3A_190 = arith.constant 0 : i32
      %dma_wait3A_191 = arith.constant 0 : i32
      %dma_wait3A_192 = tpu.memref_slice %arg9[%dma_wait3A_190, %dma_wait3A_191] : memref<256x128xf32, #tpu.memory_space<vmem>> -> memref<64x128xf32, #tpu.memory_space<vmem>>
      %dma_wait3A_193 = arith.constant 0 : i32
      %dma_wait3A_194 = tpu.memref_slice %arg6[%add3A_70, %dma_wait3A_193] : memref<10240x128xf32, #tpu.memory_space<vmem_shared>> -> memref<64x128xf32, #tpu.memory_space<vmem_shared>>
      %dma_wait3A_195 = arith.constant 0 : i32
      %dma_wait3A_196 = tpu.memref_slice %arg6[%add3A_70, %dma_wait3A_195] : memref<10240x128xf32, #tpu.memory_space<vmem_shared>> -> memref<64x128xf32, #tpu.memory_space<vmem_shared>>
      %dma_wait3A_197 = arith.constant 0 : i32
      %dma_wait3A_198 = arith.constant 0 : i32
      %dma_wait3A_199 = tpu.memref_slice %arg9[%dma_wait3A_197, %dma_wait3A_198] : memref<256x128xf32, #tpu.memory_space<vmem>> -> memref<64x128xf32, #tpu.memory_space<vmem>>
      tpu.wait_dma2 semaphore(%run_scoped3A : memref<!tpu.dma_semaphore, #tpu.memory_space<semaphore_mem>>) src(%dma_wait3A_199 : memref<64x128xf32, #tpu.memory_space<vmem>>) dst(%dma_wait3A_196 : memref<64x128xf32, #tpu.memory_space<vmem_shared>>)
      tpu.yield
    }) : () -> ()
    %add3A_71 = arith.constant 320 : i32
    %add3A_72 = arith.addi %mul3A_4, %add3A_71 : i32
    "tpu.region"() ({
      %run_scoped3A = tpu.sem_alloc : memref<!tpu.dma_semaphore, #tpu.memory_space<semaphore_mem>>
      %dma_start3A_180 = arith.constant 0 : i32
      %dma_start3A_181 = arith.constant 0 : i32
      %dma_start3A_182 = tpu.memref_slice %arg9[%dma_start3A_180, %dma_start3A_181] : memref<256x128xf32, #tpu.memory_space<vmem>> -> memref<64x128xf32, #tpu.memory_space<vmem>>
      %dma_start3A_183 = arith.constant 0 : i32
      %dma_start3A_184 = tpu.memref_slice %arg6[%add3A_72, %dma_start3A_183] : memref<10240x128xf32, #tpu.memory_space<vmem_shared>> -> memref<64x128xf32, #tpu.memory_space<vmem_shared>>
      %dma_start3A_185 = arith.constant 0 : i32
      %dma_start3A_186 = tpu.memref_slice %arg6[%add3A_72, %dma_start3A_185] : memref<10240x128xf32, #tpu.memory_space<vmem_shared>> -> memref<64x128xf32, #tpu.memory_space<vmem_shared>>
      %dma_start3A_187 = arith.constant 0 : i32
      %dma_start3A_188 = arith.constant 0 : i32
      %dma_start3A_189 = tpu.memref_slice %arg9[%dma_start3A_187, %dma_start3A_188] : memref<256x128xf32, #tpu.memory_space<vmem>> -> memref<64x128xf32, #tpu.memory_space<vmem>>
      tpu.enqueue_dma source(%dma_start3A_189 : memref<64x128xf32, #tpu.memory_space<vmem>>) target(%dma_start3A_186 : memref<64x128xf32, #tpu.memory_space<vmem_shared>>) target_semaphore(%run_scoped3A : memref<!tpu.dma_semaphore, #tpu.memory_space<semaphore_mem>>)
      %dma_wait3A_190 = arith.constant 0 : i32
      %dma_wait3A_191 = arith.constant 0 : i32
      %dma_wait3A_192 = tpu.memref_slice %arg9[%dma_wait3A_190, %dma_wait3A_191] : memref<256x128xf32, #tpu.memory_space<vmem>> -> memref<64x128xf32, #tpu.memory_space<vmem>>
      %dma_wait3A_193 = arith.constant 0 : i32
      %dma_wait3A_194 = tpu.memref_slice %arg6[%add3A_72, %dma_wait3A_193] : memref<10240x128xf32, #tpu.memory_space<vmem_shared>> -> memref<64x128xf32, #tpu.memory_space<vmem_shared>>
      %dma_wait3A_195 = arith.constant 0 : i32
      %dma_wait3A_196 = tpu.memref_slice %arg6[%add3A_72, %dma_wait3A_195] : memref<10240x128xf32, #tpu.memory_space<vmem_shared>> -> memref<64x128xf32, #tpu.memory_space<vmem_shared>>
      %dma_wait3A_197 = arith.constant 0 : i32
      %dma_wait3A_198 = arith.constant 0 : i32
      %dma_wait3A_199 = tpu.memref_slice %arg9[%dma_wait3A_197, %dma_wait3A_198] : memref<256x128xf32, #tpu.memory_space<vmem>> -> memref<64x128xf32, #tpu.memory_space<vmem>>
      tpu.wait_dma2 semaphore(%run_scoped3A : memref<!tpu.dma_semaphore, #tpu.memory_space<semaphore_mem>>) src(%dma_wait3A_199 : memref<64x128xf32, #tpu.memory_space<vmem>>) dst(%dma_wait3A_196 : memref<64x128xf32, #tpu.memory_space<vmem_shared>>)
      tpu.yield
    }) : () -> ()
    %add3A_73 = arith.constant 384 : i32
    %add3A_74 = arith.addi %mul3A_4, %add3A_73 : i32
    "tpu.region"() ({
      %run_scoped3A = tpu.sem_alloc : memref<!tpu.dma_semaphore, #tpu.memory_space<semaphore_mem>>
      %dma_start3A_180 = arith.constant 0 : i32
      %dma_start3A_181 = arith.constant 0 : i32
      %dma_start3A_182 = tpu.memref_slice %arg9[%dma_start3A_180, %dma_start3A_181] : memref<256x128xf32, #tpu.memory_space<vmem>> -> memref<64x128xf32, #tpu.memory_space<vmem>>
      %dma_start3A_183 = arith.constant 0 : i32
      %dma_start3A_184 = tpu.memref_slice %arg6[%add3A_74, %dma_start3A_183] : memref<10240x128xf32, #tpu.memory_space<vmem_shared>> -> memref<64x128xf32, #tpu.memory_space<vmem_shared>>
      %dma_start3A_185 = arith.constant 0 : i32
      %dma_start3A_186 = tpu.memref_slice %arg6[%add3A_74, %dma_start3A_185] : memref<10240x128xf32, #tpu.memory_space<vmem_shared>> -> memref<64x128xf32, #tpu.memory_space<vmem_shared>>
      %dma_start3A_187 = arith.constant 0 : i32
      %dma_start3A_188 = arith.constant 0 : i32
      %dma_start3A_189 = tpu.memref_slice %arg9[%dma_start3A_187, %dma_start3A_188] : memref<256x128xf32, #tpu.memory_space<vmem>> -> memref<64x128xf32, #tpu.memory_space<vmem>>
      tpu.enqueue_dma source(%dma_start3A_189 : memref<64x128xf32, #tpu.memory_space<vmem>>) target(%dma_start3A_186 : memref<64x128xf32, #tpu.memory_space<vmem_shared>>) target_semaphore(%run_scoped3A : memref<!tpu.dma_semaphore, #tpu.memory_space<semaphore_mem>>)
      %dma_wait3A_190 = arith.constant 0 : i32
      %dma_wait3A_191 = arith.constant 0 : i32
      %dma_wait3A_192 = tpu.memref_slice %arg9[%dma_wait3A_190, %dma_wait3A_191] : memref<256x128xf32, #tpu.memory_space<vmem>> -> memref<64x128xf32, #tpu.memory_space<vmem>>
      %dma_wait3A_193 = arith.constant 0 : i32
      %dma_wait3A_194 = tpu.memref_slice %arg6[%add3A_74, %dma_wait3A_193] : memref<10240x128xf32, #tpu.memory_space<vmem_shared>> -> memref<64x128xf32, #tpu.memory_space<vmem_shared>>
      %dma_wait3A_195 = arith.constant 0 : i32
      %dma_wait3A_196 = tpu.memref_slice %arg6[%add3A_74, %dma_wait3A_195] : memref<10240x128xf32, #tpu.memory_space<vmem_shared>> -> memref<64x128xf32, #tpu.memory_space<vmem_shared>>
      %dma_wait3A_197 = arith.constant 0 : i32
      %dma_wait3A_198 = arith.constant 0 : i32
      %dma_wait3A_199 = tpu.memref_slice %arg9[%dma_wait3A_197, %dma_wait3A_198] : memref<256x128xf32, #tpu.memory_space<vmem>> -> memref<64x128xf32, #tpu.memory_space<vmem>>
      tpu.wait_dma2 semaphore(%run_scoped3A : memref<!tpu.dma_semaphore, #tpu.memory_space<semaphore_mem>>) src(%dma_wait3A_199 : memref<64x128xf32, #tpu.memory_space<vmem>>) dst(%dma_wait3A_196 : memref<64x128xf32, #tpu.memory_space<vmem_shared>>)
      tpu.yield
    }) : () -> ()
    %add3A_75 = arith.constant 448 : i32
    %add3A_76 = arith.addi %mul3A_4, %add3A_75 : i32
    "tpu.region"() ({
      %run_scoped3A = tpu.sem_alloc : memref<!tpu.dma_semaphore, #tpu.memory_space<semaphore_mem>>
      %dma_start3A_180 = arith.constant 0 : i32
      %dma_start3A_181 = arith.constant 0 : i32
      %dma_start3A_182 = tpu.memref_slice %arg9[%dma_start3A_180, %dma_start3A_181] : memref<256x128xf32, #tpu.memory_space<vmem>> -> memref<64x128xf32, #tpu.memory_space<vmem>>
      %dma_start3A_183 = arith.constant 0 : i32
      %dma_start3A_184 = tpu.memref_slice %arg6[%add3A_76, %dma_start3A_183] : memref<10240x128xf32, #tpu.memory_space<vmem_shared>> -> memref<64x128xf32, #tpu.memory_space<vmem_shared>>
      %dma_start3A_185 = arith.constant 0 : i32
      %dma_start3A_186 = tpu.memref_slice %arg6[%add3A_76, %dma_start3A_185] : memref<10240x128xf32, #tpu.memory_space<vmem_shared>> -> memref<64x128xf32, #tpu.memory_space<vmem_shared>>
      %dma_start3A_187 = arith.constant 0 : i32
      %dma_start3A_188 = arith.constant 0 : i32
      %dma_start3A_189 = tpu.memref_slice %arg9[%dma_start3A_187, %dma_start3A_188] : memref<256x128xf32, #tpu.memory_space<vmem>> -> memref<64x128xf32, #tpu.memory_space<vmem>>
      tpu.enqueue_dma source(%dma_start3A_189 : memref<64x128xf32, #tpu.memory_space<vmem>>) target(%dma_start3A_186 : memref<64x128xf32, #tpu.memory_space<vmem_shared>>) target_semaphore(%run_scoped3A : memref<!tpu.dma_semaphore, #tpu.memory_space<semaphore_mem>>)
      %dma_wait3A_190 = arith.constant 0 : i32
      %dma_wait3A_191 = arith.constant 0 : i32
      %dma_wait3A_192 = tpu.memref_slice %arg9[%dma_wait3A_190, %dma_wait3A_191] : memref<256x128xf32, #tpu.memory_space<vmem>> -> memref<64x128xf32, #tpu.memory_space<vmem>>
      %dma_wait3A_193 = arith.constant 0 : i32
      %dma_wait3A_194 = tpu.memref_slice %arg6[%add3A_76, %dma_wait3A_193] : memref<10240x128xf32, #tpu.memory_space<vmem_shared>> -> memref<64x128xf32, #tpu.memory_space<vmem_shared>>
      %dma_wait3A_195 = arith.constant 0 : i32
      %dma_wait3A_196 = tpu.memref_slice %arg6[%add3A_76, %dma_wait3A_195] : memref<10240x128xf32, #tpu.memory_space<vmem_shared>> -> memref<64x128xf32, #tpu.memory_space<vmem_shared>>
      %dma_wait3A_197 = arith.constant 0 : i32
      %dma_wait3A_198 = arith.constant 0 : i32
      %dma_wait3A_199 = tpu.memref_slice %arg9[%dma_wait3A_197, %dma_wait3A_198] : memref<256x128xf32, #tpu.memory_space<vmem>> -> memref<64x128xf32, #tpu.memory_space<vmem>>
      tpu.wait_dma2 semaphore(%run_scoped3A : memref<!tpu.dma_semaphore, #tpu.memory_space<semaphore_mem>>) src(%dma_wait3A_199 : memref<64x128xf32, #tpu.memory_space<vmem>>) dst(%dma_wait3A_196 : memref<64x128xf32, #tpu.memory_space<vmem_shared>>)
      tpu.yield
    }) : () -> ()
    %add3A_77 = arith.constant 512 : i32
    %add3A_78 = arith.addi %mul3A_4, %add3A_77 : i32
    "tpu.region"() ({
      %run_scoped3A = tpu.sem_alloc : memref<!tpu.dma_semaphore, #tpu.memory_space<semaphore_mem>>
      %dma_start3A_180 = arith.constant 0 : i32
      %dma_start3A_181 = arith.constant 0 : i32
      %dma_start3A_182 = tpu.memref_slice %arg9[%dma_start3A_180, %dma_start3A_181] : memref<256x128xf32, #tpu.memory_space<vmem>> -> memref<64x128xf32, #tpu.memory_space<vmem>>
      %dma_start3A_183 = arith.constant 0 : i32
      %dma_start3A_184 = tpu.memref_slice %arg6[%add3A_78, %dma_start3A_183] : memref<10240x128xf32, #tpu.memory_space<vmem_shared>> -> memref<64x128xf32, #tpu.memory_space<vmem_shared>>
      %dma_start3A_185 = arith.constant 0 : i32
      %dma_start3A_186 = tpu.memref_slice %arg6[%add3A_78, %dma_start3A_185] : memref<10240x128xf32, #tpu.memory_space<vmem_shared>> -> memref<64x128xf32, #tpu.memory_space<vmem_shared>>
      %dma_start3A_187 = arith.constant 0 : i32
      %dma_start3A_188 = arith.constant 0 : i32
      %dma_start3A_189 = tpu.memref_slice %arg9[%dma_start3A_187, %dma_start3A_188] : memref<256x128xf32, #tpu.memory_space<vmem>> -> memref<64x128xf32, #tpu.memory_space<vmem>>
      tpu.enqueue_dma source(%dma_start3A_189 : memref<64x128xf32, #tpu.memory_space<vmem>>) target(%dma_start3A_186 : memref<64x128xf32, #tpu.memory_space<vmem_shared>>) target_semaphore(%run_scoped3A : memref<!tpu.dma_semaphore, #tpu.memory_space<semaphore_mem>>)
      %dma_wait3A_190 = arith.constant 0 : i32
      %dma_wait3A_191 = arith.constant 0 : i32
      %dma_wait3A_192 = tpu.memref_slice %arg9[%dma_wait3A_190, %dma_wait3A_191] : memref<256x128xf32, #tpu.memory_space<vmem>> -> memref<64x128xf32, #tpu.memory_space<vmem>>
      %dma_wait3A_193 = arith.constant 0 : i32
      %dma_wait3A_194 = tpu.memref_slice %arg6[%add3A_78, %dma_wait3A_193] : memref<10240x128xf32, #tpu.memory_space<vmem_shared>> -> memref<64x128xf32, #tpu.memory_space<vmem_shared>>
      %dma_wait3A_195 = arith.constant 0 : i32
      %dma_wait3A_196 = tpu.memref_slice %arg6[%add3A_78, %dma_wait3A_195] : memref<10240x128xf32, #tpu.memory_space<vmem_shared>> -> memref<64x128xf32, #tpu.memory_space<vmem_shared>>
      %dma_wait3A_197 = arith.constant 0 : i32
      %dma_wait3A_198 = arith.constant 0 : i32
      %dma_wait3A_199 = tpu.memref_slice %arg9[%dma_wait3A_197, %dma_wait3A_198] : memref<256x128xf32, #tpu.memory_space<vmem>> -> memref<64x128xf32, #tpu.memory_space<vmem>>
      tpu.wait_dma2 semaphore(%run_scoped3A : memref<!tpu.dma_semaphore, #tpu.memory_space<semaphore_mem>>) src(%dma_wait3A_199 : memref<64x128xf32, #tpu.memory_space<vmem>>) dst(%dma_wait3A_196 : memref<64x128xf32, #tpu.memory_space<vmem_shared>>)
      tpu.yield
    }) : () -> ()
    %add3A_79 = arith.constant 576 : i32
    %add3A_80 = arith.addi %mul3A_4, %add3A_79 : i32
    "tpu.region"() ({
      %run_scoped3A = tpu.sem_alloc : memref<!tpu.dma_semaphore, #tpu.memory_space<semaphore_mem>>
      %dma_start3A_180 = arith.constant 0 : i32
      %dma_start3A_181 = arith.constant 0 : i32
      %dma_start3A_182 = tpu.memref_slice %arg9[%dma_start3A_180, %dma_start3A_181] : memref<256x128xf32, #tpu.memory_space<vmem>> -> memref<64x128xf32, #tpu.memory_space<vmem>>
      %dma_start3A_183 = arith.constant 0 : i32
      %dma_start3A_184 = tpu.memref_slice %arg6[%add3A_80, %dma_start3A_183] : memref<10240x128xf32, #tpu.memory_space<vmem_shared>> -> memref<64x128xf32, #tpu.memory_space<vmem_shared>>
      %dma_start3A_185 = arith.constant 0 : i32
      %dma_start3A_186 = tpu.memref_slice %arg6[%add3A_80, %dma_start3A_185] : memref<10240x128xf32, #tpu.memory_space<vmem_shared>> -> memref<64x128xf32, #tpu.memory_space<vmem_shared>>
      %dma_start3A_187 = arith.constant 0 : i32
      %dma_start3A_188 = arith.constant 0 : i32
      %dma_start3A_189 = tpu.memref_slice %arg9[%dma_start3A_187, %dma_start3A_188] : memref<256x128xf32, #tpu.memory_space<vmem>> -> memref<64x128xf32, #tpu.memory_space<vmem>>
      tpu.enqueue_dma source(%dma_start3A_189 : memref<64x128xf32, #tpu.memory_space<vmem>>) target(%dma_start3A_186 : memref<64x128xf32, #tpu.memory_space<vmem_shared>>) target_semaphore(%run_scoped3A : memref<!tpu.dma_semaphore, #tpu.memory_space<semaphore_mem>>)
      %dma_wait3A_190 = arith.constant 0 : i32
      %dma_wait3A_191 = arith.constant 0 : i32
      %dma_wait3A_192 = tpu.memref_slice %arg9[%dma_wait3A_190, %dma_wait3A_191] : memref<256x128xf32, #tpu.memory_space<vmem>> -> memref<64x128xf32, #tpu.memory_space<vmem>>
      %dma_wait3A_193 = arith.constant 0 : i32
      %dma_wait3A_194 = tpu.memref_slice %arg6[%add3A_80, %dma_wait3A_193] : memref<10240x128xf32, #tpu.memory_space<vmem_shared>> -> memref<64x128xf32, #tpu.memory_space<vmem_shared>>
      %dma_wait3A_195 = arith.constant 0 : i32
      %dma_wait3A_196 = tpu.memref_slice %arg6[%add3A_80, %dma_wait3A_195] : memref<10240x128xf32, #tpu.memory_space<vmem_shared>> -> memref<64x128xf32, #tpu.memory_space<vmem_shared>>
      %dma_wait3A_197 = arith.constant 0 : i32
      %dma_wait3A_198 = arith.constant 0 : i32
      %dma_wait3A_199 = tpu.memref_slice %arg9[%dma_wait3A_197, %dma_wait3A_198] : memref<256x128xf32, #tpu.memory_space<vmem>> -> memref<64x128xf32, #tpu.memory_space<vmem>>
      tpu.wait_dma2 semaphore(%run_scoped3A : memref<!tpu.dma_semaphore, #tpu.memory_space<semaphore_mem>>) src(%dma_wait3A_199 : memref<64x128xf32, #tpu.memory_space<vmem>>) dst(%dma_wait3A_196 : memref<64x128xf32, #tpu.memory_space<vmem_shared>>)
      tpu.yield
    }) : () -> ()
    %dma_wait3A = arith.constant 0 : i32
    %dma_wait3A_81 = tpu.memref_slice %arg4[%mul3A_2, %dma_wait3A] : memref<2560x128xi32, #tpu.memory_space<hbm>> -> memref<80x128xi32, #tpu.memory_space<hbm>>
    %dma_wait3A_82 = arith.constant 0 : i32
    %dma_wait3A_83 = tpu.memref_slice %arg4[%mul3A_2, %dma_wait3A_82] : memref<2560x128xi32, #tpu.memory_space<hbm>> -> memref<80x128xi32, #tpu.memory_space<hbm>>
    tpu.wait_dma2 semaphore(%arg22 : memref<!tpu.dma_semaphore, #tpu.memory_space<semaphore_mem>>) src(%dma_wait3A_83 : memref<80x128xi32, #tpu.memory_space<hbm>>) dst(%arg7 : memref<80x128xi32, #tpu.memory_space<vmem>>)
    %dma_wait3A_84 = arith.constant 0 : i32
    %dma_wait3A_85 = arith.constant 0 : i32
    %dma_wait3A_86 = tpu.memref_slice %arg8[%dma_wait3A_84, %dma_wait3A_85] : memref<4x128xi32, #tpu.memory_space<vmem>> -> memref<1x128xi32, #tpu.memory_space<vmem>>
    %dma_wait3A_87 = arith.constant 0 : i32
    %dma_wait3A_88 = tpu.memref_slice %arg3[%mul3A_2, %dma_wait3A_87] : memref<2560x128xi32, #tpu.memory_space<hbm>> -> memref<1x128xi32, #tpu.memory_space<hbm>>
    %dma_wait3A_89 = arith.constant 0 : i32
    %dma_wait3A_90 = arith.constant 0 : i32
    %dma_wait3A_91 = tpu.memref_slice %arg8[%dma_wait3A_89, %dma_wait3A_90] : memref<4x128xi32, #tpu.memory_space<vmem>> -> memref<1x128xi32, #tpu.memory_space<vmem>>
    %dma_wait3A_92 = arith.constant 0 : i32
    %dma_wait3A_93 = tpu.memref_slice %arg3[%mul3A_2, %dma_wait3A_92] : memref<2560x128xi32, #tpu.memory_space<hbm>> -> memref<1x128xi32, #tpu.memory_space<hbm>>
    tpu.wait_dma2 semaphore(%arg18 : memref<!tpu.dma_semaphore, #tpu.memory_space<semaphore_mem>>) src(%dma_wait3A_93 : memref<1x128xi32, #tpu.memory_space<hbm>>) dst(%dma_wait3A_91 : memref<1x128xi32, #tpu.memory_space<vmem>>)
    %dma_start3A_94 = arith.constant 0 : i32
    %dma_start3A_95 = arith.constant 0 : i32
    %dma_start3A_96 = arith.constant 0 : i32
    %dma_start3A_97 = tpu.memref_slice %arg9[%dma_start3A_95, %dma_start3A_96] : memref<256x128xf32, #tpu.memory_space<vmem>> -> memref<64x128xf32, #tpu.memory_space<vmem>>
    %dma_start3A_98 = arith.constant 0 : i32
    %dma_start3A_99 = tpu.memref_slice %arg8[%dma_start3A_94, %dma_start3A_98] : memref<4x128xi32, #tpu.memory_space<vmem>> -> memref<1x64xi32, #tpu.memory_space<vmem>>
    %dma_start3A_100 = tpu.memref_squeeze %dma_start3A_99 : memref<1x64xi32, #tpu.memory_space<vmem>> -> memref<64xi32, #tpu.memory_space<vmem>>
    %dma_start3A_101 = arith.constant 0 : i32
    %dma_start3A_102 = arith.constant 0 : i32
    %dma_start3A_103 = tpu.memref_slice %arg2[%dma_start3A_101, %dma_start3A_102] : memref<10240x128xf32, #tpu.memory_space<hbm>> -> memref<10240x128xf32, #tpu.memory_space<hbm>>
    tpu.enqueue_indirect_dma source(%dma_start3A_103 : memref<10240x128xf32, #tpu.memory_space<hbm>>) target(%dma_start3A_97 : memref<64x128xf32, #tpu.memory_space<vmem>>) offsets(%dma_start3A_100 : memref<64xi32, #tpu.memory_space<vmem>>) semaphore(%arg10 : memref<!tpu.dma_semaphore, #tpu.memory_space<semaphore_mem>>)
    %dma_start3A_104 = arith.constant 0 : i32
    %dma_start3A_105 = arith.constant 64 : i32
    %dma_start3A_106 = arith.constant 0 : i32
    %dma_start3A_107 = tpu.memref_slice %arg9[%dma_start3A_105, %dma_start3A_106] : memref<256x128xf32, #tpu.memory_space<vmem>> -> memref<64x128xf32, #tpu.memory_space<vmem>>
    %dma_start3A_108 = arith.constant 64 : i32
    %dma_start3A_109 = tpu.memref_slice %arg8[%dma_start3A_104, %dma_start3A_108] : memref<4x128xi32, #tpu.memory_space<vmem>> -> memref<1x64xi32, #tpu.memory_space<vmem>>
    %dma_start3A_110 = tpu.memref_squeeze %dma_start3A_109 : memref<1x64xi32, #tpu.memory_space<vmem>> -> memref<64xi32, #tpu.memory_space<vmem>>
    %dma_start3A_111 = arith.constant 0 : i32
    %dma_start3A_112 = arith.constant 0 : i32
    %dma_start3A_113 = tpu.memref_slice %arg2[%dma_start3A_111, %dma_start3A_112] : memref<10240x128xf32, #tpu.memory_space<hbm>> -> memref<10240x128xf32, #tpu.memory_space<hbm>>
    tpu.enqueue_indirect_dma source(%dma_start3A_113 : memref<10240x128xf32, #tpu.memory_space<hbm>>) target(%dma_start3A_107 : memref<64x128xf32, #tpu.memory_space<vmem>>) offsets(%dma_start3A_110 : memref<64xi32, #tpu.memory_space<vmem>>) semaphore(%arg11 : memref<!tpu.dma_semaphore, #tpu.memory_space<semaphore_mem>>)
    %dma_wait3A_114 = arith.constant 1 : i32
    %dma_wait3A_115 = arith.constant 0 : i32
    %dma_wait3A_116 = tpu.memref_slice %arg8[%dma_wait3A_114, %dma_wait3A_115] : memref<4x128xi32, #tpu.memory_space<vmem>> -> memref<1x128xi32, #tpu.memory_space<vmem>>
    %dma_wait3A_117 = arith.constant 0 : i32
    %dma_wait3A_118 = tpu.memref_slice %arg3[%mul3A_2, %dma_wait3A_117] : memref<2560x128xi32, #tpu.memory_space<hbm>> -> memref<1x128xi32, #tpu.memory_space<hbm>>
    %dma_wait3A_119 = arith.constant 1 : i32
    %dma_wait3A_120 = arith.constant 0 : i32
    %dma_wait3A_121 = tpu.memref_slice %arg8[%dma_wait3A_119, %dma_wait3A_120] : memref<4x128xi32, #tpu.memory_space<vmem>> -> memref<1x128xi32, #tpu.memory_space<vmem>>
    %dma_wait3A_122 = arith.constant 0 : i32
    %dma_wait3A_123 = tpu.memref_slice %arg3[%mul3A_2, %dma_wait3A_122] : memref<2560x128xi32, #tpu.memory_space<hbm>> -> memref<1x128xi32, #tpu.memory_space<hbm>>
    tpu.wait_dma2 semaphore(%arg19 : memref<!tpu.dma_semaphore, #tpu.memory_space<semaphore_mem>>) src(%dma_wait3A_123 : memref<1x128xi32, #tpu.memory_space<hbm>>) dst(%dma_wait3A_121 : memref<1x128xi32, #tpu.memory_space<vmem>>)
    %dma_start3A_124 = arith.constant 1 : i32
    %dma_start3A_125 = arith.constant 128 : i32
    %dma_start3A_126 = arith.constant 0 : i32
    %dma_start3A_127 = tpu.memref_slice %arg9[%dma_start3A_125, %dma_start3A_126] : memref<256x128xf32, #tpu.memory_space<vmem>> -> memref<64x128xf32, #tpu.memory_space<vmem>>
    %dma_start3A_128 = arith.constant 0 : i32
    %dma_start3A_129 = tpu.memref_slice %arg8[%dma_start3A_124, %dma_start3A_128] : memref<4x128xi32, #tpu.memory_space<vmem>> -> memref<1x64xi32, #tpu.memory_space<vmem>>
    %dma_start3A_130 = tpu.memref_squeeze %dma_start3A_129 : memref<1x64xi32, #tpu.memory_space<vmem>> -> memref<64xi32, #tpu.memory_space<vmem>>
    %dma_start3A_131 = arith.constant 0 : i32
    %dma_start3A_132 = arith.constant 0 : i32
    %dma_start3A_133 = tpu.memref_slice %arg2[%dma_start3A_131, %dma_start3A_132] : memref<10240x128xf32, #tpu.memory_space<hbm>> -> memref<10240x128xf32, #tpu.memory_space<hbm>>
    tpu.enqueue_indirect_dma source(%dma_start3A_133 : memref<10240x128xf32, #tpu.memory_space<hbm>>) target(%dma_start3A_127 : memref<64x128xf32, #tpu.memory_space<vmem>>) offsets(%dma_start3A_130 : memref<64xi32, #tpu.memory_space<vmem>>) semaphore(%arg12 : memref<!tpu.dma_semaphore, #tpu.memory_space<semaphore_mem>>)
    %barrier3A = arith.constant 0 : index
    tpu.barrier barrier_id(%barrier3A)
    %scan3A_134 = arith.constant 0 : i32
    %scan3A_135 = arith.constant 20 : i32
    %scan3A_136 = arith.addi %scan3A_134, %scan3A_135 : i32
    %scan3A_137 = arith.constant 1 : i32
    scf.for %scan3A_180 = %scan3A_134 to %scan3A_136 step %scan3A_137  : i32 {
      %mul3A_181 = arith.constant 1 : i32
      %mul3A_182 = arith.muli %scan3A_180, %mul3A_181 : i32
      %add3A_183 = arith.constant 0 : i32
      %add3A_184 = arith.addi %add3A_183, %mul3A_182 : i32
      %mul3A_185 = arith.constant 8 : i32
      %mul3A_186 = arith.muli %mul3A_185, %add3A_184 : i32
      %add3A_187 = arith.constant 0 : i32
      %add3A_188 = arith.addi %mul3A_186, %add3A_187 : i32
      %dma_wait3A_189 = arith.constant 0 : i32
      %dma_wait3A_190 = arith.constant 0 : i32
      %dma_wait3A_191 = arith.constant 0 : i32
      %dma_wait3A_192 = tpu.memref_slice %arg9[%dma_wait3A_190, %dma_wait3A_191] : memref<256x128xf32, #tpu.memory_space<vmem>> -> memref<64x128xf32, #tpu.memory_space<vmem>>
      %dma_wait3A_193 = arith.constant 0 : i32
      %dma_wait3A_194 = tpu.memref_slice %arg8[%dma_wait3A_189, %dma_wait3A_193] : memref<4x128xi32, #tpu.memory_space<vmem>> -> memref<1x64xi32, #tpu.memory_space<vmem>>
      %dma_wait3A_195 = tpu.memref_squeeze %dma_wait3A_194 : memref<1x64xi32, #tpu.memory_space<vmem>> -> memref<64xi32, #tpu.memory_space<vmem>>
      %dma_wait3A_196 = arith.constant 0 : i32
      %dma_wait3A_197 = arith.constant 0 : i32
      %dma_wait3A_198 = tpu.memref_slice %arg2[%dma_wait3A_196, %dma_wait3A_197] : memref<10240x128xf32, #tpu.memory_space<hbm>> -> memref<10240x128xf32, #tpu.memory_space<hbm>>
      tpu.wait_indirect_dma semaphore(%arg10 : memref<!tpu.dma_semaphore, #tpu.memory_space<semaphore_mem>>) src(%dma_wait3A_198 : memref<10240x128xf32, #tpu.memory_space<hbm>>) dst(%dma_wait3A_192 : memref<64x128xf32, #tpu.memory_space<vmem>>)
      %jit3A = arith.constant 2 : i32
      %div3A = arith.divsi %add3A_188, %jit3A : i32
      %sign3A = arith.constant 0 : i32
      %sign3A_199 = arith.cmpi sgt, %add3A_188, %sign3A : i32
      %sign3A_200 = arith.extui %sign3A_199 : i1 to i32
      %sign3A_201 = arith.constant 0 : i32
      %sign3A_202 = arith.cmpi slt, %add3A_188, %sign3A_201 : i32
      %sign3A_203 = arith.extui %sign3A_202 : i1 to i32
      %sign3A_204 = arith.subi %sign3A_200, %sign3A_203 : i32
      %sign3A_205 = arith.constant 0 : i32
      %sign3A_206 = arith.cmpi sgt, %jit3A, %sign3A_205 : i32
      %sign3A_207 = arith.extui %sign3A_206 : i1 to i32
      %sign3A_208 = arith.constant 0 : i32
      %sign3A_209 = arith.cmpi slt, %jit3A, %sign3A_208 : i32
      %sign3A_210 = arith.extui %sign3A_209 : i1 to i32
      %sign3A_211 = arith.subi %sign3A_207, %sign3A_210 : i32
      %ne3A = arith.cmpi ne, %sign3A_204, %sign3A_211 : i32
      %rem3A = arith.remsi %add3A_188, %jit3A : i32
      %ne3A_212 = arith.constant 0 : i32
      %ne3A_213 = arith.cmpi ne, %rem3A, %ne3A_212 : i32
      %and3A = arith.andi %ne3A, %ne3A_213 : i1
      %sub3A = arith.constant 1 : i32
      %sub3A_214 = arith.subi %div3A, %sub3A : i32
      %select_n3A = arith.select %and3A, %sub3A_214, %div3A : i32
      %dma_start3A_215 = arith.constant 0 : i32
      %dma_start3A_216 = arith.constant 0 : i32
      %dma_start3A_217 = tpu.memref_slice %arg9[%dma_start3A_215, %dma_start3A_216] : memref<256x128xf32, #tpu.memory_space<vmem>> -> memref<64x128xf32, #tpu.memory_space<vmem>>
      %dma_start3A_218 = arith.constant 0 : i32
      %dma_start3A_219 = tpu.memref_slice %arg7[%select_n3A, %dma_start3A_218] : memref<80x128xi32, #tpu.memory_space<vmem>> -> memref<1x64xi32, #tpu.memory_space<vmem>>
      %dma_start3A_220 = tpu.memref_squeeze %dma_start3A_219 : memref<1x64xi32, #tpu.memory_space<vmem>> -> memref<64xi32, #tpu.memory_space<vmem>>
      %dma_start3A_221 = arith.constant 0 : i32
      %dma_start3A_222 = arith.constant 0 : i32
      %dma_start3A_223 = tpu.memref_slice %arg6[%dma_start3A_221, %dma_start3A_222] : memref<10240x128xf32, #tpu.memory_space<vmem_shared>> -> memref<10240x128xf32, #tpu.memory_space<vmem_shared>>
      tpu.enqueue_indirect_dma source(%dma_start3A_217 : memref<64x128xf32, #tpu.memory_space<vmem>>) target(%dma_start3A_223 : memref<10240x128xf32, #tpu.memory_space<vmem_shared>>) offsets(%dma_start3A_220 : memref<64xi32, #tpu.memory_space<vmem>>) semaphore(%arg14 : memref<!tpu.dma_semaphore, #tpu.memory_space<semaphore_mem>>) {add = true}
      %add3A_224 = arith.constant 3 : i32
      %add3A_225 = arith.addi %add3A_188, %add3A_224 : i32
      %lt3A = arith.constant 160 : i32
      %lt3A_226 = arith.cmpi slt, %add3A_225, %lt3A : i32
      %convert_element_type3A = arith.extui %lt3A_226 : i1 to i32
      %cond3A = arith.constant 0 : i32
      %cond3A_227 = arith.cmpi ne, %convert_element_type3A, %cond3A : i32
      scf.if %cond3A_227 {
        %ge3A = arith.constant 1 : i32
        %ge3A_730 = arith.cmpi sge, %add3A_188, %ge3A : i32
        %convert_element_type3A_731 = arith.extui %ge3A_730 : i1 to i32
        %cond3A_732 = arith.constant 0 : i32
        %cond3A_733 = arith.cmpi ne, %convert_element_type3A_731, %cond3A_732 : i32
        scf.if %cond3A_733 {
          %dma_wait3A_744 = arith.constant 0 : i32
          %dma_wait3A_745 = arith.constant 192 : i32
          %dma_wait3A_746 = arith.constant 0 : i32
          %dma_wait3A_747 = tpu.memref_slice %arg9[%dma_wait3A_745, %dma_wait3A_746] : memref<256x128xf32, #tpu.memory_space<vmem>> -> memref<64x128xf32, #tpu.memory_space<vmem>>
          %dma_wait3A_748 = arith.constant 0 : i32
          %dma_wait3A_749 = tpu.memref_slice %arg7[%dma_wait3A_744, %dma_wait3A_748] : memref<80x128xi32, #tpu.memory_space<vmem>> -> memref<1x64xi32, #tpu.memory_space<vmem>>
          %dma_wait3A_750 = tpu.memref_squeeze %dma_wait3A_749 : memref<1x64xi32, #tpu.memory_space<vmem>> -> memref<64xi32, #tpu.memory_space<vmem>>
          %dma_wait3A_751 = arith.constant 0 : i32
          %dma_wait3A_752 = arith.constant 0 : i32
          %dma_wait3A_753 = tpu.memref_slice %arg6[%dma_wait3A_751, %dma_wait3A_752] : memref<10240x128xf32, #tpu.memory_space<vmem_shared>> -> memref<10240x128xf32, #tpu.memory_space<vmem_shared>>
          tpu.wait_indirect_dma semaphore(%arg17 : memref<!tpu.dma_semaphore, #tpu.memory_space<semaphore_mem>>) src(%dma_wait3A_747 : memref<64x128xf32, #tpu.memory_space<vmem>>) dst(%dma_wait3A_753 : memref<10240x128xf32, #tpu.memory_space<vmem_shared>>)
        } else {
        }
        %dma_start3A_734 = arith.constant 1 : i32
        %dma_start3A_735 = arith.constant 192 : i32
        %dma_start3A_736 = arith.constant 0 : i32
        %dma_start3A_737 = tpu.memref_slice %arg9[%dma_start3A_735, %dma_start3A_736] : memref<256x128xf32, #tpu.memory_space<vmem>> -> memref<64x128xf32, #tpu.memory_space<vmem>>
        %dma_start3A_738 = arith.constant 64 : i32
        %dma_start3A_739 = tpu.memref_slice %arg8[%dma_start3A_734, %dma_start3A_738] : memref<4x128xi32, #tpu.memory_space<vmem>> -> memref<1x64xi32, #tpu.memory_space<vmem>>
        %dma_start3A_740 = tpu.memref_squeeze %dma_start3A_739 : memref<1x64xi32, #tpu.memory_space<vmem>> -> memref<64xi32, #tpu.memory_space<vmem>>
        %dma_start3A_741 = arith.constant 0 : i32
        %dma_start3A_742 = arith.constant 0 : i32
        %dma_start3A_743 = tpu.memref_slice %arg2[%dma_start3A_741, %dma_start3A_742] : memref<10240x128xf32, #tpu.memory_space<hbm>> -> memref<10240x128xf32, #tpu.memory_space<hbm>>
        tpu.enqueue_indirect_dma source(%dma_start3A_743 : memref<10240x128xf32, #tpu.memory_space<hbm>>) target(%dma_start3A_737 : memref<64x128xf32, #tpu.memory_space<vmem>>) offsets(%dma_start3A_740 : memref<64xi32, #tpu.memory_space<vmem>>) semaphore(%arg13 : memref<!tpu.dma_semaphore, #tpu.memory_space<semaphore_mem>>)
      } else {
      }
      %mul3A_228 = arith.constant 8 : i32
      %mul3A_229 = arith.muli %mul3A_228, %add3A_184 : i32
      %add3A_230 = arith.constant 1 : i32
      %add3A_231 = arith.addi %mul3A_229, %add3A_230 : i32
      %dma_wait3A_232 = arith.constant 0 : i32
      %dma_wait3A_233 = arith.constant 64 : i32
      %dma_wait3A_234 = arith.constant 0 : i32
      %dma_wait3A_235 = tpu.memref_slice %arg9[%dma_wait3A_233, %dma_wait3A_234] : memref<256x128xf32, #tpu.memory_space<vmem>> -> memref<64x128xf32, #tpu.memory_space<vmem>>
      %dma_wait3A_236 = arith.constant 0 : i32
      %dma_wait3A_237 = tpu.memref_slice %arg8[%dma_wait3A_232, %dma_wait3A_236] : memref<4x128xi32, #tpu.memory_space<vmem>> -> memref<1x64xi32, #tpu.memory_space<vmem>>
      %dma_wait3A_238 = tpu.memref_squeeze %dma_wait3A_237 : memref<1x64xi32, #tpu.memory_space<vmem>> -> memref<64xi32, #tpu.memory_space<vmem>>
      %dma_wait3A_239 = arith.constant 0 : i32
      %dma_wait3A_240 = arith.constant 0 : i32
      %dma_wait3A_241 = tpu.memref_slice %arg2[%dma_wait3A_239, %dma_wait3A_240] : memref<10240x128xf32, #tpu.memory_space<hbm>> -> memref<10240x128xf32, #tpu.memory_space<hbm>>
      tpu.wait_indirect_dma semaphore(%arg11 : memref<!tpu.dma_semaphore, #tpu.memory_space<semaphore_mem>>) src(%dma_wait3A_241 : memref<10240x128xf32, #tpu.memory_space<hbm>>) dst(%dma_wait3A_235 : memref<64x128xf32, #tpu.memory_space<vmem>>)
      %jit3A_242 = arith.constant 2 : i32
      %div3A_243 = arith.divsi %add3A_231, %jit3A_242 : i32
      %sign3A_244 = arith.constant 0 : i32
      %sign3A_245 = arith.cmpi sgt, %add3A_231, %sign3A_244 : i32
      %sign3A_246 = arith.extui %sign3A_245 : i1 to i32
      %sign3A_247 = arith.constant 0 : i32
      %sign3A_248 = arith.cmpi slt, %add3A_231, %sign3A_247 : i32
      %sign3A_249 = arith.extui %sign3A_248 : i1 to i32
      %sign3A_250 = arith.subi %sign3A_246, %sign3A_249 : i32
      %sign3A_251 = arith.constant 0 : i32
      %sign3A_252 = arith.cmpi sgt, %jit3A_242, %sign3A_251 : i32
      %sign3A_253 = arith.extui %sign3A_252 : i1 to i32
      %sign3A_254 = arith.constant 0 : i32
      %sign3A_255 = arith.cmpi slt, %jit3A_242, %sign3A_254 : i32
      %sign3A_256 = arith.extui %sign3A_255 : i1 to i32
      %sign3A_257 = arith.subi %sign3A_253, %sign3A_256 : i32
      %ne3A_258 = arith.cmpi ne, %sign3A_250, %sign3A_257 : i32
      %rem3A_259 = arith.remsi %add3A_231, %jit3A_242 : i32
      %ne3A_260 = arith.constant 0 : i32
      %ne3A_261 = arith.cmpi ne, %rem3A_259, %ne3A_260 : i32
      %and3A_262 = arith.andi %ne3A_258, %ne3A_261 : i1
      %sub3A_263 = arith.constant 1 : i32
      %sub3A_264 = arith.subi %div3A_243, %sub3A_263 : i32
      %select_n3A_265 = arith.select %and3A_262, %sub3A_264, %div3A_243 : i32
      %dma_start3A_266 = arith.constant 64 : i32
      %dma_start3A_267 = arith.constant 0 : i32
      %dma_start3A_268 = tpu.memref_slice %arg9[%dma_start3A_266, %dma_start3A_267] : memref<256x128xf32, #tpu.memory_space<vmem>> -> memref<64x128xf32, #tpu.memory_space<vmem>>
      %dma_start3A_269 = arith.constant 64 : i32
      %dma_start3A_270 = tpu.memref_slice %arg7[%select_n3A_265, %dma_start3A_269] : memref<80x128xi32, #tpu.memory_space<vmem>> -> memref<1x64xi32, #tpu.memory_space<vmem>>
      %dma_start3A_271 = tpu.memref_squeeze %dma_start3A_270 : memref<1x64xi32, #tpu.memory_space<vmem>> -> memref<64xi32, #tpu.memory_space<vmem>>
      %dma_start3A_272 = arith.constant 0 : i32
      %dma_start3A_273 = arith.constant 0 : i32
      %dma_start3A_274 = tpu.memref_slice %arg6[%dma_start3A_272, %dma_start3A_273] : memref<10240x128xf32, #tpu.memory_space<vmem_shared>> -> memref<10240x128xf32, #tpu.memory_space<vmem_shared>>
      tpu.enqueue_indirect_dma source(%dma_start3A_268 : memref<64x128xf32, #tpu.memory_space<vmem>>) target(%dma_start3A_274 : memref<10240x128xf32, #tpu.memory_space<vmem_shared>>) offsets(%dma_start3A_271 : memref<64xi32, #tpu.memory_space<vmem>>) semaphore(%arg15 : memref<!tpu.dma_semaphore, #tpu.memory_space<semaphore_mem>>) {add = true}
      %jit3A_275 = arith.constant 2 : i32
      %div3A_276 = arith.divsi %add3A_231, %jit3A_275 : i32
      %sign3A_277 = arith.constant 0 : i32
      %sign3A_278 = arith.cmpi sgt, %add3A_231, %sign3A_277 : i32
      %sign3A_279 = arith.extui %sign3A_278 : i1 to i32
      %sign3A_280 = arith.constant 0 : i32
      %sign3A_281 = arith.cmpi slt, %add3A_231, %sign3A_280 : i32
      %sign3A_282 = arith.extui %sign3A_281 : i1 to i32
      %sign3A_283 = arith.subi %sign3A_279, %sign3A_282 : i32
      %sign3A_284 = arith.constant 0 : i32
      %sign3A_285 = arith.cmpi sgt, %jit3A_275, %sign3A_284 : i32
      %sign3A_286 = arith.extui %sign3A_285 : i1 to i32
      %sign3A_287 = arith.constant 0 : i32
      %sign3A_288 = arith.cmpi slt, %jit3A_275, %sign3A_287 : i32
      %sign3A_289 = arith.extui %sign3A_288 : i1 to i32
      %sign3A_290 = arith.subi %sign3A_286, %sign3A_289 : i32
      %ne3A_291 = arith.cmpi ne, %sign3A_283, %sign3A_290 : i32
      %rem3A_292 = arith.remsi %add3A_231, %jit3A_275 : i32
      %ne3A_293 = arith.constant 0 : i32
      %ne3A_294 = arith.cmpi ne, %rem3A_292, %ne3A_293 : i32
      %and3A_295 = arith.andi %ne3A_291, %ne3A_294 : i1
      %sub3A_296 = arith.constant 1 : i32
      %sub3A_297 = arith.subi %div3A_276, %sub3A_296 : i32
      %select_n3A_298 = arith.select %and3A_295, %sub3A_297, %div3A_276 : i32
      %add3A_299 = arith.constant 4 : i32
      %add3A_300 = arith.addi %select_n3A_298, %add3A_299 : i32
      %lt3A_301 = arith.constant 80 : i32
      %lt3A_302 = arith.cmpi slt, %add3A_300, %lt3A_301 : i32
      %convert_element_type3A_303 = arith.extui %lt3A_302 : i1 to i32
      %cond3A_304 = arith.constant 0 : i32
      %cond3A_305 = arith.cmpi ne, %convert_element_type3A_303, %cond3A_304 : i32
      scf.if %cond3A_305 {
        %jit3A_730 = arith.constant 2 : i32
        %div3A_731 = arith.divsi %add3A_231, %jit3A_730 : i32
        %sign3A_732 = arith.constant 0 : i32
        %sign3A_733 = arith.cmpi sgt, %add3A_231, %sign3A_732 : i32
        %sign3A_734 = arith.extui %sign3A_733 : i1 to i32
        %sign3A_735 = arith.constant 0 : i32
        %sign3A_736 = arith.cmpi slt, %add3A_231, %sign3A_735 : i32
        %sign3A_737 = arith.extui %sign3A_736 : i1 to i32
        %sign3A_738 = arith.subi %sign3A_734, %sign3A_737 : i32
        %sign3A_739 = arith.constant 0 : i32
        %sign3A_740 = arith.cmpi sgt, %jit3A_730, %sign3A_739 : i32
        %sign3A_741 = arith.extui %sign3A_740 : i1 to i32
        %sign3A_742 = arith.constant 0 : i32
        %sign3A_743 = arith.cmpi slt, %jit3A_730, %sign3A_742 : i32
        %sign3A_744 = arith.extui %sign3A_743 : i1 to i32
        %sign3A_745 = arith.subi %sign3A_741, %sign3A_744 : i32
        %ne3A_746 = arith.cmpi ne, %sign3A_738, %sign3A_745 : i32
        %rem3A_747 = arith.remsi %add3A_231, %jit3A_730 : i32
        %ne3A_748 = arith.constant 0 : i32
        %ne3A_749 = arith.cmpi ne, %rem3A_747, %ne3A_748 : i32
        %and3A_750 = arith.andi %ne3A_746, %ne3A_749 : i1
        %sub3A_751 = arith.constant 1 : i32
        %sub3A_752 = arith.subi %div3A_731, %sub3A_751 : i32
        %select_n3A_753 = arith.select %and3A_750, %sub3A_752, %div3A_731 : i32
        %add3A_754 = arith.constant 4 : i32
        %add3A_755 = arith.addi %select_n3A_753, %add3A_754 : i32
        %add3A_756 = arith.addi %mul3A_2, %add3A_755 : i32
        %dma_start3A_757 = arith.constant 0 : i32
        %dma_start3A_758 = arith.constant 0 : i32
        %dma_start3A_759 = tpu.memref_slice %arg8[%dma_start3A_757, %dma_start3A_758] : memref<4x128xi32, #tpu.memory_space<vmem>> -> memref<1x128xi32, #tpu.memory_space<vmem>>
        %dma_start3A_760 = arith.constant 0 : i32
        %dma_start3A_761 = tpu.memref_slice %arg3[%add3A_756, %dma_start3A_760] : memref<2560x128xi32, #tpu.memory_space<hbm>> -> memref<1x128xi32, #tpu.memory_space<hbm>>
        %dma_start3A_762 = arith.constant 0 : i32
        %dma_start3A_763 = arith.constant 0 : i32
        %dma_start3A_764 = tpu.memref_slice %arg8[%dma_start3A_762, %dma_start3A_763] : memref<4x128xi32, #tpu.memory_space<vmem>> -> memref<1x128xi32, #tpu.memory_space<vmem>>
        %dma_start3A_765 = arith.constant 0 : i32
        %dma_start3A_766 = tpu.memref_slice %arg3[%add3A_756, %dma_start3A_765] : memref<2560x128xi32, #tpu.memory_space<hbm>> -> memref<1x128xi32, #tpu.memory_space<hbm>>
        tpu.enqueue_dma source(%dma_start3A_766 : memref<1x128xi32, #tpu.memory_space<hbm>>) target(%dma_start3A_764 : memref<1x128xi32, #tpu.memory_space<vmem>>) target_semaphore(%arg18 : memref<!tpu.dma_semaphore, #tpu.memory_space<semaphore_mem>>)
      } else {
      }
      %add3A_306 = arith.constant 3 : i32
      %add3A_307 = arith.addi %add3A_231, %add3A_306 : i32
      %lt3A_308 = arith.constant 160 : i32
      %lt3A_309 = arith.cmpi slt, %add3A_307, %lt3A_308 : i32
      %convert_element_type3A_310 = arith.extui %lt3A_309 : i1 to i32
      %cond3A_311 = arith.constant 0 : i32
      %cond3A_312 = arith.cmpi ne, %convert_element_type3A_310, %cond3A_311 : i32
      scf.if %cond3A_312 {
        %ge3A = arith.constant 1 : i32
        %ge3A_730 = arith.cmpi sge, %add3A_231, %ge3A : i32
        %convert_element_type3A_731 = arith.extui %ge3A_730 : i1 to i32
        %cond3A_732 = arith.constant 0 : i32
        %cond3A_733 = arith.cmpi ne, %convert_element_type3A_731, %cond3A_732 : i32
        scf.if %cond3A_733 {
          %dma_wait3A_754 = arith.constant 0 : i32
          %dma_wait3A_755 = arith.constant 0 : i32
          %dma_wait3A_756 = arith.constant 0 : i32
          %dma_wait3A_757 = tpu.memref_slice %arg9[%dma_wait3A_755, %dma_wait3A_756] : memref<256x128xf32, #tpu.memory_space<vmem>> -> memref<64x128xf32, #tpu.memory_space<vmem>>
          %dma_wait3A_758 = arith.constant 0 : i32
          %dma_wait3A_759 = tpu.memref_slice %arg7[%dma_wait3A_754, %dma_wait3A_758] : memref<80x128xi32, #tpu.memory_space<vmem>> -> memref<1x64xi32, #tpu.memory_space<vmem>>
          %dma_wait3A_760 = tpu.memref_squeeze %dma_wait3A_759 : memref<1x64xi32, #tpu.memory_space<vmem>> -> memref<64xi32, #tpu.memory_space<vmem>>
          %dma_wait3A_761 = arith.constant 0 : i32
          %dma_wait3A_762 = arith.constant 0 : i32
          %dma_wait3A_763 = tpu.memref_slice %arg6[%dma_wait3A_761, %dma_wait3A_762] : memref<10240x128xf32, #tpu.memory_space<vmem_shared>> -> memref<10240x128xf32, #tpu.memory_space<vmem_shared>>
          tpu.wait_indirect_dma semaphore(%arg14 : memref<!tpu.dma_semaphore, #tpu.memory_space<semaphore_mem>>) src(%dma_wait3A_757 : memref<64x128xf32, #tpu.memory_space<vmem>>) dst(%dma_wait3A_763 : memref<10240x128xf32, #tpu.memory_space<vmem_shared>>)
        } else {
        }
        %dma_wait3A_734 = arith.constant 2 : i32
        %dma_wait3A_735 = arith.constant 0 : i32
        %dma_wait3A_736 = tpu.memref_slice %arg8[%dma_wait3A_734, %dma_wait3A_735] : memref<4x128xi32, #tpu.memory_space<vmem>> -> memref<1x128xi32, #tpu.memory_space<vmem>>
        %dma_wait3A_737 = arith.constant 0 : i32
        %dma_wait3A_738 = tpu.memref_slice %arg3[%mul3A_2, %dma_wait3A_737] : memref<2560x128xi32, #tpu.memory_space<hbm>> -> memref<1x128xi32, #tpu.memory_space<hbm>>
        %dma_wait3A_739 = arith.constant 2 : i32
        %dma_wait3A_740 = arith.constant 0 : i32
        %dma_wait3A_741 = tpu.memref_slice %arg8[%dma_wait3A_739, %dma_wait3A_740] : memref<4x128xi32, #tpu.memory_space<vmem>> -> memref<1x128xi32, #tpu.memory_space<vmem>>
        %dma_wait3A_742 = arith.constant 0 : i32
        %dma_wait3A_743 = tpu.memref_slice %arg3[%mul3A_2, %dma_wait3A_742] : memref<2560x128xi32, #tpu.memory_space<hbm>> -> memref<1x128xi32, #tpu.memory_space<hbm>>
        tpu.wait_dma2 semaphore(%arg20 : memref<!tpu.dma_semaphore, #tpu.memory_space<semaphore_mem>>) src(%dma_wait3A_743 : memref<1x128xi32, #tpu.memory_space<hbm>>) dst(%dma_wait3A_741 : memref<1x128xi32, #tpu.memory_space<vmem>>)
        %dma_start3A_744 = arith.constant 2 : i32
        %dma_start3A_745 = arith.constant 0 : i32
        %dma_start3A_746 = arith.constant 0 : i32
        %dma_start3A_747 = tpu.memref_slice %arg9[%dma_start3A_745, %dma_start3A_746] : memref<256x128xf32, #tpu.memory_space<vmem>> -> memref<64x128xf32, #tpu.memory_space<vmem>>
        %dma_start3A_748 = arith.constant 0 : i32
        %dma_start3A_749 = tpu.memref_slice %arg8[%dma_start3A_744, %dma_start3A_748] : memref<4x128xi32, #tpu.memory_space<vmem>> -> memref<1x64xi32, #tpu.memory_space<vmem>>
        %dma_start3A_750 = tpu.memref_squeeze %dma_start3A_749 : memref<1x64xi32, #tpu.memory_space<vmem>> -> memref<64xi32, #tpu.memory_space<vmem>>
        %dma_start3A_751 = arith.constant 0 : i32
        %dma_start3A_752 = arith.constant 0 : i32
        %dma_start3A_753 = tpu.memref_slice %arg2[%dma_start3A_751, %dma_start3A_752] : memref<10240x128xf32, #tpu.memory_space<hbm>> -> memref<10240x128xf32, #tpu.memory_space<hbm>>
        tpu.enqueue_indirect_dma source(%dma_start3A_753 : memref<10240x128xf32, #tpu.memory_space<hbm>>) target(%dma_start3A_747 : memref<64x128xf32, #tpu.memory_space<vmem>>) offsets(%dma_start3A_750 : memref<64xi32, #tpu.memory_space<vmem>>) semaphore(%arg10 : memref<!tpu.dma_semaphore, #tpu.memory_space<semaphore_mem>>)
      } else {
      }
      %mul3A_313 = arith.constant 8 : i32
      %mul3A_314 = arith.muli %mul3A_313, %add3A_184 : i32
      %add3A_315 = arith.constant 2 : i32
      %add3A_316 = arith.addi %mul3A_314, %add3A_315 : i32
      %dma_wait3A_317 = arith.constant 0 : i32
      %dma_wait3A_318 = arith.constant 128 : i32
      %dma_wait3A_319 = arith.constant 0 : i32
      %dma_wait3A_320 = tpu.memref_slice %arg9[%dma_wait3A_318, %dma_wait3A_319] : memref<256x128xf32, #tpu.memory_space<vmem>> -> memref<64x128xf32, #tpu.memory_space<vmem>>
      %dma_wait3A_321 = arith.constant 0 : i32
      %dma_wait3A_322 = tpu.memref_slice %arg8[%dma_wait3A_317, %dma_wait3A_321] : memref<4x128xi32, #tpu.memory_space<vmem>> -> memref<1x64xi32, #tpu.memory_space<vmem>>
      %dma_wait3A_323 = tpu.memref_squeeze %dma_wait3A_322 : memref<1x64xi32, #tpu.memory_space<vmem>> -> memref<64xi32, #tpu.memory_space<vmem>>
      %dma_wait3A_324 = arith.constant 0 : i32
      %dma_wait3A_325 = arith.constant 0 : i32
      %dma_wait3A_326 = tpu.memref_slice %arg2[%dma_wait3A_324, %dma_wait3A_325] : memref<10240x128xf32, #tpu.memory_space<hbm>> -> memref<10240x128xf32, #tpu.memory_space<hbm>>
      tpu.wait_indirect_dma semaphore(%arg12 : memref<!tpu.dma_semaphore, #tpu.memory_space<semaphore_mem>>) src(%dma_wait3A_326 : memref<10240x128xf32, #tpu.memory_space<hbm>>) dst(%dma_wait3A_320 : memref<64x128xf32, #tpu.memory_space<vmem>>)
      %jit3A_327 = arith.constant 2 : i32
      %div3A_328 = arith.divsi %add3A_316, %jit3A_327 : i32
      %sign3A_329 = arith.constant 0 : i32
      %sign3A_330 = arith.cmpi sgt, %add3A_316, %sign3A_329 : i32
      %sign3A_331 = arith.extui %sign3A_330 : i1 to i32
      %sign3A_332 = arith.constant 0 : i32
      %sign3A_333 = arith.cmpi slt, %add3A_316, %sign3A_332 : i32
      %sign3A_334 = arith.extui %sign3A_333 : i1 to i32
      %sign3A_335 = arith.subi %sign3A_331, %sign3A_334 : i32
      %sign3A_336 = arith.constant 0 : i32
      %sign3A_337 = arith.cmpi sgt, %jit3A_327, %sign3A_336 : i32
      %sign3A_338 = arith.extui %sign3A_337 : i1 to i32
      %sign3A_339 = arith.constant 0 : i32
      %sign3A_340 = arith.cmpi slt, %jit3A_327, %sign3A_339 : i32
      %sign3A_341 = arith.extui %sign3A_340 : i1 to i32
      %sign3A_342 = arith.subi %sign3A_338, %sign3A_341 : i32
      %ne3A_343 = arith.cmpi ne, %sign3A_335, %sign3A_342 : i32
      %rem3A_344 = arith.remsi %add3A_316, %jit3A_327 : i32
      %ne3A_345 = arith.constant 0 : i32
      %ne3A_346 = arith.cmpi ne, %rem3A_344, %ne3A_345 : i32
      %and3A_347 = arith.andi %ne3A_343, %ne3A_346 : i1
      %sub3A_348 = arith.constant 1 : i32
      %sub3A_349 = arith.subi %div3A_328, %sub3A_348 : i32
      %select_n3A_350 = arith.select %and3A_347, %sub3A_349, %div3A_328 : i32
      %dma_start3A_351 = arith.constant 128 : i32
      %dma_start3A_352 = arith.constant 0 : i32
      %dma_start3A_353 = tpu.memref_slice %arg9[%dma_start3A_351, %dma_start3A_352] : memref<256x128xf32, #tpu.memory_space<vmem>> -> memref<64x128xf32, #tpu.memory_space<vmem>>
      %dma_start3A_354 = arith.constant 0 : i32
      %dma_start3A_355 = tpu.memref_slice %arg7[%select_n3A_350, %dma_start3A_354] : memref<80x128xi32, #tpu.memory_space<vmem>> -> memref<1x64xi32, #tpu.memory_space<vmem>>
      %dma_start3A_356 = tpu.memref_squeeze %dma_start3A_355 : memref<1x64xi32, #tpu.memory_space<vmem>> -> memref<64xi32, #tpu.memory_space<vmem>>
      %dma_start3A_357 = arith.constant 0 : i32
      %dma_start3A_358 = arith.constant 0 : i32
      %dma_start3A_359 = tpu.memref_slice %arg6[%dma_start3A_357, %dma_start3A_358] : memref<10240x128xf32, #tpu.memory_space<vmem_shared>> -> memref<10240x128xf32, #tpu.memory_space<vmem_shared>>
      tpu.enqueue_indirect_dma source(%dma_start3A_353 : memref<64x128xf32, #tpu.memory_space<vmem>>) target(%dma_start3A_359 : memref<10240x128xf32, #tpu.memory_space<vmem_shared>>) offsets(%dma_start3A_356 : memref<64xi32, #tpu.memory_space<vmem>>) semaphore(%arg16 : memref<!tpu.dma_semaphore, #tpu.memory_space<semaphore_mem>>) {add = true}
      %add3A_360 = arith.constant 3 : i32
      %add3A_361 = arith.addi %add3A_316, %add3A_360 : i32
      %lt3A_362 = arith.constant 160 : i32
      %lt3A_363 = arith.cmpi slt, %add3A_361, %lt3A_362 : i32
      %convert_element_type3A_364 = arith.extui %lt3A_363 : i1 to i32
      %cond3A_365 = arith.constant 0 : i32
      %cond3A_366 = arith.cmpi ne, %convert_element_type3A_364, %cond3A_365 : i32
      scf.if %cond3A_366 {
        %ge3A = arith.constant 1 : i32
        %ge3A_730 = arith.cmpi sge, %add3A_316, %ge3A : i32
        %convert_element_type3A_731 = arith.extui %ge3A_730 : i1 to i32
        %cond3A_732 = arith.constant 0 : i32
        %cond3A_733 = arith.cmpi ne, %convert_element_type3A_731, %cond3A_732 : i32
        scf.if %cond3A_733 {
          %dma_wait3A_744 = arith.constant 0 : i32
          %dma_wait3A_745 = arith.constant 64 : i32
          %dma_wait3A_746 = arith.constant 0 : i32
          %dma_wait3A_747 = tpu.memref_slice %arg9[%dma_wait3A_745, %dma_wait3A_746] : memref<256x128xf32, #tpu.memory_space<vmem>> -> memref<64x128xf32, #tpu.memory_space<vmem>>
          %dma_wait3A_748 = arith.constant 0 : i32
          %dma_wait3A_749 = tpu.memref_slice %arg7[%dma_wait3A_744, %dma_wait3A_748] : memref<80x128xi32, #tpu.memory_space<vmem>> -> memref<1x64xi32, #tpu.memory_space<vmem>>
          %dma_wait3A_750 = tpu.memref_squeeze %dma_wait3A_749 : memref<1x64xi32, #tpu.memory_space<vmem>> -> memref<64xi32, #tpu.memory_space<vmem>>
          %dma_wait3A_751 = arith.constant 0 : i32
          %dma_wait3A_752 = arith.constant 0 : i32
          %dma_wait3A_753 = tpu.memref_slice %arg6[%dma_wait3A_751, %dma_wait3A_752] : memref<10240x128xf32, #tpu.memory_space<vmem_shared>> -> memref<10240x128xf32, #tpu.memory_space<vmem_shared>>
          tpu.wait_indirect_dma semaphore(%arg15 : memref<!tpu.dma_semaphore, #tpu.memory_space<semaphore_mem>>) src(%dma_wait3A_747 : memref<64x128xf32, #tpu.memory_space<vmem>>) dst(%dma_wait3A_753 : memref<10240x128xf32, #tpu.memory_space<vmem_shared>>)
        } else {
        }
        %dma_start3A_734 = arith.constant 2 : i32
        %dma_start3A_735 = arith.constant 64 : i32
        %dma_start3A_736 = arith.constant 0 : i32
        %dma_start3A_737 = tpu.memref_slice %arg9[%dma_start3A_735, %dma_start3A_736] : memref<256x128xf32, #tpu.memory_space<vmem>> -> memref<64x128xf32, #tpu.memory_space<vmem>>
        %dma_start3A_738 = arith.constant 64 : i32
        %dma_start3A_739 = tpu.memref_slice %arg8[%dma_start3A_734, %dma_start3A_738] : memref<4x128xi32, #tpu.memory_space<vmem>> -> memref<1x64xi32, #tpu.memory_space<vmem>>
        %dma_start3A_740 = tpu.memref_squeeze %dma_start3A_739 : memref<1x64xi32, #tpu.memory_space<vmem>> -> memref<64xi32, #tpu.memory_space<vmem>>
        %dma_start3A_741 = arith.constant 0 : i32
        %dma_start3A_742 = arith.constant 0 : i32
        %dma_start3A_743 = tpu.memref_slice %arg2[%dma_start3A_741, %dma_start3A_742] : memref<10240x128xf32, #tpu.memory_space<hbm>> -> memref<10240x128xf32, #tpu.memory_space<hbm>>
        tpu.enqueue_indirect_dma source(%dma_start3A_743 : memref<10240x128xf32, #tpu.memory_space<hbm>>) target(%dma_start3A_737 : memref<64x128xf32, #tpu.memory_space<vmem>>) offsets(%dma_start3A_740 : memref<64xi32, #tpu.memory_space<vmem>>) semaphore(%arg11 : memref<!tpu.dma_semaphore, #tpu.memory_space<semaphore_mem>>)
      } else {
      }
      %mul3A_367 = arith.constant 8 : i32
      %mul3A_368 = arith.muli %mul3A_367, %add3A_184 : i32
      %add3A_369 = arith.constant 3 : i32
      %add3A_370 = arith.addi %mul3A_368, %add3A_369 : i32
      %dma_wait3A_371 = arith.constant 0 : i32
      %dma_wait3A_372 = arith.constant 192 : i32
      %dma_wait3A_373 = arith.constant 0 : i32
      %dma_wait3A_374 = tpu.memref_slice %arg9[%dma_wait3A_372, %dma_wait3A_373] : memref<256x128xf32, #tpu.memory_space<vmem>> -> memref<64x128xf32, #tpu.memory_space<vmem>>
      %dma_wait3A_375 = arith.constant 0 : i32
      %dma_wait3A_376 = tpu.memref_slice %arg8[%dma_wait3A_371, %dma_wait3A_375] : memref<4x128xi32, #tpu.memory_space<vmem>> -> memref<1x64xi32, #tpu.memory_space<vmem>>
      %dma_wait3A_377 = tpu.memref_squeeze %dma_wait3A_376 : memref<1x64xi32, #tpu.memory_space<vmem>> -> memref<64xi32, #tpu.memory_space<vmem>>
      %dma_wait3A_378 = arith.constant 0 : i32
      %dma_wait3A_379 = arith.constant 0 : i32
      %dma_wait3A_380 = tpu.memref_slice %arg2[%dma_wait3A_378, %dma_wait3A_379] : memref<10240x128xf32, #tpu.memory_space<hbm>> -> memref<10240x128xf32, #tpu.memory_space<hbm>>
      tpu.wait_indirect_dma semaphore(%arg13 : memref<!tpu.dma_semaphore, #tpu.memory_space<semaphore_mem>>) src(%dma_wait3A_380 : memref<10240x128xf32, #tpu.memory_space<hbm>>) dst(%dma_wait3A_374 : memref<64x128xf32, #tpu.memory_space<vmem>>)
      %jit3A_381 = arith.constant 2 : i32
      %div3A_382 = arith.divsi %add3A_370, %jit3A_381 : i32
      %sign3A_383 = arith.constant 0 : i32
      %sign3A_384 = arith.cmpi sgt, %add3A_370, %sign3A_383 : i32
      %sign3A_385 = arith.extui %sign3A_384 : i1 to i32
      %sign3A_386 = arith.constant 0 : i32
      %sign3A_387 = arith.cmpi slt, %add3A_370, %sign3A_386 : i32
      %sign3A_388 = arith.extui %sign3A_387 : i1 to i32
      %sign3A_389 = arith.subi %sign3A_385, %sign3A_388 : i32
      %sign3A_390 = arith.constant 0 : i32
      %sign3A_391 = arith.cmpi sgt, %jit3A_381, %sign3A_390 : i32
      %sign3A_392 = arith.extui %sign3A_391 : i1 to i32
      %sign3A_393 = arith.constant 0 : i32
      %sign3A_394 = arith.cmpi slt, %jit3A_381, %sign3A_393 : i32
      %sign3A_395 = arith.extui %sign3A_394 : i1 to i32
      %sign3A_396 = arith.subi %sign3A_392, %sign3A_395 : i32
      %ne3A_397 = arith.cmpi ne, %sign3A_389, %sign3A_396 : i32
      %rem3A_398 = arith.remsi %add3A_370, %jit3A_381 : i32
      %ne3A_399 = arith.constant 0 : i32
      %ne3A_400 = arith.cmpi ne, %rem3A_398, %ne3A_399 : i32
      %and3A_401 = arith.andi %ne3A_397, %ne3A_400 : i1
      %sub3A_402 = arith.constant 1 : i32
      %sub3A_403 = arith.subi %div3A_382, %sub3A_402 : i32
      %select_n3A_404 = arith.select %and3A_401, %sub3A_403, %div3A_382 : i32
      %dma_start3A_405 = arith.constant 192 : i32
      %dma_start3A_406 = arith.constant 0 : i32
      %dma_start3A_407 = tpu.memref_slice %arg9[%dma_start3A_405, %dma_start3A_406] : memref<256x128xf32, #tpu.memory_space<vmem>> -> memref<64x128xf32, #tpu.memory_space<vmem>>
      %dma_start3A_408 = arith.constant 64 : i32
      %dma_start3A_409 = tpu.memref_slice %arg7[%select_n3A_404, %dma_start3A_408] : memref<80x128xi32, #tpu.memory_space<vmem>> -> memref<1x64xi32, #tpu.memory_space<vmem>>
      %dma_start3A_410 = tpu.memref_squeeze %dma_start3A_409 : memref<1x64xi32, #tpu.memory_space<vmem>> -> memref<64xi32, #tpu.memory_space<vmem>>
      %dma_start3A_411 = arith.constant 0 : i32
      %dma_start3A_412 = arith.constant 0 : i32
      %dma_start3A_413 = tpu.memref_slice %arg6[%dma_start3A_411, %dma_start3A_412] : memref<10240x128xf32, #tpu.memory_space<vmem_shared>> -> memref<10240x128xf32, #tpu.memory_space<vmem_shared>>
      tpu.enqueue_indirect_dma source(%dma_start3A_407 : memref<64x128xf32, #tpu.memory_space<vmem>>) target(%dma_start3A_413 : memref<10240x128xf32, #tpu.memory_space<vmem_shared>>) offsets(%dma_start3A_410 : memref<64xi32, #tpu.memory_space<vmem>>) semaphore(%arg17 : memref<!tpu.dma_semaphore, #tpu.memory_space<semaphore_mem>>) {add = true}
      %jit3A_414 = arith.constant 2 : i32
      %div3A_415 = arith.divsi %add3A_370, %jit3A_414 : i32
      %sign3A_416 = arith.constant 0 : i32
      %sign3A_417 = arith.cmpi sgt, %add3A_370, %sign3A_416 : i32
      %sign3A_418 = arith.extui %sign3A_417 : i1 to i32
      %sign3A_419 = arith.constant 0 : i32
      %sign3A_420 = arith.cmpi slt, %add3A_370, %sign3A_419 : i32
      %sign3A_421 = arith.extui %sign3A_420 : i1 to i32
      %sign3A_422 = arith.subi %sign3A_418, %sign3A_421 : i32
      %sign3A_423 = arith.constant 0 : i32
      %sign3A_424 = arith.cmpi sgt, %jit3A_414, %sign3A_423 : i32
      %sign3A_425 = arith.extui %sign3A_424 : i1 to i32
      %sign3A_426 = arith.constant 0 : i32
      %sign3A_427 = arith.cmpi slt, %jit3A_414, %sign3A_426 : i32
      %sign3A_428 = arith.extui %sign3A_427 : i1 to i32
      %sign3A_429 = arith.subi %sign3A_425, %sign3A_428 : i32
      %ne3A_430 = arith.cmpi ne, %sign3A_422, %sign3A_429 : i32
      %rem3A_431 = arith.remsi %add3A_370, %jit3A_414 : i32
      %ne3A_432 = arith.constant 0 : i32
      %ne3A_433 = arith.cmpi ne, %rem3A_431, %ne3A_432 : i32
      %and3A_434 = arith.andi %ne3A_430, %ne3A_433 : i1
      %sub3A_435 = arith.constant 1 : i32
      %sub3A_436 = arith.subi %div3A_415, %sub3A_435 : i32
      %select_n3A_437 = arith.select %and3A_434, %sub3A_436, %div3A_415 : i32
      %add3A_438 = arith.constant 4 : i32
      %add3A_439 = arith.addi %select_n3A_437, %add3A_438 : i32
      %lt3A_440 = arith.constant 80 : i32
      %lt3A_441 = arith.cmpi slt, %add3A_439, %lt3A_440 : i32
      %convert_element_type3A_442 = arith.extui %lt3A_441 : i1 to i32
      %cond3A_443 = arith.constant 0 : i32
      %cond3A_444 = arith.cmpi ne, %convert_element_type3A_442, %cond3A_443 : i32
      scf.if %cond3A_444 {
        %jit3A_730 = arith.constant 2 : i32
        %div3A_731 = arith.divsi %add3A_370, %jit3A_730 : i32
        %sign3A_732 = arith.constant 0 : i32
        %sign3A_733 = arith.cmpi sgt, %add3A_370, %sign3A_732 : i32
        %sign3A_734 = arith.extui %sign3A_733 : i1 to i32
        %sign3A_735 = arith.constant 0 : i32
        %sign3A_736 = arith.cmpi slt, %add3A_370, %sign3A_735 : i32
        %sign3A_737 = arith.extui %sign3A_736 : i1 to i32
        %sign3A_738 = arith.subi %sign3A_734, %sign3A_737 : i32
        %sign3A_739 = arith.constant 0 : i32
        %sign3A_740 = arith.cmpi sgt, %jit3A_730, %sign3A_739 : i32
        %sign3A_741 = arith.extui %sign3A_740 : i1 to i32
        %sign3A_742 = arith.constant 0 : i32
        %sign3A_743 = arith.cmpi slt, %jit3A_730, %sign3A_742 : i32
        %sign3A_744 = arith.extui %sign3A_743 : i1 to i32
        %sign3A_745 = arith.subi %sign3A_741, %sign3A_744 : i32
        %ne3A_746 = arith.cmpi ne, %sign3A_738, %sign3A_745 : i32
        %rem3A_747 = arith.remsi %add3A_370, %jit3A_730 : i32
        %ne3A_748 = arith.constant 0 : i32
        %ne3A_749 = arith.cmpi ne, %rem3A_747, %ne3A_748 : i32
        %and3A_750 = arith.andi %ne3A_746, %ne3A_749 : i1
        %sub3A_751 = arith.constant 1 : i32
        %sub3A_752 = arith.subi %div3A_731, %sub3A_751 : i32
        %select_n3A_753 = arith.select %and3A_750, %sub3A_752, %div3A_731 : i32
        %add3A_754 = arith.constant 4 : i32
        %add3A_755 = arith.addi %select_n3A_753, %add3A_754 : i32
        %add3A_756 = arith.addi %mul3A_2, %add3A_755 : i32
        %dma_start3A_757 = arith.constant 1 : i32
        %dma_start3A_758 = arith.constant 0 : i32
        %dma_start3A_759 = tpu.memref_slice %arg8[%dma_start3A_757, %dma_start3A_758] : memref<4x128xi32, #tpu.memory_space<vmem>> -> memref<1x128xi32, #tpu.memory_space<vmem>>
        %dma_start3A_760 = arith.constant 0 : i32
        %dma_start3A_761 = tpu.memref_slice %arg3[%add3A_756, %dma_start3A_760] : memref<2560x128xi32, #tpu.memory_space<hbm>> -> memref<1x128xi32, #tpu.memory_space<hbm>>
        %dma_start3A_762 = arith.constant 1 : i32
        %dma_start3A_763 = arith.constant 0 : i32
        %dma_start3A_764 = tpu.memref_slice %arg8[%dma_start3A_762, %dma_start3A_763] : memref<4x128xi32, #tpu.memory_space<vmem>> -> memref<1x128xi32, #tpu.memory_space<vmem>>
        %dma_start3A_765 = arith.constant 0 : i32
        %dma_start3A_766 = tpu.memref_slice %arg3[%add3A_756, %dma_start3A_765] : memref<2560x128xi32, #tpu.memory_space<hbm>> -> memref<1x128xi32, #tpu.memory_space<hbm>>
        tpu.enqueue_dma source(%dma_start3A_766 : memref<1x128xi32, #tpu.memory_space<hbm>>) target(%dma_start3A_764 : memref<1x128xi32, #tpu.memory_space<vmem>>) target_semaphore(%arg19 : memref<!tpu.dma_semaphore, #tpu.memory_space<semaphore_mem>>)
      } else {
      }
      %add3A_445 = arith.constant 3 : i32
      %add3A_446 = arith.addi %add3A_370, %add3A_445 : i32
      %lt3A_447 = arith.constant 160 : i32
      %lt3A_448 = arith.cmpi slt, %add3A_446, %lt3A_447 : i32
      %convert_element_type3A_449 = arith.extui %lt3A_448 : i1 to i32
      %cond3A_450 = arith.constant 0 : i32
      %cond3A_451 = arith.cmpi ne, %convert_element_type3A_449, %cond3A_450 : i32
      scf.if %cond3A_451 {
        %ge3A = arith.constant 1 : i32
        %ge3A_730 = arith.cmpi sge, %add3A_370, %ge3A : i32
        %convert_element_type3A_731 = arith.extui %ge3A_730 : i1 to i32
        %cond3A_732 = arith.constant 0 : i32
        %cond3A_733 = arith.cmpi ne, %convert_element_type3A_731, %cond3A_732 : i32
        scf.if %cond3A_733 {
          %dma_wait3A_754 = arith.constant 0 : i32
          %dma_wait3A_755 = arith.constant 128 : i32
          %dma_wait3A_756 = arith.constant 0 : i32
          %dma_wait3A_757 = tpu.memref_slice %arg9[%dma_wait3A_755, %dma_wait3A_756] : memref<256x128xf32, #tpu.memory_space<vmem>> -> memref<64x128xf32, #tpu.memory_space<vmem>>
          %dma_wait3A_758 = arith.constant 0 : i32
          %dma_wait3A_759 = tpu.memref_slice %arg7[%dma_wait3A_754, %dma_wait3A_758] : memref<80x128xi32, #tpu.memory_space<vmem>> -> memref<1x64xi32, #tpu.memory_space<vmem>>
          %dma_wait3A_760 = tpu.memref_squeeze %dma_wait3A_759 : memref<1x64xi32, #tpu.memory_space<vmem>> -> memref<64xi32, #tpu.memory_space<vmem>>
          %dma_wait3A_761 = arith.constant 0 : i32
          %dma_wait3A_762 = arith.constant 0 : i32
          %dma_wait3A_763 = tpu.memref_slice %arg6[%dma_wait3A_761, %dma_wait3A_762] : memref<10240x128xf32, #tpu.memory_space<vmem_shared>> -> memref<10240x128xf32, #tpu.memory_space<vmem_shared>>
          tpu.wait_indirect_dma semaphore(%arg16 : memref<!tpu.dma_semaphore, #tpu.memory_space<semaphore_mem>>) src(%dma_wait3A_757 : memref<64x128xf32, #tpu.memory_space<vmem>>) dst(%dma_wait3A_763 : memref<10240x128xf32, #tpu.memory_space<vmem_shared>>)
        } else {
        }
        %dma_wait3A_734 = arith.constant 3 : i32
        %dma_wait3A_735 = arith.constant 0 : i32
        %dma_wait3A_736 = tpu.memref_slice %arg8[%dma_wait3A_734, %dma_wait3A_735] : memref<4x128xi32, #tpu.memory_space<vmem>> -> memref<1x128xi32, #tpu.memory_space<vmem>>
        %dma_wait3A_737 = arith.constant 0 : i32
        %dma_wait3A_738 = tpu.memref_slice %arg3[%mul3A_2, %dma_wait3A_737] : memref<2560x128xi32, #tpu.memory_space<hbm>> -> memref<1x128xi32, #tpu.memory_space<hbm>>
        %dma_wait3A_739 = arith.constant 3 : i32
        %dma_wait3A_740 = arith.constant 0 : i32
        %dma_wait3A_741 = tpu.memref_slice %arg8[%dma_wait3A_739, %dma_wait3A_740] : memref<4x128xi32, #tpu.memory_space<vmem>> -> memref<1x128xi32, #tpu.memory_space<vmem>>
        %dma_wait3A_742 = arith.constant 0 : i32
        %dma_wait3A_743 = tpu.memref_slice %arg3[%mul3A_2, %dma_wait3A_742] : memref<2560x128xi32, #tpu.memory_space<hbm>> -> memref<1x128xi32, #tpu.memory_space<hbm>>
        tpu.wait_dma2 semaphore(%arg21 : memref<!tpu.dma_semaphore, #tpu.memory_space<semaphore_mem>>) src(%dma_wait3A_743 : memref<1x128xi32, #tpu.memory_space<hbm>>) dst(%dma_wait3A_741 : memref<1x128xi32, #tpu.memory_space<vmem>>)
        %dma_start3A_744 = arith.constant 3 : i32
        %dma_start3A_745 = arith.constant 128 : i32
        %dma_start3A_746 = arith.constant 0 : i32
        %dma_start3A_747 = tpu.memref_slice %arg9[%dma_start3A_745, %dma_start3A_746] : memref<256x128xf32, #tpu.memory_space<vmem>> -> memref<64x128xf32, #tpu.memory_space<vmem>>
        %dma_start3A_748 = arith.constant 0 : i32
        %dma_start3A_749 = tpu.memref_slice %arg8[%dma_start3A_744, %dma_start3A_748] : memref<4x128xi32, #tpu.memory_space<vmem>> -> memref<1x64xi32, #tpu.memory_space<vmem>>
        %dma_start3A_750 = tpu.memref_squeeze %dma_start3A_749 : memref<1x64xi32, #tpu.memory_space<vmem>> -> memref<64xi32, #tpu.memory_space<vmem>>
        %dma_start3A_751 = arith.constant 0 : i32
        %dma_start3A_752 = arith.constant 0 : i32
        %dma_start3A_753 = tpu.memref_slice %arg2[%dma_start3A_751, %dma_start3A_752] : memref<10240x128xf32, #tpu.memory_space<hbm>> -> memref<10240x128xf32, #tpu.memory_space<hbm>>
        tpu.enqueue_indirect_dma source(%dma_start3A_753 : memref<10240x128xf32, #tpu.memory_space<hbm>>) target(%dma_start3A_747 : memref<64x128xf32, #tpu.memory_space<vmem>>) offsets(%dma_start3A_750 : memref<64xi32, #tpu.memory_space<vmem>>) semaphore(%arg12 : memref<!tpu.dma_semaphore, #tpu.memory_space<semaphore_mem>>)
      } else {
      }
      %mul3A_452 = arith.constant 8 : i32
      %mul3A_453 = arith.muli %mul3A_452, %add3A_184 : i32
      %add3A_454 = arith.constant 4 : i32
      %add3A_455 = arith.addi %mul3A_453, %add3A_454 : i32
      %dma_wait3A_456 = arith.constant 0 : i32
      %dma_wait3A_457 = arith.constant 0 : i32
      %dma_wait3A_458 = arith.constant 0 : i32
      %dma_wait3A_459 = tpu.memref_slice %arg9[%dma_wait3A_457, %dma_wait3A_458] : memref<256x128xf32, #tpu.memory_space<vmem>> -> memref<64x128xf32, #tpu.memory_space<vmem>>
      %dma_wait3A_460 = arith.constant 0 : i32
      %dma_wait3A_461 = tpu.memref_slice %arg8[%dma_wait3A_456, %dma_wait3A_460] : memref<4x128xi32, #tpu.memory_space<vmem>> -> memref<1x64xi32, #tpu.memory_space<vmem>>
      %dma_wait3A_462 = tpu.memref_squeeze %dma_wait3A_461 : memref<1x64xi32, #tpu.memory_space<vmem>> -> memref<64xi32, #tpu.memory_space<vmem>>
      %dma_wait3A_463 = arith.constant 0 : i32
      %dma_wait3A_464 = arith.constant 0 : i32
      %dma_wait3A_465 = tpu.memref_slice %arg2[%dma_wait3A_463, %dma_wait3A_464] : memref<10240x128xf32, #tpu.memory_space<hbm>> -> memref<10240x128xf32, #tpu.memory_space<hbm>>
      tpu.wait_indirect_dma semaphore(%arg10 : memref<!tpu.dma_semaphore, #tpu.memory_space<semaphore_mem>>) src(%dma_wait3A_465 : memref<10240x128xf32, #tpu.memory_space<hbm>>) dst(%dma_wait3A_459 : memref<64x128xf32, #tpu.memory_space<vmem>>)
      %jit3A_466 = arith.constant 2 : i32
      %div3A_467 = arith.divsi %add3A_455, %jit3A_466 : i32
      %sign3A_468 = arith.constant 0 : i32
      %sign3A_469 = arith.cmpi sgt, %add3A_455, %sign3A_468 : i32
      %sign3A_470 = arith.extui %sign3A_469 : i1 to i32
      %sign3A_471 = arith.constant 0 : i32
      %sign3A_472 = arith.cmpi slt, %add3A_455, %sign3A_471 : i32
      %sign3A_473 = arith.extui %sign3A_472 : i1 to i32
      %sign3A_474 = arith.subi %sign3A_470, %sign3A_473 : i32
      %sign3A_475 = arith.constant 0 : i32
      %sign3A_476 = arith.cmpi sgt, %jit3A_466, %sign3A_475 : i32
      %sign3A_477 = arith.extui %sign3A_476 : i1 to i32
      %sign3A_478 = arith.constant 0 : i32
      %sign3A_479 = arith.cmpi slt, %jit3A_466, %sign3A_478 : i32
      %sign3A_480 = arith.extui %sign3A_479 : i1 to i32
      %sign3A_481 = arith.subi %sign3A_477, %sign3A_480 : i32
      %ne3A_482 = arith.cmpi ne, %sign3A_474, %sign3A_481 : i32
      %rem3A_483 = arith.remsi %add3A_455, %jit3A_466 : i32
      %ne3A_484 = arith.constant 0 : i32
      %ne3A_485 = arith.cmpi ne, %rem3A_483, %ne3A_484 : i32
      %and3A_486 = arith.andi %ne3A_482, %ne3A_485 : i1
      %sub3A_487 = arith.constant 1 : i32
      %sub3A_488 = arith.subi %div3A_467, %sub3A_487 : i32
      %select_n3A_489 = arith.select %and3A_486, %sub3A_488, %div3A_467 : i32
      %dma_start3A_490 = arith.constant 0 : i32
      %dma_start3A_491 = arith.constant 0 : i32
      %dma_start3A_492 = tpu.memref_slice %arg9[%dma_start3A_490, %dma_start3A_491] : memref<256x128xf32, #tpu.memory_space<vmem>> -> memref<64x128xf32, #tpu.memory_space<vmem>>
      %dma_start3A_493 = arith.constant 0 : i32
      %dma_start3A_494 = tpu.memref_slice %arg7[%select_n3A_489, %dma_start3A_493] : memref<80x128xi32, #tpu.memory_space<vmem>> -> memref<1x64xi32, #tpu.memory_space<vmem>>
      %dma_start3A_495 = tpu.memref_squeeze %dma_start3A_494 : memref<1x64xi32, #tpu.memory_space<vmem>> -> memref<64xi32, #tpu.memory_space<vmem>>
      %dma_start3A_496 = arith.constant 0 : i32
      %dma_start3A_497 = arith.constant 0 : i32
      %dma_start3A_498 = tpu.memref_slice %arg6[%dma_start3A_496, %dma_start3A_497] : memref<10240x128xf32, #tpu.memory_space<vmem_shared>> -> memref<10240x128xf32, #tpu.memory_space<vmem_shared>>
      tpu.enqueue_indirect_dma source(%dma_start3A_492 : memref<64x128xf32, #tpu.memory_space<vmem>>) target(%dma_start3A_498 : memref<10240x128xf32, #tpu.memory_space<vmem_shared>>) offsets(%dma_start3A_495 : memref<64xi32, #tpu.memory_space<vmem>>) semaphore(%arg14 : memref<!tpu.dma_semaphore, #tpu.memory_space<semaphore_mem>>) {add = true}
      %add3A_499 = arith.constant 3 : i32
      %add3A_500 = arith.addi %add3A_455, %add3A_499 : i32
      %lt3A_501 = arith.constant 160 : i32
      %lt3A_502 = arith.cmpi slt, %add3A_500, %lt3A_501 : i32
      %convert_element_type3A_503 = arith.extui %lt3A_502 : i1 to i32
      %cond3A_504 = arith.constant 0 : i32
      %cond3A_505 = arith.cmpi ne, %convert_element_type3A_503, %cond3A_504 : i32
      scf.if %cond3A_505 {
        %ge3A = arith.constant 1 : i32
        %ge3A_730 = arith.cmpi sge, %add3A_455, %ge3A : i32
        %convert_element_type3A_731 = arith.extui %ge3A_730 : i1 to i32
        %cond3A_732 = arith.constant 0 : i32
        %cond3A_733 = arith.cmpi ne, %convert_element_type3A_731, %cond3A_732 : i32
        scf.if %cond3A_733 {
          %dma_wait3A_744 = arith.constant 0 : i32
          %dma_wait3A_745 = arith.constant 192 : i32
          %dma_wait3A_746 = arith.constant 0 : i32
          %dma_wait3A_747 = tpu.memref_slice %arg9[%dma_wait3A_745, %dma_wait3A_746] : memref<256x128xf32, #tpu.memory_space<vmem>> -> memref<64x128xf32, #tpu.memory_space<vmem>>
          %dma_wait3A_748 = arith.constant 0 : i32
          %dma_wait3A_749 = tpu.memref_slice %arg7[%dma_wait3A_744, %dma_wait3A_748] : memref<80x128xi32, #tpu.memory_space<vmem>> -> memref<1x64xi32, #tpu.memory_space<vmem>>
          %dma_wait3A_750 = tpu.memref_squeeze %dma_wait3A_749 : memref<1x64xi32, #tpu.memory_space<vmem>> -> memref<64xi32, #tpu.memory_space<vmem>>
          %dma_wait3A_751 = arith.constant 0 : i32
          %dma_wait3A_752 = arith.constant 0 : i32
          %dma_wait3A_753 = tpu.memref_slice %arg6[%dma_wait3A_751, %dma_wait3A_752] : memref<10240x128xf32, #tpu.memory_space<vmem_shared>> -> memref<10240x128xf32, #tpu.memory_space<vmem_shared>>
          tpu.wait_indirect_dma semaphore(%arg17 : memref<!tpu.dma_semaphore, #tpu.memory_space<semaphore_mem>>) src(%dma_wait3A_747 : memref<64x128xf32, #tpu.memory_space<vmem>>) dst(%dma_wait3A_753 : memref<10240x128xf32, #tpu.memory_space<vmem_shared>>)
        } else {
        }
        %dma_start3A_734 = arith.constant 3 : i32
        %dma_start3A_735 = arith.constant 192 : i32
        %dma_start3A_736 = arith.constant 0 : i32
        %dma_start3A_737 = tpu.memref_slice %arg9[%dma_start3A_735, %dma_start3A_736] : memref<256x128xf32, #tpu.memory_space<vmem>> -> memref<64x128xf32, #tpu.memory_space<vmem>>
        %dma_start3A_738 = arith.constant 64 : i32
        %dma_start3A_739 = tpu.memref_slice %arg8[%dma_start3A_734, %dma_start3A_738] : memref<4x128xi32, #tpu.memory_space<vmem>> -> memref<1x64xi32, #tpu.memory_space<vmem>>
        %dma_start3A_740 = tpu.memref_squeeze %dma_start3A_739 : memref<1x64xi32, #tpu.memory_space<vmem>> -> memref<64xi32, #tpu.memory_space<vmem>>
        %dma_start3A_741 = arith.constant 0 : i32
        %dma_start3A_742 = arith.constant 0 : i32
        %dma_start3A_743 = tpu.memref_slice %arg2[%dma_start3A_741, %dma_start3A_742] : memref<10240x128xf32, #tpu.memory_space<hbm>> -> memref<10240x128xf32, #tpu.memory_space<hbm>>
        tpu.enqueue_indirect_dma source(%dma_start3A_743 : memref<10240x128xf32, #tpu.memory_space<hbm>>) target(%dma_start3A_737 : memref<64x128xf32, #tpu.memory_space<vmem>>) offsets(%dma_start3A_740 : memref<64xi32, #tpu.memory_space<vmem>>) semaphore(%arg13 : memref<!tpu.dma_semaphore, #tpu.memory_space<semaphore_mem>>)
      } else {
      }
      %mul3A_506 = arith.constant 8 : i32
      %mul3A_507 = arith.muli %mul3A_506, %add3A_184 : i32
      %add3A_508 = arith.constant 5 : i32
      %add3A_509 = arith.addi %mul3A_507, %add3A_508 : i32
      %dma_wait3A_510 = arith.constant 0 : i32
      %dma_wait3A_511 = arith.constant 64 : i32
      %dma_wait3A_512 = arith.constant 0 : i32
      %dma_wait3A_513 = tpu.memref_slice %arg9[%dma_wait3A_511, %dma_wait3A_512] : memref<256x128xf32, #tpu.memory_space<vmem>> -> memref<64x128xf32, #tpu.memory_space<vmem>>
      %dma_wait3A_514 = arith.constant 0 : i32
      %dma_wait3A_515 = tpu.memref_slice %arg8[%dma_wait3A_510, %dma_wait3A_514] : memref<4x128xi32, #tpu.memory_space<vmem>> -> memref<1x64xi32, #tpu.memory_space<vmem>>
      %dma_wait3A_516 = tpu.memref_squeeze %dma_wait3A_515 : memref<1x64xi32, #tpu.memory_space<vmem>> -> memref<64xi32, #tpu.memory_space<vmem>>
      %dma_wait3A_517 = arith.constant 0 : i32
      %dma_wait3A_518 = arith.constant 0 : i32
      %dma_wait3A_519 = tpu.memref_slice %arg2[%dma_wait3A_517, %dma_wait3A_518] : memref<10240x128xf32, #tpu.memory_space<hbm>> -> memref<10240x128xf32, #tpu.memory_space<hbm>>
      tpu.wait_indirect_dma semaphore(%arg11 : memref<!tpu.dma_semaphore, #tpu.memory_space<semaphore_mem>>) src(%dma_wait3A_519 : memref<10240x128xf32, #tpu.memory_space<hbm>>) dst(%dma_wait3A_513 : memref<64x128xf32, #tpu.memory_space<vmem>>)
      %jit3A_520 = arith.constant 2 : i32
      %div3A_521 = arith.divsi %add3A_509, %jit3A_520 : i32
      %sign3A_522 = arith.constant 0 : i32
      %sign3A_523 = arith.cmpi sgt, %add3A_509, %sign3A_522 : i32
      %sign3A_524 = arith.extui %sign3A_523 : i1 to i32
      %sign3A_525 = arith.constant 0 : i32
      %sign3A_526 = arith.cmpi slt, %add3A_509, %sign3A_525 : i32
      %sign3A_527 = arith.extui %sign3A_526 : i1 to i32
      %sign3A_528 = arith.subi %sign3A_524, %sign3A_527 : i32
      %sign3A_529 = arith.constant 0 : i32
      %sign3A_530 = arith.cmpi sgt, %jit3A_520, %sign3A_529 : i32
      %sign3A_531 = arith.extui %sign3A_530 : i1 to i32
      %sign3A_532 = arith.constant 0 : i32
      %sign3A_533 = arith.cmpi slt, %jit3A_520, %sign3A_532 : i32
      %sign3A_534 = arith.extui %sign3A_533 : i1 to i32
      %sign3A_535 = arith.subi %sign3A_531, %sign3A_534 : i32
      %ne3A_536 = arith.cmpi ne, %sign3A_528, %sign3A_535 : i32
      %rem3A_537 = arith.remsi %add3A_509, %jit3A_520 : i32
      %ne3A_538 = arith.constant 0 : i32
      %ne3A_539 = arith.cmpi ne, %rem3A_537, %ne3A_538 : i32
      %and3A_540 = arith.andi %ne3A_536, %ne3A_539 : i1
      %sub3A_541 = arith.constant 1 : i32
      %sub3A_542 = arith.subi %div3A_521, %sub3A_541 : i32
      %select_n3A_543 = arith.select %and3A_540, %sub3A_542, %div3A_521 : i32
      %dma_start3A_544 = arith.constant 64 : i32
      %dma_start3A_545 = arith.constant 0 : i32
      %dma_start3A_546 = tpu.memref_slice %arg9[%dma_start3A_544, %dma_start3A_545] : memref<256x128xf32, #tpu.memory_space<vmem>> -> memref<64x128xf32, #tpu.memory_space<vmem>>
      %dma_start3A_547 = arith.constant 64 : i32
      %dma_start3A_548 = tpu.memref_slice %arg7[%select_n3A_543, %dma_start3A_547] : memref<80x128xi32, #tpu.memory_space<vmem>> -> memref<1x64xi32, #tpu.memory_space<vmem>>
      %dma_start3A_549 = tpu.memref_squeeze %dma_start3A_548 : memref<1x64xi32, #tpu.memory_space<vmem>> -> memref<64xi32, #tpu.memory_space<vmem>>
      %dma_start3A_550 = arith.constant 0 : i32
      %dma_start3A_551 = arith.constant 0 : i32
      %dma_start3A_552 = tpu.memref_slice %arg6[%dma_start3A_550, %dma_start3A_551] : memref<10240x128xf32, #tpu.memory_space<vmem_shared>> -> memref<10240x128xf32, #tpu.memory_space<vmem_shared>>
      tpu.enqueue_indirect_dma source(%dma_start3A_546 : memref<64x128xf32, #tpu.memory_space<vmem>>) target(%dma_start3A_552 : memref<10240x128xf32, #tpu.memory_space<vmem_shared>>) offsets(%dma_start3A_549 : memref<64xi32, #tpu.memory_space<vmem>>) semaphore(%arg15 : memref<!tpu.dma_semaphore, #tpu.memory_space<semaphore_mem>>) {add = true}
      %jit3A_553 = arith.constant 2 : i32
      %div3A_554 = arith.divsi %add3A_509, %jit3A_553 : i32
      %sign3A_555 = arith.constant 0 : i32
      %sign3A_556 = arith.cmpi sgt, %add3A_509, %sign3A_555 : i32
      %sign3A_557 = arith.extui %sign3A_556 : i1 to i32
      %sign3A_558 = arith.constant 0 : i32
      %sign3A_559 = arith.cmpi slt, %add3A_509, %sign3A_558 : i32
      %sign3A_560 = arith.extui %sign3A_559 : i1 to i32
      %sign3A_561 = arith.subi %sign3A_557, %sign3A_560 : i32
      %sign3A_562 = arith.constant 0 : i32
      %sign3A_563 = arith.cmpi sgt, %jit3A_553, %sign3A_562 : i32
      %sign3A_564 = arith.extui %sign3A_563 : i1 to i32
      %sign3A_565 = arith.constant 0 : i32
      %sign3A_566 = arith.cmpi slt, %jit3A_553, %sign3A_565 : i32
      %sign3A_567 = arith.extui %sign3A_566 : i1 to i32
      %sign3A_568 = arith.subi %sign3A_564, %sign3A_567 : i32
      %ne3A_569 = arith.cmpi ne, %sign3A_561, %sign3A_568 : i32
      %rem3A_570 = arith.remsi %add3A_509, %jit3A_553 : i32
      %ne3A_571 = arith.constant 0 : i32
      %ne3A_572 = arith.cmpi ne, %rem3A_570, %ne3A_571 : i32
      %and3A_573 = arith.andi %ne3A_569, %ne3A_572 : i1
      %sub3A_574 = arith.constant 1 : i32
      %sub3A_575 = arith.subi %div3A_554, %sub3A_574 : i32
      %select_n3A_576 = arith.select %and3A_573, %sub3A_575, %div3A_554 : i32
      %add3A_577 = arith.constant 4 : i32
      %add3A_578 = arith.addi %select_n3A_576, %add3A_577 : i32
      %lt3A_579 = arith.constant 80 : i32
      %lt3A_580 = arith.cmpi slt, %add3A_578, %lt3A_579 : i32
      %convert_element_type3A_581 = arith.extui %lt3A_580 : i1 to i32
      %cond3A_582 = arith.constant 0 : i32
      %cond3A_583 = arith.cmpi ne, %convert_element_type3A_581, %cond3A_582 : i32
      scf.if %cond3A_583 {
        %jit3A_730 = arith.constant 2 : i32
        %div3A_731 = arith.divsi %add3A_509, %jit3A_730 : i32
        %sign3A_732 = arith.constant 0 : i32
        %sign3A_733 = arith.cmpi sgt, %add3A_509, %sign3A_732 : i32
        %sign3A_734 = arith.extui %sign3A_733 : i1 to i32
        %sign3A_735 = arith.constant 0 : i32
        %sign3A_736 = arith.cmpi slt, %add3A_509, %sign3A_735 : i32
        %sign3A_737 = arith.extui %sign3A_736 : i1 to i32
        %sign3A_738 = arith.subi %sign3A_734, %sign3A_737 : i32
        %sign3A_739 = arith.constant 0 : i32
        %sign3A_740 = arith.cmpi sgt, %jit3A_730, %sign3A_739 : i32
        %sign3A_741 = arith.extui %sign3A_740 : i1 to i32
        %sign3A_742 = arith.constant 0 : i32
        %sign3A_743 = arith.cmpi slt, %jit3A_730, %sign3A_742 : i32
        %sign3A_744 = arith.extui %sign3A_743 : i1 to i32
        %sign3A_745 = arith.subi %sign3A_741, %sign3A_744 : i32
        %ne3A_746 = arith.cmpi ne, %sign3A_738, %sign3A_745 : i32
        %rem3A_747 = arith.remsi %add3A_509, %jit3A_730 : i32
        %ne3A_748 = arith.constant 0 : i32
        %ne3A_749 = arith.cmpi ne, %rem3A_747, %ne3A_748 : i32
        %and3A_750 = arith.andi %ne3A_746, %ne3A_749 : i1
        %sub3A_751 = arith.constant 1 : i32
        %sub3A_752 = arith.subi %div3A_731, %sub3A_751 : i32
        %select_n3A_753 = arith.select %and3A_750, %sub3A_752, %div3A_731 : i32
        %add3A_754 = arith.constant 4 : i32
        %add3A_755 = arith.addi %select_n3A_753, %add3A_754 : i32
        %add3A_756 = arith.addi %mul3A_2, %add3A_755 : i32
        %dma_start3A_757 = arith.constant 2 : i32
        %dma_start3A_758 = arith.constant 0 : i32
        %dma_start3A_759 = tpu.memref_slice %arg8[%dma_start3A_757, %dma_start3A_758] : memref<4x128xi32, #tpu.memory_space<vmem>> -> memref<1x128xi32, #tpu.memory_space<vmem>>
        %dma_start3A_760 = arith.constant 0 : i32
        %dma_start3A_761 = tpu.memref_slice %arg3[%add3A_756, %dma_start3A_760] : memref<2560x128xi32, #tpu.memory_space<hbm>> -> memref<1x128xi32, #tpu.memory_space<hbm>>
        %dma_start3A_762 = arith.constant 2 : i32
        %dma_start3A_763 = arith.constant 0 : i32
        %dma_start3A_764 = tpu.memref_slice %arg8[%dma_start3A_762, %dma_start3A_763] : memref<4x128xi32, #tpu.memory_space<vmem>> -> memref<1x128xi32, #tpu.memory_space<vmem>>
        %dma_start3A_765 = arith.constant 0 : i32
        %dma_start3A_766 = tpu.memref_slice %arg3[%add3A_756, %dma_start3A_765] : memref<2560x128xi32, #tpu.memory_space<hbm>> -> memref<1x128xi32, #tpu.memory_space<hbm>>
        tpu.enqueue_dma source(%dma_start3A_766 : memref<1x128xi32, #tpu.memory_space<hbm>>) target(%dma_start3A_764 : memref<1x128xi32, #tpu.memory_space<vmem>>) target_semaphore(%arg20 : memref<!tpu.dma_semaphore, #tpu.memory_space<semaphore_mem>>)
      } else {
      }
      %add3A_584 = arith.constant 3 : i32
      %add3A_585 = arith.addi %add3A_509, %add3A_584 : i32
      %lt3A_586 = arith.constant 160 : i32
      %lt3A_587 = arith.cmpi slt, %add3A_585, %lt3A_586 : i32
      %convert_element_type3A_588 = arith.extui %lt3A_587 : i1 to i32
      %cond3A_589 = arith.constant 0 : i32
      %cond3A_590 = arith.cmpi ne, %convert_element_type3A_588, %cond3A_589 : i32
      scf.if %cond3A_590 {
        %ge3A = arith.constant 1 : i32
        %ge3A_730 = arith.cmpi sge, %add3A_509, %ge3A : i32
        %convert_element_type3A_731 = arith.extui %ge3A_730 : i1 to i32
        %cond3A_732 = arith.constant 0 : i32
        %cond3A_733 = arith.cmpi ne, %convert_element_type3A_731, %cond3A_732 : i32
        scf.if %cond3A_733 {
          %dma_wait3A_754 = arith.constant 0 : i32
          %dma_wait3A_755 = arith.constant 0 : i32
          %dma_wait3A_756 = arith.constant 0 : i32
          %dma_wait3A_757 = tpu.memref_slice %arg9[%dma_wait3A_755, %dma_wait3A_756] : memref<256x128xf32, #tpu.memory_space<vmem>> -> memref<64x128xf32, #tpu.memory_space<vmem>>
          %dma_wait3A_758 = arith.constant 0 : i32
          %dma_wait3A_759 = tpu.memref_slice %arg7[%dma_wait3A_754, %dma_wait3A_758] : memref<80x128xi32, #tpu.memory_space<vmem>> -> memref<1x64xi32, #tpu.memory_space<vmem>>
          %dma_wait3A_760 = tpu.memref_squeeze %dma_wait3A_759 : memref<1x64xi32, #tpu.memory_space<vmem>> -> memref<64xi32, #tpu.memory_space<vmem>>
          %dma_wait3A_761 = arith.constant 0 : i32
          %dma_wait3A_762 = arith.constant 0 : i32
          %dma_wait3A_763 = tpu.memref_slice %arg6[%dma_wait3A_761, %dma_wait3A_762] : memref<10240x128xf32, #tpu.memory_space<vmem_shared>> -> memref<10240x128xf32, #tpu.memory_space<vmem_shared>>
          tpu.wait_indirect_dma semaphore(%arg14 : memref<!tpu.dma_semaphore, #tpu.memory_space<semaphore_mem>>) src(%dma_wait3A_757 : memref<64x128xf32, #tpu.memory_space<vmem>>) dst(%dma_wait3A_763 : memref<10240x128xf32, #tpu.memory_space<vmem_shared>>)
        } else {
        }
        %dma_wait3A_734 = arith.constant 0 : i32
        %dma_wait3A_735 = arith.constant 0 : i32
        %dma_wait3A_736 = tpu.memref_slice %arg8[%dma_wait3A_734, %dma_wait3A_735] : memref<4x128xi32, #tpu.memory_space<vmem>> -> memref<1x128xi32, #tpu.memory_space<vmem>>
        %dma_wait3A_737 = arith.constant 0 : i32
        %dma_wait3A_738 = tpu.memref_slice %arg3[%mul3A_2, %dma_wait3A_737] : memref<2560x128xi32, #tpu.memory_space<hbm>> -> memref<1x128xi32, #tpu.memory_space<hbm>>
        %dma_wait3A_739 = arith.constant 0 : i32
        %dma_wait3A_740 = arith.constant 0 : i32
        %dma_wait3A_741 = tpu.memref_slice %arg8[%dma_wait3A_739, %dma_wait3A_740] : memref<4x128xi32, #tpu.memory_space<vmem>> -> memref<1x128xi32, #tpu.memory_space<vmem>>
        %dma_wait3A_742 = arith.constant 0 : i32
        %dma_wait3A_743 = tpu.memref_slice %arg3[%mul3A_2, %dma_wait3A_742] : memref<2560x128xi32, #tpu.memory_space<hbm>> -> memref<1x128xi32, #tpu.memory_space<hbm>>
        tpu.wait_dma2 semaphore(%arg18 : memref<!tpu.dma_semaphore, #tpu.memory_space<semaphore_mem>>) src(%dma_wait3A_743 : memref<1x128xi32, #tpu.memory_space<hbm>>) dst(%dma_wait3A_741 : memref<1x128xi32, #tpu.memory_space<vmem>>)
        %dma_start3A_744 = arith.constant 0 : i32
        %dma_start3A_745 = arith.constant 0 : i32
        %dma_start3A_746 = arith.constant 0 : i32
        %dma_start3A_747 = tpu.memref_slice %arg9[%dma_start3A_745, %dma_start3A_746] : memref<256x128xf32, #tpu.memory_space<vmem>> -> memref<64x128xf32, #tpu.memory_space<vmem>>
        %dma_start3A_748 = arith.constant 0 : i32
        %dma_start3A_749 = tpu.memref_slice %arg8[%dma_start3A_744, %dma_start3A_748] : memref<4x128xi32, #tpu.memory_space<vmem>> -> memref<1x64xi32, #tpu.memory_space<vmem>>
        %dma_start3A_750 = tpu.memref_squeeze %dma_start3A_749 : memref<1x64xi32, #tpu.memory_space<vmem>> -> memref<64xi32, #tpu.memory_space<vmem>>
        %dma_start3A_751 = arith.constant 0 : i32
        %dma_start3A_752 = arith.constant 0 : i32
        %dma_start3A_753 = tpu.memref_slice %arg2[%dma_start3A_751, %dma_start3A_752] : memref<10240x128xf32, #tpu.memory_space<hbm>> -> memref<10240x128xf32, #tpu.memory_space<hbm>>
        tpu.enqueue_indirect_dma source(%dma_start3A_753 : memref<10240x128xf32, #tpu.memory_space<hbm>>) target(%dma_start3A_747 : memref<64x128xf32, #tpu.memory_space<vmem>>) offsets(%dma_start3A_750 : memref<64xi32, #tpu.memory_space<vmem>>) semaphore(%arg10 : memref<!tpu.dma_semaphore, #tpu.memory_space<semaphore_mem>>)
      } else {
      }
      %mul3A_591 = arith.constant 8 : i32
      %mul3A_592 = arith.muli %mul3A_591, %add3A_184 : i32
      %add3A_593 = arith.constant 6 : i32
      %add3A_594 = arith.addi %mul3A_592, %add3A_593 : i32
      %dma_wait3A_595 = arith.constant 0 : i32
      %dma_wait3A_596 = arith.constant 128 : i32
      %dma_wait3A_597 = arith.constant 0 : i32
      %dma_wait3A_598 = tpu.memref_slice %arg9[%dma_wait3A_596, %dma_wait3A_597] : memref<256x128xf32, #tpu.memory_space<vmem>> -> memref<64x128xf32, #tpu.memory_space<vmem>>
      %dma_wait3A_599 = arith.constant 0 : i32
      %dma_wait3A_600 = tpu.memref_slice %arg8[%dma_wait3A_595, %dma_wait3A_599] : memref<4x128xi32, #tpu.memory_space<vmem>> -> memref<1x64xi32, #tpu.memory_space<vmem>>
      %dma_wait3A_601 = tpu.memref_squeeze %dma_wait3A_600 : memref<1x64xi32, #tpu.memory_space<vmem>> -> memref<64xi32, #tpu.memory_space<vmem>>
      %dma_wait3A_602 = arith.constant 0 : i32
      %dma_wait3A_603 = arith.constant 0 : i32
      %dma_wait3A_604 = tpu.memref_slice %arg2[%dma_wait3A_602, %dma_wait3A_603] : memref<10240x128xf32, #tpu.memory_space<hbm>> -> memref<10240x128xf32, #tpu.memory_space<hbm>>
      tpu.wait_indirect_dma semaphore(%arg12 : memref<!tpu.dma_semaphore, #tpu.memory_space<semaphore_mem>>) src(%dma_wait3A_604 : memref<10240x128xf32, #tpu.memory_space<hbm>>) dst(%dma_wait3A_598 : memref<64x128xf32, #tpu.memory_space<vmem>>)
      %jit3A_605 = arith.constant 2 : i32
      %div3A_606 = arith.divsi %add3A_594, %jit3A_605 : i32
      %sign3A_607 = arith.constant 0 : i32
      %sign3A_608 = arith.cmpi sgt, %add3A_594, %sign3A_607 : i32
      %sign3A_609 = arith.extui %sign3A_608 : i1 to i32
      %sign3A_610 = arith.constant 0 : i32
      %sign3A_611 = arith.cmpi slt, %add3A_594, %sign3A_610 : i32
      %sign3A_612 = arith.extui %sign3A_611 : i1 to i32
      %sign3A_613 = arith.subi %sign3A_609, %sign3A_612 : i32
      %sign3A_614 = arith.constant 0 : i32
      %sign3A_615 = arith.cmpi sgt, %jit3A_605, %sign3A_614 : i32
      %sign3A_616 = arith.extui %sign3A_615 : i1 to i32
      %sign3A_617 = arith.constant 0 : i32
      %sign3A_618 = arith.cmpi slt, %jit3A_605, %sign3A_617 : i32
      %sign3A_619 = arith.extui %sign3A_618 : i1 to i32
      %sign3A_620 = arith.subi %sign3A_616, %sign3A_619 : i32
      %ne3A_621 = arith.cmpi ne, %sign3A_613, %sign3A_620 : i32
      %rem3A_622 = arith.remsi %add3A_594, %jit3A_605 : i32
      %ne3A_623 = arith.constant 0 : i32
      %ne3A_624 = arith.cmpi ne, %rem3A_622, %ne3A_623 : i32
      %and3A_625 = arith.andi %ne3A_621, %ne3A_624 : i1
      %sub3A_626 = arith.constant 1 : i32
      %sub3A_627 = arith.subi %div3A_606, %sub3A_626 : i32
      %select_n3A_628 = arith.select %and3A_625, %sub3A_627, %div3A_606 : i32
      %dma_start3A_629 = arith.constant 128 : i32
      %dma_start3A_630 = arith.constant 0 : i32
      %dma_start3A_631 = tpu.memref_slice %arg9[%dma_start3A_629, %dma_start3A_630] : memref<256x128xf32, #tpu.memory_space<vmem>> -> memref<64x128xf32, #tpu.memory_space<vmem>>
      %dma_start3A_632 = arith.constant 0 : i32
      %dma_start3A_633 = tpu.memref_slice %arg7[%select_n3A_628, %dma_start3A_632] : memref<80x128xi32, #tpu.memory_space<vmem>> -> memref<1x64xi32, #tpu.memory_space<vmem>>
      %dma_start3A_634 = tpu.memref_squeeze %dma_start3A_633 : memref<1x64xi32, #tpu.memory_space<vmem>> -> memref<64xi32, #tpu.memory_space<vmem>>
      %dma_start3A_635 = arith.constant 0 : i32
      %dma_start3A_636 = arith.constant 0 : i32
      %dma_start3A_637 = tpu.memref_slice %arg6[%dma_start3A_635, %dma_start3A_636] : memref<10240x128xf32, #tpu.memory_space<vmem_shared>> -> memref<10240x128xf32, #tpu.memory_space<vmem_shared>>
      tpu.enqueue_indirect_dma source(%dma_start3A_631 : memref<64x128xf32, #tpu.memory_space<vmem>>) target(%dma_start3A_637 : memref<10240x128xf32, #tpu.memory_space<vmem_shared>>) offsets(%dma_start3A_634 : memref<64xi32, #tpu.memory_space<vmem>>) semaphore(%arg16 : memref<!tpu.dma_semaphore, #tpu.memory_space<semaphore_mem>>) {add = true}
      %add3A_638 = arith.constant 3 : i32
      %add3A_639 = arith.addi %add3A_594, %add3A_638 : i32
      %lt3A_640 = arith.constant 160 : i32
      %lt3A_641 = arith.cmpi slt, %add3A_639, %lt3A_640 : i32
      %convert_element_type3A_642 = arith.extui %lt3A_641 : i1 to i32
      %cond3A_643 = arith.constant 0 : i32
      %cond3A_644 = arith.cmpi ne, %convert_element_type3A_642, %cond3A_643 : i32
      scf.if %cond3A_644 {
        %ge3A = arith.constant 1 : i32
        %ge3A_730 = arith.cmpi sge, %add3A_594, %ge3A : i32
        %convert_element_type3A_731 = arith.extui %ge3A_730 : i1 to i32
        %cond3A_732 = arith.constant 0 : i32
        %cond3A_733 = arith.cmpi ne, %convert_element_type3A_731, %cond3A_732 : i32
        scf.if %cond3A_733 {
          %dma_wait3A_744 = arith.constant 0 : i32
          %dma_wait3A_745 = arith.constant 64 : i32
          %dma_wait3A_746 = arith.constant 0 : i32
          %dma_wait3A_747 = tpu.memref_slice %arg9[%dma_wait3A_745, %dma_wait3A_746] : memref<256x128xf32, #tpu.memory_space<vmem>> -> memref<64x128xf32, #tpu.memory_space<vmem>>
          %dma_wait3A_748 = arith.constant 0 : i32
          %dma_wait3A_749 = tpu.memref_slice %arg7[%dma_wait3A_744, %dma_wait3A_748] : memref<80x128xi32, #tpu.memory_space<vmem>> -> memref<1x64xi32, #tpu.memory_space<vmem>>
          %dma_wait3A_750 = tpu.memref_squeeze %dma_wait3A_749 : memref<1x64xi32, #tpu.memory_space<vmem>> -> memref<64xi32, #tpu.memory_space<vmem>>
          %dma_wait3A_751 = arith.constant 0 : i32
          %dma_wait3A_752 = arith.constant 0 : i32
          %dma_wait3A_753 = tpu.memref_slice %arg6[%dma_wait3A_751, %dma_wait3A_752] : memref<10240x128xf32, #tpu.memory_space<vmem_shared>> -> memref<10240x128xf32, #tpu.memory_space<vmem_shared>>
          tpu.wait_indirect_dma semaphore(%arg15 : memref<!tpu.dma_semaphore, #tpu.memory_space<semaphore_mem>>) src(%dma_wait3A_747 : memref<64x128xf32, #tpu.memory_space<vmem>>) dst(%dma_wait3A_753 : memref<10240x128xf32, #tpu.memory_space<vmem_shared>>)
        } else {
        }
        %dma_start3A_734 = arith.constant 0 : i32
        %dma_start3A_735 = arith.constant 64 : i32
        %dma_start3A_736 = arith.constant 0 : i32
        %dma_start3A_737 = tpu.memref_slice %arg9[%dma_start3A_735, %dma_start3A_736] : memref<256x128xf32, #tpu.memory_space<vmem>> -> memref<64x128xf32, #tpu.memory_space<vmem>>
        %dma_start3A_738 = arith.constant 64 : i32
        %dma_start3A_739 = tpu.memref_slice %arg8[%dma_start3A_734, %dma_start3A_738] : memref<4x128xi32, #tpu.memory_space<vmem>> -> memref<1x64xi32, #tpu.memory_space<vmem>>
        %dma_start3A_740 = tpu.memref_squeeze %dma_start3A_739 : memref<1x64xi32, #tpu.memory_space<vmem>> -> memref<64xi32, #tpu.memory_space<vmem>>
        %dma_start3A_741 = arith.constant 0 : i32
        %dma_start3A_742 = arith.constant 0 : i32
        %dma_start3A_743 = tpu.memref_slice %arg2[%dma_start3A_741, %dma_start3A_742] : memref<10240x128xf32, #tpu.memory_space<hbm>> -> memref<10240x128xf32, #tpu.memory_space<hbm>>
        tpu.enqueue_indirect_dma source(%dma_start3A_743 : memref<10240x128xf32, #tpu.memory_space<hbm>>) target(%dma_start3A_737 : memref<64x128xf32, #tpu.memory_space<vmem>>) offsets(%dma_start3A_740 : memref<64xi32, #tpu.memory_space<vmem>>) semaphore(%arg11 : memref<!tpu.dma_semaphore, #tpu.memory_space<semaphore_mem>>)
      } else {
      }
      %mul3A_645 = arith.constant 8 : i32
      %mul3A_646 = arith.muli %mul3A_645, %add3A_184 : i32
      %add3A_647 = arith.constant 7 : i32
      %add3A_648 = arith.addi %mul3A_646, %add3A_647 : i32
      %dma_wait3A_649 = arith.constant 0 : i32
      %dma_wait3A_650 = arith.constant 192 : i32
      %dma_wait3A_651 = arith.constant 0 : i32
      %dma_wait3A_652 = tpu.memref_slice %arg9[%dma_wait3A_650, %dma_wait3A_651] : memref<256x128xf32, #tpu.memory_space<vmem>> -> memref<64x128xf32, #tpu.memory_space<vmem>>
      %dma_wait3A_653 = arith.constant 0 : i32
      %dma_wait3A_654 = tpu.memref_slice %arg8[%dma_wait3A_649, %dma_wait3A_653] : memref<4x128xi32, #tpu.memory_space<vmem>> -> memref<1x64xi32, #tpu.memory_space<vmem>>
      %dma_wait3A_655 = tpu.memref_squeeze %dma_wait3A_654 : memref<1x64xi32, #tpu.memory_space<vmem>> -> memref<64xi32, #tpu.memory_space<vmem>>
      %dma_wait3A_656 = arith.constant 0 : i32
      %dma_wait3A_657 = arith.constant 0 : i32
      %dma_wait3A_658 = tpu.memref_slice %arg2[%dma_wait3A_656, %dma_wait3A_657] : memref<10240x128xf32, #tpu.memory_space<hbm>> -> memref<10240x128xf32, #tpu.memory_space<hbm>>
      tpu.wait_indirect_dma semaphore(%arg13 : memref<!tpu.dma_semaphore, #tpu.memory_space<semaphore_mem>>) src(%dma_wait3A_658 : memref<10240x128xf32, #tpu.memory_space<hbm>>) dst(%dma_wait3A_652 : memref<64x128xf32, #tpu.memory_space<vmem>>)
      %jit3A_659 = arith.constant 2 : i32
      %div3A_660 = arith.divsi %add3A_648, %jit3A_659 : i32
      %sign3A_661 = arith.constant 0 : i32
      %sign3A_662 = arith.cmpi sgt, %add3A_648, %sign3A_661 : i32
      %sign3A_663 = arith.extui %sign3A_662 : i1 to i32
      %sign3A_664 = arith.constant 0 : i32
      %sign3A_665 = arith.cmpi slt, %add3A_648, %sign3A_664 : i32
      %sign3A_666 = arith.extui %sign3A_665 : i1 to i32
      %sign3A_667 = arith.subi %sign3A_663, %sign3A_666 : i32
      %sign3A_668 = arith.constant 0 : i32
      %sign3A_669 = arith.cmpi sgt, %jit3A_659, %sign3A_668 : i32
      %sign3A_670 = arith.extui %sign3A_669 : i1 to i32
      %sign3A_671 = arith.constant 0 : i32
      %sign3A_672 = arith.cmpi slt, %jit3A_659, %sign3A_671 : i32
      %sign3A_673 = arith.extui %sign3A_672 : i1 to i32
      %sign3A_674 = arith.subi %sign3A_670, %sign3A_673 : i32
      %ne3A_675 = arith.cmpi ne, %sign3A_667, %sign3A_674 : i32
      %rem3A_676 = arith.remsi %add3A_648, %jit3A_659 : i32
      %ne3A_677 = arith.constant 0 : i32
      %ne3A_678 = arith.cmpi ne, %rem3A_676, %ne3A_677 : i32
      %and3A_679 = arith.andi %ne3A_675, %ne3A_678 : i1
      %sub3A_680 = arith.constant 1 : i32
      %sub3A_681 = arith.subi %div3A_660, %sub3A_680 : i32
      %select_n3A_682 = arith.select %and3A_679, %sub3A_681, %div3A_660 : i32
      %dma_start3A_683 = arith.constant 192 : i32
      %dma_start3A_684 = arith.constant 0 : i32
      %dma_start3A_685 = tpu.memref_slice %arg9[%dma_start3A_683, %dma_start3A_684] : memref<256x128xf32, #tpu.memory_space<vmem>> -> memref<64x128xf32, #tpu.memory_space<vmem>>
      %dma_start3A_686 = arith.constant 64 : i32
      %dma_start3A_687 = tpu.memref_slice %arg7[%select_n3A_682, %dma_start3A_686] : memref<80x128xi32, #tpu.memory_space<vmem>> -> memref<1x64xi32, #tpu.memory_space<vmem>>
      %dma_start3A_688 = tpu.memref_squeeze %dma_start3A_687 : memref<1x64xi32, #tpu.memory_space<vmem>> -> memref<64xi32, #tpu.memory_space<vmem>>
      %dma_start3A_689 = arith.constant 0 : i32
      %dma_start3A_690 = arith.constant 0 : i32
      %dma_start3A_691 = tpu.memref_slice %arg6[%dma_start3A_689, %dma_start3A_690] : memref<10240x128xf32, #tpu.memory_space<vmem_shared>> -> memref<10240x128xf32, #tpu.memory_space<vmem_shared>>
      tpu.enqueue_indirect_dma source(%dma_start3A_685 : memref<64x128xf32, #tpu.memory_space<vmem>>) target(%dma_start3A_691 : memref<10240x128xf32, #tpu.memory_space<vmem_shared>>) offsets(%dma_start3A_688 : memref<64xi32, #tpu.memory_space<vmem>>) semaphore(%arg17 : memref<!tpu.dma_semaphore, #tpu.memory_space<semaphore_mem>>) {add = true}
      %jit3A_692 = arith.constant 2 : i32
      %div3A_693 = arith.divsi %add3A_648, %jit3A_692 : i32
      %sign3A_694 = arith.constant 0 : i32
      %sign3A_695 = arith.cmpi sgt, %add3A_648, %sign3A_694 : i32
      %sign3A_696 = arith.extui %sign3A_695 : i1 to i32
      %sign3A_697 = arith.constant 0 : i32
      %sign3A_698 = arith.cmpi slt, %add3A_648, %sign3A_697 : i32
      %sign3A_699 = arith.extui %sign3A_698 : i1 to i32
      %sign3A_700 = arith.subi %sign3A_696, %sign3A_699 : i32
      %sign3A_701 = arith.constant 0 : i32
      %sign3A_702 = arith.cmpi sgt, %jit3A_692, %sign3A_701 : i32
      %sign3A_703 = arith.extui %sign3A_702 : i1 to i32
      %sign3A_704 = arith.constant 0 : i32
      %sign3A_705 = arith.cmpi slt, %jit3A_692, %sign3A_704 : i32
      %sign3A_706 = arith.extui %sign3A_705 : i1 to i32
      %sign3A_707 = arith.subi %sign3A_703, %sign3A_706 : i32
      %ne3A_708 = arith.cmpi ne, %sign3A_700, %sign3A_707 : i32
      %rem3A_709 = arith.remsi %add3A_648, %jit3A_692 : i32
      %ne3A_710 = arith.constant 0 : i32
      %ne3A_711 = arith.cmpi ne, %rem3A_709, %ne3A_710 : i32
      %and3A_712 = arith.andi %ne3A_708, %ne3A_711 : i1
      %sub3A_713 = arith.constant 1 : i32
      %sub3A_714 = arith.subi %div3A_693, %sub3A_713 : i32
      %select_n3A_715 = arith.select %and3A_712, %sub3A_714, %div3A_693 : i32
      %add3A_716 = arith.constant 4 : i32
      %add3A_717 = arith.addi %select_n3A_715, %add3A_716 : i32
      %lt3A_718 = arith.constant 80 : i32
      %lt3A_719 = arith.cmpi slt, %add3A_717, %lt3A_718 : i32
      %convert_element_type3A_720 = arith.extui %lt3A_719 : i1 to i32
      %cond3A_721 = arith.constant 0 : i32
      %cond3A_722 = arith.cmpi ne, %convert_element_type3A_720, %cond3A_721 : i32
      scf.if %cond3A_722 {
        %jit3A_730 = arith.constant 2 : i32
        %div3A_731 = arith.divsi %add3A_648, %jit3A_730 : i32
        %sign3A_732 = arith.constant 0 : i32
        %sign3A_733 = arith.cmpi sgt, %add3A_648, %sign3A_732 : i32
        %sign3A_734 = arith.extui %sign3A_733 : i1 to i32
        %sign3A_735 = arith.constant 0 : i32
        %sign3A_736 = arith.cmpi slt, %add3A_648, %sign3A_735 : i32
        %sign3A_737 = arith.extui %sign3A_736 : i1 to i32
        %sign3A_738 = arith.subi %sign3A_734, %sign3A_737 : i32
        %sign3A_739 = arith.constant 0 : i32
        %sign3A_740 = arith.cmpi sgt, %jit3A_730, %sign3A_739 : i32
        %sign3A_741 = arith.extui %sign3A_740 : i1 to i32
        %sign3A_742 = arith.constant 0 : i32
        %sign3A_743 = arith.cmpi slt, %jit3A_730, %sign3A_742 : i32
        %sign3A_744 = arith.extui %sign3A_743 : i1 to i32
        %sign3A_745 = arith.subi %sign3A_741, %sign3A_744 : i32
        %ne3A_746 = arith.cmpi ne, %sign3A_738, %sign3A_745 : i32
        %rem3A_747 = arith.remsi %add3A_648, %jit3A_730 : i32
        %ne3A_748 = arith.constant 0 : i32
        %ne3A_749 = arith.cmpi ne, %rem3A_747, %ne3A_748 : i32
        %and3A_750 = arith.andi %ne3A_746, %ne3A_749 : i1
        %sub3A_751 = arith.constant 1 : i32
        %sub3A_752 = arith.subi %div3A_731, %sub3A_751 : i32
        %select_n3A_753 = arith.select %and3A_750, %sub3A_752, %div3A_731 : i32
        %add3A_754 = arith.constant 4 : i32
        %add3A_755 = arith.addi %select_n3A_753, %add3A_754 : i32
        %add3A_756 = arith.addi %mul3A_2, %add3A_755 : i32
        %dma_start3A_757 = arith.constant 3 : i32
        %dma_start3A_758 = arith.constant 0 : i32
        %dma_start3A_759 = tpu.memref_slice %arg8[%dma_start3A_757, %dma_start3A_758] : memref<4x128xi32, #tpu.memory_space<vmem>> -> memref<1x128xi32, #tpu.memory_space<vmem>>
        %dma_start3A_760 = arith.constant 0 : i32
        %dma_start3A_761 = tpu.memref_slice %arg3[%add3A_756, %dma_start3A_760] : memref<2560x128xi32, #tpu.memory_space<hbm>> -> memref<1x128xi32, #tpu.memory_space<hbm>>
        %dma_start3A_762 = arith.constant 3 : i32
        %dma_start3A_763 = arith.constant 0 : i32
        %dma_start3A_764 = tpu.memref_slice %arg8[%dma_start3A_762, %dma_start3A_763] : memref<4x128xi32, #tpu.memory_space<vmem>> -> memref<1x128xi32, #tpu.memory_space<vmem>>
        %dma_start3A_765 = arith.constant 0 : i32
        %dma_start3A_766 = tpu.memref_slice %arg3[%add3A_756, %dma_start3A_765] : memref<2560x128xi32, #tpu.memory_space<hbm>> -> memref<1x128xi32, #tpu.memory_space<hbm>>
        tpu.enqueue_dma source(%dma_start3A_766 : memref<1x128xi32, #tpu.memory_space<hbm>>) target(%dma_start3A_764 : memref<1x128xi32, #tpu.memory_space<vmem>>) target_semaphore(%arg21 : memref<!tpu.dma_semaphore, #tpu.memory_space<semaphore_mem>>)
      } else {
      }
      %add3A_723 = arith.constant 3 : i32
      %add3A_724 = arith.addi %add3A_648, %add3A_723 : i32
      %lt3A_725 = arith.constant 160 : i32
      %lt3A_726 = arith.cmpi slt, %add3A_724, %lt3A_725 : i32
      %convert_element_type3A_727 = arith.extui %lt3A_726 : i1 to i32
      %cond3A_728 = arith.constant 0 : i32
      %cond3A_729 = arith.cmpi ne, %convert_element_type3A_727, %cond3A_728 : i32
      scf.if %cond3A_729 {
        %ge3A = arith.constant 1 : i32
        %ge3A_730 = arith.cmpi sge, %add3A_648, %ge3A : i32
        %convert_element_type3A_731 = arith.extui %ge3A_730 : i1 to i32
        %cond3A_732 = arith.constant 0 : i32
        %cond3A_733 = arith.cmpi ne, %convert_element_type3A_731, %cond3A_732 : i32
        scf.if %cond3A_733 {
          %dma_wait3A_754 = arith.constant 0 : i32
          %dma_wait3A_755 = arith.constant 128 : i32
          %dma_wait3A_756 = arith.constant 0 : i32
          %dma_wait3A_757 = tpu.memref_slice %arg9[%dma_wait3A_755, %dma_wait3A_756] : memref<256x128xf32, #tpu.memory_space<vmem>> -> memref<64x128xf32, #tpu.memory_space<vmem>>
          %dma_wait3A_758 = arith.constant 0 : i32
          %dma_wait3A_759 = tpu.memref_slice %arg7[%dma_wait3A_754, %dma_wait3A_758] : memref<80x128xi32, #tpu.memory_space<vmem>> -> memref<1x64xi32, #tpu.memory_space<vmem>>
          %dma_wait3A_760 = tpu.memref_squeeze %dma_wait3A_759 : memref<1x64xi32, #tpu.memory_space<vmem>> -> memref<64xi32, #tpu.memory_space<vmem>>
          %dma_wait3A_761 = arith.constant 0 : i32
          %dma_wait3A_762 = arith.constant 0 : i32
          %dma_wait3A_763 = tpu.memref_slice %arg6[%dma_wait3A_761, %dma_wait3A_762] : memref<10240x128xf32, #tpu.memory_space<vmem_shared>> -> memref<10240x128xf32, #tpu.memory_space<vmem_shared>>
          tpu.wait_indirect_dma semaphore(%arg16 : memref<!tpu.dma_semaphore, #tpu.memory_space<semaphore_mem>>) src(%dma_wait3A_757 : memref<64x128xf32, #tpu.memory_space<vmem>>) dst(%dma_wait3A_763 : memref<10240x128xf32, #tpu.memory_space<vmem_shared>>)
        } else {
        }
        %dma_wait3A_734 = arith.constant 1 : i32
        %dma_wait3A_735 = arith.constant 0 : i32
        %dma_wait3A_736 = tpu.memref_slice %arg8[%dma_wait3A_734, %dma_wait3A_735] : memref<4x128xi32, #tpu.memory_space<vmem>> -> memref<1x128xi32, #tpu.memory_space<vmem>>
        %dma_wait3A_737 = arith.constant 0 : i32
        %dma_wait3A_738 = tpu.memref_slice %arg3[%mul3A_2, %dma_wait3A_737] : memref<2560x128xi32, #tpu.memory_space<hbm>> -> memref<1x128xi32, #tpu.memory_space<hbm>>
        %dma_wait3A_739 = arith.constant 1 : i32
        %dma_wait3A_740 = arith.constant 0 : i32
        %dma_wait3A_741 = tpu.memref_slice %arg8[%dma_wait3A_739, %dma_wait3A_740] : memref<4x128xi32, #tpu.memory_space<vmem>> -> memref<1x128xi32, #tpu.memory_space<vmem>>
        %dma_wait3A_742 = arith.constant 0 : i32
        %dma_wait3A_743 = tpu.memref_slice %arg3[%mul3A_2, %dma_wait3A_742] : memref<2560x128xi32, #tpu.memory_space<hbm>> -> memref<1x128xi32, #tpu.memory_space<hbm>>
        tpu.wait_dma2 semaphore(%arg19 : memref<!tpu.dma_semaphore, #tpu.memory_space<semaphore_mem>>) src(%dma_wait3A_743 : memref<1x128xi32, #tpu.memory_space<hbm>>) dst(%dma_wait3A_741 : memref<1x128xi32, #tpu.memory_space<vmem>>)
        %dma_start3A_744 = arith.constant 1 : i32
        %dma_start3A_745 = arith.constant 128 : i32
        %dma_start3A_746 = arith.constant 0 : i32
        %dma_start3A_747 = tpu.memref_slice %arg9[%dma_start3A_745, %dma_start3A_746] : memref<256x128xf32, #tpu.memory_space<vmem>> -> memref<64x128xf32, #tpu.memory_space<vmem>>
        %dma_start3A_748 = arith.constant 0 : i32
        %dma_start3A_749 = tpu.memref_slice %arg8[%dma_start3A_744, %dma_start3A_748] : memref<4x128xi32, #tpu.memory_space<vmem>> -> memref<1x64xi32, #tpu.memory_space<vmem>>
        %dma_start3A_750 = tpu.memref_squeeze %dma_start3A_749 : memref<1x64xi32, #tpu.memory_space<vmem>> -> memref<64xi32, #tpu.memory_space<vmem>>
        %dma_start3A_751 = arith.constant 0 : i32
        %dma_start3A_752 = arith.constant 0 : i32
        %dma_start3A_753 = tpu.memref_slice %arg2[%dma_start3A_751, %dma_start3A_752] : memref<10240x128xf32, #tpu.memory_space<hbm>> -> memref<10240x128xf32, #tpu.memory_space<hbm>>
        tpu.enqueue_indirect_dma source(%dma_start3A_753 : memref<10240x128xf32, #tpu.memory_space<hbm>>) target(%dma_start3A_747 : memref<64x128xf32, #tpu.memory_space<vmem>>) offsets(%dma_start3A_750 : memref<64xi32, #tpu.memory_space<vmem>>) semaphore(%arg12 : memref<!tpu.dma_semaphore, #tpu.memory_space<semaphore_mem>>)
      } else {
      }
    }
    %scan3A_138 = arith.constant 20 : i32
    %dma_wait3A_139 = arith.constant 0 : i32
    %dma_wait3A_140 = arith.constant 0 : i32
    %dma_wait3A_141 = arith.constant 0 : i32
    %dma_wait3A_142 = tpu.memref_slice %arg9[%dma_wait3A_140, %dma_wait3A_141] : memref<256x128xf32, #tpu.memory_space<vmem>> -> memref<64x128xf32, #tpu.memory_space<vmem>>
    %dma_wait3A_143 = arith.constant 0 : i32
    %dma_wait3A_144 = tpu.memref_slice %arg7[%dma_wait3A_139, %dma_wait3A_143] : memref<80x128xi32, #tpu.memory_space<vmem>> -> memref<1x64xi32, #tpu.memory_space<vmem>>
    %dma_wait3A_145 = tpu.memref_squeeze %dma_wait3A_144 : memref<1x64xi32, #tpu.memory_space<vmem>> -> memref<64xi32, #tpu.memory_space<vmem>>
    %dma_wait3A_146 = arith.constant 0 : i32
    %dma_wait3A_147 = arith.constant 0 : i32
    %dma_wait3A_148 = tpu.memref_slice %arg6[%dma_wait3A_146, %dma_wait3A_147] : memref<10240x128xf32, #tpu.memory_space<vmem_shared>> -> memref<10240x128xf32, #tpu.memory_space<vmem_shared>>
    tpu.wait_indirect_dma semaphore(%arg14 : memref<!tpu.dma_semaphore, #tpu.memory_space<semaphore_mem>>) src(%dma_wait3A_142 : memref<64x128xf32, #tpu.memory_space<vmem>>) dst(%dma_wait3A_148 : memref<10240x128xf32, #tpu.memory_space<vmem_shared>>)
    %dma_wait3A_149 = arith.constant 0 : i32
    %dma_wait3A_150 = arith.constant 64 : i32
    %dma_wait3A_151 = arith.constant 0 : i32
    %dma_wait3A_152 = tpu.memref_slice %arg9[%dma_wait3A_150, %dma_wait3A_151] : memref<256x128xf32, #tpu.memory_space<vmem>> -> memref<64x128xf32, #tpu.memory_space<vmem>>
    %dma_wait3A_153 = arith.constant 0 : i32
    %dma_wait3A_154 = tpu.memref_slice %arg7[%dma_wait3A_149, %dma_wait3A_153] : memref<80x128xi32, #tpu.memory_space<vmem>> -> memref<1x64xi32, #tpu.memory_space<vmem>>
    %dma_wait3A_155 = tpu.memref_squeeze %dma_wait3A_154 : memref<1x64xi32, #tpu.memory_space<vmem>> -> memref<64xi32, #tpu.memory_space<vmem>>
    %dma_wait3A_156 = arith.constant 0 : i32
    %dma_wait3A_157 = arith.constant 0 : i32
    %dma_wait3A_158 = tpu.memref_slice %arg6[%dma_wait3A_156, %dma_wait3A_157] : memref<10240x128xf32, #tpu.memory_space<vmem_shared>> -> memref<10240x128xf32, #tpu.memory_space<vmem_shared>>
    tpu.wait_indirect_dma semaphore(%arg15 : memref<!tpu.dma_semaphore, #tpu.memory_space<semaphore_mem>>) src(%dma_wait3A_152 : memref<64x128xf32, #tpu.memory_space<vmem>>) dst(%dma_wait3A_158 : memref<10240x128xf32, #tpu.memory_space<vmem_shared>>)
    %dma_wait3A_159 = arith.constant 0 : i32
    %dma_wait3A_160 = arith.constant 128 : i32
    %dma_wait3A_161 = arith.constant 0 : i32
    %dma_wait3A_162 = tpu.memref_slice %arg9[%dma_wait3A_160, %dma_wait3A_161] : memref<256x128xf32, #tpu.memory_space<vmem>> -> memref<64x128xf32, #tpu.memory_space<vmem>>
    %dma_wait3A_163 = arith.constant 0 : i32
    %dma_wait3A_164 = tpu.memref_slice %arg7[%dma_wait3A_159, %dma_wait3A_163] : memref<80x128xi32, #tpu.memory_space<vmem>> -> memref<1x64xi32, #tpu.memory_space<vmem>>
    %dma_wait3A_165 = tpu.memref_squeeze %dma_wait3A_164 : memref<1x64xi32, #tpu.memory_space<vmem>> -> memref<64xi32, #tpu.memory_space<vmem>>
    %dma_wait3A_166 = arith.constant 0 : i32
    %dma_wait3A_167 = arith.constant 0 : i32
    %dma_wait3A_168 = tpu.memref_slice %arg6[%dma_wait3A_166, %dma_wait3A_167] : memref<10240x128xf32, #tpu.memory_space<vmem_shared>> -> memref<10240x128xf32, #tpu.memory_space<vmem_shared>>
    tpu.wait_indirect_dma semaphore(%arg16 : memref<!tpu.dma_semaphore, #tpu.memory_space<semaphore_mem>>) src(%dma_wait3A_162 : memref<64x128xf32, #tpu.memory_space<vmem>>) dst(%dma_wait3A_168 : memref<10240x128xf32, #tpu.memory_space<vmem_shared>>)
    %dma_wait3A_169 = arith.constant 0 : i32
    %dma_wait3A_170 = arith.constant 192 : i32
    %dma_wait3A_171 = arith.constant 0 : i32
    %dma_wait3A_172 = tpu.memref_slice %arg9[%dma_wait3A_170, %dma_wait3A_171] : memref<256x128xf32, #tpu.memory_space<vmem>> -> memref<64x128xf32, #tpu.memory_space<vmem>>
    %dma_wait3A_173 = arith.constant 0 : i32
    %dma_wait3A_174 = tpu.memref_slice %arg7[%dma_wait3A_169, %dma_wait3A_173] : memref<80x128xi32, #tpu.memory_space<vmem>> -> memref<1x64xi32, #tpu.memory_space<vmem>>
    %dma_wait3A_175 = tpu.memref_squeeze %dma_wait3A_174 : memref<1x64xi32, #tpu.memory_space<vmem>> -> memref<64xi32, #tpu.memory_space<vmem>>
    %dma_wait3A_176 = arith.constant 0 : i32
    %dma_wait3A_177 = arith.constant 0 : i32
    %dma_wait3A_178 = tpu.memref_slice %arg6[%dma_wait3A_176, %dma_wait3A_177] : memref<10240x128xf32, #tpu.memory_space<vmem_shared>> -> memref<10240x128xf32, #tpu.memory_space<vmem_shared>>
    tpu.wait_indirect_dma semaphore(%arg17 : memref<!tpu.dma_semaphore, #tpu.memory_space<semaphore_mem>>) src(%dma_wait3A_172 : memref<64x128xf32, #tpu.memory_space<vmem>>) dst(%dma_wait3A_178 : memref<10240x128xf32, #tpu.memory_space<vmem_shared>>)
    %barrier3A_179 = arith.constant 0 : index
    tpu.barrier barrier_id(%barrier3A_179)
    "tpu.region"() ({
      %run_scoped3A = tpu.sem_alloc : memref<!tpu.dma_semaphore, #tpu.memory_space<semaphore_mem>>
      %dma_start3A_180 = arith.constant 0 : i32
      %dma_start3A_181 = tpu.memref_slice %arg5[%arg0, %mul3A_4, %dma_start3A_180] : memref<2x10240x128xf32, #tpu.memory_space<hbm>> -> memref<1x640x128xf32, #tpu.memory_space<hbm>>
      %dma_start3A_182 = tpu.memref_squeeze %dma_start3A_181 : memref<1x640x128xf32, #tpu.memory_space<hbm>> -> memref<640x128xf32, #tpu.memory_space<hbm>>
      %dma_start3A_183 = arith.constant 0 : i32
      %dma_start3A_184 = tpu.memref_slice %arg6[%mul3A_4, %dma_start3A_183] : memref<10240x128xf32, #tpu.memory_space<vmem_shared>> -> memref<640x128xf32, #tpu.memory_space<vmem_shared>>
      tpu.enqueue_dma source(%dma_start3A_184 : memref<640x128xf32, #tpu.memory_space<vmem_shared>>) target(%dma_start3A_182 : memref<640x128xf32, #tpu.memory_space<hbm>>) target_semaphore(%run_scoped3A : memref<!tpu.dma_semaphore, #tpu.memory_space<semaphore_mem>>)
      %dma_wait3A_185 = arith.constant 0 : i32
      %dma_wait3A_186 = tpu.memref_slice %arg5[%arg0, %mul3A_4, %dma_wait3A_185] : memref<2x10240x128xf32, #tpu.memory_space<hbm>> -> memref<1x640x128xf32, #tpu.memory_space<hbm>>
      %dma_wait3A_187 = tpu.memref_squeeze %dma_wait3A_186 : memref<1x640x128xf32, #tpu.memory_space<hbm>> -> memref<640x128xf32, #tpu.memory_space<hbm>>
      %dma_wait3A_188 = arith.constant 0 : i32
      %dma_wait3A_189 = tpu.memref_slice %arg6[%mul3A_4, %dma_wait3A_188] : memref<10240x128xf32, #tpu.memory_space<vmem_shared>> -> memref<640x128xf32, #tpu.memory_space<vmem_shared>>
      tpu.wait_dma2 semaphore(%run_scoped3A : memref<!tpu.dma_semaphore, #tpu.memory_space<semaphore_mem>>) src(%dma_wait3A_189 : memref<640x128xf32, #tpu.memory_space<vmem_shared>>) dst(%dma_wait3A_187 : memref<640x128xf32, #tpu.memory_space<hbm>>)
      tpu.yield
    }) : () -> ()
    return
  }
}

module attributes {stable_mosaic.version = 14 : i64} {
  func.func @_prep_body(%arg0: i32, %arg1: memref<2x32768xi32, #tpu.memory_space<vmem>>, %arg2: memref<256x128xi32, #tpu.memory_space<vmem>>, %arg3: memref<256x128xi32, #tpu.memory_space<vmem>>) attributes {dimension_semantics = [#tpu.dimension_semantics<arbitrary>], iteration_bounds = array<i64: 10>, scalar_prefetch = 0 : i64, scratch_operands = 0 : i64, tpu.core_type = #tpu.core_type<tc>, window_params = [{transform_indices = @transform_0, window_bounds = array<i64: 2, 32768>}, {transform_indices = @transform_1, window_bounds = array<i64: 256, 128>}, {transform_indices = @transform_2, window_bounds = array<i64: 256, 128>}]} {
    %mul3A = arith.constant 256 : i32
    %mul3A_0 = arith.muli %arg0, %mul3A : i32
    %iota3A = tpu.iota {dimensions = array<i32: 0>} : vector<256x128xi32>
    %add3A = vector.broadcast %mul3A_0 : i32 to vector<256x128xi32>
    %add3A_1 = arith.addi %add3A, %iota3A : vector<256x128xi32>
    %iota3A_2 = tpu.iota {dimensions = array<i32: 1>} : vector<256x128xi32>
    %mul3A_3 = arith.constant 128 : i32
    %mul3A_4 = vector.broadcast %mul3A_3 : i32 to vector<256x128xi32>
    %mul3A_5 = arith.muli %add3A_1, %mul3A_4 : vector<256x128xi32>
    %add3A_6 = arith.addi %mul3A_5, %iota3A_2 : vector<256x128xi32>
    %jit3A = arith.constant 64 : i32
    %eq3A = arith.constant 0 : i32
    %eq3A_7 = arith.cmpi eq, %jit3A, %eq3A : i32
    %jit3A_8 = arith.constant 1 : i32
    %select_n3A = arith.select %eq3A_7, %jit3A_8, %jit3A : i32
    %rem3A = vector.broadcast %select_n3A : i32 to vector<256x128xi32>
    %rem3A_9 = arith.remsi %add3A_6, %rem3A : vector<256x128xi32>
    %ne3A = arith.constant 0 : i32
    %ne3A_10 = vector.broadcast %ne3A : i32 to vector<256x128xi32>
    %ne3A_11 = arith.cmpi ne, %rem3A_9, %ne3A_10 : vector<256x128xi32>
    %lt3A = arith.constant 0 : i32
    %lt3A_12 = vector.broadcast %lt3A : i32 to vector<256x128xi32>
    %lt3A_13 = arith.cmpi slt, %rem3A_9, %lt3A_12 : vector<256x128xi32>
    %lt3A_14 = arith.constant 0 : i32
    %lt3A_15 = arith.cmpi slt, %select_n3A, %lt3A_14 : i32
    %ne3A_16 = vector.broadcast %lt3A_15 : i1 to vector<256x128xi1>
    %ne3A_17 = vector.broadcast %ne3A_16 : vector<256x128xi1> to vector<256x128xi1>
    %ne3A_18 = arith.xori %lt3A_13, %ne3A_17 : vector<256x128xi1>
    %and3A = arith.andi %ne3A_18, %ne3A_11 : vector<256x128xi1>
    %add3A_19 = vector.broadcast %select_n3A : i32 to vector<256x128xi32>
    %add3A_20 = arith.addi %rem3A_9, %add3A_19 : vector<256x128xi32>
    %select_n3A_21 = arith.select %and3A, %add3A_20, %rem3A_9 : vector<256x128xi1>, vector<256x128xi32>
    %add3A_22 = arith.constant 10000 : i32
    %add3A_23 = vector.broadcast %add3A_22 : i32 to vector<256x128xi32>
    %add3A_24 = arith.addi %add3A_23, %select_n3A_21 : vector<256x128xi32>
    %lt3A_25 = arith.constant 320000 : i32
    %lt3A_26 = vector.broadcast %lt3A_25 : i32 to vector<256x128xi32>
    %lt3A_27 = arith.cmpi slt, %add3A_6, %lt3A_26 : vector<256x128xi32>
    %get3A = arith.constant 0 : index
    %get3A_28 = arith.constant 0 : index
    %get3A_29 = vector.load %arg1[%get3A, %get3A_28] : memref<2x32768xi32, #tpu.memory_space<vmem>>, vector<1x32768xi32>
    %get3A_30 = vector.shape_cast %get3A_29 : vector<1x32768xi32> to vector<32768xi32>
    %reshape3A = vector.shape_cast %get3A_30 : vector<32768xi32> to vector<256x128xi32>
    %select_n3A_31 = arith.select %lt3A_27, %reshape3A, %add3A_24 : vector<256x128xi1>, vector<256x128xi32>
    %swap3A = arith.constant 0 : index
    %swap3A_32 = arith.constant 0 : index
    %swap3A_33 = vector.load %arg2[%swap3A, %swap3A_32] : memref<256x128xi32, #tpu.memory_space<vmem>>, vector<256x128xi32>
    tpu.vector_store %arg2[%swap3A, %swap3A_32], %select_n3A_31 {strides = array<i32>} : memref<256x128xi32, #tpu.memory_space<vmem>>, vector<256x128xi32>,
    %get3A_34 = arith.constant 1 : index
    %get3A_35 = arith.constant 0 : index
    %get3A_36 = vector.load %arg1[%get3A_34, %get3A_35] : memref<2x32768xi32, #tpu.memory_space<vmem>>, vector<1x32768xi32>
    %get3A_37 = vector.shape_cast %get3A_36 : vector<1x32768xi32> to vector<32768xi32>
    %reshape3A_38 = vector.shape_cast %get3A_37 : vector<32768xi32> to vector<256x128xi32>
    %select_n3A_39 = arith.select %lt3A_27, %reshape3A_38, %add3A_24 : vector<256x128xi1>, vector<256x128xi32>
    %swap3A_40 = arith.constant 0 : index
    %swap3A_41 = arith.constant 0 : index
    %swap3A_42 = vector.load %arg3[%swap3A_40, %swap3A_41] : memref<256x128xi32, #tpu.memory_space<vmem>>, vector<256x128xi32>
    tpu.vector_store %arg3[%swap3A_40, %swap3A_41], %select_n3A_39 {strides = array<i32>} : memref<256x128xi32, #tpu.memory_space<vmem>>, vector<256x128xi32>,
    return
  }
  func.func @transform_0(%arg0: i32) -> (i32, i32) {
    %c0_i32 = arith.constant 0 : i32
    %c0_i32_0 = arith.constant 0 : i32
    return %c0_i32, %arg0 : i32, i32
  }
  func.func @transform_1(%arg0: i32) -> (i32, i32) {
    %c0_i32 = arith.constant 0 : i32
    %c0_i32_0 = arith.constant 0 : i32
    return %arg0, %c0_i32 : i32, i32
  }
  func.func @transform_2(%arg0: i32) -> (i32, i32) {
    %c0_i32 = arith.constant 0 : i32
    %c0_i32_0 = arith.constant 0 : i32
    return %arg0, %c0_i32 : i32, i32
  }
}

module attributes {stable_mosaic.version = 14 : i64} {
  func.func @_k1_body(%arg0: i32, %arg1: memref<1024x128xf32, #tpu.memory_space<vmem>>, %arg2: memref<128x128xf32, #tpu.memory_space<vmem>>, %arg3: memref<2x1024x128xf32, #tpu.memory_space<vmem>>, %arg4: memref<1024x128xf32, #tpu.memory_space<vmem>>, %arg5: memref<1024x16xf32, #tpu.memory_space<vmem>>) attributes {dimension_semantics = [#tpu.dimension_semantics<arbitrary>], iteration_bounds = array<i64: 10>, scalar_prefetch = 0 : i64, scratch_operands = 0 : i64, tpu.core_type = #tpu.core_type<tc>, window_params = [{transform_indices = @transform_0, window_bounds = array<i64: 1024, 128>}, {pipeline_mode = #tpu.pipeline_mode<synchronous>, transform_indices = @transform_1, window_bounds = array<i64: 128, 128>}, {transform_indices = @transform_2, window_bounds = array<i64: 2, 1024, 128>}, {transform_indices = @transform_3, window_bounds = array<i64: 1024, 128>}, {transform_indices = @transform_4, window_bounds = array<i64: 1024, 16>}]} {
    %get3A = arith.constant 0 : index
    %get3A_0 = arith.constant 0 : index
    %get3A_1 = arith.constant 0 : index
    %get3A_2 = vector.load %arg3[%get3A, %get3A_0, %get3A_1] : memref<2x1024x128xf32, #tpu.memory_space<vmem>>, vector<1x1024x1xf32>
    %get3A_3 = vector.shape_cast %get3A_2 : vector<1x1024x1xf32> to vector<1024xf32>
    %add3A = arith.constant 1.000000e+00 : f32
    %add3A_4 = vector.broadcast %add3A : f32 to vector<1024xf32>
    %add3A_5 = arith.addf %add3A_4, %get3A_3 : vector<1024xf32>
    %get3A_6 = arith.constant 1 : index
    %get3A_7 = arith.constant 0 : index
    %get3A_8 = arith.constant 0 : index
    %get3A_9 = vector.load %arg3[%get3A_6, %get3A_7, %get3A_8] : memref<2x1024x128xf32, #tpu.memory_space<vmem>>, vector<1x1024x1xf32>
    %get3A_10 = vector.shape_cast %get3A_9 : vector<1x1024x1xf32> to vector<1024xf32>
    %add3A_11 = arith.addf %add3A_5, %get3A_10 : vector<1024xf32>
    %rsqrt3A = math.rsqrt %add3A_11 : vector<1024xf32>
    %get3A_12 = arith.constant 0 : index
    %get3A_13 = arith.constant 0 : index
    %get3A_14 = vector.load %arg1[%get3A_12, %get3A_13] : memref<1024x128xf32, #tpu.memory_space<vmem>>, vector<1024x128xf32>
    %get3A_15 = arith.constant 0 : index
    %get3A_16 = arith.constant 0 : index
    %get3A_17 = vector.load %arg2[%get3A_15, %get3A_16] : memref<128x128xf32, #tpu.memory_space<vmem>>, vector<128x128xf32>
    %dot_general3A = arith.constant dense<0.000000e+00> : vector<1024x128xf32>
    %dot_general3A_18 = tpu.matmul %get3A_14, %get3A_17, %dot_general3A {dimension_numbers = #tpu.dot_dimension_numbers<[1], [0], [0], [1], [0, 0, 1, 1], [], []>, transpose_lhs_hint = false} : vector<1024x128xf32>, vector<128x128xf32>, vector<1024x128xf32> -> vector<1024x128xf32>
    %broadcast_in_dim3A = vector.shape_cast %rsqrt3A : vector<1024xf32> to vector<1024x1xf32>
    %mul3A = vector.broadcast %broadcast_in_dim3A : vector<1024x1xf32> to vector<1024x128xf32>
    %mul3A_19 = arith.mulf %dot_general3A_18, %mul3A : vector<1024x128xf32>
    %swap3A = arith.constant 0 : index
    %swap3A_20 = arith.constant 0 : index
    %swap3A_21 = vector.load %arg4[%swap3A, %swap3A_20] : memref<1024x128xf32, #tpu.memory_space<vmem>>, vector<1024x128xf32>
    tpu.vector_store %arg4[%swap3A, %swap3A_20], %mul3A_19 {strides = array<i32>} : memref<1024x128xf32, #tpu.memory_space<vmem>>, vector<1024x128xf32>,
    %broadcast_in_dim3A_22 = vector.shape_cast %rsqrt3A : vector<1024xf32> to vector<1024x1xf32>
    %broadcast_in_dim3A_23 = vector.shape_cast %broadcast_in_dim3A_22 : vector<1024x1xf32> to vector<1024x1xf32>
    %broadcast_in_dim3A_24 = vector.broadcast %broadcast_in_dim3A_23 : vector<1024x1xf32> to vector<1024x16xf32>
    %swap3A_25 = arith.constant 0 : index
    %swap3A_26 = arith.constant 0 : index
    %swap3A_27 = vector.load %arg5[%swap3A_25, %swap3A_26] : memref<1024x16xf32, #tpu.memory_space<vmem>>, vector<1024x16xf32>
    tpu.vector_store %arg5[%swap3A_25, %swap3A_26], %broadcast_in_dim3A_24 {strides = array<i32>} : memref<1024x16xf32, #tpu.memory_space<vmem>>, vector<1024x16xf32>,
    return
  }
  func.func @transform_0(%arg0: i32) -> (i32, i32) {
    %c0_i32 = arith.constant 0 : i32
    %c0_i32_0 = arith.constant 0 : i32
    return %arg0, %c0_i32 : i32, i32
  }
  func.func @transform_1(%arg0: i32) -> (i32, i32) {
    %c0_i32 = arith.constant 0 : i32
    %c0_i32_0 = arith.constant 0 : i32
    %c0_i32_1 = arith.constant 0 : i32
    return %c0_i32, %c0_i32_0 : i32, i32
  }
  func.func @transform_2(%arg0: i32) -> (i32, i32, i32) {
    %c0_i32 = arith.constant 0 : i32
    %c0_i32_0 = arith.constant 0 : i32
    %c0_i32_1 = arith.constant 0 : i32
    return %c0_i32, %arg0, %c0_i32_0 : i32, i32, i32
  }
  func.func @transform_3(%arg0: i32) -> (i32, i32) {
    %c0_i32 = arith.constant 0 : i32
    %c0_i32_0 = arith.constant 0 : i32
    return %arg0, %c0_i32 : i32, i32
  }
  func.func @transform_4(%arg0: i32) -> (i32, i32) {
    %c0_i32 = arith.constant 0 : i32
    %c0_i32_0 = arith.constant 0 : i32
    return %arg0, %c0_i32 : i32, i32
  }
}

module attributes {stable_mosaic.version = 14 : i64} {
  func.func @_k2_body(%arg0: i32, %arg1: memref<2x1024x128xf32, #tpu.memory_space<vmem>>, %arg2: memref<1024x128xf32, #tpu.memory_space<vmem>>, %arg3: memref<1024x16xf32, #tpu.memory_space<vmem>>, %arg4: memref<128xf32, #tpu.memory_space<vmem>>, %arg5: memref<128x128xf32, #tpu.memory_space<vmem>>, %arg6: memref<1024x128xf32, #tpu.memory_space<vmem>>) attributes {dimension_semantics = [#tpu.dimension_semantics<arbitrary>], iteration_bounds = array<i64: 10>, scalar_prefetch = 0 : i64, scratch_operands = 0 : i64, tpu.core_type = #tpu.core_type<tc>, window_params = [{transform_indices = @transform_0, window_bounds = array<i64: 2, 1024, 128>}, {transform_indices = @transform_1, window_bounds = array<i64: 1024, 128>}, {transform_indices = @transform_2, window_bounds = array<i64: 1024, 16>}, {pipeline_mode = #tpu.pipeline_mode<synchronous>, transform_indices = @transform_3, window_bounds = array<i64: 128>}, {pipeline_mode = #tpu.pipeline_mode<synchronous>, transform_indices = @transform_4, window_bounds = array<i64: 128, 128>}, {transform_indices = @transform_5, window_bounds = array<i64: 1024, 128>}]} {
    %get3A = arith.constant 0 : index
    %get3A_0 = arith.constant 0 : index
    %get3A_1 = vector.load %arg3[%get3A, %get3A_0] : memref<1024x16xf32, #tpu.memory_space<vmem>>, vector<1024x1xf32>
    %get3A_2 = vector.shape_cast %get3A_1 : vector<1024x1xf32> to vector<1024xf32>
    %get3A_3 = arith.constant 0 : index
    %get3A_4 = arith.constant 0 : index
    %get3A_5 = arith.constant 0 : index
    %get3A_6 = vector.load %arg1[%get3A_3, %get3A_4, %get3A_5] : memref<2x1024x128xf32, #tpu.memory_space<vmem>>, vector<1x1024x128xf32>
    %get3A_7 = vector.shape_cast %get3A_6 : vector<1x1024x128xf32> to vector<1024x128xf32>
    %get3A_8 = arith.constant 1 : index
    %get3A_9 = arith.constant 0 : index
    %get3A_10 = arith.constant 0 : index
    %get3A_11 = vector.load %arg1[%get3A_8, %get3A_9, %get3A_10] : memref<2x1024x128xf32, #tpu.memory_space<vmem>>, vector<1x1024x128xf32>
    %get3A_12 = vector.shape_cast %get3A_11 : vector<1x1024x128xf32> to vector<1024x128xf32>
    %add3A = arith.addf %get3A_7, %get3A_12 : vector<1024x128xf32>
    %get3A_13 = arith.constant 0 : index
    %get3A_14 = arith.constant 0 : index
    %get3A_15 = vector.load %arg2[%get3A_13, %get3A_14] : memref<1024x128xf32, #tpu.memory_space<vmem>>, vector<1024x128xf32>
    %add3A_16 = arith.addf %add3A, %get3A_15 : vector<1024x128xf32>
    %broadcast_in_dim3A = vector.shape_cast %get3A_2 : vector<1024xf32> to vector<1024x1xf32>
    %mul3A = vector.broadcast %broadcast_in_dim3A : vector<1024x1xf32> to vector<1024x128xf32>
    %mul3A_17 = arith.mulf %add3A_16, %mul3A : vector<1024x128xf32>
    %get3A_18 = arith.constant 0 : index
    %get3A_19 = vector.load %arg4[%get3A_18] : memref<128xf32, #tpu.memory_space<vmem>>, vector<128xf32>
    %broadcast_in_dim3A_20 = vector.shape_cast %get3A_19 : vector<128xf32> to vector<1x128xf32>
    %add3A_21 = vector.broadcast %broadcast_in_dim3A_20 : vector<1x128xf32> to vector<1024x128xf32>
    %add3A_22 = arith.addf %mul3A_17, %add3A_21 : vector<1024x128xf32>
    %max3A = arith.constant 0.000000e+00 : f32
    %max3A_23 = vector.broadcast %max3A : f32 to vector<1024x128xf32>
    %max3A_24 = arith.maximumf %add3A_22, %max3A_23 : vector<1024x128xf32>
    %get3A_25 = arith.constant 0 : index
    %get3A_26 = arith.constant 0 : index
    %get3A_27 = vector.load %arg5[%get3A_25, %get3A_26] : memref<128x128xf32, #tpu.memory_space<vmem>>, vector<128x128xf32>
    %dot_general3A = arith.constant dense<0.000000e+00> : vector<1024x128xf32>
    %dot_general3A_28 = tpu.matmul %max3A_24, %get3A_27, %dot_general3A {dimension_numbers = #tpu.dot_dimension_numbers<[1], [0], [0], [1], [0, 0, 1, 1], [], []>, transpose_lhs_hint = false} : vector<1024x128xf32>, vector<128x128xf32>, vector<1024x128xf32> -> vector<1024x128xf32>
    %broadcast_in_dim3A_29 = vector.shape_cast %get3A_2 : vector<1024xf32> to vector<1024x1xf32>
    %mul3A_30 = vector.broadcast %broadcast_in_dim3A_29 : vector<1024x1xf32> to vector<1024x128xf32>
    %mul3A_31 = arith.mulf %dot_general3A_28, %mul3A_30 : vector<1024x128xf32>
    %mul3A_32 = arith.constant 1024 : i32
    %mul3A_33 = arith.muli %arg0, %mul3A_32 : i32
    %iota3A = tpu.iota {dimensions = array<i32: 0>} : vector<1024x1xi32>
    %add3A_34 = vector.broadcast %mul3A_33 : i32 to vector<1024x1xi32>
    %add3A_35 = arith.addi %add3A_34, %iota3A : vector<1024x1xi32>
    %lt3A = arith.constant 10000 : i32
    %lt3A_36 = vector.broadcast %lt3A : i32 to vector<1024x1xi32>
    %lt3A_37 = arith.cmpi slt, %add3A_35, %lt3A_36 : vector<1024x1xi32>
    %jit3A = arith.constant 0.000000e+00 : f32
    %broadcast_in_dim3A_38 = vector.shape_cast %lt3A_37 : vector<1024x1xi1> to vector<1024x1xi1>
    %broadcast_in_dim3A_39 = vector.broadcast %broadcast_in_dim3A_38 : vector<1024x1xi1> to vector<1024x128xi1>
    %broadcast_in_dim3A_40 = vector.broadcast %jit3A : f32 to vector<1024x128xf32>
    %select_n3A = arith.select %broadcast_in_dim3A_39, %mul3A_31, %broadcast_in_dim3A_40 : vector<1024x128xi1>, vector<1024x128xf32>
    %swap3A = arith.constant 0 : index
    %swap3A_41 = arith.constant 0 : index
    %swap3A_42 = vector.load %arg6[%swap3A, %swap3A_41] : memref<1024x128xf32, #tpu.memory_space<vmem>>, vector<1024x128xf32>
    tpu.vector_store %arg6[%swap3A, %swap3A_41], %select_n3A {strides = array<i32>} : memref<1024x128xf32, #tpu.memory_space<vmem>>, vector<1024x128xf32>,
    return
  }
  func.func @transform_0(%arg0: i32) -> (i32, i32, i32) {
    %c0_i32 = arith.constant 0 : i32
    %c0_i32_0 = arith.constant 0 : i32
    %c0_i32_1 = arith.constant 0 : i32
    return %c0_i32, %arg0, %c0_i32_0 : i32, i32, i32
  }
  func.func @transform_1(%arg0: i32) -> (i32, i32) {
    %c0_i32 = arith.constant 0 : i32
    %c0_i32_0 = arith.constant 0 : i32
    return %arg0, %c0_i32 : i32, i32
  }
  func.func @transform_2(%arg0: i32) -> (i32, i32) {
    %c0_i32 = arith.constant 0 : i32
    %c0_i32_0 = arith.constant 0 : i32
    return %arg0, %c0_i32 : i32, i32
  }
  func.func @transform_3(%arg0: i32) -> i32 {
    %c0_i32 = arith.constant 0 : i32
    %c0_i32_0 = arith.constant 0 : i32
    return %c0_i32 : i32
  }
  func.func @transform_4(%arg0: i32) -> (i32, i32) {
    %c0_i32 = arith.constant 0 : i32
    %c0_i32_0 = arith.constant 0 : i32
    %c0_i32_1 = arith.constant 0 : i32
    return %c0_i32, %c0_i32_0 : i32, i32
  }
  func.func @transform_5(%arg0: i32) -> (i32, i32) {
    %c0_i32 = arith.constant 0 : i32
    %c0_i32_0 = arith.constant 0 : i32
    return %arg0, %c0_i32 : i32, i32
  }
}

module attributes {stable_mosaic.version = 14 : i64} {
  func.func @_k3_body(%arg0: i32, %arg1: memref<2x1024x128xf32, #tpu.memory_space<vmem>>, %arg2: memref<1024x128xf32, #tpu.memory_space<vmem>>, %arg3: memref<1024x16xf32, #tpu.memory_space<vmem>>, %arg4: memref<64xf32, #tpu.memory_space<vmem>>, %arg5: memref<64x128xf32, #tpu.memory_space<vmem>>, %arg6: memref<128xf32, #tpu.memory_space<vmem>>, %arg7: memref<1024x64xf32, #tpu.memory_space<vmem>>, %arg8: memref<1024x128xf32, #tpu.memory_space<vmem>>) attributes {dimension_semantics = [#tpu.dimension_semantics<arbitrary>], iteration_bounds = array<i64: 10>, scalar_prefetch = 0 : i64, scratch_operands = 0 : i64, tpu.core_type = #tpu.core_type<tc>, window_params = [{transform_indices = @transform_0, window_bounds = array<i64: 2, 1024, 128>}, {transform_indices = @transform_1, window_bounds = array<i64: 1024, 128>}, {transform_indices = @transform_2, window_bounds = array<i64: 1024, 16>}, {pipeline_mode = #tpu.pipeline_mode<synchronous>, transform_indices = @transform_3, window_bounds = array<i64: 64>}, {pipeline_mode = #tpu.pipeline_mode<synchronous>, transform_indices = @transform_4, window_bounds = array<i64: 64, 128>}, {pipeline_mode = #tpu.pipeline_mode<synchronous>, transform_indices = @transform_5, window_bounds = array<i64: 128>}, {transform_indices = @transform_6, window_bounds = array<i64: 1024, 64>}, {transform_indices = @transform_7, window_bounds = array<i64: 1024, 128>}]} {
    %get3A = arith.constant 0 : index
    %get3A_0 = arith.constant 0 : index
    %get3A_1 = vector.load %arg3[%get3A, %get3A_0] : memref<1024x16xf32, #tpu.memory_space<vmem>>, vector<1024x1xf32>
    %get3A_2 = vector.shape_cast %get3A_1 : vector<1024x1xf32> to vector<1024xf32>
    %get3A_3 = arith.constant 0 : index
    %get3A_4 = arith.constant 0 : index
    %get3A_5 = arith.constant 0 : index
    %get3A_6 = vector.load %arg1[%get3A_3, %get3A_4, %get3A_5] : memref<2x1024x128xf32, #tpu.memory_space<vmem>>, vector<1x1024x64xf32>
    %get3A_7 = vector.shape_cast %get3A_6 : vector<1x1024x64xf32> to vector<1024x64xf32>
    %get3A_8 = arith.constant 1 : index
    %get3A_9 = arith.constant 0 : index
    %get3A_10 = arith.constant 0 : index
    %get3A_11 = vector.load %arg1[%get3A_8, %get3A_9, %get3A_10] : memref<2x1024x128xf32, #tpu.memory_space<vmem>>, vector<1x1024x64xf32>
    %get3A_12 = vector.shape_cast %get3A_11 : vector<1x1024x64xf32> to vector<1024x64xf32>
    %add3A = arith.addf %get3A_7, %get3A_12 : vector<1024x64xf32>
    %get3A_13 = arith.constant 0 : index
    %get3A_14 = arith.constant 0 : index
    %get3A_15 = vector.load %arg2[%get3A_13, %get3A_14] : memref<1024x128xf32, #tpu.memory_space<vmem>>, vector<1024x64xf32>
    %add3A_16 = arith.addf %add3A, %get3A_15 : vector<1024x64xf32>
    %broadcast_in_dim3A = vector.shape_cast %get3A_2 : vector<1024xf32> to vector<1024x1xf32>
    %mul3A = vector.broadcast %broadcast_in_dim3A : vector<1024x1xf32> to vector<1024x64xf32>
    %mul3A_17 = arith.mulf %add3A_16, %mul3A : vector<1024x64xf32>
    %get3A_18 = arith.constant 0 : index
    %get3A_19 = vector.load %arg4[%get3A_18] : memref<64xf32, #tpu.memory_space<vmem>>, vector<64xf32>
    %broadcast_in_dim3A_20 = vector.shape_cast %get3A_19 : vector<64xf32> to vector<1x64xf32>
    %add3A_21 = vector.broadcast %broadcast_in_dim3A_20 : vector<1x64xf32> to vector<1024x64xf32>
    %add3A_22 = arith.addf %mul3A_17, %add3A_21 : vector<1024x64xf32>
    %swap3A = arith.constant 0 : index
    %swap3A_23 = arith.constant 0 : index
    %swap3A_24 = vector.load %arg7[%swap3A, %swap3A_23] : memref<1024x64xf32, #tpu.memory_space<vmem>>, vector<1024x64xf32>
    tpu.vector_store %arg7[%swap3A, %swap3A_23], %add3A_22 {strides = array<i32>} : memref<1024x64xf32, #tpu.memory_space<vmem>>, vector<1024x64xf32>,
    %get3A_25 = arith.constant 0 : index
    %get3A_26 = arith.constant 0 : index
    %get3A_27 = vector.load %arg5[%get3A_25, %get3A_26] : memref<64x128xf32, #tpu.memory_space<vmem>>, vector<64x128xf32>
    %dot_general3A = arith.constant dense<0.000000e+00> : vector<1024x128xf32>
    %dot_general3A_28 = tpu.matmul %add3A_22, %get3A_27, %dot_general3A {dimension_numbers = #tpu.dot_dimension_numbers<[1], [0], [0], [1], [0, 0, 1, 1], [], []>, transpose_lhs_hint = false} : vector<1024x64xf32>, vector<64x128xf32>, vector<1024x128xf32> -> vector<1024x128xf32>
    %get3A_29 = arith.constant 0 : index
    %get3A_30 = vector.load %arg6[%get3A_29] : memref<128xf32, #tpu.memory_space<vmem>>, vector<128xf32>
    %broadcast_in_dim3A_31 = vector.shape_cast %get3A_30 : vector<128xf32> to vector<1x128xf32>
    %add3A_32 = vector.broadcast %broadcast_in_dim3A_31 : vector<1x128xf32> to vector<1024x128xf32>
    %add3A_33 = arith.addf %dot_general3A_28, %add3A_32 : vector<1024x128xf32>
    %swap3A_34 = arith.constant 0 : index
    %swap3A_35 = arith.constant 0 : index
    %swap3A_36 = vector.load %arg8[%swap3A_34, %swap3A_35] : memref<1024x128xf32, #tpu.memory_space<vmem>>, vector<1024x128xf32>
    tpu.vector_store %arg8[%swap3A_34, %swap3A_35], %add3A_33 {strides = array<i32>} : memref<1024x128xf32, #tpu.memory_space<vmem>>, vector<1024x128xf32>,
    return
  }
  func.func @transform_0(%arg0: i32) -> (i32, i32, i32) {
    %c0_i32 = arith.constant 0 : i32
    %c0_i32_0 = arith.constant 0 : i32
    %c0_i32_1 = arith.constant 0 : i32
    return %c0_i32, %arg0, %c0_i32_0 : i32, i32, i32
  }
  func.func @transform_1(%arg0: i32) -> (i32, i32) {
    %c0_i32 = arith.constant 0 : i32
    %c0_i32_0 = arith.constant 0 : i32
    return %arg0, %c0_i32 : i32, i32
  }
  func.func @transform_2(%arg0: i32) -> (i32, i32) {
    %c0_i32 = arith.constant 0 : i32
    %c0_i32_0 = arith.constant 0 : i32
    return %arg0, %c0_i32 : i32, i32
  }
  func.func @transform_3(%arg0: i32) -> i32 {
    %c0_i32 = arith.constant 0 : i32
    %c0_i32_0 = arith.constant 0 : i32
    return %c0_i32 : i32
  }
  func.func @transform_4(%arg0: i32) -> (i32, i32) {
    %c0_i32 = arith.constant 0 : i32
    %c0_i32_0 = arith.constant 0 : i32
    %c0_i32_1 = arith.constant 0 : i32
    return %c0_i32, %c0_i32_0 : i32, i32
  }
  func.func @transform_5(%arg0: i32) -> i32 {
    %c0_i32 = arith.constant 0 : i32
    %c0_i32_0 = arith.constant 0 : i32
    return %c0_i32 : i32
  }
  func.func @transform_6(%arg0: i32) -> (i32, i32) {
    %c0_i32 = arith.constant 0 : i32
    %c0_i32_0 = arith.constant 0 : i32
    return %arg0, %c0_i32 : i32, i32
  }
  func.func @transform_7(%arg0: i32) -> (i32, i32) {
    %c0_i32 = arith.constant 0 : i32
    %c0_i32_0 = arith.constant 0 : i32
    return %arg0, %c0_i32 : i32, i32
  }
}

</mosaic_0001>

<sc_bundles>
// kernel: kernel.12.cloned.1.call-start
scs
__scs_entry_jumppad:
0x0: {  	(pc) =	sbr.rel $0x88, $3  }
0x1: {  	(tag) =	ssettag $0x0;
	lr =	simm.s32 $0x1  }
0x2: {  	[smem:$0x3F99] =	sst lr;
	_ =	strace $0xD0000000  }
0x3: {  	_ = 	snop  }
0x4: {  	_ = 	snop  }
0x5: {  	_ = 	snop  }
0x6: {  	_ = 	snop  }
0x7: {  	_ = 	snop  }
__scs_overlays_trampoline_lowered:
0x8: {  	[smem:$0x3FA8] =	sst s0  }
0x9: {  	[smem:$0x3FA9] =	sst s1  }
0xa: {  	[smem:$0x3FAA] =	sst s2  }
0xb: {  	[smem:$0x3FAB] =	sst s3  }
0xc: {  	[smem:$0x3FAC] =	sst s4  }
0xd: {  	[smem:$0x3FAD] =	sst s5  }
0xe: {  	[smem:$0x3FAE] =	sst s6  }
0xf: {  	[smem:$0x3FAF] =	sst s7  }
0x10: {  	[smem:$0x3FB0] =	sst s8  }
0x11: {  	[smem:$0x3FB1] =	sst s9;
	s0 =	simm.s32 @!p0 $0x0  }
0x12: {  	s1 =	sld [smem:$0x3F97];
	s0 =	simm.s32 @p0 $0x1  }
0x13: {  	[smem:$0x3FB2] =	sst s0;
	s0 =	simm.s32 @!p1 $0x0  }
0x14: {  	s2 =	sld [smem:$0x3F96];
	s0 =	simm.s32 @p1 $0x1  }
0x15: {  	[smem:$0x3FB3] =	sst s0;
	s0 =	simm.s32 @!p2 $0x0  }
0x16: {  	s3 =	sld [smem:$0x3FDB];
	s0 =	simm.s32 @p2 $0x1  }
0x17: {  	s4 =	simm.s32 $0x1BF5;
	[smem:$0x3FB5] =	sst s0  }
0x18: {  	s0 =	sld [smem:$0x3F98];
	_ =	swait.ge [sflag:s4], $0x0  }
0x19: {  	s7 =	sld [smem:$0x3F99]  }
0x1a: {  	s8 =	sadd.s32 $0xFFFFE003, lr  }
0x1b: {  	s9 =	sadd.s32 $0xFFFFFEF7, lr;
	s5 =	simm.s32 $0xFFFFFFFF;
	p2 =	slt.u32 s8, $0xFFFFF086  }
0x1c: {  	p1 =	slt.u32 s9, $0xF7A;
	s5 =	simm.s32 @!p2 $0x0  }
0x1d: {  	s5 =	simm.s32 @p1 $0x1;
	p0 =	seq.s32 s7, s2  }
0x1e: {  	s7 =	smul.u32 @!p0 $0xF7A, s2;
	p2 =	seq.s32 @!p0 s5, $0x0  }
0x1f: {  	s9 =	smul.u32 $0xF7A, s1;
	s8 =	simm.s32 @!p0 $0x1BF5;
	p2 =	por !p2, p0  }
0x20: {  	[sflag:s8] =	ssyncset.s32 @!p0 $0xFFFFF086;
	s6 =	sadd.s32 @!p0 s3, s7;
	s7 =	simm.s32 @!p0 $0x108  }
0x21: {  	s3 =	sadd.s32 s3, s9;
	s6 =	sadd.s32 @!p0 $0x88, s6;
	s7 =	simm.s32 @p2 $0x1082  }
0x22: {  	[simem:s7], [sflag:s8] =	dma.local @!p0 [hbm:s6], $0xF7A  }
0x23: {  	s9 =	sor.u32 $0xD0000000, s2;
	s6 =	simm.s32 $0x108;
	_ =	swait.ge @!p0 [sflag:s8], $0x0  }
0x24: {  	s3 =	sadd.s32 $0x88, s3;
	s6 =	simm.s32 @!p1 $0x1082;
	[sflag:s4] =	ssyncset.s32 $0xFFFFF086  }
0x25: {  	[simem:s6], [sflag:s4] =	dma.local [hbm:s3], $0xF7A  }
0x26: {  	[smem:$0x3F99] =	sst s1;
	(tag) =	ssettag s2;
	_ =	strace s9  }
0x27: {  	s1 =	sld [smem:$0x3FA9]  }
0x28: {  	s2 =	sld [smem:$0x3FAA]  }
0x29: {  	s4 =	sld [smem:$0x3FAC]  }
0x2a: {  	p0 =	seq.s32 s5, $0x0;
	s5 =	sld [smem:$0x3FAD]  }
0x2b: {  	s6 =	sld [smem:$0x3FAE]  }
0x2c: {  	s7 =	sld [smem:$0x3FAF]  }
0x2d: {  	s3 =	simm.s32 $0x108;
	s8 =	sld [smem:$0x3FB0]  }
0x2e: {  	s3 =	simm.s32 @!p0 $0x1082;
	s9 =	sld [smem:$0x3FB1]  }
0x2f: {  	lr =	sadd.s32 s0, s3;
	s0 =	sld [smem:$0x3FA8]  }
0x30: {  	s3 =	sld [smem:$0x3FAB]  }
0x31: {  	[smem:$0x3FB4] =	sst s10  }
0x32: {  	s10 =	sld [smem:$0x3FB2];
	_ =	sdelay $0x3  }
0x33: {  	p0 =	seq.s32 s10, $0x1;
	s10 =	sld [smem:$0x3FB4];
	_ =	sdelay $0x3  }
0x34: {  	[smem:$0x3FB4] =	sst s10  }
0x35: {  	s10 =	sld [smem:$0x3FB3];
	_ =	sdelay $0x3  }
0x36: {  	p1 =	seq.s32 s10, $0x1;
	s10 =	sld [smem:$0x3FB4];
	_ =	sdelay $0x3  }
0x37: {  	[smem:$0x3FB4] =	sst s10  }
0x38: {  	s10 =	sld [smem:$0x3FB5]  }
0x39: {  	_ = 	snop;
	(pc) =	sbr.ind lr, $3  }
0x3a: {  	_ = 	snop  }
0x3b: {  	_ = 	snop  }
0x3c: {  	p2 =	seq.s32 s10, $0x1;
	s10 =	sld [smem:$0x3FB4]  }
0x3d: {  	_ =	shalt  }
0x3e: {  	_ =	shalt  }
0x3f: {  	_ =	shalt  }
0x40: {  	_ =	shalt  }
0x41: {  	_ =	shalt  }
0x42: {  	_ =	shalt  }
0x43: {  	_ =	shalt  }
0x44: {  	_ =	shalt  }
0x45: {  	_ =	shalt  }
0x46: {  	_ =	shalt  }
0x47: {  	_ =	shalt  }
0x48: {  	_ =	shalt  }
0x49: {  	_ =	shalt  }
0x4a: {  	_ =	shalt  }
0x4b: {  	_ =	shalt  }
0x4c: {  	_ =	shalt  }
0x4d: {  	_ =	shalt  }
0x4e: {  	_ =	shalt  }
0x4f: {  	_ =	shalt  }
0x50: {  	_ =	shalt  }
0x51: {  	_ =	shalt  }
0x52: {  	_ =	shalt  }
0x53: {  	_ =	shalt  }
0x54: {  	_ =	shalt  }
0x55: {  	_ =	shalt  }
0x56: {  	_ =	shalt  }
0x57: {  	_ =	shalt  }
0x58: {  	_ =	shalt  }
0x59: {  	_ =	shalt  }
0x5a: {  	_ =	shalt  }
0x5b: {  	_ =	shalt  }
0x5c: {  	_ =	shalt  }
0x5d: {  	_ =	shalt  }
0x5e: {  	_ =	shalt  }
0x5f: {  	_ =	shalt  }
0x60: {  	_ =	shalt  }
0x61: {  	_ =	shalt  }
0x62: {  	_ =	shalt  }
0x63: {  	_ =	shalt  }
0x64: {  	_ =	shalt  }
0x65: {  	_ =	shalt  }
0x66: {  	_ =	shalt  }
0x67: {  	_ =	shalt  }
0x68: {  	_ =	shalt  }
0x69: {  	_ =	shalt  }
0x6a: {  	_ =	shalt  }
0x6b: {  	_ =	shalt  }
0x6c: {  	_ =	shalt  }
0x6d: {  	_ =	shalt  }
0x6e: {  	_ =	shalt  }
0x6f: {  	_ =	shalt  }
0x70: {  	_ =	shalt  }
0x71: {  	_ =	shalt  }
0x72: {  	_ =	shalt  }
0x73: {  	_ =	shalt  }
0x74: {  	_ =	shalt  }
0x75: {  	_ =	shalt  }
0x76: {  	_ =	shalt  }
0x77: {  	_ =	shalt  }
0x78: {  	_ =	shalt  }
0x79: {  	_ =	shalt  }
0x7a: {  	_ =	shalt  }
0x7b: {  	_ =	shalt  }
0x7c: {  	_ =	shalt  }
0x7d: {  	_ =	shalt  }
0x7e: {  	_ =	shalt  }
0x7f: {  	_ =	shalt  }
0x80: {  	_ =	shalt  }
0x81: {  	_ =	shalt  }
0x82: {  	_ =	shalt  }
0x83: {  	_ =	shalt  }
0x84: {  	_ =	shalt  }
0x85: {  	_ =	shalt  }
0x86: {  	_ =	shalt  }
0x87: {  	_ =	shalt  }
.Lfunc_end0:
.L_simem_size_0:
called_computation.1_lowered:
.L_overlay_start_0:
0x88: {  	s2 =	sld [smem:$0x3FD9]  }
0x89: {  	s3 =	sld [smem:$0x3FFE];
	_ =	sdelay $0x1  }
0x8a: {  	s1 =	srdreg.scid  }
0x8b: {  	s0 =	sand.u32 $0x1, s1  }
0x8c: {  	s14 =	sshll.u32 s0, $0xA;
	s2 =	sadd.s32 s3, s2  }
0x8d: {  	s2 =	sadd.s32 s2, s14  }
0x8e: {  	[smem:$0x3FC0] =	sst s2  }
0x8f: {  	_ = 	snop  }
0x90: {  	s2 =	sld [smem:$0x3FD0];
	_ =	sdelay $0x2  }
0x91: {  	s15 =	simm.s32 $0xA;
	s4 =	simm.s32 $0x10  }
0x92: {  	[smem:s4], [sflag:s15] =	dma.local [hbm:s2], $0x1  }
0x93: {  	_ =	swait.eq [sflag:s15], $0x1  }
0x94: {  	[sflag:s15] =	ssyncset.done $0x0  }
0x95: {  	s16 =	sld [smem:$0x10];
	[sflag:s15] =	ssyncadd.s32 $0xFFFFFFFF  }
0x96: {  	s17 =	sld [smem:$0x11];
	(tm) =	ssettm $0x1  }
0x97: {  	s18 =	sld [smem:$0x3FFB];
	_ =	sdelay $0x3  }
0x98: {  	_ =	strace s18  }
0x99: {  	s4 =	sld [smem:$0x3FFC];
	_ =	sdelay $0x3  }
0x9a: {  	_ =	strace s4  }
0x9b: {  	s4 =	sld [smem:$0x3FFD];
	_ =	sdelay $0x3  }
0x9c: {  	_ =	strace s4  }
0x9d: {  	_ =	strace $0x8FFFFFFF  }
0x9e: {  	s19 =	sld [smem:$0x3FDB];
	_ =	sdelay $0x1  }
0x9f: {  	s5 =	simm.s32 $_scs_section_size  }
0xa0: {  	s6 =	simm.s32 $_size__tile_overlayer_lowered;
	s7 =	simm.s32 $_tile_overlayer_lowered  }
0xa1: {  	s22 =	simm.s32 $0x1BFF;
	s21 =	sshll.u32 s7, $0x1;
	s4 =	sadd.s32 s5, s19  }
0xa2: {  	s8 =	simm.s32 $0x0;
	s20 =	sshll.u32 s6, $0x1;
	s6 =	sadd.s32 s21, s4  }
0xa3: {  	[timem:s8], [sflag:s22] =	dma.local [hbm:s6], s20  }
0xa4: {  	_ =	swait.ge [sflag:s22], s20  }
0xa5: {  	s5 =	ssub.s32 $0x0, s20;
	[sflag:s22] =	ssyncset.done $0x0  }
0xa6: {  	[sflag:s22] =	ssyncadd.s32 s5;
	_ =	sdelay $0x1  }
0xa7: {  	s23 =	simm.s32 $0x1B8B  }
0xa8: {  	_ =	swait.ge [sflag:s23], $0x1  }
0xa9: {  	[sflag:s23] =	ssyncset.done $0x0  }
0xaa: {  	s25 =	simm.s32 $0x1B8E;
	s24 =	sld [smem:$0x3FFE];
	[sflag:s23] =	ssyncadd.s32 $0xFFFFFFFF  }
0xab: {  	s26 =	simm.s32 $execute0_lowered;
	[smem:$0x3FD2] =	sst s25  }
0xac: {  	s6 =	sshll.u32 s26, $0x1;
	_ =	strace $0x80000049;
	[dreg:$0x1] =	wrdreg $0xFFFFFFFF  }
0xad: {  	s28 =	simm.s32 $_size_execute0_lowered;
	s4 =	sadd.s32 s4, s6;
	[dreg:$0x0] =	wrdreg $0x0  }
0xae: {  	s6 =	sshll.u32 s28, $0x1;
	[dreg:$0x2] =	wrdreg s4  }
0xaf: {  	[dreg:$0x3] =	wrdreg s6  }
0xb0: {  	[dreg:$0x4] =	wrdreg $0xC0  }
0xb1: {  	_ =	task [dreg:s8], $0x5FFFF  }
0xb2: {  	[dreg:$0x1] =	wrdreg $0xFFFFFFFF  }
0xb3: {  	[dreg:$0x0] =	wrdreg $0x60  }
0xb4: {  	[dreg:$0x2] =	wrdreg s24  }
0xb5: {  	[dreg:$0x3] =	wrdreg s17  }
0xb6: {  	[dreg:$0x4] =	wrdreg s16  }
0xb7: {  	[dreg:$0x5] =	wrdreg $0x0  }
0xb8: {  	[dreg:$0x6] =	wrdreg $0x9  }
0xb9: {  	_ =	task.clear_ibuf [dreg:s8], $0x7FFFF;
	_ =	strace $0x90000049  }
0xba: {  	s29 =	simm.s32 $0x9;
	_ =	strace $0x8000004B  }
0xbb: {  	_ =	swait.ge [sflag:s29], $0x1  }
0xbc: {  	[sflag:s29] =	ssyncadd.s32 $0xFFFFFFFF  }
0xbd: {  	_ =	strace $0x9000004B  }
0xbe: {  	_ =	sfence  }
0xbf: {  	s30 =	sld [smem:$0x0];
	_ =	sdelay $0x2  }
0xc0: {  	s31 =	sshll.u32 s1, $0xD;
	s1 =	sshrl.u32 s1, $0x2  }
0xc1: {  	s3 =	sand.u32 $0x4000, s31;
	s1 =	sadd.s32 s1, s30  }
0xc2: {  	s0 =	sor.u32 s3, s0;
	s1 =	sshll.u32 s1, $0x11  }
0xc3: {  	s0 =	sor.u32 s1, s0  }
0xc4: {  	s0 =	sadd.s32 $0x8F2B, s0  }
0xc5: {  	[sflag:s0] =	ssyncadd.remote.s32 $0x1  }
0xc6: {  	_ =	sfence.sel $0xFFFF  }
0xc7: {  	[dreg:$0x0] =	wrdreg $0xFFFFFFFF;
	(pc) =	sbr.abs _section_cstart, $3  }
0xc8: {  	[dreg:$0x1] =	wrdreg $0xFFFFFFFF  }
0xc9: {  	_ =	task.clear_ibuf [dreg:s8], $0x2FFFF;
	_ =	strace $0x9FFFFFFF  }
0xca: {  	(tm) =	ssettm $0x7FFFFFFF  }
0xcb: {  	_ =	shalt  }
tec
execute0_lowered:
.L_overlay_start_1:
0x0: {  	(tag) =	ssettag $0x1  }
0x1: {  	s0 =	rddreg [dreg:$0x0]  }
0x2: {  	s1 =	rddreg [dreg:$0x1]  }
0x3: {  	s2 =	rddreg [dreg:$0x2]  }
0x4: {  	s3 =	rddreg [dreg:$0x3]  }
0x5: {  	s4 =	srdreg.scid;
	s10 =	stileid.u32;
	s8 =	simm.s32 $0x0  }
0x6: {  	s29 =	simm.s32 $0x16980;
	s30 =	simm.s32 $0x16A00;
	s6 =	smul.u32 $0x14000, s10  }
0x7: {  	s31 =	simm.s32 $0x0;
	s4 =	sand.u32 $0x1, s4;
	s9 =	smul.u32 $0x50000, s10  }
0x8: {  	[smem:$0x7FF] =	sst s8;
	s8 =	simm.s32 $0xA;
	s5 =	smul.u32 $0x140000, s4  }
0x9: {  	s7 =	sshll.u32 s4, $0x4;
	_ =	strace $0x8000004A;
	s28 =	ssub.s32 $0x2, s4  }
0xa: {  	s22 =	smul.u32 $0x5000, s4;
	s4 =	simm.s32 $0x0;
	s7 =	sor.u32 s10, s7  }
0xb: {  	s11 =	sshrl.u32 s28, $0x1;
	s12 =	sshrl.u32 s9, $0x2;
	s5 =	sadd.s32 s6, s5  }
0xc: {  	s25 =	smul.u32 $0x500, s7;
	s7 =	ssub.s32 s28, s11;
	s9 =	sadd.s32 s12, s3  }
0xd: {  	s6 =	simm.s32 $0x169C0;
	s16 =	sadd.s32 $0x2000, s9;
	[dreg:$0x8] =	wrdreg s9  }
0xe: {  	s26 =	sshrl.u32 s5, $0x3;
	s17 =	sadd.s32 $0x4000, s9;
	[dreg:$0xb] =	wrdreg s16  }
0xf: {  	s5 =	sadd.s32 $0x3400, s0;
	s18 =	sadd.s32 $0x6000, s9;
	[dreg:$0xc] =	wrdreg s17  }
0x10: {  	s19 =	sadd.s32 $0x8000, s9;
	s20 =	sadd.s32 $0xA000, s9;
	[dreg:$0xd] =	wrdreg s18  }
0x11: {  	s21 =	sadd.s32 $0xC000, s9;
	s23 =	sadd.s32 $0xE000, s9;
	[dreg:$0xe] =	wrdreg s19  }
0x12: {  	s24 =	sadd.s32 $0x10000, s9;
	s28 =	smax.u32 s7, $0x1;
	[dreg:$0xf] =	wrdreg s20  }
0x13: {  	s7 =	simm.s32 $0x18A00;
	s0 =	sadd.s32 s26, s0;
	[dreg:$0x10] =	wrdreg s21  }
0x14: {  	s11 =	sadd.s32 s1, s25;
	s2 =	sadd.s32 s2, s25;
	[dreg:$0x11] =	wrdreg s23  }
0x15: {  	[dreg:$0x12] =	wrdreg s24;
	s25 =	smul.u32 $0x500, s10;
	s26 =	sadd.s32 $0x12000, s9  }
0x16: {  	[dreg:$0x15] =	wrdreg s28;
	s24 =	simm.s32 $0x16800;
	s10 =	simm.s32 $0x1AA00  }
0x17: {  	s16 =	simm.s32 $0xB;
	s17 =	simm.s32 $0x3;
	[dreg:$0x6] =	wrdreg s2  }
0x18: {  	s18 =	simm.s32 $0x6;
	s19 =	simm.s32 $0x16940;
	[dreg:$0x5] =	wrdreg s11  }
0x19: {  	s20 =	simm.s32 $0x4;
	s13 =	sadd.s32 $0x10, s11;
	[dreg:$0x13] =	wrdreg s26  }
0x1a: {  	s21 =	simm.s32 $0xC;
	s14 =	sadd.s32 $0x20, s11;
	[dreg:$0x7] =	wrdreg s13  }
.Ltmp0:
0x1b: {  	s15 =	sadd.s32 $0x30, s11;
	[dreg:$0x9] =	wrdreg s14;
	(pc) =	sbr.rel .LBB2_1-.Ltmp0, $4  }
0x1c: {  	s0 =	sadd.s32 $0x2B400, s0;
	s26 =	simm.s32 $0xE;
	[dreg:$0xa] =	wrdreg s15  }
0x1d: {  	s2 =	simm.s32 $0x40;
	s11 =	simm.s32 $0x1;
	[dreg:$0x14] =	wrdreg s0  }
0x1e: {  	s23 =	sadd.s32 s25, s22;
	s13 =	simm.s32 $0x1CA00;
	s14 =	simm.s32 $0x2  }
0x1f: {  	v0 =	vimm.f32 $0.0e+00;
	s15 =	simm.s32 $0x5;
	s25 =	simm.s32 $0x7;
	s22 =	simm.s32 $0x8  }
.LBB2_6:
0x20: {  	_ =	swait.ge [sflag:s15], $0x2000  }
0x21: {  	[sflag:s15] =	ssyncset.done $0x0  }
0x22: {  	[sflag:s15] =	ssyncadd.s32 $0xFFFFE000  }
0x23: {  	_ =	swait.ge [sflag:s18], $0x2000  }
0x24: {  	[sflag:s18] =	ssyncset.done $0x0  }
0x25: {  	[sflag:s18] =	ssyncadd.s32 $0xFFFFE000  }
0x26: {  	_ =	swait.ge [sflag:s25], $0x2000  }
0x27: {  	[sflag:s25] =	ssyncset.done $0x0  }
0x28: {  	[sflag:s25] =	ssyncadd.s32 $0xFFFFE000  }
0x29: {  	_ =	swait.ge [sflag:s22], $0x2000  }
0x2a: {  	[sflag:s22] =	ssyncset.done $0x0  }
0x2b: {  	[sflag:s22] =	ssyncadd.s32 $0xFFFFE000  }
0x2c: {  	s0 =	stileid.u32;
	[bflag:$0x0] =	sbarrier.arrive $0xFFFF  }
0x2d: {  	s26 =	simm.s32 $0xE;
	s0 =	sshll.u32 s0, $0x6;
	s9 =	rddreg [dreg:$0x8]  }
0x2e: {  	s0 =	sor.u32 $0x1C0E, s0;
	s12 =	rddreg [dreg:$0x14];
	s4 =	sshrl.u32 s9, $0x3  }
0x2f: {  	[hbm:s12], [sflag:s0] =	dma.local [spmem:s4], $0x2800  }
0x30: {  	_ =	swait.ge [sflag:s26], $0x2800  }
0x31: {  	s24 =	rddreg [dreg:$0x16]  }
0x32: {  	s28 =	rddreg [dreg:$0x15];
	s4 =	sadd.s32 $0x1, s24  }
0x33: {  	p0 =	sne.s32 s4, s28  }
.Ltmp1:
0x34: {  	_ = 	snop;
	(pc) =	sbr.rel @!p0 .LBB2_7-.Ltmp1, $3  }
0x35: {  	_ =	sdelay $0x1  }
0x36: {  	[sflag:s26] =	ssyncset.done $0x0  }
0x37: {  	[sflag:s26] =	ssyncadd.s32 $0xFFFFD800;
	s24 =	simm.s32 $0x16800  }
.LBB2_1:
0x38: {  	s0 =	simm.s32 $0x0;
	s28 =	rddreg [dreg:$0x6];
	s12 =	simm.s32 $0x14000  }
0x39: {  	[tilespmem:s12], [sflag:$0xD] =	stream.linear.gather [hbm4b:s28+s0], $0x2800, $0x38;
	[tilespmem:$0x1EA00] =	vst v63  }
0x3a: {  	s28 =	rddreg [dreg:$0x5]  }
0x3b: {  	[tilespmem:s24], [sflag:$0x9] =	stream.linear.gather [hbm4b:s28+s0], $0x80, $0x38;
	[tilespmem:$0x1EA00] =	vst v63  }
0x3c: {  	s12 =	rddreg [dreg:$0x7];
	s28 =	simm.s32 $0x16880  }
0x3d: {  	[tilespmem:s28], [sflag:$0xA] =	stream.linear.gather [hbm4b:s12+s0], $0x80, $0x38;
	[tilespmem:$0x1EA00] =	vst v63  }
0x3e: {  	s12 =	rddreg [dreg:$0x9];
	s28 =	simm.s32 $0x16900  }
0x3f: {  	[tilespmem:s28], [sflag:$0xB] =	stream.linear.gather [hbm4b:s12+s0], $0x80, $0x38;
	[tilespmem:$0x1EA00] =	vst v63  }
0x40: {  	s28 =	rddreg [dreg:$0xa]  }
0x41: {  	[tilespmem:s29], [sflag:$0xC] =	stream.linear.gather [hbm4b:s28+s0], $0x80, $0x38;
	[tilespmem:$0x1EA00] =	vst v63  }
0x42: {  	[dreg:$0x16] =	wrdreg s4;
	s4 =	simm.s32 $0x200;
	s0 =	simm.s32 $0x0  }
.LBB2_2:
0x43: {  	p0 =	sne.s32 s4, $0x7E00;
	[tilespmem:s0+$0x16A70] =	vst v0  }
0x44: {  	[tilespmem:s0+$0x16A00] =	vst v0  }
0x45: {  	[tilespmem:s0+$0x16A10] =	vst v0  }
.Ltmp2:
0x46: {  	[tilespmem:s0+$0x16A20] =	vst v0;
	(pc) =	sbr.rel @p0 .LBB2_2-.Ltmp2, $4  }
0x47: {  	[tilespmem:s0+$0x16A30] =	vst v0  }
0x48: {  	[tilespmem:s0+$0x16A40] =	vst v0  }
0x49: {  	[tilespmem:s0+$0x16A50] =	vst v0  }
0x4a: {  	[tilespmem:s0+$0x16A60] =	vst v0;
	s0 =	sshra.s32 s4, $0x2;
	s4 =	sadd.s32 $0x200, s4  }
0x4b: {  	[tilespmem:s0+$0x16A70] =	vst v0  }
0x4c: {  	[tilespmem:s0+$0x16A00] =	vst v0  }
0x4d: {  	[tilespmem:s0+$0x16A10] =	vst v0  }
0x4e: {  	[tilespmem:s0+$0x16A20] =	vst v0  }
0x4f: {  	[tilespmem:s0+$0x16A30] =	vst v0  }
0x50: {  	[tilespmem:s0+$0x16A40] =	vst v0  }
0x51: {  	[tilespmem:s0+$0x16A50] =	vst v0  }
0x52: {  	[tilespmem:s0+$0x16A60] =	vst v0  }
0x53: {  	[spmem:s9] =	stream.linear.scatter [tilespmem:s30], [sflag:$0xE], $0x2000, $0x38;
	[tilespmem:$0x1EA00] =	vst v63  }
0x54: {  	_ =	swait.ge [sflag:s26], $0x2000  }
0x55: {  	[sflag:s26] =	ssyncset.done $0x0  }
0x56: {  	s4 =	rddreg [dreg:$0xb];
	[sflag:s26] =	ssyncadd.s32 $0xFFFFE000  }
0x57: {  	[spmem:s4] =	stream.linear.scatter [tilespmem:s30], [sflag:$0xE], $0x2000, $0x38;
	[tilespmem:$0x1EA00] =	vst v63  }
0x58: {  	_ =	swait.ge [sflag:s26], $0x2000  }
0x59: {  	[sflag:s26] =	ssyncset.done $0x0  }
0x5a: {  	s9 =	rddreg [dreg:$0xc];
	[sflag:s26] =	ssyncadd.s32 $0xFFFFE000  }
0x5b: {  	[spmem:s9] =	stream.linear.scatter [tilespmem:s30], [sflag:$0xE], $0x2000, $0x38;
	[tilespmem:$0x1EA00] =	vst v63  }
0x5c: {  	_ =	swait.ge [sflag:s26], $0x2000  }
0x5d: {  	[sflag:s26] =	ssyncset.done $0x0  }
0x5e: {  	s12 =	rddreg [dreg:$0xd];
	[sflag:s26] =	ssyncadd.s32 $0xFFFFE000  }
0x5f: {  	[spmem:s12] =	stream.linear.scatter [tilespmem:s30], [sflag:$0xE], $0x2000, $0x38;
	[tilespmem:$0x1EA00] =	vst v63  }
0x60: {  	_ =	swait.ge [sflag:s26], $0x2000  }
0x61: {  	[sflag:s26] =	ssyncset.done $0x0  }
0x62: {  	s28 =	rddreg [dreg:$0xe];
	[sflag:s26] =	ssyncadd.s32 $0xFFFFE000  }
0x63: {  	[spmem:s28] =	stream.linear.scatter [tilespmem:s30], [sflag:$0xE], $0x2000, $0x38;
	[tilespmem:$0x1EA00] =	vst v63  }
0x64: {  	_ =	swait.ge [sflag:s26], $0x2000  }
0x65: {  	[sflag:s26] =	ssyncset.done $0x0  }
0x66: {  	s4 =	rddreg [dreg:$0xf];
	[sflag:s26] =	ssyncadd.s32 $0xFFFFE000  }
0x67: {  	[spmem:s4] =	stream.linear.scatter [tilespmem:s30], [sflag:$0xE], $0x2000, $0x38;
	[tilespmem:$0x1EA00] =	vst v63  }
0x68: {  	_ =	swait.ge [sflag:s26], $0x2000  }
0x69: {  	[sflag:s26] =	ssyncset.done $0x0  }
0x6a: {  	s9 =	rddreg [dreg:$0x10];
	[sflag:s26] =	ssyncadd.s32 $0xFFFFE000  }
0x6b: {  	[spmem:s9] =	stream.linear.scatter [tilespmem:s30], [sflag:$0xE], $0x2000, $0x38;
	[tilespmem:$0x1EA00] =	vst v63  }
0x6c: {  	_ =	swait.ge [sflag:s26], $0x2000  }
0x6d: {  	[sflag:s26] =	ssyncset.done $0x0  }
0x6e: {  	s12 =	rddreg [dreg:$0x11];
	[sflag:s26] =	ssyncadd.s32 $0xFFFFE000  }
0x6f: {  	[spmem:s12] =	stream.linear.scatter [tilespmem:s30], [sflag:$0xE], $0x2000, $0x38;
	[tilespmem:$0x1EA00] =	vst v63  }
0x70: {  	_ =	swait.ge [sflag:s26], $0x2000  }
0x71: {  	[sflag:s26] =	ssyncset.done $0x0  }
0x72: {  	s28 =	rddreg [dreg:$0x12];
	[sflag:s26] =	ssyncadd.s32 $0xFFFFE000  }
0x73: {  	[spmem:s28] =	stream.linear.scatter [tilespmem:s30], [sflag:$0xE], $0x2000, $0x38;
	[tilespmem:$0x1EA00] =	vst v63  }
0x74: {  	_ =	swait.ge [sflag:s26], $0x2000  }
0x75: {  	[sflag:s26] =	ssyncset.done $0x0  }
0x76: {  	s4 =	rddreg [dreg:$0x13];
	[sflag:s26] =	ssyncadd.s32 $0xFFFFE000  }
0x77: {  	[spmem:s4] =	stream.linear.scatter [tilespmem:s30], [sflag:$0xE], $0x2000, $0x38;
	[tilespmem:$0x1EA00] =	vst v63  }
0x78: {  	_ =	swait.ge [sflag:s26], $0x2000  }
0x79: {  	[sflag:s26] =	ssyncset.done $0x0  }
0x7a: {  	s9 =	simm.s32 $0xD;
	[sflag:s26] =	ssyncadd.s32 $0xFFFFE000  }
0x7b: {  	_ =	swait.ge [sflag:s9], $0x2800  }
0x7c: {  	[sflag:s9] =	ssyncset.done $0x0  }
0x7d: {  	s12 =	simm.s32 $0x9;
	[sflag:s9] =	ssyncadd.s32 $0xFFFFD800  }
0x7e: {  	_ =	swait.ge [sflag:s12], $0x80  }
0x7f: {  	[sflag:s12] =	ssyncset.done $0x0  }
0x80: {  	[sflag:s12] =	ssyncadd.s32 $0xFFFFFF80  }
0x81: {  	[tilespmem:s30], [sflag:$0x1] =	stream.indirect.gather [hbm4b:s5+s2], $0x80, s24, s2, $0xb8;
	[tilespmem:$0x1EA00] =	vst v63  }
0x82: {  	s26 =	simm.s32 $0x16840  }
0x83: {  	[tilespmem:s7], [sflag:$0x2] =	stream.indirect.gather [hbm4b:s5+s2], $0x80, s26, s2, $0xb8;
	[tilespmem:$0x1EA00] =	vst v63  }
0x84: {  	_ =	swait.ge [sflag:s8], $0x80  }
0x85: {  	[sflag:s8] =	ssyncset.done $0x0  }
0x86: {  	s28 =	simm.s32 $0x16880;
	[sflag:s8] =	ssyncadd.s32 $0xFFFFFF80  }
0x87: {  	[tilespmem:s10], [sflag:$0x3] =	stream.indirect.gather [hbm4b:s5+s2], $0x80, s28, s2, $0xb8;
	[tilespmem:$0x1EA00] =	vst v63  }
0x88: {  	s9 =	simm.s32 $0x141C0;
	s24 =	simm.s32 $0x70;
	[bflag:$0x0] =	sbarrier.arrive $0xFFFF  }
.LBB2_4:
0x89: {  	_ =	swait.ge [sflag:s11], $0x2000  }
0x8a: {  	[sflag:s11] =	ssyncset.done $0x0  }
0x8b: {  	s0 =	sadd.s32 $0xFFFFFE40, s9;
	p0 =	seq.s32 s24, $0x70;
	[sflag:s11] =	ssyncadd.s32 $0xFFFFE000  }
0x8c: {  	[spmem:s3] =	stream.indirect.scatter.add.f32 [tilespmem:s30], [sflag:$0x5], $0x80, s0, s2, $0xb8;
	[tilespmem:$0x1EA00] =	vst v63  }
0x8d: {  	s0 =	simm.s32 @!p0 $0x8  }
0x8e: {  	_ =	swait.ge @!p0 [sflag:s0], $0x2000  }
0x8f: {  	[sflag:s0] =	ssyncset.done @!p0 $0x0  }
0x90: {  	s28 =	simm.s32 $0x168C0;
	[sflag:s0] =	ssyncadd.s32 @!p0 $0xFFFFE000  }
0x91: {  	[tilespmem:s13], [sflag:$0x4] =	stream.indirect.gather [hbm4b:s5+s2], $0x80, s28, s2, $0xb8;
	[tilespmem:$0x1EA00] =	vst v63  }
0x92: {  	_ =	swait.ge [sflag:s14], $0x2000  }
0x93: {  	p0 =	seq.s32 s24, $0x530;
	[sflag:s14] =	ssyncset.done $0x0  }
0x94: {  	s4 =	sadd.s32 $0xFFFFFE80, s9;
	s0 =	sadd.s32 @!p0 $0xFFFFFFD0, s24;
	[sflag:s14] =	ssyncadd.s32 $0xFFFFE000  }
0x95: {  	[spmem:s3] =	stream.indirect.scatter.add.f32 [tilespmem:s7], [sflag:$0x6], $0x80, s4, s2, $0xb8;
	[tilespmem:$0x1EA00] =	vst v63  }
0x96: {  	s4 =	sadd.s32 @!p0 s23, s0;
	s0 =	sand.u32 @!p0 $0x40, s0  }
0x97: {  	s4 =	sand.u32 @!p0 $0xFFFFF80, s4;
	s0 =	sadd.s32 @!p0 s1, s0  }
0x98: {  	s26 =	sadd.s32 @!p0 s4, s0;
	s4 =	simm.s32 @!p0 $0x0;
	s0 =	simm.s32 @!p0 $0x16800  }
0x99: {  	[tilespmem:s0], [sflag:$0x9] =	stream.linear.gather @!p0 [hbm4b:s26+s4], $0x80, $0x38;
	[tilespmem:$0x1EA00] =	vst v63  }
0x9a: {  	_ =	swait.ge [sflag:s15], $0x2000  }
0x9b: {  	[sflag:s15] =	ssyncset.done $0x0  }
0x9c: {  	[sflag:s15] =	ssyncadd.s32 $0xFFFFE000  }
0x9d: {  	_ =	swait.ge [sflag:s16], $0x80  }
0x9e: {  	[sflag:s16] =	ssyncset.done $0x0  }
0x9f: {  	s12 =	simm.s32 $0x16900;
	[sflag:s16] =	ssyncadd.s32 $0xFFFFFF80  }
0xa0: {  	[tilespmem:s30], [sflag:$0x1] =	stream.indirect.gather [hbm4b:s5+s2], $0x80, s12, s2, $0xb8;
	[tilespmem:$0x1EA00] =	vst v63  }
0xa1: {  	_ =	swait.ge [sflag:s17], $0x2000  }
0xa2: {  	[sflag:s17] =	ssyncset.done $0x0  }
0xa3: {  	s12 =	sadd.s32 $0xFFFFFEC0, s9;
	[sflag:s17] =	ssyncadd.s32 $0xFFFFE000  }
0xa4: {  	[spmem:s3] =	stream.indirect.scatter.add.f32 [tilespmem:s10], [sflag:$0x7], $0x80, s12, s2, $0xb8;
	[tilespmem:$0x1EA00] =	vst v63  }
0xa5: {  	_ =	swait.ge [sflag:s18], $0x2000  }
0xa6: {  	[sflag:s18] =	ssyncset.done $0x0  }
0xa7: {  	[sflag:s18] =	ssyncadd.s32 $0xFFFFE000  }
0xa8: {  	[tilespmem:s7], [sflag:$0x2] =	stream.indirect.gather [hbm4b:s5+s2], $0x80, s19, s2, $0xb8;
	[tilespmem:$0x1EA00] =	vst v63  }
0xa9: {  	_ =	swait.ge [sflag:s20], $0x2000  }
0xaa: {  	[sflag:s20] =	ssyncset.done $0x0  }
0xab: {  	s28 =	sadd.s32 $0xFFFFFF00, s9;
	s26 =	sadd.s32 @!p0 $0xFFFFFFE0, s24;
	[sflag:s20] =	ssyncadd.s32 $0xFFFFE000  }
0xac: {  	[spmem:s3] =	stream.indirect.scatter.add.f32 [tilespmem:s13], [sflag:$0x8], $0x80, s28, s2, $0xb8;
	[tilespmem:$0x1EA00] =	vst v63  }
0xad: {  	s28 =	sadd.s32 @!p0 s23, s26;
	s26 =	sand.u32 @!p0 $0x50, s26  }
0xae: {  	s28 =	sand.u32 @!p0 $0xFFFFF80, s28;
	s26 =	sadd.s32 @!p0 s1, s26  }
0xaf: {  	s26 =	sadd.s32 @!p0 s28, s26;
	s28 =	simm.s32 @!p0 $0x16880  }
0xb0: {  	[tilespmem:s28], [sflag:$0xA] =	stream.linear.gather @!p0 [hbm4b:s26+s4], $0x80, $0x38;
	[tilespmem:$0x1EA00] =	vst v63  }
0xb1: {  	_ =	swait.ge [sflag:s25], $0x2000  }
0xb2: {  	[sflag:s25] =	ssyncset.done $0x0  }
0xb3: {  	[sflag:s25] =	ssyncadd.s32 $0xFFFFE000  }
0xb4: {  	_ =	swait.ge [sflag:s21], $0x80  }
0xb5: {  	[sflag:s21] =	ssyncset.done $0x0  }
0xb6: {  	[sflag:s21] =	ssyncadd.s32 $0xFFFFFF80  }
0xb7: {  	[tilespmem:s10], [sflag:$0x3] =	stream.indirect.gather [hbm4b:s5+s2], $0x80, s29, s2, $0xb8;
	[tilespmem:$0x1EA00] =	vst v63  }
0xb8: {  	_ =	swait.ge [sflag:s11], $0x2000  }
0xb9: {  	[sflag:s11] =	ssyncset.done $0x0  }
0xba: {  	s12 =	sadd.s32 $0xFFFFFF40, s9;
	[sflag:s11] =	ssyncadd.s32 $0xFFFFE000  }
0xbb: {  	[spmem:s3] =	stream.indirect.scatter.add.f32 [tilespmem:s30], [sflag:$0x5], $0x80, s12, s2, $0xb8;
	[tilespmem:$0x1EA00] =	vst v63  }
0xbc: {  	_ =	swait.ge [sflag:s22], $0x2000  }
0xbd: {  	[sflag:s22] =	ssyncset.done $0x0  }
0xbe: {  	[sflag:s22] =	ssyncadd.s32 $0xFFFFE000  }
0xbf: {  	[tilespmem:s13], [sflag:$0x4] =	stream.indirect.gather [hbm4b:s5+s2], $0x80, s6, s2, $0xb8;
	[tilespmem:$0x1EA00] =	vst v63  }
0xc0: {  	_ =	swait.ge [sflag:s14], $0x2000  }
0xc1: {  	[sflag:s14] =	ssyncset.done $0x0  }
0xc2: {  	s28 =	sadd.s32 $0xFFFFFF80, s9;
	s26 =	simm.s32 @p0 $0x3;
	[sflag:s14] =	ssyncadd.s32 $0xFFFFE000  }
0xc3: {  	[spmem:s3] =	stream.indirect.scatter.add.f32 [tilespmem:s7], [sflag:$0x6], $0x80, s28, s2, $0xb8;
	[tilespmem:$0x1EA00] =	vst v63  }
0xc4: {  	_ =	swait.ge @p0 [sflag:s26], $0x2000  }
0xc5: {  	s12 =	simm.s32 @p0 $0x1AA00;
	[sflag:s26] =	ssyncset.done @p0 $0x0  }
0xc6: {  	s28 =	simm.s32 @p0 $0x40;
	[sflag:s26] =	ssyncadd.s32 @p0 $0xFFFFE000;
	s26 =	sadd.s32 @p0 $0xFFFFFFC0, s9  }
0xc7: {  	[spmem:s3] =	stream.indirect.scatter.add.f32 @p0 [tilespmem:s12], [sflag:$0x7], $0x80, s26, s28, $0xb8;
	[tilespmem:$0x1EA00] =	vst v63  }
0xc8: {  	s12 =	sadd.s32 @!p0 $0xFFFFFFF0, s24  }
0xc9: {  	s26 =	sadd.s32 @!p0 s23, s12;
	s12 =	sand.u32 @!p0 $0x60, s12  }
0xca: {  	s26 =	sand.u32 @!p0 $0xFFFFF80, s26;
	s12 =	sadd.s32 @!p0 s1, s12  }
0xcb: {  	s12 =	sadd.s32 @!p0 s26, s12;
	s26 =	simm.s32 @!p0 $0x16900  }
0xcc: {  	[tilespmem:s26], [sflag:$0xB] =	stream.linear.gather @!p0 [hbm4b:s12+s4], $0x80, $0x38;
	[tilespmem:$0x1EA00] =	vst v63  }
0xcd: {  	s4 =	simm.s32 @!p0 $0x5  }
0xce: {  	_ =	swait.ge @!p0 [sflag:s4], $0x2000  }
0xcf: {  	[sflag:s4] =	ssyncset.done @!p0 $0x0  }
0xd0: {  	[sflag:s4] =	ssyncadd.s32 @!p0 $0xFFFFE000;
	s4 =	simm.s32 @!p0 $0x9  }
0xd1: {  	_ =	swait.ge @!p0 [sflag:s4], $0x80  }
0xd2: {  	[sflag:s4] =	ssyncset.done @!p0 $0x0  }
0xd3: {  	s12 =	simm.s32 @!p0 $0x16A00;
	[sflag:s4] =	ssyncadd.s32 @!p0 $0xFFFFFF80;
	s4 =	simm.s32 @!p0 $0x40  }
0xd4: {  	[tilespmem:s12], [sflag:$0x1] =	stream.indirect.gather @!p0 [hbm4b:s5+s4], $0x80, s0, s4, $0xb8;
	[tilespmem:$0x1EA00] =	vst v63  }
0xd5: {  	s0 =	simm.s32 @!p0 $0x3  }
0xd6: {  	_ =	swait.ge @!p0 [sflag:s0], $0x2000  }
0xd7: {  	[sflag:s0] =	ssyncset.done @!p0 $0x0  }
0xd8: {  	s12 =	simm.s32 @!p0 $0x1AA00;
	[sflag:s0] =	ssyncadd.s32 @!p0 $0xFFFFE000;
	s0 =	sadd.s32 @!p0 $0xFFFFFFC0, s9  }
0xd9: {  	[spmem:s3] =	stream.indirect.scatter.add.f32 @!p0 [tilespmem:s12], [sflag:$0x7], $0x80, s0, s4, $0xb8;
	[tilespmem:$0x1EA00] =	vst v63  }
0xda: {  	s0 =	simm.s32 @!p0 $0x6  }
0xdb: {  	_ =	swait.ge @!p0 [sflag:s0], $0x2000  }
0xdc: {  	[sflag:s0] =	ssyncset.done @!p0 $0x0  }
0xdd: {  	s12 =	simm.s32 @!p0 $0x18A00;
	[sflag:s0] =	ssyncadd.s32 @!p0 $0xFFFFE000;
	s0 =	simm.s32 @!p0 $0x16840  }
0xde: {  	[tilespmem:s12], [sflag:$0x2] =	stream.indirect.gather @!p0 [hbm4b:s5+s4], $0x80, s0, s4, $0xb8;
	[tilespmem:$0x1EA00] =	vst v63  }
.Ltmp3:
0xdf: {  	_ = 	snop;
	(pc) =	sbr.rel @p0 .LBB2_6-.Ltmp3, $4  }
0xe0: {  	_ =	swait.ge [sflag:s20], $0x2000  }
0xe1: {  	[sflag:s20] =	ssyncset.done $0x0  }
0xe2: {  	[sflag:s20] =	ssyncadd.s32 $0xFFFFE000  }
0xe3: {  	[spmem:s3] =	stream.indirect.scatter.add.f32 [tilespmem:s13], [sflag:$0x8], $0x80, s9, s2, $0xb8;
	[tilespmem:$0x1EA00] =	vst v63  }
0xe4: {  	s0 =	sadd.s32 s24, s23;
	s4 =	sand.u32 $0x70, s24  }
0xe5: {  	s0 =	sand.u32 $0xFFFFF80, s0;
	s4 =	sadd.s32 s1, s4  }
0xe6: {  	s0 =	sadd.s32 s0, s4  }
0xe7: {  	[tilespmem:s29], [sflag:$0xC] =	stream.linear.gather [hbm4b:s0+s31], $0x80, $0x38;
	[tilespmem:$0x1EA00] =	vst v63  }
0xe8: {  	_ =	swait.ge [sflag:s25], $0x2000  }
0xe9: {  	[sflag:s25] =	ssyncset.done $0x0  }
.Ltmp4:
0xea: {  	[sflag:s25] =	ssyncadd.s32 $0xFFFFE000;
	(pc) =	sbr.rel .LBB2_4-.Ltmp4, $4  }
0xeb: {  	_ =	swait.ge [sflag:s8], $0x80  }
0xec: {  	s28 =	simm.s32 $0x16880;
	[sflag:s8] =	ssyncset.done $0x0  }
0xed: {  	s24 =	sadd.s32 $0x40, s24;
	s9 =	sadd.s32 $0x200, s9;
	[sflag:s8] =	ssyncadd.s32 $0xFFFFFF80  }
0xee: {  	[tilespmem:s10], [sflag:$0x3] =	stream.indirect.gather [hbm4b:s5+s2], $0x80, s28, s2, $0xb8;
	[tilespmem:$0x1EA00] =	vst v63  }
.LBB2_7:
0xef: {  	_ =	sfence.sel $0x180000  }
0xf0: {  	[bflag:$0x0] =	sbarrier.arrive $0xFFFF  }
0xf1: {  	_ =	strace $0x9000004A  }
0xf2: {  	s0 =	stileid.u32;
	[bflag:$0x2] =	sbarrier.arrive $0xFFFF  }
0xf3: {  	p0 =	sne.s32 s0, $0x0;
	s0 =	rddreg [dreg:$0x4]  }
0xf4: {  	s0 =	sadd.s32 @!p0 $0x100000, s0  }
0xf5: {  	[sflag:s0] =	ssyncadd.tile.s32 @!p0 $0x1;
	_ =	shalt  }
.Lfunc_end2:
_tile_overlayer_lowered:
.L_overlay_start_2:
0xf6: {  	(tag) =	ssettag $0x2  }
0xf7: {  	s0 =	rddreg [dreg:$0x0];
	s2 =	stileid.u32  }
0xf8: {  	s1 =	rddreg [dreg:$0x1];
	p0 =	sne.s32 s2, $0x0  }
0xf9: {  	s3 =	rddreg [dreg:$0x2];
	[bflag:$0x3] =	sbarrier.arrive $0xFFFF;
	s2 =	simm.s32 @!p0 $0x1C0E  }
0xfa: {  	[timem:s3], [sflag:s2] =	dma.local @!p0 [hbm:s0], s1  }
0xfb: {  	s0 =	simm.s32 @!p0 $0xE  }
0xfc: {  	_ =	swait.ge @!p0 [sflag:s0], s1  }
0xfd: {  	s1 =	ssub.s32 @!p0 $0x0, s1;
	[sflag:s0] =	ssyncset.done @!p0 $0x0  }
0xfe: {  	[sflag:s0] =	ssyncadd.s32 @!p0 s1  }
0xff: {  	[bflag:$0x3] =	sbarrier.arrive $0xFFFF  }
0x100: {  	_ =	shalt  }

// kernel: kernel.15.cloned.1.call-start
scs
__scs_entry_jumppad:
0x0: {  	(pc) =	sbr.rel $0x88, $3  }
0x1: {  	(tag) =	ssettag $0x0;
	lr =	simm.s32 $0x1  }
0x2: {  	[smem:$0x3F99] =	sst lr;
	_ =	strace $0xD0000000  }
0x3: {  	_ = 	snop  }
0x4: {  	_ = 	snop  }
0x5: {  	_ = 	snop  }
0x6: {  	_ = 	snop  }
0x7: {  	_ = 	snop  }
__scs_overlays_trampoline_lowered:
0x8: {  	[smem:$0x3FA8] =	sst s0  }
0x9: {  	[smem:$0x3FA9] =	sst s1  }
0xa: {  	[smem:$0x3FAA] =	sst s2  }
0xb: {  	[smem:$0x3FAB] =	sst s3  }
0xc: {  	[smem:$0x3FAC] =	sst s4  }
0xd: {  	[smem:$0x3FAD] =	sst s5  }
0xe: {  	[smem:$0x3FAE] =	sst s6  }
0xf: {  	[smem:$0x3FAF] =	sst s7  }
0x10: {  	[smem:$0x3FB0] =	sst s8  }
0x11: {  	[smem:$0x3FB1] =	sst s9;
	s0 =	simm.s32 @!p0 $0x0  }
0x12: {  	s1 =	sld [smem:$0x3F97];
	s0 =	simm.s32 @p0 $0x1  }
0x13: {  	[smem:$0x3FB2] =	sst s0;
	s0 =	simm.s32 @!p1 $0x0  }
0x14: {  	s2 =	sld [smem:$0x3F96];
	s0 =	simm.s32 @p1 $0x1  }
0x15: {  	[smem:$0x3FB3] =	sst s0;
	s0 =	simm.s32 @!p2 $0x0  }
0x16: {  	s3 =	sld [smem:$0x3FDB];
	s0 =	simm.s32 @p2 $0x1  }
0x17: {  	s4 =	simm.s32 $0x1BF5;
	[smem:$0x3FB5] =	sst s0  }
0x18: {  	s0 =	sld [smem:$0x3F98];
	_ =	swait.ge [sflag:s4], $0x0  }
0x19: {  	s7 =	sld [smem:$0x3F99]  }
0x1a: {  	s8 =	sadd.s32 $0xFFFFE003, lr  }
0x1b: {  	s9 =	sadd.s32 $0xFFFFFEF7, lr;
	s5 =	simm.s32 $0xFFFFFFFF;
	p2 =	slt.u32 s8, $0xFFFFF086  }
0x1c: {  	p1 =	slt.u32 s9, $0xF7A;
	s5 =	simm.s32 @!p2 $0x0  }
0x1d: {  	s5 =	simm.s32 @p1 $0x1;
	p0 =	seq.s32 s7, s2  }
0x1e: {  	s7 =	smul.u32 @!p0 $0xF7A, s2;
	p2 =	seq.s32 @!p0 s5, $0x0  }
0x1f: {  	s9 =	smul.u32 $0xF7A, s1;
	s8 =	simm.s32 @!p0 $0x1BF5;
	p2 =	por !p2, p0  }
0x20: {  	[sflag:s8] =	ssyncset.s32 @!p0 $0xFFFFF086;
	s6 =	sadd.s32 @!p0 s3, s7;
	s7 =	simm.s32 @!p0 $0x108  }
0x21: {  	s3 =	sadd.s32 s3, s9;
	s6 =	sadd.s32 @!p0 $0x88, s6;
	s7 =	simm.s32 @p2 $0x1082  }
0x22: {  	[simem:s7], [sflag:s8] =	dma.local @!p0 [hbm:s6], $0xF7A  }
0x23: {  	s9 =	sor.u32 $0xD0000000, s2;
	s6 =	simm.s32 $0x108;
	_ =	swait.ge @!p0 [sflag:s8], $0x0  }
0x24: {  	s3 =	sadd.s32 $0x88, s3;
	s6 =	simm.s32 @!p1 $0x1082;
	[sflag:s4] =	ssyncset.s32 $0xFFFFF086  }
0x25: {  	[simem:s6], [sflag:s4] =	dma.local [hbm:s3], $0xF7A  }
0x26: {  	[smem:$0x3F99] =	sst s1;
	(tag) =	ssettag s2;
	_ =	strace s9  }
0x27: {  	s1 =	sld [smem:$0x3FA9]  }
0x28: {  	s2 =	sld [smem:$0x3FAA]  }
0x29: {  	s4 =	sld [smem:$0x3FAC]  }
0x2a: {  	p0 =	seq.s32 s5, $0x0;
	s5 =	sld [smem:$0x3FAD]  }
0x2b: {  	s6 =	sld [smem:$0x3FAE]  }
0x2c: {  	s7 =	sld [smem:$0x3FAF]  }
0x2d: {  	s3 =	simm.s32 $0x108;
	s8 =	sld [smem:$0x3FB0]  }
0x2e: {  	s3 =	simm.s32 @!p0 $0x1082;
	s9 =	sld [smem:$0x3FB1]  }
0x2f: {  	lr =	sadd.s32 s0, s3;
	s0 =	sld [smem:$0x3FA8]  }
0x30: {  	s3 =	sld [smem:$0x3FAB]  }
0x31: {  	[smem:$0x3FB4] =	sst s10  }
0x32: {  	s10 =	sld [smem:$0x3FB2];
	_ =	sdelay $0x3  }
0x33: {  	p0 =	seq.s32 s10, $0x1;
	s10 =	sld [smem:$0x3FB4];
	_ =	sdelay $0x3  }
0x34: {  	[smem:$0x3FB4] =	sst s10  }
0x35: {  	s10 =	sld [smem:$0x3FB3];
	_ =	sdelay $0x3  }
0x36: {  	p1 =	seq.s32 s10, $0x1;
	s10 =	sld [smem:$0x3FB4];
	_ =	sdelay $0x3  }
0x37: {  	[smem:$0x3FB4] =	sst s10  }
0x38: {  	s10 =	sld [smem:$0x3FB5]  }
0x39: {  	_ = 	snop;
	(pc) =	sbr.ind lr, $3  }
0x3a: {  	_ = 	snop  }
0x3b: {  	_ = 	snop  }
0x3c: {  	p2 =	seq.s32 s10, $0x1;
	s10 =	sld [smem:$0x3FB4]  }
0x3d: {  	_ =	shalt  }
0x3e: {  	_ =	shalt  }
0x3f: {  	_ =	shalt  }
0x40: {  	_ =	shalt  }
0x41: {  	_ =	shalt  }
0x42: {  	_ =	shalt  }
0x43: {  	_ =	shalt  }
0x44: {  	_ =	shalt  }
0x45: {  	_ =	shalt  }
0x46: {  	_ =	shalt  }
0x47: {  	_ =	shalt  }
0x48: {  	_ =	shalt  }
0x49: {  	_ =	shalt  }
0x4a: {  	_ =	shalt  }
0x4b: {  	_ =	shalt  }
0x4c: {  	_ =	shalt  }
0x4d: {  	_ =	shalt  }
0x4e: {  	_ =	shalt  }
0x4f: {  	_ =	shalt  }
0x50: {  	_ =	shalt  }
0x51: {  	_ =	shalt  }
0x52: {  	_ =	shalt  }
0x53: {  	_ =	shalt  }
0x54: {  	_ =	shalt  }
0x55: {  	_ =	shalt  }
0x56: {  	_ =	shalt  }
0x57: {  	_ =	shalt  }
0x58: {  	_ =	shalt  }
0x59: {  	_ =	shalt  }
0x5a: {  	_ =	shalt  }
0x5b: {  	_ =	shalt  }
0x5c: {  	_ =	shalt  }
0x5d: {  	_ =	shalt  }
0x5e: {  	_ =	shalt  }
0x5f: {  	_ =	shalt  }
0x60: {  	_ =	shalt  }
0x61: {  	_ =	shalt  }
0x62: {  	_ =	shalt  }
0x63: {  	_ =	shalt  }
0x64: {  	_ =	shalt  }
0x65: {  	_ =	shalt  }
0x66: {  	_ =	shalt  }
0x67: {  	_ =	shalt  }
0x68: {  	_ =	shalt  }
0x69: {  	_ =	shalt  }
0x6a: {  	_ =	shalt  }
0x6b: {  	_ =	shalt  }
0x6c: {  	_ =	shalt  }
0x6d: {  	_ =	shalt  }
0x6e: {  	_ =	shalt  }
0x6f: {  	_ =	shalt  }
0x70: {  	_ =	shalt  }
0x71: {  	_ =	shalt  }
0x72: {  	_ =	shalt  }
0x73: {  	_ =	shalt  }
0x74: {  	_ =	shalt  }
0x75: {  	_ =	shalt  }
0x76: {  	_ =	shalt  }
0x77: {  	_ =	shalt  }
0x78: {  	_ =	shalt  }
0x79: {  	_ =	shalt  }
0x7a: {  	_ =	shalt  }
0x7b: {  	_ =	shalt  }
0x7c: {  	_ =	shalt  }
0x7d: {  	_ =	shalt  }
0x7e: {  	_ =	shalt  }
0x7f: {  	_ =	shalt  }
0x80: {  	_ =	shalt  }
0x81: {  	_ =	shalt  }
0x82: {  	_ =	shalt  }
0x83: {  	_ =	shalt  }
0x84: {  	_ =	shalt  }
0x85: {  	_ =	shalt  }
0x86: {  	_ =	shalt  }
0x87: {  	_ =	shalt  }
.Lfunc_end0:
.L_simem_size_0:
called_computation.2_lowered:
.L_overlay_start_0:
0x88: {  	s2 =	sld [smem:$0x3FD9]  }
0x89: {  	s3 =	sld [smem:$0x3FFE];
	_ =	sdelay $0x1  }
0x8a: {  	s1 =	srdreg.scid  }
0x8b: {  	s0 =	sand.u32 $0x1, s1  }
0x8c: {  	s14 =	sshll.u32 s0, $0xA;
	s2 =	sadd.s32 s3, s2  }
0x8d: {  	s2 =	sadd.s32 s2, s14  }
0x8e: {  	[smem:$0x3FC0] =	sst s2  }
0x8f: {  	_ = 	snop  }
0x90: {  	s2 =	sld [smem:$0x3FD0];
	_ =	sdelay $0x2  }
0x91: {  	s15 =	simm.s32 $0xA;
	s4 =	simm.s32 $0x10  }
0x92: {  	[smem:s4], [sflag:s15] =	dma.local [hbm:s2], $0x1  }
0x93: {  	_ =	swait.eq [sflag:s15], $0x1  }
0x94: {  	[sflag:s15] =	ssyncset.done $0x0  }
0x95: {  	s16 =	sld [smem:$0x10];
	[sflag:s15] =	ssyncadd.s32 $0xFFFFFFFF  }
0x96: {  	s17 =	sld [smem:$0x11];
	(tm) =	ssettm $0x1  }
0x97: {  	s18 =	sld [smem:$0x3FFB];
	_ =	sdelay $0x3  }
0x98: {  	_ =	strace s18  }
0x99: {  	s4 =	sld [smem:$0x3FFC];
	_ =	sdelay $0x3  }
0x9a: {  	_ =	strace s4  }
0x9b: {  	s4 =	sld [smem:$0x3FFD];
	_ =	sdelay $0x3  }
0x9c: {  	_ =	strace s4  }
0x9d: {  	_ =	strace $0x8FFFFFFF  }
0x9e: {  	s19 =	sld [smem:$0x3FDB];
	_ =	sdelay $0x1  }
0x9f: {  	s5 =	simm.s32 $_scs_section_size  }
0xa0: {  	s6 =	simm.s32 $_size__tile_overlayer_lowered;
	s7 =	simm.s32 $_tile_overlayer_lowered  }
0xa1: {  	s22 =	simm.s32 $0x1BFF;
	s21 =	sshll.u32 s7, $0x1;
	s4 =	sadd.s32 s5, s19  }
0xa2: {  	s8 =	simm.s32 $0x0;
	s20 =	sshll.u32 s6, $0x1;
	s6 =	sadd.s32 s21, s4  }
0xa3: {  	[timem:s8], [sflag:s22] =	dma.local [hbm:s6], s20  }
0xa4: {  	_ =	swait.ge [sflag:s22], s20  }
0xa5: {  	s5 =	ssub.s32 $0x0, s20;
	[sflag:s22] =	ssyncset.done $0x0  }
0xa6: {  	[sflag:s22] =	ssyncadd.s32 s5;
	_ =	sdelay $0x1  }
0xa7: {  	s23 =	simm.s32 $0x1B8B  }
0xa8: {  	_ =	swait.ge [sflag:s23], $0x1  }
0xa9: {  	[sflag:s23] =	ssyncset.done $0x0  }
0xaa: {  	s25 =	simm.s32 $0x1B8E;
	s24 =	sld [smem:$0x3FFE];
	[sflag:s23] =	ssyncadd.s32 $0xFFFFFFFF  }
0xab: {  	s26 =	simm.s32 $execute0_lowered;
	[smem:$0x3FD2] =	sst s25  }
0xac: {  	s6 =	sshll.u32 s26, $0x1;
	_ =	strace $0x8000004C;
	[dreg:$0x1] =	wrdreg $0xFFFFFFFF  }
0xad: {  	s28 =	simm.s32 $_size_execute0_lowered;
	s4 =	sadd.s32 s4, s6;
	[dreg:$0x0] =	wrdreg $0x0  }
0xae: {  	s6 =	sshll.u32 s28, $0x1;
	[dreg:$0x2] =	wrdreg s4  }
0xaf: {  	[dreg:$0x3] =	wrdreg s6  }
0xb0: {  	[dreg:$0x4] =	wrdreg $0xC0  }
0xb1: {  	_ =	task [dreg:s8], $0x5FFFF  }
0xb2: {  	[dreg:$0x1] =	wrdreg $0xFFFFFFFF  }
0xb3: {  	[dreg:$0x0] =	wrdreg $0x60  }
0xb4: {  	[dreg:$0x2] =	wrdreg s24  }
0xb5: {  	[dreg:$0x3] =	wrdreg s17  }
0xb6: {  	[dreg:$0x4] =	wrdreg s16  }
0xb7: {  	[dreg:$0x5] =	wrdreg $0x0  }
0xb8: {  	[dreg:$0x6] =	wrdreg $0x9  }
0xb9: {  	_ =	task.clear_ibuf [dreg:s8], $0x7FFFF;
	_ =	strace $0x9000004C  }
0xba: {  	s29 =	simm.s32 $0x9;
	_ =	strace $0x8000004E  }
0xbb: {  	_ =	swait.ge [sflag:s29], $0x1  }
0xbc: {  	[sflag:s29] =	ssyncadd.s32 $0xFFFFFFFF  }
0xbd: {  	_ =	strace $0x9000004E  }
0xbe: {  	_ =	sfence  }
0xbf: {  	s30 =	sld [smem:$0x0];
	_ =	sdelay $0x2  }
0xc0: {  	s31 =	sshll.u32 s1, $0xD;
	s1 =	sshrl.u32 s1, $0x2  }
0xc1: {  	s3 =	sand.u32 $0x4000, s31;
	s1 =	sadd.s32 s1, s30  }
0xc2: {  	s0 =	sor.u32 s3, s0;
	s1 =	sshll.u32 s1, $0x11  }
0xc3: {  	s0 =	sor.u32 s1, s0  }
0xc4: {  	s0 =	sadd.s32 $0x8F2B, s0  }
0xc5: {  	[sflag:s0] =	ssyncadd.remote.s32 $0x1  }
0xc6: {  	_ =	sfence.sel $0xFFFF  }
0xc7: {  	[dreg:$0x0] =	wrdreg $0xFFFFFFFF;
	(pc) =	sbr.abs _section_cstart, $3  }
0xc8: {  	[dreg:$0x1] =	wrdreg $0xFFFFFFFF  }
0xc9: {  	_ =	task.clear_ibuf [dreg:s8], $0x2FFFF;
	_ =	strace $0x9FFFFFFF  }
0xca: {  	(tm) =	ssettm $0x7FFFFFFF  }
0xcb: {  	_ =	shalt  }
tec
execute0_lowered:
.L_overlay_start_1:
0x0: {  	(tag) =	ssettag $0x1  }
0x1: {  	s0 =	rddreg [dreg:$0x0]  }
0x2: {  	s1 =	rddreg [dreg:$0x1]  }
0x3: {  	s2 =	rddreg [dreg:$0x2]  }
0x4: {  	s3 =	rddreg [dreg:$0x3]  }
0x5: {  	s4 =	srdreg.scid;
	s10 =	stileid.u32;
	s8 =	simm.s32 $0x0  }
0x6: {  	s29 =	simm.s32 $0x16980;
	s30 =	simm.s32 $0x16A00;
	s6 =	smul.u32 $0x14000, s10  }
0x7: {  	s31 =	simm.s32 $0x0;
	s4 =	sand.u32 $0x1, s4;
	s9 =	smul.u32 $0x50000, s10  }
0x8: {  	[smem:$0x7FF] =	sst s8;
	s8 =	simm.s32 $0xA;
	s5 =	smul.u32 $0x140000, s4  }
0x9: {  	s7 =	sshll.u32 s4, $0x4;
	_ =	strace $0x8000004D;
	s28 =	ssub.s32 $0x2, s4  }
0xa: {  	s22 =	smul.u32 $0x5000, s4;
	s4 =	simm.s32 $0x0;
	s7 =	sor.u32 s10, s7  }
0xb: {  	s11 =	sshrl.u32 s28, $0x1;
	s12 =	sshrl.u32 s9, $0x2;
	s5 =	sadd.s32 s6, s5  }
0xc: {  	s25 =	smul.u32 $0x500, s7;
	s7 =	ssub.s32 s28, s11;
	s9 =	sadd.s32 s12, s3  }
0xd: {  	s6 =	simm.s32 $0x169C0;
	s16 =	sadd.s32 $0x2000, s9;
	[dreg:$0x8] =	wrdreg s9  }
0xe: {  	s26 =	sshrl.u32 s5, $0x3;
	s17 =	sadd.s32 $0x4000, s9;
	[dreg:$0xb] =	wrdreg s16  }
0xf: {  	s5 =	sadd.s32 $0x3400, s0;
	s18 =	sadd.s32 $0x6000, s9;
	[dreg:$0xc] =	wrdreg s17  }
0x10: {  	s19 =	sadd.s32 $0x8000, s9;
	s20 =	sadd.s32 $0xA000, s9;
	[dreg:$0xd] =	wrdreg s18  }
0x11: {  	s21 =	sadd.s32 $0xC000, s9;
	s23 =	sadd.s32 $0xE000, s9;
	[dreg:$0xe] =	wrdreg s19  }
0x12: {  	s24 =	sadd.s32 $0x10000, s9;
	s28 =	smax.u32 s7, $0x1;
	[dreg:$0xf] =	wrdreg s20  }
0x13: {  	s7 =	simm.s32 $0x18A00;
	s0 =	sadd.s32 s26, s0;
	[dreg:$0x10] =	wrdreg s21  }
0x14: {  	s11 =	sadd.s32 s1, s25;
	s2 =	sadd.s32 s2, s25;
	[dreg:$0x11] =	wrdreg s23  }
0x15: {  	[dreg:$0x12] =	wrdreg s24;
	s25 =	smul.u32 $0x500, s10;
	s26 =	sadd.s32 $0x12000, s9  }
0x16: {  	[dreg:$0x15] =	wrdreg s28;
	s24 =	simm.s32 $0x16800;
	s10 =	simm.s32 $0x1AA00  }
0x17: {  	s16 =	simm.s32 $0xB;
	s17 =	simm.s32 $0x3;
	[dreg:$0x6] =	wrdreg s2  }
0x18: {  	s18 =	simm.s32 $0x6;
	s19 =	simm.s32 $0x16940;
	[dreg:$0x5] =	wrdreg s11  }
0x19: {  	s20 =	simm.s32 $0x4;
	s13 =	sadd.s32 $0x10, s11;
	[dreg:$0x13] =	wrdreg s26  }
0x1a: {  	s21 =	simm.s32 $0xC;
	s14 =	sadd.s32 $0x20, s11;
	[dreg:$0x7] =	wrdreg s13  }
.Ltmp0:
0x1b: {  	s15 =	sadd.s32 $0x30, s11;
	[dreg:$0x9] =	wrdreg s14;
	(pc) =	sbr.rel .LBB2_1-.Ltmp0, $4  }
0x1c: {  	s0 =	sadd.s32 $0x2B400, s0;
	s26 =	simm.s32 $0xE;
	[dreg:$0xa] =	wrdreg s15  }
0x1d: {  	s2 =	simm.s32 $0x40;
	s11 =	simm.s32 $0x1;
	[dreg:$0x14] =	wrdreg s0  }
0x1e: {  	s23 =	sadd.s32 s25, s22;
	s13 =	simm.s32 $0x1CA00;
	s14 =	simm.s32 $0x2  }
0x1f: {  	v0 =	vimm.f32 $0.0e+00;
	s15 =	simm.s32 $0x5;
	s25 =	simm.s32 $0x7;
	s22 =	simm.s32 $0x8  }
.LBB2_6:
0x20: {  	_ =	swait.ge [sflag:s15], $0x2000  }
0x21: {  	[sflag:s15] =	ssyncset.done $0x0  }
0x22: {  	[sflag:s15] =	ssyncadd.s32 $0xFFFFE000  }
0x23: {  	_ =	swait.ge [sflag:s18], $0x2000  }
0x24: {  	[sflag:s18] =	ssyncset.done $0x0  }
0x25: {  	[sflag:s18] =	ssyncadd.s32 $0xFFFFE000  }
0x26: {  	_ =	swait.ge [sflag:s25], $0x2000  }
0x27: {  	[sflag:s25] =	ssyncset.done $0x0  }
0x28: {  	[sflag:s25] =	ssyncadd.s32 $0xFFFFE000  }
0x29: {  	_ =	swait.ge [sflag:s22], $0x2000  }
0x2a: {  	[sflag:s22] =	ssyncset.done $0x0  }
0x2b: {  	[sflag:s22] =	ssyncadd.s32 $0xFFFFE000  }
0x2c: {  	s0 =	stileid.u32;
	[bflag:$0x0] =	sbarrier.arrive $0xFFFF  }
0x2d: {  	s26 =	simm.s32 $0xE;
	s0 =	sshll.u32 s0, $0x6;
	s9 =	rddreg [dreg:$0x8]  }
0x2e: {  	s0 =	sor.u32 $0x1C0E, s0;
	s12 =	rddreg [dreg:$0x14];
	s4 =	sshrl.u32 s9, $0x3  }
0x2f: {  	[hbm:s12], [sflag:s0] =	dma.local [spmem:s4], $0x2800  }
0x30: {  	_ =	swait.ge [sflag:s26], $0x2800  }
0x31: {  	s24 =	rddreg [dreg:$0x16]  }
0x32: {  	s28 =	rddreg [dreg:$0x15];
	s4 =	sadd.s32 $0x1, s24  }
0x33: {  	p0 =	sne.s32 s4, s28  }
.Ltmp1:
0x34: {  	_ = 	snop;
	(pc) =	sbr.rel @!p0 .LBB2_7-.Ltmp1, $3  }
0x35: {  	_ =	sdelay $0x1  }
0x36: {  	[sflag:s26] =	ssyncset.done $0x0  }
0x37: {  	[sflag:s26] =	ssyncadd.s32 $0xFFFFD800;
	s24 =	simm.s32 $0x16800  }
.LBB2_1:
0x38: {  	s0 =	simm.s32 $0x0;
	s28 =	rddreg [dreg:$0x6];
	s12 =	simm.s32 $0x14000  }
0x39: {  	[tilespmem:s12], [sflag:$0xD] =	stream.linear.gather [hbm4b:s28+s0], $0x2800, $0x38;
	[tilespmem:$0x1EA00] =	vst v63  }
0x3a: {  	s28 =	rddreg [dreg:$0x5]  }
0x3b: {  	[tilespmem:s24], [sflag:$0x9] =	stream.linear.gather [hbm4b:s28+s0], $0x80, $0x38;
	[tilespmem:$0x1EA00] =	vst v63  }
0x3c: {  	s12 =	rddreg [dreg:$0x7];
	s28 =	simm.s32 $0x16880  }
0x3d: {  	[tilespmem:s28], [sflag:$0xA] =	stream.linear.gather [hbm4b:s12+s0], $0x80, $0x38;
	[tilespmem:$0x1EA00] =	vst v63  }
0x3e: {  	s12 =	rddreg [dreg:$0x9];
	s28 =	simm.s32 $0x16900  }
0x3f: {  	[tilespmem:s28], [sflag:$0xB] =	stream.linear.gather [hbm4b:s12+s0], $0x80, $0x38;
	[tilespmem:$0x1EA00] =	vst v63  }
0x40: {  	s28 =	rddreg [dreg:$0xa]  }
0x41: {  	[tilespmem:s29], [sflag:$0xC] =	stream.linear.gather [hbm4b:s28+s0], $0x80, $0x38;
	[tilespmem:$0x1EA00] =	vst v63  }
0x42: {  	[dreg:$0x16] =	wrdreg s4;
	s4 =	simm.s32 $0x200;
	s0 =	simm.s32 $0x0  }
.LBB2_2:
0x43: {  	p0 =	sne.s32 s4, $0x7E00;
	[tilespmem:s0+$0x16A70] =	vst v0  }
0x44: {  	[tilespmem:s0+$0x16A00] =	vst v0  }
0x45: {  	[tilespmem:s0+$0x16A10] =	vst v0  }
.Ltmp2:
0x46: {  	[tilespmem:s0+$0x16A20] =	vst v0;
	(pc) =	sbr.rel @p0 .LBB2_2-.Ltmp2, $4  }
0x47: {  	[tilespmem:s0+$0x16A30] =	vst v0  }
0x48: {  	[tilespmem:s0+$0x16A40] =	vst v0  }
0x49: {  	[tilespmem:s0+$0x16A50] =	vst v0  }
0x4a: {  	[tilespmem:s0+$0x16A60] =	vst v0;
	s0 =	sshra.s32 s4, $0x2;
	s4 =	sadd.s32 $0x200, s4  }
0x4b: {  	[tilespmem:s0+$0x16A70] =	vst v0  }
0x4c: {  	[tilespmem:s0+$0x16A00] =	vst v0  }
0x4d: {  	[tilespmem:s0+$0x16A10] =	vst v0  }
0x4e: {  	[tilespmem:s0+$0x16A20] =	vst v0  }
0x4f: {  	[tilespmem:s0+$0x16A30] =	vst v0  }
0x50: {  	[tilespmem:s0+$0x16A40] =	vst v0  }
0x51: {  	[tilespmem:s0+$0x16A50] =	vst v0  }
0x52: {  	[tilespmem:s0+$0x16A60] =	vst v0  }
0x53: {  	[spmem:s9] =	stream.linear.scatter [tilespmem:s30], [sflag:$0xE], $0x2000, $0x38;
	[tilespmem:$0x1EA00] =	vst v63  }
0x54: {  	_ =	swait.ge [sflag:s26], $0x2000  }
0x55: {  	[sflag:s26] =	ssyncset.done $0x0  }
0x56: {  	s4 =	rddreg [dreg:$0xb];
	[sflag:s26] =	ssyncadd.s32 $0xFFFFE000  }
0x57: {  	[spmem:s4] =	stream.linear.scatter [tilespmem:s30], [sflag:$0xE], $0x2000, $0x38;
	[tilespmem:$0x1EA00] =	vst v63  }
0x58: {  	_ =	swait.ge [sflag:s26], $0x2000  }
0x59: {  	[sflag:s26] =	ssyncset.done $0x0  }
0x5a: {  	s9 =	rddreg [dreg:$0xc];
	[sflag:s26] =	ssyncadd.s32 $0xFFFFE000  }
0x5b: {  	[spmem:s9] =	stream.linear.scatter [tilespmem:s30], [sflag:$0xE], $0x2000, $0x38;
	[tilespmem:$0x1EA00] =	vst v63  }
0x5c: {  	_ =	swait.ge [sflag:s26], $0x2000  }
0x5d: {  	[sflag:s26] =	ssyncset.done $0x0  }
0x5e: {  	s12 =	rddreg [dreg:$0xd];
	[sflag:s26] =	ssyncadd.s32 $0xFFFFE000  }
0x5f: {  	[spmem:s12] =	stream.linear.scatter [tilespmem:s30], [sflag:$0xE], $0x2000, $0x38;
	[tilespmem:$0x1EA00] =	vst v63  }
0x60: {  	_ =	swait.ge [sflag:s26], $0x2000  }
0x61: {  	[sflag:s26] =	ssyncset.done $0x0  }
0x62: {  	s28 =	rddreg [dreg:$0xe];
	[sflag:s26] =	ssyncadd.s32 $0xFFFFE000  }
0x63: {  	[spmem:s28] =	stream.linear.scatter [tilespmem:s30], [sflag:$0xE], $0x2000, $0x38;
	[tilespmem:$0x1EA00] =	vst v63  }
0x64: {  	_ =	swait.ge [sflag:s26], $0x2000  }
0x65: {  	[sflag:s26] =	ssyncset.done $0x0  }
0x66: {  	s4 =	rddreg [dreg:$0xf];
	[sflag:s26] =	ssyncadd.s32 $0xFFFFE000  }
0x67: {  	[spmem:s4] =	stream.linear.scatter [tilespmem:s30], [sflag:$0xE], $0x2000, $0x38;
	[tilespmem:$0x1EA00] =	vst v63  }
0x68: {  	_ =	swait.ge [sflag:s26], $0x2000  }
0x69: {  	[sflag:s26] =	ssyncset.done $0x0  }
0x6a: {  	s9 =	rddreg [dreg:$0x10];
	[sflag:s26] =	ssyncadd.s32 $0xFFFFE000  }
0x6b: {  	[spmem:s9] =	stream.linear.scatter [tilespmem:s30], [sflag:$0xE], $0x2000, $0x38;
	[tilespmem:$0x1EA00] =	vst v63  }
0x6c: {  	_ =	swait.ge [sflag:s26], $0x2000  }
0x6d: {  	[sflag:s26] =	ssyncset.done $0x0  }
0x6e: {  	s12 =	rddreg [dreg:$0x11];
	[sflag:s26] =	ssyncadd.s32 $0xFFFFE000  }
0x6f: {  	[spmem:s12] =	stream.linear.scatter [tilespmem:s30], [sflag:$0xE], $0x2000, $0x38;
	[tilespmem:$0x1EA00] =	vst v63  }
0x70: {  	_ =	swait.ge [sflag:s26], $0x2000  }
0x71: {  	[sflag:s26] =	ssyncset.done $0x0  }
0x72: {  	s28 =	rddreg [dreg:$0x12];
	[sflag:s26] =	ssyncadd.s32 $0xFFFFE000  }
0x73: {  	[spmem:s28] =	stream.linear.scatter [tilespmem:s30], [sflag:$0xE], $0x2000, $0x38;
	[tilespmem:$0x1EA00] =	vst v63  }
0x74: {  	_ =	swait.ge [sflag:s26], $0x2000  }
0x75: {  	[sflag:s26] =	ssyncset.done $0x0  }
0x76: {  	s4 =	rddreg [dreg:$0x13];
	[sflag:s26] =	ssyncadd.s32 $0xFFFFE000  }
0x77: {  	[spmem:s4] =	stream.linear.scatter [tilespmem:s30], [sflag:$0xE], $0x2000, $0x38;
	[tilespmem:$0x1EA00] =	vst v63  }
0x78: {  	_ =	swait.ge [sflag:s26], $0x2000  }
0x79: {  	[sflag:s26] =	ssyncset.done $0x0  }
0x7a: {  	s9 =	simm.s32 $0xD;
	[sflag:s26] =	ssyncadd.s32 $0xFFFFE000  }
0x7b: {  	_ =	swait.ge [sflag:s9], $0x2800  }
0x7c: {  	[sflag:s9] =	ssyncset.done $0x0  }
0x7d: {  	s12 =	simm.s32 $0x9;
	[sflag:s9] =	ssyncadd.s32 $0xFFFFD800  }
0x7e: {  	_ =	swait.ge [sflag:s12], $0x80  }
0x7f: {  	[sflag:s12] =	ssyncset.done $0x0  }
0x80: {  	[sflag:s12] =	ssyncadd.s32 $0xFFFFFF80  }
0x81: {  	[tilespmem:s30], [sflag:$0x1] =	stream.indirect.gather [hbm4b:s5+s2], $0x80, s24, s2, $0xb8;
	[tilespmem:$0x1EA00] =	vst v63  }
0x82: {  	s26 =	simm.s32 $0x16840  }
0x83: {  	[tilespmem:s7], [sflag:$0x2] =	stream.indirect.gather [hbm4b:s5+s2], $0x80, s26, s2, $0xb8;
	[tilespmem:$0x1EA00] =	vst v63  }
0x84: {  	_ =	swait.ge [sflag:s8], $0x80  }
0x85: {  	[sflag:s8] =	ssyncset.done $0x0  }
0x86: {  	s28 =	simm.s32 $0x16880;
	[sflag:s8] =	ssyncadd.s32 $0xFFFFFF80  }
0x87: {  	[tilespmem:s10], [sflag:$0x3] =	stream.indirect.gather [hbm4b:s5+s2], $0x80, s28, s2, $0xb8;
	[tilespmem:$0x1EA00] =	vst v63  }
0x88: {  	s9 =	simm.s32 $0x141C0;
	s24 =	simm.s32 $0x70;
	[bflag:$0x0] =	sbarrier.arrive $0xFFFF  }
.LBB2_4:
0x89: {  	_ =	swait.ge [sflag:s11], $0x2000  }
0x8a: {  	[sflag:s11] =	ssyncset.done $0x0  }
0x8b: {  	s0 =	sadd.s32 $0xFFFFFE40, s9;
	p0 =	seq.s32 s24, $0x70;
	[sflag:s11] =	ssyncadd.s32 $0xFFFFE000  }
0x8c: {  	[spmem:s3] =	stream.indirect.scatter.add.f32 [tilespmem:s30], [sflag:$0x5], $0x80, s0, s2, $0xb8;
	[tilespmem:$0x1EA00] =	vst v63  }
0x8d: {  	s0 =	simm.s32 @!p0 $0x8  }
0x8e: {  	_ =	swait.ge @!p0 [sflag:s0], $0x2000  }
0x8f: {  	[sflag:s0] =	ssyncset.done @!p0 $0x0  }
0x90: {  	s28 =	simm.s32 $0x168C0;
	[sflag:s0] =	ssyncadd.s32 @!p0 $0xFFFFE000  }
0x91: {  	[tilespmem:s13], [sflag:$0x4] =	stream.indirect.gather [hbm4b:s5+s2], $0x80, s28, s2, $0xb8;
	[tilespmem:$0x1EA00] =	vst v63  }
0x92: {  	_ =	swait.ge [sflag:s14], $0x2000  }
0x93: {  	p0 =	seq.s32 s24, $0x530;
	[sflag:s14] =	ssyncset.done $0x0  }
0x94: {  	s4 =	sadd.s32 $0xFFFFFE80, s9;
	s0 =	sadd.s32 @!p0 $0xFFFFFFD0, s24;
	[sflag:s14] =	ssyncadd.s32 $0xFFFFE000  }
0x95: {  	[spmem:s3] =	stream.indirect.scatter.add.f32 [tilespmem:s7], [sflag:$0x6], $0x80, s4, s2, $0xb8;
	[tilespmem:$0x1EA00] =	vst v63  }
0x96: {  	s4 =	sadd.s32 @!p0 s23, s0;
	s0 =	sand.u32 @!p0 $0x40, s0  }
0x97: {  	s4 =	sand.u32 @!p0 $0xFFFFF80, s4;
	s0 =	sadd.s32 @!p0 s1, s0  }
0x98: {  	s26 =	sadd.s32 @!p0 s4, s0;
	s4 =	simm.s32 @!p0 $0x0;
	s0 =	simm.s32 @!p0 $0x16800  }
0x99: {  	[tilespmem:s0], [sflag:$0x9] =	stream.linear.gather @!p0 [hbm4b:s26+s4], $0x80, $0x38;
	[tilespmem:$0x1EA00] =	vst v63  }
0x9a: {  	_ =	swait.ge [sflag:s15], $0x2000  }
0x9b: {  	[sflag:s15] =	ssyncset.done $0x0  }
0x9c: {  	[sflag:s15] =	ssyncadd.s32 $0xFFFFE000  }
0x9d: {  	_ =	swait.ge [sflag:s16], $0x80  }
0x9e: {  	[sflag:s16] =	ssyncset.done $0x0  }
0x9f: {  	s12 =	simm.s32 $0x16900;
	[sflag:s16] =	ssyncadd.s32 $0xFFFFFF80  }
0xa0: {  	[tilespmem:s30], [sflag:$0x1] =	stream.indirect.gather [hbm4b:s5+s2], $0x80, s12, s2, $0xb8;
	[tilespmem:$0x1EA00] =	vst v63  }
0xa1: {  	_ =	swait.ge [sflag:s17], $0x2000  }
0xa2: {  	[sflag:s17] =	ssyncset.done $0x0  }
0xa3: {  	s12 =	sadd.s32 $0xFFFFFEC0, s9;
	[sflag:s17] =	ssyncadd.s32 $0xFFFFE000  }
0xa4: {  	[spmem:s3] =	stream.indirect.scatter.add.f32 [tilespmem:s10], [sflag:$0x7], $0x80, s12, s2, $0xb8;
	[tilespmem:$0x1EA00] =	vst v63  }
0xa5: {  	_ =	swait.ge [sflag:s18], $0x2000  }
0xa6: {  	[sflag:s18] =	ssyncset.done $0x0  }
0xa7: {  	[sflag:s18] =	ssyncadd.s32 $0xFFFFE000  }
0xa8: {  	[tilespmem:s7], [sflag:$0x2] =	stream.indirect.gather [hbm4b:s5+s2], $0x80, s19, s2, $0xb8;
	[tilespmem:$0x1EA00] =	vst v63  }
0xa9: {  	_ =	swait.ge [sflag:s20], $0x2000  }
0xaa: {  	[sflag:s20] =	ssyncset.done $0x0  }
0xab: {  	s28 =	sadd.s32 $0xFFFFFF00, s9;
	s26 =	sadd.s32 @!p0 $0xFFFFFFE0, s24;
	[sflag:s20] =	ssyncadd.s32 $0xFFFFE000  }
0xac: {  	[spmem:s3] =	stream.indirect.scatter.add.f32 [tilespmem:s13], [sflag:$0x8], $0x80, s28, s2, $0xb8;
	[tilespmem:$0x1EA00] =	vst v63  }
0xad: {  	s28 =	sadd.s32 @!p0 s23, s26;
	s26 =	sand.u32 @!p0 $0x50, s26  }
0xae: {  	s28 =	sand.u32 @!p0 $0xFFFFF80, s28;
	s26 =	sadd.s32 @!p0 s1, s26  }
0xaf: {  	s26 =	sadd.s32 @!p0 s28, s26;
	s28 =	simm.s32 @!p0 $0x16880  }
0xb0: {  	[tilespmem:s28], [sflag:$0xA] =	stream.linear.gather @!p0 [hbm4b:s26+s4], $0x80, $0x38;
	[tilespmem:$0x1EA00] =	vst v63  }
0xb1: {  	_ =	swait.ge [sflag:s25], $0x2000  }
0xb2: {  	[sflag:s25] =	ssyncset.done $0x0  }
0xb3: {  	[sflag:s25] =	ssyncadd.s32 $0xFFFFE000  }
0xb4: {  	_ =	swait.ge [sflag:s21], $0x80  }
0xb5: {  	[sflag:s21] =	ssyncset.done $0x0  }
0xb6: {  	[sflag:s21] =	ssyncadd.s32 $0xFFFFFF80  }
0xb7: {  	[tilespmem:s10], [sflag:$0x3] =	stream.indirect.gather [hbm4b:s5+s2], $0x80, s29, s2, $0xb8;
	[tilespmem:$0x1EA00] =	vst v63  }
0xb8: {  	_ =	swait.ge [sflag:s11], $0x2000  }
0xb9: {  	[sflag:s11] =	ssyncset.done $0x0  }
0xba: {  	s12 =	sadd.s32 $0xFFFFFF40, s9;
	[sflag:s11] =	ssyncadd.s32 $0xFFFFE000  }
0xbb: {  	[spmem:s3] =	stream.indirect.scatter.add.f32 [tilespmem:s30], [sflag:$0x5], $0x80, s12, s2, $0xb8;
	[tilespmem:$0x1EA00] =	vst v63  }
0xbc: {  	_ =	swait.ge [sflag:s22], $0x2000  }
0xbd: {  	[sflag:s22] =	ssyncset.done $0x0  }
0xbe: {  	[sflag:s22] =	ssyncadd.s32 $0xFFFFE000  }
0xbf: {  	[tilespmem:s13], [sflag:$0x4] =	stream.indirect.gather [hbm4b:s5+s2], $0x80, s6, s2, $0xb8;
	[tilespmem:$0x1EA00] =	vst v63  }
0xc0: {  	_ =	swait.ge [sflag:s14], $0x2000  }
0xc1: {  	[sflag:s14] =	ssyncset.done $0x0  }
0xc2: {  	s28 =	sadd.s32 $0xFFFFFF80, s9;
	s26 =	simm.s32 @p0 $0x3;
	[sflag:s14] =	ssyncadd.s32 $0xFFFFE000  }
0xc3: {  	[spmem:s3] =	stream.indirect.scatter.add.f32 [tilespmem:s7], [sflag:$0x6], $0x80, s28, s2, $0xb8;
	[tilespmem:$0x1EA00] =	vst v63  }
0xc4: {  	_ =	swait.ge @p0 [sflag:s26], $0x2000  }
0xc5: {  	s12 =	simm.s32 @p0 $0x1AA00;
	[sflag:s26] =	ssyncset.done @p0 $0x0  }
0xc6: {  	s28 =	simm.s32 @p0 $0x40;
	[sflag:s26] =	ssyncadd.s32 @p0 $0xFFFFE000;
	s26 =	sadd.s32 @p0 $0xFFFFFFC0, s9  }
0xc7: {  	[spmem:s3] =	stream.indirect.scatter.add.f32 @p0 [tilespmem:s12], [sflag:$0x7], $0x80, s26, s28, $0xb8;
	[tilespmem:$0x1EA00] =	vst v63  }
0xc8: {  	s12 =	sadd.s32 @!p0 $0xFFFFFFF0, s24  }
0xc9: {  	s26 =	sadd.s32 @!p0 s23, s12;
	s12 =	sand.u32 @!p0 $0x60, s12  }
0xca: {  	s26 =	sand.u32 @!p0 $0xFFFFF80, s26;
	s12 =	sadd.s32 @!p0 s1, s12  }
0xcb: {  	s12 =	sadd.s32 @!p0 s26, s12;
	s26 =	simm.s32 @!p0 $0x16900  }
0xcc: {  	[tilespmem:s26], [sflag:$0xB] =	stream.linear.gather @!p0 [hbm4b:s12+s4], $0x80, $0x38;
	[tilespmem:$0x1EA00] =	vst v63  }
0xcd: {  	s4 =	simm.s32 @!p0 $0x5  }
0xce: {  	_ =	swait.ge @!p0 [sflag:s4], $0x2000  }
0xcf: {  	[sflag:s4] =	ssyncset.done @!p0 $0x0  }
0xd0: {  	[sflag:s4] =	ssyncadd.s32 @!p0 $0xFFFFE000;
	s4 =	simm.s32 @!p0 $0x9  }
0xd1: {  	_ =	swait.ge @!p0 [sflag:s4], $0x80  }
0xd2: {  	[sflag:s4] =	ssyncset.done @!p0 $0x0  }
0xd3: {  	s12 =	simm.s32 @!p0 $0x16A00;
	[sflag:s4] =	ssyncadd.s32 @!p0 $0xFFFFFF80;
	s4 =	simm.s32 @!p0 $0x40  }
0xd4: {  	[tilespmem:s12], [sflag:$0x1] =	stream.indirect.gather @!p0 [hbm4b:s5+s4], $0x80, s0, s4, $0xb8;
	[tilespmem:$0x1EA00] =	vst v63  }
0xd5: {  	s0 =	simm.s32 @!p0 $0x3  }
0xd6: {  	_ =	swait.ge @!p0 [sflag:s0], $0x2000  }
0xd7: {  	[sflag:s0] =	ssyncset.done @!p0 $0x0  }
0xd8: {  	s12 =	simm.s32 @!p0 $0x1AA00;
	[sflag:s0] =	ssyncadd.s32 @!p0 $0xFFFFE000;
	s0 =	sadd.s32 @!p0 $0xFFFFFFC0, s9  }
0xd9: {  	[spmem:s3] =	stream.indirect.scatter.add.f32 @!p0 [tilespmem:s12], [sflag:$0x7], $0x80, s0, s4, $0xb8;
	[tilespmem:$0x1EA00] =	vst v63  }
0xda: {  	s0 =	simm.s32 @!p0 $0x6  }
0xdb: {  	_ =	swait.ge @!p0 [sflag:s0], $0x2000  }
0xdc: {  	[sflag:s0] =	ssyncset.done @!p0 $0x0  }
0xdd: {  	s12 =	simm.s32 @!p0 $0x18A00;
	[sflag:s0] =	ssyncadd.s32 @!p0 $0xFFFFE000;
	s0 =	simm.s32 @!p0 $0x16840  }
0xde: {  	[tilespmem:s12], [sflag:$0x2] =	stream.indirect.gather @!p0 [hbm4b:s5+s4], $0x80, s0, s4, $0xb8;
	[tilespmem:$0x1EA00] =	vst v63  }
.Ltmp3:
0xdf: {  	_ = 	snop;
	(pc) =	sbr.rel @p0 .LBB2_6-.Ltmp3, $4  }
0xe0: {  	_ =	swait.ge [sflag:s20], $0x2000  }
0xe1: {  	[sflag:s20] =	ssyncset.done $0x0  }
0xe2: {  	[sflag:s20] =	ssyncadd.s32 $0xFFFFE000  }
0xe3: {  	[spmem:s3] =	stream.indirect.scatter.add.f32 [tilespmem:s13], [sflag:$0x8], $0x80, s9, s2, $0xb8;
	[tilespmem:$0x1EA00] =	vst v63  }
0xe4: {  	s0 =	sadd.s32 s24, s23;
	s4 =	sand.u32 $0x70, s24  }
0xe5: {  	s0 =	sand.u32 $0xFFFFF80, s0;
	s4 =	sadd.s32 s1, s4  }
0xe6: {  	s0 =	sadd.s32 s0, s4  }
0xe7: {  	[tilespmem:s29], [sflag:$0xC] =	stream.linear.gather [hbm4b:s0+s31], $0x80, $0x38;
	[tilespmem:$0x1EA00] =	vst v63  }
0xe8: {  	_ =	swait.ge [sflag:s25], $0x2000  }
0xe9: {  	[sflag:s25] =	ssyncset.done $0x0  }
.Ltmp4:
0xea: {  	[sflag:s25] =	ssyncadd.s32 $0xFFFFE000;
	(pc) =	sbr.rel .LBB2_4-.Ltmp4, $4  }
0xeb: {  	_ =	swait.ge [sflag:s8], $0x80  }
0xec: {  	s28 =	simm.s32 $0x16880;
	[sflag:s8] =	ssyncset.done $0x0  }
0xed: {  	s24 =	sadd.s32 $0x40, s24;
	s9 =	sadd.s32 $0x200, s9;
	[sflag:s8] =	ssyncadd.s32 $0xFFFFFF80  }
0xee: {  	[tilespmem:s10], [sflag:$0x3] =	stream.indirect.gather [hbm4b:s5+s2], $0x80, s28, s2, $0xb8;
	[tilespmem:$0x1EA00] =	vst v63  }
.LBB2_7:
0xef: {  	_ =	sfence.sel $0x180000  }
0xf0: {  	[bflag:$0x0] =	sbarrier.arrive $0xFFFF  }
0xf1: {  	_ =	strace $0x9000004D  }
0xf2: {  	s0 =	stileid.u32;
	[bflag:$0x2] =	sbarrier.arrive $0xFFFF  }
0xf3: {  	p0 =	sne.s32 s0, $0x0;
	s0 =	rddreg [dreg:$0x4]  }
0xf4: {  	s0 =	sadd.s32 @!p0 $0x100000, s0  }
0xf5: {  	[sflag:s0] =	ssyncadd.tile.s32 @!p0 $0x1;
	_ =	shalt  }
.Lfunc_end2:
_tile_overlayer_lowered:
.L_overlay_start_2:
0xf6: {  	(tag) =	ssettag $0x2  }
0xf7: {  	s0 =	rddreg [dreg:$0x0];
	s2 =	stileid.u32  }
0xf8: {  	s1 =	rddreg [dreg:$0x1];
	p0 =	sne.s32 s2, $0x0  }
0xf9: {  	s3 =	rddreg [dreg:$0x2];
	[bflag:$0x3] =	sbarrier.arrive $0xFFFF;
	s2 =	simm.s32 @!p0 $0x1C0E  }
0xfa: {  	[timem:s3], [sflag:s2] =	dma.local @!p0 [hbm:s0], s1  }
0xfb: {  	s0 =	simm.s32 @!p0 $0xE  }
0xfc: {  	_ =	swait.ge @!p0 [sflag:s0], s1  }
0xfd: {  	s1 =	ssub.s32 @!p0 $0x0, s1;
	[sflag:s0] =	ssyncset.done @!p0 $0x0  }
0xfe: {  	[sflag:s0] =	ssyncadd.s32 @!p0 s1  }
0xff: {  	[bflag:$0x3] =	sbarrier.arrive $0xFFFF  }
0x100: {  	_ =	shalt  }

// kernel: kernel.9.cloned.1.call-start
scs
__scs_entry_jumppad:
0x0: {  	(pc) =	sbr.rel $0x88, $3  }
0x1: {  	(tag) =	ssettag $0x0;
	lr =	simm.s32 $0x1  }
0x2: {  	[smem:$0x3F99] =	sst lr;
	_ =	strace $0xD0000000  }
0x3: {  	_ = 	snop  }
0x4: {  	_ = 	snop  }
0x5: {  	_ = 	snop  }
0x6: {  	_ = 	snop  }
0x7: {  	_ = 	snop  }
__scs_overlays_trampoline_lowered:
0x8: {  	[smem:$0x3FA8] =	sst s0  }
0x9: {  	[smem:$0x3FA9] =	sst s1  }
0xa: {  	[smem:$0x3FAA] =	sst s2  }
0xb: {  	[smem:$0x3FAB] =	sst s3  }
0xc: {  	[smem:$0x3FAC] =	sst s4  }
0xd: {  	[smem:$0x3FAD] =	sst s5  }
0xe: {  	[smem:$0x3FAE] =	sst s6  }
0xf: {  	[smem:$0x3FAF] =	sst s7  }
0x10: {  	[smem:$0x3FB0] =	sst s8  }
0x11: {  	[smem:$0x3FB1] =	sst s9;
	s0 =	simm.s32 @!p0 $0x0  }
0x12: {  	s1 =	sld [smem:$0x3F97];
	s0 =	simm.s32 @p0 $0x1  }
0x13: {  	[smem:$0x3FB2] =	sst s0;
	s0 =	simm.s32 @!p1 $0x0  }
0x14: {  	s2 =	sld [smem:$0x3F96];
	s0 =	simm.s32 @p1 $0x1  }
0x15: {  	[smem:$0x3FB3] =	sst s0;
	s0 =	simm.s32 @!p2 $0x0  }
0x16: {  	s3 =	sld [smem:$0x3FDB];
	s0 =	simm.s32 @p2 $0x1  }
0x17: {  	s4 =	simm.s32 $0x1BF5;
	[smem:$0x3FB5] =	sst s0  }
0x18: {  	s0 =	sld [smem:$0x3F98];
	_ =	swait.ge [sflag:s4], $0x0  }
0x19: {  	s7 =	sld [smem:$0x3F99]  }
0x1a: {  	s8 =	sadd.s32 $0xFFFFE003, lr  }
0x1b: {  	s9 =	sadd.s32 $0xFFFFFEF7, lr;
	s5 =	simm.s32 $0xFFFFFFFF;
	p2 =	slt.u32 s8, $0xFFFFF086  }
0x1c: {  	p1 =	slt.u32 s9, $0xF7A;
	s5 =	simm.s32 @!p2 $0x0  }
0x1d: {  	s5 =	simm.s32 @p1 $0x1;
	p0 =	seq.s32 s7, s2  }
0x1e: {  	s7 =	smul.u32 @!p0 $0xF7A, s2;
	p2 =	seq.s32 @!p0 s5, $0x0  }
0x1f: {  	s9 =	smul.u32 $0xF7A, s1;
	s8 =	simm.s32 @!p0 $0x1BF5;
	p2 =	por !p2, p0  }
0x20: {  	[sflag:s8] =	ssyncset.s32 @!p0 $0xFFFFF086;
	s6 =	sadd.s32 @!p0 s3, s7;
	s7 =	simm.s32 @!p0 $0x108  }
0x21: {  	s3 =	sadd.s32 s3, s9;
	s6 =	sadd.s32 @!p0 $0x88, s6;
	s7 =	simm.s32 @p2 $0x1082  }
0x22: {  	[simem:s7], [sflag:s8] =	dma.local @!p0 [hbm:s6], $0xF7A  }
0x23: {  	s9 =	sor.u32 $0xD0000000, s2;
	s6 =	simm.s32 $0x108;
	_ =	swait.ge @!p0 [sflag:s8], $0x0  }
0x24: {  	s3 =	sadd.s32 $0x88, s3;
	s6 =	simm.s32 @!p1 $0x1082;
	[sflag:s4] =	ssyncset.s32 $0xFFFFF086  }
0x25: {  	[simem:s6], [sflag:s4] =	dma.local [hbm:s3], $0xF7A  }
0x26: {  	[smem:$0x3F99] =	sst s1;
	(tag) =	ssettag s2;
	_ =	strace s9  }
0x27: {  	s1 =	sld [smem:$0x3FA9]  }
0x28: {  	s2 =	sld [smem:$0x3FAA]  }
0x29: {  	s4 =	sld [smem:$0x3FAC]  }
0x2a: {  	p0 =	seq.s32 s5, $0x0;
	s5 =	sld [smem:$0x3FAD]  }
0x2b: {  	s6 =	sld [smem:$0x3FAE]  }
0x2c: {  	s7 =	sld [smem:$0x3FAF]  }
0x2d: {  	s3 =	simm.s32 $0x108;
	s8 =	sld [smem:$0x3FB0]  }
0x2e: {  	s3 =	simm.s32 @!p0 $0x1082;
	s9 =	sld [smem:$0x3FB1]  }
0x2f: {  	lr =	sadd.s32 s0, s3;
	s0 =	sld [smem:$0x3FA8]  }
0x30: {  	s3 =	sld [smem:$0x3FAB]  }
0x31: {  	[smem:$0x3FB4] =	sst s10  }
0x32: {  	s10 =	sld [smem:$0x3FB2];
	_ =	sdelay $0x3  }
0x33: {  	p0 =	seq.s32 s10, $0x1;
	s10 =	sld [smem:$0x3FB4];
	_ =	sdelay $0x3  }
0x34: {  	[smem:$0x3FB4] =	sst s10  }
0x35: {  	s10 =	sld [smem:$0x3FB3];
	_ =	sdelay $0x3  }
0x36: {  	p1 =	seq.s32 s10, $0x1;
	s10 =	sld [smem:$0x3FB4];
	_ =	sdelay $0x3  }
0x37: {  	[smem:$0x3FB4] =	sst s10  }
0x38: {  	s10 =	sld [smem:$0x3FB5]  }
0x39: {  	_ = 	snop;
	(pc) =	sbr.ind lr, $3  }
0x3a: {  	_ = 	snop  }
0x3b: {  	_ = 	snop  }
0x3c: {  	p2 =	seq.s32 s10, $0x1;
	s10 =	sld [smem:$0x3FB4]  }
0x3d: {  	_ =	shalt  }
0x3e: {  	_ =	shalt  }
0x3f: {  	_ =	shalt  }
0x40: {  	_ =	shalt  }
0x41: {  	_ =	shalt  }
0x42: {  	_ =	shalt  }
0x43: {  	_ =	shalt  }
0x44: {  	_ =	shalt  }
0x45: {  	_ =	shalt  }
0x46: {  	_ =	shalt  }
0x47: {  	_ =	shalt  }
0x48: {  	_ =	shalt  }
0x49: {  	_ =	shalt  }
0x4a: {  	_ =	shalt  }
0x4b: {  	_ =	shalt  }
0x4c: {  	_ =	shalt  }
0x4d: {  	_ =	shalt  }
0x4e: {  	_ =	shalt  }
0x4f: {  	_ =	shalt  }
0x50: {  	_ =	shalt  }
0x51: {  	_ =	shalt  }
0x52: {  	_ =	shalt  }
0x53: {  	_ =	shalt  }
0x54: {  	_ =	shalt  }
0x55: {  	_ =	shalt  }
0x56: {  	_ =	shalt  }
0x57: {  	_ =	shalt  }
0x58: {  	_ =	shalt  }
0x59: {  	_ =	shalt  }
0x5a: {  	_ =	shalt  }
0x5b: {  	_ =	shalt  }
0x5c: {  	_ =	shalt  }
0x5d: {  	_ =	shalt  }
0x5e: {  	_ =	shalt  }
0x5f: {  	_ =	shalt  }
0x60: {  	_ =	shalt  }
0x61: {  	_ =	shalt  }
0x62: {  	_ =	shalt  }
0x63: {  	_ =	shalt  }
0x64: {  	_ =	shalt  }
0x65: {  	_ =	shalt  }
0x66: {  	_ =	shalt  }
0x67: {  	_ =	shalt  }
0x68: {  	_ =	shalt  }
0x69: {  	_ =	shalt  }
0x6a: {  	_ =	shalt  }
0x6b: {  	_ =	shalt  }
0x6c: {  	_ =	shalt  }
0x6d: {  	_ =	shalt  }
0x6e: {  	_ =	shalt  }
0x6f: {  	_ =	shalt  }
0x70: {  	_ =	shalt  }
0x71: {  	_ =	shalt  }
0x72: {  	_ =	shalt  }
0x73: {  	_ =	shalt  }
0x74: {  	_ =	shalt  }
0x75: {  	_ =	shalt  }
0x76: {  	_ =	shalt  }
0x77: {  	_ =	shalt  }
0x78: {  	_ =	shalt  }
0x79: {  	_ =	shalt  }
0x7a: {  	_ =	shalt  }
0x7b: {  	_ =	shalt  }
0x7c: {  	_ =	shalt  }
0x7d: {  	_ =	shalt  }
0x7e: {  	_ =	shalt  }
0x7f: {  	_ =	shalt  }
0x80: {  	_ =	shalt  }
0x81: {  	_ =	shalt  }
0x82: {  	_ =	shalt  }
0x83: {  	_ =	shalt  }
0x84: {  	_ =	shalt  }
0x85: {  	_ =	shalt  }
0x86: {  	_ =	shalt  }
0x87: {  	_ =	shalt  }
.Lfunc_end0:
.L_simem_size_0:
called_computation_lowered:
.L_overlay_start_0:
0x88: {  	s2 =	sld [smem:$0x3FD9]  }
0x89: {  	s3 =	sld [smem:$0x3FFE];
	_ =	sdelay $0x1  }
0x8a: {  	s1 =	srdreg.scid  }
0x8b: {  	s0 =	sand.u32 $0x1, s1  }
0x8c: {  	s14 =	sshll.u32 s0, $0xA;
	s2 =	sadd.s32 s3, s2  }
0x8d: {  	s2 =	sadd.s32 s2, s14  }
0x8e: {  	[smem:$0x3FC0] =	sst s2  }
0x8f: {  	_ = 	snop  }
0x90: {  	s2 =	sld [smem:$0x3FD0];
	_ =	sdelay $0x2  }
0x91: {  	s15 =	simm.s32 $0xA;
	s4 =	simm.s32 $0x10  }
0x92: {  	[smem:s4], [sflag:s15] =	dma.local [hbm:s2], $0x1  }
0x93: {  	_ =	swait.eq [sflag:s15], $0x1  }
0x94: {  	[sflag:s15] =	ssyncset.done $0x0  }
0x95: {  	[sflag:s15] =	ssyncadd.s32 $0xFFFFFFFF  }
0x96: {  	s16 =	sld [smem:$0x10];
	(tm) =	ssettm $0x1  }
0x97: {  	s17 =	sld [smem:$0x3FFB];
	_ =	sdelay $0x3  }
0x98: {  	_ =	strace s17  }
0x99: {  	s3 =	sld [smem:$0x3FFC];
	_ =	sdelay $0x3  }
0x9a: {  	_ =	strace s3  }
0x9b: {  	s3 =	sld [smem:$0x3FFD];
	_ =	sdelay $0x3  }
0x9c: {  	_ =	strace s3  }
0x9d: {  	_ =	strace $0x8FFFFFFF  }
0x9e: {  	s18 =	sld [smem:$0x3FDB];
	_ =	sdelay $0x1  }
0x9f: {  	s19 =	simm.s32 $_scs_section_size  }
0xa0: {  	s5 =	simm.s32 $_size__tile_overlayer_lowered;
	s6 =	simm.s32 $_tile_overlayer_lowered  }
0xa1: {  	s22 =	simm.s32 $0x1BFF;
	s21 =	sshll.u32 s6, $0x1;
	s3 =	sadd.s32 s19, s18  }
0xa2: {  	s7 =	simm.s32 $0x0;
	s20 =	sshll.u32 s5, $0x1;
	s5 =	sadd.s32 s21, s3  }
0xa3: {  	[timem:s7], [sflag:s22] =	dma.local [hbm:s5], s20  }
0xa4: {  	_ =	swait.ge [sflag:s22], s20  }
0xa5: {  	s4 =	ssub.s32 $0x0, s20;
	[sflag:s22] =	ssyncset.done $0x0  }
0xa6: {  	[sflag:s22] =	ssyncadd.s32 s4;
	_ =	sdelay $0x1  }
0xa7: {  	s23 =	simm.s32 $0x1B8B  }
0xa8: {  	_ =	swait.ge [sflag:s23], $0x1  }
0xa9: {  	[sflag:s23] =	ssyncset.done $0x0  }
0xaa: {  	s25 =	simm.s32 $0x1B8E;
	s24 =	sld [smem:$0x3FFE];
	[sflag:s23] =	ssyncadd.s32 $0xFFFFFFFF  }
0xab: {  	s26 =	simm.s32 $execute0_lowered;
	[smem:$0x3FD2] =	sst s25  }
0xac: {  	s5 =	sshll.u32 s26, $0x1;
	_ =	strace $0x80000046;
	[dreg:$0x1] =	wrdreg $0xFFFFFFFF  }
0xad: {  	s28 =	simm.s32 $_size_execute0_lowered;
	s3 =	sadd.s32 s3, s5;
	[dreg:$0x0] =	wrdreg $0x0  }
0xae: {  	s5 =	sshll.u32 s28, $0x1;
	[dreg:$0x2] =	wrdreg s3  }
0xaf: {  	[dreg:$0x3] =	wrdreg s5  }
0xb0: {  	[dreg:$0x4] =	wrdreg $0xC0  }
0xb1: {  	_ =	task [dreg:s7], $0x5FFFF  }
0xb2: {  	[dreg:$0x1] =	wrdreg $0xFFFFFFFF  }
0xb3: {  	[dreg:$0x0] =	wrdreg $0x60  }
0xb4: {  	[dreg:$0x2] =	wrdreg s16  }
0xb5: {  	[dreg:$0x3] =	wrdreg s24  }
0xb6: {  	[dreg:$0x4] =	wrdreg $0x0  }
0xb7: {  	[dreg:$0x5] =	wrdreg $0x9  }
0xb8: {  	_ =	task.clear_ibuf [dreg:s7], $0x6FFFF;
	_ =	strace $0x90000046  }
0xb9: {  	s29 =	simm.s32 $0x9;
	_ =	strace $0x80000048  }
0xba: {  	_ =	swait.ge [sflag:s29], $0x1  }
0xbb: {  	[sflag:s29] =	ssyncadd.s32 $0xFFFFFFFF  }
0xbc: {  	_ =	strace $0x90000048  }
0xbd: {  	_ =	sfence  }
0xbe: {  	s30 =	sld [smem:$0x0];
	_ =	sdelay $0x2  }
0xbf: {  	s31 =	sshll.u32 s1, $0xD;
	s1 =	sshrl.u32 s1, $0x2  }
0xc0: {  	s3 =	sand.u32 $0x4000, s31;
	s1 =	sadd.s32 s1, s30  }
0xc1: {  	s0 =	sor.u32 s3, s0;
	s1 =	sshll.u32 s1, $0x11  }
0xc2: {  	s0 =	sor.u32 s1, s0  }
0xc3: {  	s0 =	sadd.s32 $0x8F2B, s0  }
0xc4: {  	[sflag:s0] =	ssyncadd.remote.s32 $0x1  }
0xc5: {  	_ =	sfence.sel $0xFFFF  }
0xc6: {  	[dreg:$0x0] =	wrdreg $0xFFFFFFFF;
	(pc) =	sbr.abs _section_cstart, $3  }
0xc7: {  	[dreg:$0x1] =	wrdreg $0xFFFFFFFF  }
0xc8: {  	_ =	task.clear_ibuf [dreg:s7], $0x2FFFF;
	_ =	strace $0x9FFFFFFF  }
0xc9: {  	(tm) =	ssettm $0x7FFFFFFF  }
tec
execute0_lowered:
.L_overlay_start_1:
0x0: {  	(tag) =	ssettag $0x1  }
0x1: {  	s4 =	rddreg [dreg:$0x0]  }
0x2: {  	s5 =	rddreg [dreg:$0x1]  }
0x3: {  	s1 =	rddreg [dreg:$0x2];
	s2 =	srdreg.scid  }
0x4: {  	s0 =	rddreg [dreg:$0x3];
	s3 =	simm.s32 $0x0;
	s12 =	simm.s32 $0x14000  }
0x5: {  	s13 =	simm.s32 $0x16800;
	s14 =	simm.s32 $0x6;
	s15 =	simm.s32 $0x5  }
0x6: {  	s16 =	simm.s32 $0x80;
	s17 =	simm.s32 $0x14080;
	s18 =	simm.s32 $0x14100  }
0x7: {  	s19 =	simm.s32 $0x14180;
	s20 =	simm.s32 $0x1;
	s21 =	simm.s32 $0x2  }
0x8: {  	s22 =	simm.s32 $0x3;
	s6 =	sand.u32 $0x1, s2;
	s2 =	stileid.u32  }
0x9: {  	s23 =	simm.s32 $0x4;
	[smem:$0x7FF] =	sst s3;
	s7 =	smul.u32 $0x140000, s6  }
0xa: {  	s25 =	simm.s32 $0x0;
	s8 =	smul.u32 $0x14000, s2;
	_ =	strace $0x80000047  }
0xb: {  	s9 =	sshll.u32 s6, $0x4;
	s29 =	smul.u32 $0x50000, s2;
	s6 =	ssub.s32 $0x2, s6  }
0xc: {  	s24 =	sshll.u32 s2, $0x6;
	s28 =	sor.u32 s2, s9;
	s30 =	sshrl.u32 s6, $0x1  }
0xd: {  	s24 =	sor.u32 $0x1C06, s24;
	s7 =	sadd.s32 s8, s7;
	s8 =	smul.u32 $0x500, s28  }
0xe: {  	s31 =	sshrl.u32 s29, $0x2;
	s11 =	ssub.s32 s6, s30;
	s7 =	sshrl.u32 s7, $0x3  }
0xf: {  	s11 =	smax.u32 s11, $0x1;
	s10 =	sadd.s32 s7, s5;
	s5 =	sadd.s32 s31, s1  }
0x10: {  	s4 =	sadd.s32 s4, s8;
	s6 =	sadd.s32 $0x4000, s5;
	s7 =	sadd.s32 $0x8000, s5  }
0x11: {  	v0 =	vimm.f32 $0.0e+00;
	v1 =	vimm.f32 $1.000000000e+00;
	s8 =	sadd.s32 $0xC000, s5;
	s9 =	sadd.s32 $0x10000, s5;
	s10 =	sadd.s32 $0x3400, s10  }
.LBB2_1:
0x12: {  	[tilespmem:s12], [sflag:$0x5] =	stream.linear.gather [hbm4b:s4+s3], $0x2800, $0x38;
	[tilespmem:$0x1A800] =	vst v63  }
0x13: {  	s26 =	simm.s32 $0x0;
	s28 =	simm.s32 $0x200  }
.LBB2_2:
0x14: {  	p0 =	sne.s32 s28, $0xFE00;
	[tilespmem:s26+$0x16870] =	vst v0  }
0x15: {  	[tilespmem:s26+$0x16800] =	vst v0  }
0x16: {  	[tilespmem:s26+$0x16810] =	vst v0  }
.Ltmp0:
0x17: {  	[tilespmem:s26+$0x16820] =	vst v0;
	(pc) =	sbr.rel @p0 .LBB2_2-.Ltmp0, $4  }
0x18: {  	[tilespmem:s26+$0x16830] =	vst v0  }
0x19: {  	[tilespmem:s26+$0x16840] =	vst v0  }
0x1a: {  	[tilespmem:s26+$0x16850] =	vst v0  }
0x1b: {  	[tilespmem:s26+$0x16860] =	vst v0;
	s26 =	sshra.s32 s28, $0x2;
	s28 =	sadd.s32 $0x200, s28  }
0x1c: {  	[tilespmem:s26+$0x16870] =	vst v0  }
0x1d: {  	[tilespmem:s26+$0x16800] =	vst v0  }
0x1e: {  	[tilespmem:s26+$0x16810] =	vst v0  }
0x1f: {  	[tilespmem:s26+$0x16820] =	vst v0  }
0x20: {  	[tilespmem:s26+$0x16830] =	vst v0  }
0x21: {  	[tilespmem:s26+$0x16840] =	vst v0  }
0x22: {  	[tilespmem:s26+$0x16850] =	vst v0  }
0x23: {  	[tilespmem:s26+$0x16860] =	vst v0  }
0x24: {  	[spmem:s5] =	stream.linear.scatter [tilespmem:s13], [sflag:$0x6], $0x4000, $0x38;
	[tilespmem:$0x1A800] =	vst v63  }
0x25: {  	_ =	swait.ge [sflag:s14], $0x4000  }
0x26: {  	[sflag:s14] =	ssyncset.done $0x0  }
0x27: {  	[sflag:s14] =	ssyncadd.s32 $0xFFFFC000  }
0x28: {  	[spmem:s6] =	stream.linear.scatter [tilespmem:s13], [sflag:$0x6], $0x4000, $0x38;
	[tilespmem:$0x1A800] =	vst v63  }
0x29: {  	_ =	swait.ge [sflag:s14], $0x4000  }
0x2a: {  	[sflag:s14] =	ssyncset.done $0x0  }
0x2b: {  	[sflag:s14] =	ssyncadd.s32 $0xFFFFC000  }
0x2c: {  	[spmem:s7] =	stream.linear.scatter [tilespmem:s13], [sflag:$0x6], $0x4000, $0x38;
	[tilespmem:$0x1A800] =	vst v63  }
0x2d: {  	_ =	swait.ge [sflag:s14], $0x4000  }
0x2e: {  	[sflag:s14] =	ssyncset.done $0x0  }
0x2f: {  	[sflag:s14] =	ssyncadd.s32 $0xFFFFC000  }
0x30: {  	[spmem:s8] =	stream.linear.scatter [tilespmem:s13], [sflag:$0x6], $0x4000, $0x38;
	[tilespmem:$0x1A800] =	vst v63  }
0x31: {  	_ =	swait.ge [sflag:s14], $0x4000  }
0x32: {  	[sflag:s14] =	ssyncset.done $0x0  }
0x33: {  	[sflag:s14] =	ssyncadd.s32 $0xFFFFC000  }
0x34: {  	[spmem:s9] =	stream.linear.scatter [tilespmem:s13], [sflag:$0x6], $0x4000, $0x38;
	[tilespmem:$0x1A800] =	vst v63  }
0x35: {  	_ =	swait.ge [sflag:s14], $0x4000  }
0x36: {  	[sflag:s14] =	ssyncset.done $0x0  }
0x37: {  	s26 =	simm.s32 $0x0;
	s28 =	simm.s32 $0x200;
	[sflag:s14] =	ssyncadd.s32 $0xFFFFC000  }
.LBB2_4:
0x38: {  	p0 =	sne.s32 s28, $0xFE00;
	[tilespmem:s26+$0x16870] =	vst v1  }
0x39: {  	[tilespmem:s26+$0x16800] =	vst v1  }
0x3a: {  	[tilespmem:s26+$0x16810] =	vst v1  }
.Ltmp1:
0x3b: {  	[tilespmem:s26+$0x16820] =	vst v1;
	(pc) =	sbr.rel @p0 .LBB2_4-.Ltmp1, $4  }
0x3c: {  	[tilespmem:s26+$0x16830] =	vst v1  }
0x3d: {  	[tilespmem:s26+$0x16840] =	vst v1  }
0x3e: {  	[tilespmem:s26+$0x16850] =	vst v1  }
0x3f: {  	[tilespmem:s26+$0x16860] =	vst v1;
	s26 =	sshra.s32 s28, $0x2;
	s28 =	sadd.s32 $0x200, s28  }
0x40: {  	[tilespmem:s26+$0x16870] =	vst v1  }
0x41: {  	[tilespmem:s26+$0x16800] =	vst v1  }
0x42: {  	[tilespmem:s26+$0x16810] =	vst v1  }
0x43: {  	[tilespmem:s26+$0x16820] =	vst v1  }
0x44: {  	[tilespmem:s26+$0x16830] =	vst v1  }
0x45: {  	[tilespmem:s26+$0x16840] =	vst v1  }
0x46: {  	[tilespmem:s26+$0x16850] =	vst v1  }
0x47: {  	[tilespmem:s26+$0x16860] =	vst v1  }
0x48: {  	_ =	swait.ge [sflag:s15], $0x2800  }
0x49: {  	[sflag:s15] =	ssyncset.done $0x0  }
0x4a: {  	[sflag:s15] =	ssyncadd.s32 $0xFFFFD800  }
0x4b: {  	[bflag:$0x0] =	sbarrier.arrive $0xFFFF  }
0x4c: {  	[spmem:s1] =	stream.indirect.scatter.add.f32 [tilespmem:s13], [sflag:$0x1], $0x80, s12, s16, $0xb8;
	[tilespmem:$0x1A800] =	vst v63  }
0x4d: {  	_ = 	snop  }
0x4e: {  	[spmem:s1] =	stream.indirect.scatter.add.f32 [tilespmem:s13], [sflag:$0x2], $0x80, s17, s16, $0xb8;
	[tilespmem:$0x1A800] =	vst v63  }
0x4f: {  	_ = 	snop  }
0x50: {  	[spmem:s1] =	stream.indirect.scatter.add.f32 [tilespmem:s13], [sflag:$0x3], $0x80, s18, s16, $0xb8;
	[tilespmem:$0x1A800] =	vst v63  }
0x51: {  	_ = 	snop  }
0x52: {  	[spmem:s1] =	stream.indirect.scatter.add.f32 [tilespmem:s13], [sflag:$0x4], $0x80, s19, s16, $0xb8;
	[tilespmem:$0x1A800] =	vst v63  }
0x53: {  	_ =	swait.ge [sflag:s20], $0x4000  }
0x54: {  	[sflag:s20] =	ssyncset.done $0x0  }
0x55: {  	s29 =	simm.s32 $0x14200;
	[sflag:s20] =	ssyncadd.s32 $0xFFFFC000  }
0x56: {  	[spmem:s1] =	stream.indirect.scatter.add.f32 [tilespmem:s13], [sflag:$0x1], $0x80, s29, s16, $0xb8;
	[tilespmem:$0x1A800] =	vst v63  }
0x57: {  	_ =	swait.ge [sflag:s21], $0x4000  }
0x58: {  	[sflag:s21] =	ssyncset.done $0x0  }
0x59: {  	s30 =	simm.s32 $0x14280;
	[sflag:s21] =	ssyncadd.s32 $0xFFFFC000  }
0x5a: {  	[spmem:s1] =	stream.indirect.scatter.add.f32 [tilespmem:s13], [sflag:$0x2], $0x80, s30, s16, $0xb8;
	[tilespmem:$0x1A800] =	vst v63  }
0x5b: {  	_ =	swait.ge [sflag:s22], $0x4000  }
0x5c: {  	[sflag:s22] =	ssyncset.done $0x0  }
0x5d: {  	s31 =	simm.s32 $0x14300;
	[sflag:s22] =	ssyncadd.s32 $0xFFFFC000  }
0x5e: {  	[spmem:s1] =	stream.indirect.scatter.add.f32 [tilespmem:s13], [sflag:$0x3], $0x80, s31, s16, $0xb8;
	[tilespmem:$0x1A800] =	vst v63  }
0x5f: {  	_ =	swait.ge [sflag:s23], $0x4000  }
0x60: {  	[sflag:s23] =	ssyncset.done $0x0  }
0x61: {  	s26 =	simm.s32 $0xFFFF7000;
	s28 =	simm.s32 $0x14380;
	[sflag:s23] =	ssyncadd.s32 $0xFFFFC000  }
.LBB2_6:
0x62: {  	[spmem:s1] =	stream.indirect.scatter.add.f32 [tilespmem:s13], [sflag:$0x4], $0x80, s28, s16, $0xb8;
	[tilespmem:$0x1A800] =	vst v63  }
0x63: {  	s28 =	smov.u32 s26  }
0x64: {  	p0 =	sne.s32 s26, $0xFFFFF800;
	s26 =	sadd.s32 $0x800, s26;
	_ =	swait.ge [sflag:s20], $0x4000  }
0x65: {  	s28 =	sshra.s32 s28, $0x2;
	[sflag:s20] =	ssyncset.done $0x0  }
0x66: {  	s29 =	sadd.s32 $0x16800, s28;
	[sflag:s20] =	ssyncadd.s32 $0xFFFFC000  }
0x67: {  	[spmem:s1] =	stream.indirect.scatter.add.f32 [tilespmem:s13], [sflag:$0x1], $0x80, s29, s16, $0xb8;
	[tilespmem:$0x1A800] =	vst v63  }
0x68: {  	_ =	swait.ge [sflag:s21], $0x4000  }
0x69: {  	[sflag:s21] =	ssyncset.done $0x0  }
0x6a: {  	s29 =	sadd.s32 $0x16880, s28;
	[sflag:s21] =	ssyncadd.s32 $0xFFFFC000  }
0x6b: {  	[spmem:s1] =	stream.indirect.scatter.add.f32 [tilespmem:s13], [sflag:$0x2], $0x80, s29, s16, $0xb8;
	[tilespmem:$0x1A800] =	vst v63  }
0x6c: {  	_ =	swait.ge [sflag:s22], $0x4000  }
0x6d: {  	[sflag:s22] =	ssyncset.done $0x0  }
.Ltmp2:
0x6e: {  	s29 =	sadd.s32 $0x16900, s28;
	[sflag:s22] =	ssyncadd.s32 $0xFFFFC000;
	(pc) =	sbr.rel @p0 .LBB2_6-.Ltmp2, $4  }
0x6f: {  	[spmem:s1] =	stream.indirect.scatter.add.f32 [tilespmem:s13], [sflag:$0x3], $0x80, s29, s16, $0xb8;
	[tilespmem:$0x1A800] =	vst v63  }
0x70: {  	_ =	swait.ge [sflag:s23], $0x4000  }
0x71: {  	[sflag:s23] =	ssyncset.done $0x0  }
0x72: {  	s28 =	sadd.s32 $0x16980, s28;
	[sflag:s23] =	ssyncadd.s32 $0xFFFFC000  }
0x73: {  	[spmem:s1] =	stream.indirect.scatter.add.f32 [tilespmem:s13], [sflag:$0x4], $0x80, s28, s16, $0xb8;
	[tilespmem:$0x1A800] =	vst v63  }
0x74: {  	_ =	swait.ge [sflag:s20], $0x4000  }
0x75: {  	[sflag:s20] =	ssyncset.done $0x0  }
0x76: {  	[sflag:s20] =	ssyncadd.s32 $0xFFFFC000  }
0x77: {  	_ =	swait.ge [sflag:s21], $0x4000  }
0x78: {  	[sflag:s21] =	ssyncset.done $0x0  }
0x79: {  	[sflag:s21] =	ssyncadd.s32 $0xFFFFC000  }
0x7a: {  	_ =	swait.ge [sflag:s22], $0x4000  }
0x7b: {  	[sflag:s22] =	ssyncset.done $0x0  }
0x7c: {  	[sflag:s22] =	ssyncadd.s32 $0xFFFFC000  }
0x7d: {  	_ =	swait.ge [sflag:s23], $0x4000  }
0x7e: {  	s25 =	sadd.s32 $0x1, s25;
	[sflag:s23] =	ssyncset.done $0x0  }
0x7f: {  	p0 =	sne.s32 s25, s11;
	[sflag:s23] =	ssyncadd.s32 $0xFFFFC000  }
.Ltmp3:
0x80: {  	s26 =	sshrl.u32 s5, $0x3;
	[bflag:$0x0] =	sbarrier.arrive $0xFFFF;
	(pc) =	sbr.rel @p0 .LBB2_1-.Ltmp3, $4  }
0x81: {  	[hbm:s10], [sflag:s24] =	dma.local [spmem:s26], $0x2800  }
0x82: {  	_ =	swait.ge [sflag:s14], $0x2800  }
0x83: {  	[sflag:s14] =	ssyncset.done $0x0  }
0x84: {  	[sflag:s14] =	ssyncadd.s32 $0xFFFFD800  }
0x85: {  	_ =	sfence.sel $0x180000  }
0x86: {  	[bflag:$0x0] =	sbarrier.arrive $0xFFFF  }
0x87: {  	p0 =	sne.s32 s2, $0x0;
	_ =	strace $0x90000047  }
0x88: {  	s0 =	sadd.s32 @!p0 $0x100000, s0;
	[bflag:$0x2] =	sbarrier.arrive $0xFFFF  }
0x89: {  	[sflag:s0] =	ssyncadd.tile.s32 @!p0 $0x1;
	_ =	shalt  }
.Lfunc_end2:
_tile_overlayer_lowered:
.L_overlay_start_2:
0x8a: {  	(tag) =	ssettag $0x2  }
0x8b: {  	s0 =	rddreg [dreg:$0x0];
	s2 =	stileid.u32  }
0x8c: {  	s1 =	rddreg [dreg:$0x1];
	p0 =	sne.s32 s2, $0x0  }
0x8d: {  	s3 =	rddreg [dreg:$0x2];
	[bflag:$0x3] =	sbarrier.arrive $0xFFFF;
	s2 =	simm.s32 @!p0 $0x1C06  }
0x8e: {  	[timem:s3], [sflag:s2] =	dma.local @!p0 [hbm:s0], s1  }
0x8f: {  	s0 =	simm.s32 @!p0 $0x6  }
0x90: {  	_ =	swait.ge @!p0 [sflag:s0], s1  }
0x91: {  	s1 =	ssub.s32 @!p0 $0x0, s1;
	[sflag:s0] =	ssyncset.done @!p0 $0x0  }
0x92: {  	[sflag:s0] =	ssyncadd.s32 @!p0 s1  }
0x93: {  	[bflag:$0x3] =	sbarrier.arrive $0xFFFF  }
0x94: {  	_ =	shalt  }

</sc_bundles>
